<compile_context>
chip_gen: v7x
topology: tpu7x:2x2x1
jax: 0.10.2.dev20260603
libtpu: 0.0.44.dev20260713+nightly
codegen_flags: <defaults>
</compile_context>

<pallas_src>
import functools

import jax
import jax.numpy as jnp
import numpy as np
from jax import lax
from jax.experimental import pallas as pl
from jax.experimental.pallas import tpu as pltpu
from jax.experimental.pallas import tpu_sc as plsc

N = 10000
E = 160000
H = 64
A = 4
P = 64
AH = A * H
W = 2 * H

NC = 2
NS = 16
NW = NC * NS
CH = 128
NCHUNK = E // CH

BE = 2000
BN = 1000

_f32 = jnp.float32


def _np_consts():
    R = np.zeros((A, AH), np.float32)
    S = np.zeros((AH, H), np.float32)
    T = np.zeros((H, AH), np.float32)
    for a in range(A):
        R[a, a * H:(a + 1) * H] = 1.0
        for o in range(H):
            S[a * H + o, o] = 1.0
            T[o, a * H + o] = 1.0
    return R, S, T

_R_np, _S_np, _T_np = _np_consts()


def _silu(x):
    return x * jax.nn.sigmoid(x)


def _dot(a, b):
    return jnp.dot(a, b, preferred_element_type=_f32,
                   precision=lax.Precision.HIGHEST)


def _dotd(a, b):
    return jnp.dot(a.astype(jnp.bfloat16), b.astype(jnp.bfloat16),
                   preferred_element_type=_f32)


def _asum(Y, attr):
    acc = Y[:, 0:H] * attr[:, 0:1]
    for a in range(1, A):
        acc = acc + Y[:, a * H:(a + 1) * H] * attr[:, a:a + 1]
    return acc



@functools.cache
def _sc_mesh():
    return plsc.VectorSubcoreMesh(core_axis_name="c", subcore_axis_name="s",
                                  num_cores=NC, num_subcores=NS)


KG = 3
NGRP = 13


def _gather_body(xl_hbm, xr_hbm, src_hbm, dst_hbm, xij_out,
                 idx_d, idx_s, rows, sem0, sem1, sem2):
    sems = (sem0, sem1, sem2)
    c = lax.axis_index("c")
    s = lax.axis_index("s")
    wid = s * NC + c

    def off_of(j):
        return pl.multiple_of((wid + j * NW) * CH, CH)

    def grp(g, carry):
        h_idx = []
        for b in range(KG):
            off = off_of(g * KG + b)
            h1 = pltpu.async_copy(dst_hbm.at[pl.ds(off, CH)], idx_d.at[b],
                                  sems[b])
            h2 = pltpu.async_copy(src_hbm.at[pl.ds(off, CH)], idx_s.at[b],
                                  sems[b])
            h_idx.append((h1, h2))
        h_g = []
        for b in range(KG):
            h_idx[b][0].wait()
            h_idx[b][1].wait()
            h_g.append(pltpu.async_copy(xl_hbm.at[idx_d.at[b]], rows.at[b],
                                        sems[b]))
        h_a = []
        for b in range(KG):
            h_g[b].wait()
            h_a.append(pltpu.async_copy(xr_hbm.at[idx_s.at[b]], rows.at[b],
                                        sems[b], add=True))
        h_w = []
        for b in range(KG):
            h_a[b].wait()
            off = off_of(g * KG + b)
            h_w.append(pltpu.async_copy(rows.at[b],
                                        xij_out.at[pl.ds(off, CH)], sems[b]))
        for b in range(KG):
            h_w[b].wait()
        return carry

    lax.fori_loop(0, NGRP, grp, 0)

    @pl.when(wid < NCHUNK - NGRP * KG * NW)
    def _():
        off = off_of(NGRP * KG)
        pltpu.sync_copy(dst_hbm.at[pl.ds(off, CH)], idx_d.at[0])
        pltpu.sync_copy(src_hbm.at[pl.ds(off, CH)], idx_s.at[0])
        g1 = pltpu.async_copy(xl_hbm.at[idx_d.at[0]], rows.at[0], sem0)
        g1.wait()
        g2 = pltpu.async_copy(xr_hbm.at[idx_s.at[0]], rows.at[0], sem0,
                              add=True)
        g2.wait()
        pltpu.sync_copy(rows.at[0], xij_out.at[pl.ds(off, CH)])


def _gather_call(xl, xr, src, dst):
    fn = pl.kernel(
        _gather_body,
        out_type=jax.ShapeDtypeStruct((E, W), _f32),
        mesh=_sc_mesh(),
        scratch_types=[
            pltpu.VMEM((KG, CH), jnp.int32),
            pltpu.VMEM((KG, CH), jnp.int32),
            pltpu.VMEM((KG, CH, W), _f32),
            pltpu.SemaphoreType.DMA,
            pltpu.SemaphoreType.DMA,
            pltpu.SemaphoreType.DMA,
        ],
    )
    return fn(xl, xr, src, dst)


ESC = E // NC
CSC = ESC // CH
RT_A = 632
RT_L = N - RT_A * (NS - 1)


def _scatter_body(m2_hbm, dst_hbm, zeros_hbm, out_hbm,
                  idx_v, rows_v, sem0, sem1, sem2, acc):
    c = lax.axis_index("c")
    s = lax.axis_index("s")
    row0 = pl.multiple_of(s * RT_A, 8)

    @pl.when(s < NS - 1)
    def _():
        pltpu.sync_copy(zeros_hbm.at[pl.ds(row0, RT_A)],
                        acc.at[pl.ds(row0, RT_A)])

    @pl.when(s == NS - 1)
    def _():
        pltpu.sync_copy(zeros_hbm.at[pl.ds((NS - 1) * RT_A, RT_L)],
                        acc.at[pl.ds((NS - 1) * RT_A, RT_L)])

    plsc.subcore_barrier()
    base = c * CSC
    sems = (sem0, sem1, sem2)

    def off_of(j):
        return pl.multiple_of((base + s + j * NS) * CH, CH)

    def grp(g, carry):
        h_ld = []
        for b in range(KG):
            off = off_of(g * KG + b)
            h1 = pltpu.async_copy(dst_hbm.at[pl.ds(off, CH)], idx_v.at[b],
                                  sems[b])
            h2 = pltpu.async_copy(m2_hbm.at[pl.ds(off, CH)], rows_v.at[b],
                                  sems[b])
            h_ld.append((h1, h2))
        h_a = []
        for b in range(KG):
            h_ld[b][0].wait()
            h_ld[b][1].wait()
            h_a.append(pltpu.async_copy(rows_v.at[b], acc.at[idx_v.at[b]],
                                        sems[b], add=True))
        for b in range(KG):
            h_a[b].wait()
        return carry

    lax.fori_loop(0, NGRP, grp, 0)

    @pl.when(s < CSC - NGRP * KG * NS)
    def _():
        off = off_of(NGRP * KG)
        pltpu.sync_copy(dst_hbm.at[pl.ds(off, CH)], idx_v.at[0])
        pltpu.sync_copy(m2_hbm.at[pl.ds(off, CH)], rows_v.at[0])
        pltpu.sync_copy(rows_v.at[0], acc.at[idx_v.at[0]], add=True)

    plsc.subcore_barrier()

    @pl.when(s < NS - 1)
    def _():
        pltpu.sync_copy(acc.at[pl.ds(row0, RT_A)],
                        out_hbm.at[c, pl.ds(row0, RT_A)])

    @pl.when(s == NS - 1)
    def _():
        pltpu.sync_copy(acc.at[pl.ds((NS - 1) * RT_A, RT_L)],
                        out_hbm.at[c, pl.ds((NS - 1) * RT_A, RT_L)])


def _scatter_call(m2, dst, zeros_nh):
    fn = pl.kernel(
        _scatter_body,
        out_type=jax.ShapeDtypeStruct((NC, N, W), _f32),
        mesh=_sc_mesh(),
        scratch_types=[
            pltpu.VMEM((KG, CH), jnp.int32),
            pltpu.VMEM((KG, CH, W), _f32),
            pltpu.SemaphoreType.DMA,
            pltpu.SemaphoreType.DMA,
            pltpu.SemaphoreType.DMA,
            pltpu.VMEM_SHARED((N, W), _f32),
        ],
    )
    return fn(m2, dst, zeros_nh)



def _embed_body(at_ref, na_ref, wemb_ref, bemb_ref, outl_ref, outr_ref):
    d = at_ref[...] * wemb_ref[...]
    v = _asum(d, na_ref[...]) + bemb_ref[...]
    z = jnp.zeros_like(v)
    outl_ref[...] = jnp.concatenate([v, z], axis=1)
    outr_ref[...] = jnp.concatenate([z, v], axis=1)


def _edge_body(xij_ref, ea_ref, amf_ref, wds_ref, w3_ref,
               wm2_ref, bm1_ref, bm2_ref, out_ref):
    Y = _dotd(xij_ref[...], wds_ref[...]) + _dotd(amf_ref[...], w3_ref[...])
    ea = ea_ref[...]
    m1 = _silu(_asum(Y, ea) + bm1_ref[...])
    Y2 = _dot(m1, wm2_ref[...])
    m2 = _silu(_asum(Y2, ea) + bm2_ref[...])
    out_ref[...] = jnp.concatenate([m2, jnp.zeros_like(m2)], axis=1)


def _node_body(xl_ref, agg_ref, na_ref, wu1_ref, wu2_ref,
               bu1_ref, bu2_ref, outl_ref, outr_ref):
    x = xl_ref[:, :H]
    agg = (agg_ref[0] + agg_ref[1])[:, :H]
    u_in = jnp.concatenate([x, agg], axis=1)
    na = na_ref[...]
    t = _silu(_asum(_dot(u_in, wu1_ref[...]), na) + bu1_ref[...])
    u = _asum(_dot(t, wu2_ref[...]), na) + bu2_ref[...]
    xn = x + u
    z = jnp.zeros_like(xn)
    outl_ref[...] = jnp.concatenate([xn, z], axis=1)
    outr_ref[...] = jnp.concatenate([z, xn], axis=1)


def _readout_body(xl_ref, na_ref, wp1_ref, wp2_ref, bp1_ref,
                  bp2_ref, wq1_ref, bq1_ref, wq2_ref, bq2_ref, out_ref, acc):
    i = pl.program_id(0)

    @pl.when(i == 0)
    def _():
        acc[...] = jnp.zeros_like(acc)

    na = na_ref[...]
    t1 = _silu(_asum(_dot(xl_ref[:, :H], wp1_ref[...]), na) + bp1_ref[...])
    t2 = _asum(_dot(t1, wp2_ref[...]), na) + bp2_ref[...]
    acc[...] += jnp.sum(t2, axis=0, keepdims=True)

    @pl.when(i == pl.num_programs(0) - 1)
    def _():
        pooled = acc[...] / float(N)
        h = _silu(_dot(pooled, wq1_ref[...]) + bq1_ref[...])
        out_ref[...] = _dot(h, wq2_ref[...]) + bq2_ref[...]


def _full(shape):
    nd = len(shape)
    return pl.BlockSpec(shape, lambda i: (0,) * nd)


def _embed_call(at2, na, wemb, bemb):
    g = N // BN
    return pl.pallas_call(
        _embed_body,
        grid=(g,),
        in_specs=[pl.BlockSpec((BN, 1), lambda i: (i, 0)),
                  pl.BlockSpec((BN, A), lambda i: (i, 0)),
                  _full((1, AH)), _full((1, H))],
        out_specs=[pl.BlockSpec((BN, W), lambda i: (i, 0)),
                   pl.BlockSpec((BN, W), lambda i: (i, 0))],
        out_shape=[jax.ShapeDtypeStruct((N, W), _f32),
                   jax.ShapeDtypeStruct((N, W), _f32)],
    )(at2, na, wemb, bemb)


def _edge_call(xij, ea, amf, wds, w3, wm2, bm1, bm2):
    g = E // BE
    return pl.pallas_call(
        _edge_body,
        grid=(g,),
        in_specs=[pl.BlockSpec((BE, W), lambda i: (i, 0)),
                  pl.BlockSpec((BE, A), lambda i: (i, 0)),
                  pl.BlockSpec((BE, 1), lambda i: (i, 0)),
                  _full((W, AH)), _full((1, AH)), _full((H, AH)),
                  _full((1, H)), _full((1, H))],
        out_specs=pl.BlockSpec((BE, W), lambda i: (i, 0)),
        out_shape=jax.ShapeDtypeStruct((E, W), _f32),
    )(xij, ea, amf, wds, w3, wm2, bm1, bm2)


def _node_call(xl, aggp, na, wu1, wu2, bu1, bu2):
    g = N // BN
    return pl.pallas_call(
        _node_body,
        grid=(g,),
        in_specs=[pl.BlockSpec((BN, W), lambda i: (i, 0)),
                  pl.BlockSpec((NC, BN, W), lambda i: (0, i, 0)),
                  pl.BlockSpec((BN, A), lambda i: (i, 0)),
                  _full((2 * H, AH)), _full((H, AH)),
                  _full((1, H)), _full((1, H))],
        out_specs=[pl.BlockSpec((BN, W), lambda i: (i, 0)),
                   pl.BlockSpec((BN, W), lambda i: (i, 0))],
        out_shape=[jax.ShapeDtypeStruct((N, W), _f32),
                   jax.ShapeDtypeStruct((N, W), _f32)],
    )(xl, aggp, na, wu1, wu2, bu1, bu2)


def _readout_call(xl, na, wp1, wp2, bp1, bp2, wq1, bq1, wq2, bq2):
    g = N // BN
    return pl.pallas_call(
        _readout_body,
        grid=(g,),
        in_specs=[pl.BlockSpec((BN, W), lambda i: (i, 0)),
                  pl.BlockSpec((BN, A), lambda i: (i, 0)),
                  _full((H, AH)), _full((H, AH)),
                  _full((1, H)), _full((1, P)),
                  _full((P, P)), _full((1, P)), _full((P, 1)), _full((1, 1))],
        out_specs=_full((1, 1)),
        out_shape=jax.ShapeDtypeStruct((1, 1), _f32),
        scratch_shapes=[pltpu.VMEM((1, P), _f32)],
    )(xl, na, wp1, wp2, bp1, bp2, wq1, bq1, wq2, bq2)



def kernel(atoms, pos, edge_index, edge_attr, node_attr, batch,
           additional_message_features, params):
    node_attr = node_attr.at[:, 0].set(1.0)
    src = edge_index[0]
    dst = edge_index[1]
    amf = additional_message_features

    zeros_nh = jnp.zeros((N, W), _f32)

    xl, xr = _embed_call(atoms[:, None].astype(_f32), node_attr,
                         params['W_emb'].reshape(1, AH),
                         params['b_emb'][None, :])

    for l in range(2):
        p = params['layer%d' % l]
        wds = p['Wm1'][:2 * H].reshape(2 * H, AH)
        w3 = p['Wm1'][2 * H:].reshape(1, AH)
        wm2 = p['Wm2'].reshape(H, AH)
        wu1 = p['Wu1'].reshape(2 * H, AH)
        wu2 = p['Wu2'].reshape(H, AH)

        xij = _gather_call(xl, xr, src, dst)
        m2 = _edge_call(xij, edge_attr, amf, wds, w3, wm2,
                        p['bm1'][None, :], p['bm2'][None, :])
        aggp = _scatter_call(m2, dst, zeros_nh)
        xl, xr = _node_call(xl, aggp, node_attr, wu1, wu2,
                            p['bu1'][None, :], p['bu2'][None, :])

    out = _readout_call(
        xl, node_attr,
        params['W_pre1'].reshape(H, AH), params['W_pre2'].reshape(H, A * P),
        params['b_pre1'][None, :], params['b_pre2'][None, :],
        params['W_post1'], params['b_post1'][None, :],
        params['W_post2'], params['b_post2'][None, :])
    return out

# --- scband reference (transcript-rebuilt; emitter-appended) ---
"""Pipeline reference for scband-segnn-25340307046987 (READ-ONLY COPY).

The authoritative reference and input builder live on the scoring server;
editing this copy changes nothing except your own understanding.
"""

import jax, jax.numpy as jnp
import numpy as np

N = 10000
E = 160000
H = 64
P = 64
A = 4
OUT = 1
NUM_LAYERS = 2

def _tp(x, attr, W, b):
    # steerable O3 tensor product approximated as fully-connected TP of
    # feature channels with attribute irreps: out[n,o] = sum_{i,a} x[n,i]*attr[n,a]*W[i,a,o]
    return jnp.einsum('ni,na,iao->no', x, attr, W) + b

def setup_inputs(seed: int = 0) -> dict:
    key = jax.random.key(seed)
    ks = jax.random.split(key, 64)
    d = {}
    d['atoms'] = jax.random.normal(ks[0], (N,), jnp.float32)
    d['pos'] = jax.random.normal(ks[1], (N, 3), jnp.float32)
    d['edge_index'] = jax.random.randint(ks[2], (2, E), 0, N)
    d['edge_attr'] = jax.random.normal(ks[3], (E, A), jnp.float32)
    d['node_attr'] = jax.random.normal(ks[4], (N, A), jnp.float32)
    d['batch'] = jnp.zeros((N,), jnp.int32)
    d['additional_message_features'] = jax.random.normal(ks[5], (E, 1), jnp.float32)
    s = 0.05
    p = {}
    p['W_emb'] = jax.random.normal(ks[6], (1, A, H), jnp.float32) * s
    p['b_emb'] = jnp.zeros((H,), jnp.float32)
    for l in range(NUM_LAYERS):
        base = 7 + l * 4
        lp = {}
        lp['Wm1'] = jax.random.normal(ks[base + 0], (2 * H + 1, A, H), jnp.float32) * s
        lp['bm1'] = jnp.zeros((H,), jnp.float32)
        lp['Wm2'] = jax.random.normal(ks[base + 1], (H, A, H), jnp.float32) * s
        lp['bm2'] = jnp.zeros((H,), jnp.float32)
        lp['Wu1'] = jax.random.normal(ks[base + 2], (2 * H, A, H), jnp.float32) * s
        lp['bu1'] = jnp.zeros((H,), jnp.float32)
        lp['Wu2'] = jax.random.normal(ks[base + 3], (H, A, H), jnp.float32) * s
        lp['bu2'] = jnp.zeros((H,), jnp.float32)
        p['layer%d' % l] = lp
    p['W_pre1'] = jax.random.normal(ks[20], (H, A, H), jnp.float32) * s
    p['b_pre1'] = jnp.zeros((H,), jnp.float32)
    p['W_pre2'] = jax.random.normal(ks[21], (H, A, P), jnp.float32) * s
    p['b_pre2'] = jnp.zeros((P,), jnp.float32)
    p['W_post1'] = jax.random.normal(ks[22], (P, P), jnp.float32) * s
    p['b_post1'] = jnp.zeros((P,), jnp.float32)
    p['W_post2'] = jax.random.normal(ks[23], (P, OUT), jnp.float32) * s
    p['b_post2'] = jnp.zeros((OUT,), jnp.float32)
    d['params'] = p
    return d

def _forward(atoms, pos, edge_attr, node_attr, additional_message_features, params, edge_index, batch):
    # catch_isolated_nodes: node_attr[:, 0] = 1.0
    node_attr = node_attr.at[:, 0].set(1.0)
    x = _tp(atoms[:, None].astype(jnp.float32), node_attr, params['W_emb'], params['b_emb'])
    src = edge_index[0]
    dst = edge_index[1]
    for l in range(NUM_LAYERS):
        p = params['layer%d' % l]
        x_i = x[dst]
        x_j = x[src]
        m_in = jnp.concatenate([x_i, x_j, additional_message_features], axis=-1)
        m = jax.nn.silu(_tp(m_in, edge_attr, p['Wm1'], p['bm1']))
        m = jax.nn.silu(_tp(m, edge_attr, p['Wm2'], p['bm2']))
        agg = jnp.zeros((x.shape[0], H), x.dtype).at[dst].add(m)
        u_in = jnp.concatenate([x, agg], axis=-1)
        u = jax.nn.silu(_tp(u_in, node_attr, p['Wu1'], p['bu1']))
        u = _tp(u, node_attr, p['Wu2'], p['bu2'])
        x = x + u
    x = jax.nn.silu(_tp(x, node_attr, params['W_pre1'], params['b_pre1']))
    x = _tp(x, node_attr, params['W_pre2'], params['b_pre2'])
    num_graphs = 1
    summed = jax.ops.segment_sum(x, batch, num_segments=num_graphs)
    counts = jax.ops.segment_sum(jnp.ones((x.shape[0], 1), x.dtype), batch, num_segments=num_graphs)
    pooled = summed / jnp.maximum(counts, 1.0)
    h = jax.nn.silu(pooled @ params['W_post1'] + params['b_post1'])
    out = h @ params['W_post2'] + params['b_post2']
    return out

def reference(atoms, pos, edge_index, edge_attr, node_attr, batch, additional_message_features, params):
    return _forward(atoms, pos, edge_attr, node_attr, additional_message_features, params, edge_index, batch)

if __name__ == "__main__":
    import jax
    _d = setup_inputs()
    print(jax.jit(kernel)(*tuple(_d.values())))

</pallas_src>

<mosaic_0001>
#map = affine_map<(d0, d1) -> (0, 0)>
#map1 = affine_map<(d0, d1) -> (0)>
#map2 = affine_map<(d0, d1) -> (0, 0, 0)>
module attributes {stable_mosaic.version = 14 : i64} {
  func.func @_scatter_body(%arg0: i32, %arg1: i32, %arg2: memref<160000x128xf32, #tpu.memory_space<hbm>>, %arg3: memref<160000xi32, #tpu.memory_space<hbm>>, %arg4: memref<10000x128xf32, #tpu.memory_space<hbm>>, %arg5: memref<2x10000x128xf32, #tpu.memory_space<hbm>>, %arg6: memref<3x128xi32, #tpu.memory_space<vmem>>, %arg7: memref<3x128x128xf32, #tpu.memory_space<vmem>>, %arg8: memref<!tpu.dma_semaphore, #tpu.memory_space<semaphore_mem>>, %arg9: memref<!tpu.dma_semaphore, #tpu.memory_space<semaphore_mem>>, %arg10: memref<!tpu.dma_semaphore, #tpu.memory_space<semaphore_mem>>, %arg11: memref<10000x128xf32, #tpu.memory_space<vmem_shared>>) attributes {dimension_semantics = [#tpu.dimension_semantics<core_parallel>, #tpu.dimension_semantics<subcore_parallel>], iteration_bounds = array<i64: 2, 16>, scalar_prefetch = 0 : i64, scratch_operands = 6 : i64, tpu.core_type = #tpu.core_type<sc_vector_subcore>, window_params = [{transform_indices = #map}, {transform_indices = #map1}, {transform_indices = #map}, {transform_indices = #map2}]} {
    %mul3A = arith.constant 632 : i32
    %mul3A_0 = arith.muli %arg1, %mul3A : i32
    %multiple_of3A = tpu.assume_multiple %mul3A_0, 8 : i32
    %lt3A = arith.constant 15 : i32
    %lt3A_1 = arith.cmpi slt, %arg1, %lt3A : i32
    %convert_element_type3A = arith.extui %lt3A_1 : i1 to i32
    %cond3A = arith.constant 0 : i32
    %cond3A_2 = arith.cmpi ne, %convert_element_type3A, %cond3A : i32
    scf.if %cond3A_2 {
      "tpu.region"() ({
        %run_scoped3A = tpu.sem_alloc : memref<!tpu.dma_semaphore, #tpu.memory_space<semaphore_mem>>
        %dma_start3A = arith.constant 0 : i32
        %dma_start3A_30 = tpu.memref_slice %arg11[%multiple_of3A, %dma_start3A] : memref<10000x128xf32, #tpu.memory_space<vmem_shared>> -> memref<632x128xf32, #tpu.memory_space<vmem_shared>>
        %dma_start3A_31 = arith.constant 0 : i32
        %dma_start3A_32 = tpu.memref_slice %arg4[%multiple_of3A, %dma_start3A_31] : memref<10000x128xf32, #tpu.memory_space<hbm>> -> memref<632x128xf32, #tpu.memory_space<hbm>>
        tpu.enqueue_dma source(%dma_start3A_32 : memref<632x128xf32, #tpu.memory_space<hbm>>) target(%dma_start3A_30 : memref<632x128xf32, #tpu.memory_space<vmem_shared>>) target_semaphore(%run_scoped3A : memref<!tpu.dma_semaphore, #tpu.memory_space<semaphore_mem>>)
        %dma_wait3A = arith.constant 0 : i32
        %dma_wait3A_33 = tpu.memref_slice %arg11[%multiple_of3A, %dma_wait3A] : memref<10000x128xf32, #tpu.memory_space<vmem_shared>> -> memref<632x128xf32, #tpu.memory_space<vmem_shared>>
        %dma_wait3A_34 = arith.constant 0 : i32
        %dma_wait3A_35 = tpu.memref_slice %arg4[%multiple_of3A, %dma_wait3A_34] : memref<10000x128xf32, #tpu.memory_space<hbm>> -> memref<632x128xf32, #tpu.memory_space<hbm>>
        tpu.wait_dma2 semaphore(%run_scoped3A : memref<!tpu.dma_semaphore, #tpu.memory_space<semaphore_mem>>) src(%dma_wait3A_35 : memref<632x128xf32, #tpu.memory_space<hbm>>) dst(%dma_wait3A_33 : memref<632x128xf32, #tpu.memory_space<vmem_shared>>)
        tpu.yield
      }) : () -> ()
    } else {
    }
    %eq3A = arith.constant 15 : i32
    %eq3A_3 = arith.cmpi eq, %arg1, %eq3A : i32
    %convert_element_type3A_4 = arith.extui %eq3A_3 : i1 to i32
    %cond3A_5 = arith.constant 0 : i32
    %cond3A_6 = arith.cmpi ne, %convert_element_type3A_4, %cond3A_5 : i32
    scf.if %cond3A_6 {
      "tpu.region"() ({
        %run_scoped3A = tpu.sem_alloc : memref<!tpu.dma_semaphore, #tpu.memory_space<semaphore_mem>>
        %dma_start3A = arith.constant 9480 : i32
        %dma_start3A_30 = arith.constant 0 : i32
        %dma_start3A_31 = tpu.memref_slice %arg11[%dma_start3A, %dma_start3A_30] : memref<10000x128xf32, #tpu.memory_space<vmem_shared>> -> memref<520x128xf32, #tpu.memory_space<vmem_shared>>
        %dma_start3A_32 = arith.constant 9480 : i32
        %dma_start3A_33 = arith.constant 0 : i32
        %dma_start3A_34 = tpu.memref_slice %arg4[%dma_start3A_32, %dma_start3A_33] : memref<10000x128xf32, #tpu.memory_space<hbm>> -> memref<520x128xf32, #tpu.memory_space<hbm>>
        tpu.enqueue_dma source(%dma_start3A_34 : memref<520x128xf32, #tpu.memory_space<hbm>>) target(%dma_start3A_31 : memref<520x128xf32, #tpu.memory_space<vmem_shared>>) target_semaphore(%run_scoped3A : memref<!tpu.dma_semaphore, #tpu.memory_space<semaphore_mem>>)
        %dma_wait3A = arith.constant 9480 : i32
        %dma_wait3A_35 = arith.constant 0 : i32
        %dma_wait3A_36 = tpu.memref_slice %arg11[%dma_wait3A, %dma_wait3A_35] : memref<10000x128xf32, #tpu.memory_space<vmem_shared>> -> memref<520x128xf32, #tpu.memory_space<vmem_shared>>
        %dma_wait3A_37 = arith.constant 9480 : i32
        %dma_wait3A_38 = arith.constant 0 : i32
        %dma_wait3A_39 = tpu.memref_slice %arg4[%dma_wait3A_37, %dma_wait3A_38] : memref<10000x128xf32, #tpu.memory_space<hbm>> -> memref<520x128xf32, #tpu.memory_space<hbm>>
        tpu.wait_dma2 semaphore(%run_scoped3A : memref<!tpu.dma_semaphore, #tpu.memory_space<semaphore_mem>>) src(%dma_wait3A_39 : memref<520x128xf32, #tpu.memory_space<hbm>>) dst(%dma_wait3A_36 : memref<520x128xf32, #tpu.memory_space<vmem_shared>>)
        tpu.yield
      }) : () -> ()
    } else {
    }
    %barrier3A = arith.constant 0 : index
    tpu.barrier barrier_id(%barrier3A)
    %mul3A_7 = arith.constant 625 : i32
    %mul3A_8 = arith.muli %arg0, %mul3A_7 : i32
    %scan3A = arith.constant 0 : i32
    %scan3A_9 = arith.constant 0 : i32
    %scan3A_10 = arith.constant 13 : i32
    %scan3A_11 = arith.addi %scan3A_9, %scan3A_10 : i32
    %scan3A_12 = arith.constant 1 : i32
    scf.for %scan3A_30 = %scan3A_9 to %scan3A_11 step %scan3A_12  : i32 {
      %mul3A_31 = arith.constant 3 : i32
      %mul3A_32 = arith.muli %scan3A_30, %mul3A_31 : i32
      %add3A = arith.constant 0 : i32
      %add3A_33 = arith.addi %mul3A_32, %add3A : i32
      %add3A_34 = arith.addi %mul3A_8, %arg1 : i32
      %mul3A_35 = arith.constant 16 : i32
      %mul3A_36 = arith.muli %add3A_33, %mul3A_35 : i32
      %add3A_37 = arith.addi %add3A_34, %mul3A_36 : i32
      %mul3A_38 = arith.constant 128 : i32
      %mul3A_39 = arith.muli %add3A_37, %mul3A_38 : i32
      %multiple_of3A_40 = tpu.assume_multiple %mul3A_39, 128 : i32
      %dma_start3A = arith.constant 0 : i32
      %dma_start3A_41 = arith.constant 0 : i32
      %dma_start3A_42 = tpu.memref_slice %arg6[%dma_start3A, %dma_start3A_41] : memref<3x128xi32, #tpu.memory_space<vmem>> -> memref<1x128xi32, #tpu.memory_space<vmem>>
      %dma_start3A_43 = tpu.memref_squeeze %dma_start3A_42 : memref<1x128xi32, #tpu.memory_space<vmem>> -> memref<128xi32, #tpu.memory_space<vmem>>
      %dma_start3A_44 = tpu.memref_slice %arg3[%multiple_of3A_40] : memref<160000xi32, #tpu.memory_space<hbm>> -> memref<128xi32, #tpu.memory_space<hbm>>
      %dma_start3A_45 = arith.constant 0 : i32
      %dma_start3A_46 = tpu.memref_slice %arg6[%dma_start3A, %dma_start3A_45] : memref<3x128xi32, #tpu.memory_space<vmem>> -> memref<1x128xi32, #tpu.memory_space<vmem>>
      %dma_start3A_47 = tpu.memref_squeeze %dma_start3A_46 : memref<1x128xi32, #tpu.memory_space<vmem>> -> memref<128xi32, #tpu.memory_space<vmem>>
      %dma_start3A_48 = tpu.memref_slice %arg3[%multiple_of3A_40] : memref<160000xi32, #tpu.memory_space<hbm>> -> memref<128xi32, #tpu.memory_space<hbm>>
      tpu.enqueue_dma source(%dma_start3A_48 : memref<128xi32, #tpu.memory_space<hbm>>) target(%dma_start3A_47 : memref<128xi32, #tpu.memory_space<vmem>>) target_semaphore(%arg8 : memref<!tpu.dma_semaphore, #tpu.memory_space<semaphore_mem>>)
      %dma_start3A_49 = arith.constant 0 : i32
      %dma_start3A_50 = arith.constant 0 : i32
      %dma_start3A_51 = arith.constant 0 : i32
      %dma_start3A_52 = tpu.memref_slice %arg7[%dma_start3A_49, %dma_start3A_50, %dma_start3A_51] : memref<3x128x128xf32, #tpu.memory_space<vmem>> -> memref<1x128x128xf32, #tpu.memory_space<vmem>>
      %dma_start3A_53 = tpu.memref_squeeze %dma_start3A_52 : memref<1x128x128xf32, #tpu.memory_space<vmem>> -> memref<128x128xf32, #tpu.memory_space<vmem>>
      %dma_start3A_54 = arith.constant 0 : i32
      %dma_start3A_55 = tpu.memref_slice %arg2[%multiple_of3A_40, %dma_start3A_54] : memref<160000x128xf32, #tpu.memory_space<hbm>> -> memref<128x128xf32, #tpu.memory_space<hbm>>
      %dma_start3A_56 = arith.constant 0 : i32
      %dma_start3A_57 = arith.constant 0 : i32
      %dma_start3A_58 = tpu.memref_slice %arg7[%dma_start3A_49, %dma_start3A_56, %dma_start3A_57] : memref<3x128x128xf32, #tpu.memory_space<vmem>> -> memref<1x128x128xf32, #tpu.memory_space<vmem>>
      %dma_start3A_59 = tpu.memref_squeeze %dma_start3A_58 : memref<1x128x128xf32, #tpu.memory_space<vmem>> -> memref<128x128xf32, #tpu.memory_space<vmem>>
      %dma_start3A_60 = arith.constant 0 : i32
      %dma_start3A_61 = tpu.memref_slice %arg2[%multiple_of3A_40, %dma_start3A_60] : memref<160000x128xf32, #tpu.memory_space<hbm>> -> memref<128x128xf32, #tpu.memory_space<hbm>>
      tpu.enqueue_dma source(%dma_start3A_61 : memref<128x128xf32, #tpu.memory_space<hbm>>) target(%dma_start3A_59 : memref<128x128xf32, #tpu.memory_space<vmem>>) target_semaphore(%arg8 : memref<!tpu.dma_semaphore, #tpu.memory_space<semaphore_mem>>)
      %mul3A_62 = arith.constant 3 : i32
      %mul3A_63 = arith.muli %scan3A_30, %mul3A_62 : i32
      %add3A_64 = arith.constant 1 : i32
      %add3A_65 = arith.addi %mul3A_63, %add3A_64 : i32
      %add3A_66 = arith.addi %mul3A_8, %arg1 : i32
      %mul3A_67 = arith.constant 16 : i32
      %mul3A_68 = arith.muli %add3A_65, %mul3A_67 : i32
      %add3A_69 = arith.addi %add3A_66, %mul3A_68 : i32
      %mul3A_70 = arith.constant 128 : i32
      %mul3A_71 = arith.muli %add3A_69, %mul3A_70 : i32
      %multiple_of3A_72 = tpu.assume_multiple %mul3A_71, 128 : i32
      %dma_start3A_73 = arith.constant 1 : i32
      %dma_start3A_74 = arith.constant 0 : i32
      %dma_start3A_75 = tpu.memref_slice %arg6[%dma_start3A_73, %dma_start3A_74] : memref<3x128xi32, #tpu.memory_space<vmem>> -> memref<1x128xi32, #tpu.memory_space<vmem>>
      %dma_start3A_76 = tpu.memref_squeeze %dma_start3A_75 : memref<1x128xi32, #tpu.memory_space<vmem>> -> memref<128xi32, #tpu.memory_space<vmem>>
      %dma_start3A_77 = tpu.memref_slice %arg3[%multiple_of3A_72] : memref<160000xi32, #tpu.memory_space<hbm>> -> memref<128xi32, #tpu.memory_space<hbm>>
      %dma_start3A_78 = arith.constant 0 : i32
      %dma_start3A_79 = tpu.memref_slice %arg6[%dma_start3A_73, %dma_start3A_78] : memref<3x128xi32, #tpu.memory_space<vmem>> -> memref<1x128xi32, #tpu.memory_space<vmem>>
      %dma_start3A_80 = tpu.memref_squeeze %dma_start3A_79 : memref<1x128xi32, #tpu.memory_space<vmem>> -> memref<128xi32, #tpu.memory_space<vmem>>
      %dma_start3A_81 = tpu.memref_slice %arg3[%multiple_of3A_72] : memref<160000xi32, #tpu.memory_space<hbm>> -> memref<128xi32, #tpu.memory_space<hbm>>
      tpu.enqueue_dma source(%dma_start3A_81 : memref<128xi32, #tpu.memory_space<hbm>>) target(%dma_start3A_80 : memref<128xi32, #tpu.memory_space<vmem>>) target_semaphore(%arg9 : memref<!tpu.dma_semaphore, #tpu.memory_space<semaphore_mem>>)
      %dma_start3A_82 = arith.constant 1 : i32
      %dma_start3A_83 = arith.constant 0 : i32
      %dma_start3A_84 = arith.constant 0 : i32
      %dma_start3A_85 = tpu.memref_slice %arg7[%dma_start3A_82, %dma_start3A_83, %dma_start3A_84] : memref<3x128x128xf32, #tpu.memory_space<vmem>> -> memref<1x128x128xf32, #tpu.memory_space<vmem>>
      %dma_start3A_86 = tpu.memref_squeeze %dma_start3A_85 : memref<1x128x128xf32, #tpu.memory_space<vmem>> -> memref<128x128xf32, #tpu.memory_space<vmem>>
      %dma_start3A_87 = arith.constant 0 : i32
      %dma_start3A_88 = tpu.memref_slice %arg2[%multiple_of3A_72, %dma_start3A_87] : memref<160000x128xf32, #tpu.memory_space<hbm>> -> memref<128x128xf32, #tpu.memory_space<hbm>>
      %dma_start3A_89 = arith.constant 0 : i32
      %dma_start3A_90 = arith.constant 0 : i32
      %dma_start3A_91 = tpu.memref_slice %arg7[%dma_start3A_82, %dma_start3A_89, %dma_start3A_90] : memref<3x128x128xf32, #tpu.memory_space<vmem>> -> memref<1x128x128xf32, #tpu.memory_space<vmem>>
      %dma_start3A_92 = tpu.memref_squeeze %dma_start3A_91 : memref<1x128x128xf32, #tpu.memory_space<vmem>> -> memref<128x128xf32, #tpu.memory_space<vmem>>
      %dma_start3A_93 = arith.constant 0 : i32
      %dma_start3A_94 = tpu.memref_slice %arg2[%multiple_of3A_72, %dma_start3A_93] : memref<160000x128xf32, #tpu.memory_space<hbm>> -> memref<128x128xf32, #tpu.memory_space<hbm>>
      tpu.enqueue_dma source(%dma_start3A_94 : memref<128x128xf32, #tpu.memory_space<hbm>>) target(%dma_start3A_92 : memref<128x128xf32, #tpu.memory_space<vmem>>) target_semaphore(%arg9 : memref<!tpu.dma_semaphore, #tpu.memory_space<semaphore_mem>>)
      %mul3A_95 = arith.constant 3 : i32
      %mul3A_96 = arith.muli %scan3A_30, %mul3A_95 : i32
      %add3A_97 = arith.constant 2 : i32
      %add3A_98 = arith.addi %mul3A_96, %add3A_97 : i32
      %add3A_99 = arith.addi %mul3A_8, %arg1 : i32
      %mul3A_100 = arith.constant 16 : i32
      %mul3A_101 = arith.muli %add3A_98, %mul3A_100 : i32
      %add3A_102 = arith.addi %add3A_99, %mul3A_101 : i32
      %mul3A_103 = arith.constant 128 : i32
      %mul3A_104 = arith.muli %add3A_102, %mul3A_103 : i32
      %multiple_of3A_105 = tpu.assume_multiple %mul3A_104, 128 : i32
      %dma_start3A_106 = arith.constant 2 : i32
      %dma_start3A_107 = arith.constant 0 : i32
      %dma_start3A_108 = tpu.memref_slice %arg6[%dma_start3A_106, %dma_start3A_107] : memref<3x128xi32, #tpu.memory_space<vmem>> -> memref<1x128xi32, #tpu.memory_space<vmem>>
      %dma_start3A_109 = tpu.memref_squeeze %dma_start3A_108 : memref<1x128xi32, #tpu.memory_space<vmem>> -> memref<128xi32, #tpu.memory_space<vmem>>
      %dma_start3A_110 = tpu.memref_slice %arg3[%multiple_of3A_105] : memref<160000xi32, #tpu.memory_space<hbm>> -> memref<128xi32, #tpu.memory_space<hbm>>
      %dma_start3A_111 = arith.constant 0 : i32
      %dma_start3A_112 = tpu.memref_slice %arg6[%dma_start3A_106, %dma_start3A_111] : memref<3x128xi32, #tpu.memory_space<vmem>> -> memref<1x128xi32, #tpu.memory_space<vmem>>
      %dma_start3A_113 = tpu.memref_squeeze %dma_start3A_112 : memref<1x128xi32, #tpu.memory_space<vmem>> -> memref<128xi32, #tpu.memory_space<vmem>>
      %dma_start3A_114 = tpu.memref_slice %arg3[%multiple_of3A_105] : memref<160000xi32, #tpu.memory_space<hbm>> -> memref<128xi32, #tpu.memory_space<hbm>>
      tpu.enqueue_dma source(%dma_start3A_114 : memref<128xi32, #tpu.memory_space<hbm>>) target(%dma_start3A_113 : memref<128xi32, #tpu.memory_space<vmem>>) target_semaphore(%arg10 : memref<!tpu.dma_semaphore, #tpu.memory_space<semaphore_mem>>)
      %dma_start3A_115 = arith.constant 2 : i32
      %dma_start3A_116 = arith.constant 0 : i32
      %dma_start3A_117 = arith.constant 0 : i32
      %dma_start3A_118 = tpu.memref_slice %arg7[%dma_start3A_115, %dma_start3A_116, %dma_start3A_117] : memref<3x128x128xf32, #tpu.memory_space<vmem>> -> memref<1x128x128xf32, #tpu.memory_space<vmem>>
      %dma_start3A_119 = tpu.memref_squeeze %dma_start3A_118 : memref<1x128x128xf32, #tpu.memory_space<vmem>> -> memref<128x128xf32, #tpu.memory_space<vmem>>
      %dma_start3A_120 = arith.constant 0 : i32
      %dma_start3A_121 = tpu.memref_slice %arg2[%multiple_of3A_105, %dma_start3A_120] : memref<160000x128xf32, #tpu.memory_space<hbm>> -> memref<128x128xf32, #tpu.memory_space<hbm>>
      %dma_start3A_122 = arith.constant 0 : i32
      %dma_start3A_123 = arith.constant 0 : i32
      %dma_start3A_124 = tpu.memref_slice %arg7[%dma_start3A_115, %dma_start3A_122, %dma_start3A_123] : memref<3x128x128xf32, #tpu.memory_space<vmem>> -> memref<1x128x128xf32, #tpu.memory_space<vmem>>
      %dma_start3A_125 = tpu.memref_squeeze %dma_start3A_124 : memref<1x128x128xf32, #tpu.memory_space<vmem>> -> memref<128x128xf32, #tpu.memory_space<vmem>>
      %dma_start3A_126 = arith.constant 0 : i32
      %dma_start3A_127 = tpu.memref_slice %arg2[%multiple_of3A_105, %dma_start3A_126] : memref<160000x128xf32, #tpu.memory_space<hbm>> -> memref<128x128xf32, #tpu.memory_space<hbm>>
      tpu.enqueue_dma source(%dma_start3A_127 : memref<128x128xf32, #tpu.memory_space<hbm>>) target(%dma_start3A_125 : memref<128x128xf32, #tpu.memory_space<vmem>>) target_semaphore(%arg10 : memref<!tpu.dma_semaphore, #tpu.memory_space<semaphore_mem>>)
      %dma_wait3A = arith.constant 0 : i32
      %dma_wait3A_128 = arith.constant 0 : i32
      %dma_wait3A_129 = tpu.memref_slice %arg6[%dma_wait3A, %dma_wait3A_128] : memref<3x128xi32, #tpu.memory_space<vmem>> -> memref<1x128xi32, #tpu.memory_space<vmem>>
      %dma_wait3A_130 = tpu.memref_squeeze %dma_wait3A_129 : memref<1x128xi32, #tpu.memory_space<vmem>> -> memref<128xi32, #tpu.memory_space<vmem>>
      %dma_wait3A_131 = tpu.memref_slice %arg3[%multiple_of3A_40] : memref<160000xi32, #tpu.memory_space<hbm>> -> memref<128xi32, #tpu.memory_space<hbm>>
      %dma_wait3A_132 = arith.constant 0 : i32
      %dma_wait3A_133 = tpu.memref_slice %arg6[%dma_wait3A, %dma_wait3A_132] : memref<3x128xi32, #tpu.memory_space<vmem>> -> memref<1x128xi32, #tpu.memory_space<vmem>>
      %dma_wait3A_134 = tpu.memref_squeeze %dma_wait3A_133 : memref<1x128xi32, #tpu.memory_space<vmem>> -> memref<128xi32, #tpu.memory_space<vmem>>
      %dma_wait3A_135 = tpu.memref_slice %arg3[%multiple_of3A_40] : memref<160000xi32, #tpu.memory_space<hbm>> -> memref<128xi32, #tpu.memory_space<hbm>>
      tpu.wait_dma2 semaphore(%arg8 : memref<!tpu.dma_semaphore, #tpu.memory_space<semaphore_mem>>) src(%dma_wait3A_135 : memref<128xi32, #tpu.memory_space<hbm>>) dst(%dma_wait3A_134 : memref<128xi32, #tpu.memory_space<vmem>>)
      %dma_wait3A_136 = arith.constant 0 : i32
      %dma_wait3A_137 = arith.constant 0 : i32
      %dma_wait3A_138 = arith.constant 0 : i32
      %dma_wait3A_139 = tpu.memref_slice %arg7[%dma_wait3A_136, %dma_wait3A_137, %dma_wait3A_138] : memref<3x128x128xf32, #tpu.memory_space<vmem>> -> memref<1x128x128xf32, #tpu.memory_space<vmem>>
      %dma_wait3A_140 = tpu.memref_squeeze %dma_wait3A_139 : memref<1x128x128xf32, #tpu.memory_space<vmem>> -> memref<128x128xf32, #tpu.memory_space<vmem>>
      %dma_wait3A_141 = arith.constant 0 : i32
      %dma_wait3A_142 = tpu.memref_slice %arg2[%multiple_of3A_40, %dma_wait3A_141] : memref<160000x128xf32, #tpu.memory_space<hbm>> -> memref<128x128xf32, #tpu.memory_space<hbm>>
      %dma_wait3A_143 = arith.constant 0 : i32
      %dma_wait3A_144 = arith.constant 0 : i32
      %dma_wait3A_145 = tpu.memref_slice %arg7[%dma_wait3A_136, %dma_wait3A_143, %dma_wait3A_144] : memref<3x128x128xf32, #tpu.memory_space<vmem>> -> memref<1x128x128xf32, #tpu.memory_space<vmem>>
      %dma_wait3A_146 = tpu.memref_squeeze %dma_wait3A_145 : memref<1x128x128xf32, #tpu.memory_space<vmem>> -> memref<128x128xf32, #tpu.memory_space<vmem>>
      %dma_wait3A_147 = arith.constant 0 : i32
      %dma_wait3A_148 = tpu.memref_slice %arg2[%multiple_of3A_40, %dma_wait3A_147] : memref<160000x128xf32, #tpu.memory_space<hbm>> -> memref<128x128xf32, #tpu.memory_space<hbm>>
      tpu.wait_dma2 semaphore(%arg8 : memref<!tpu.dma_semaphore, #tpu.memory_space<semaphore_mem>>) src(%dma_wait3A_148 : memref<128x128xf32, #tpu.memory_space<hbm>>) dst(%dma_wait3A_146 : memref<128x128xf32, #tpu.memory_space<vmem>>)
      %dma_start3A_149 = arith.constant 0 : i32
      %dma_start3A_150 = arith.constant 0 : i32
      %dma_start3A_151 = arith.constant 0 : i32
      %dma_start3A_152 = arith.constant 0 : i32
      %dma_start3A_153 = tpu.memref_slice %arg7[%dma_start3A_149, %dma_start3A_151, %dma_start3A_152] : memref<3x128x128xf32, #tpu.memory_space<vmem>> -> memref<1x128x128xf32, #tpu.memory_space<vmem>>
      %dma_start3A_154 = tpu.memref_squeeze %dma_start3A_153 : memref<1x128x128xf32, #tpu.memory_space<vmem>> -> memref<128x128xf32, #tpu.memory_space<vmem>>
      %dma_start3A_155 = arith.constant 0 : i32
      %dma_start3A_156 = tpu.memref_slice %arg6[%dma_start3A_150, %dma_start3A_155] : memref<3x128xi32, #tpu.memory_space<vmem>> -> memref<1x128xi32, #tpu.memory_space<vmem>>
      %dma_start3A_157 = tpu.memref_squeeze %dma_start3A_156 : memref<1x128xi32, #tpu.memory_space<vmem>> -> memref<128xi32, #tpu.memory_space<vmem>>
      %dma_start3A_158 = arith.constant 0 : i32
      %dma_start3A_159 = arith.constant 0 : i32
      %dma_start3A_160 = tpu.memref_slice %arg11[%dma_start3A_158, %dma_start3A_159] : memref<10000x128xf32, #tpu.memory_space<vmem_shared>> -> memref<10000x128xf32, #tpu.memory_space<vmem_shared>>
      tpu.enqueue_indirect_dma source(%dma_start3A_154 : memref<128x128xf32, #tpu.memory_space<vmem>>) target(%dma_start3A_160 : memref<10000x128xf32, #tpu.memory_space<vmem_shared>>) offsets(%dma_start3A_157 : memref<128xi32, #tpu.memory_space<vmem>>) semaphore(%arg8 : memref<!tpu.dma_semaphore, #tpu.memory_space<semaphore_mem>>) {add = true}
      %dma_wait3A_161 = arith.constant 1 : i32
      %dma_wait3A_162 = arith.constant 0 : i32
      %dma_wait3A_163 = tpu.memref_slice %arg6[%dma_wait3A_161, %dma_wait3A_162] : memref<3x128xi32, #tpu.memory_space<vmem>> -> memref<1x128xi32, #tpu.memory_space<vmem>>
      %dma_wait3A_164 = tpu.memref_squeeze %dma_wait3A_163 : memref<1x128xi32, #tpu.memory_space<vmem>> -> memref<128xi32, #tpu.memory_space<vmem>>
      %dma_wait3A_165 = tpu.memref_slice %arg3[%multiple_of3A_72] : memref<160000xi32, #tpu.memory_space<hbm>> -> memref<128xi32, #tpu.memory_space<hbm>>
      %dma_wait3A_166 = arith.constant 0 : i32
      %dma_wait3A_167 = tpu.memref_slice %arg6[%dma_wait3A_161, %dma_wait3A_166] : memref<3x128xi32, #tpu.memory_space<vmem>> -> memref<1x128xi32, #tpu.memory_space<vmem>>
      %dma_wait3A_168 = tpu.memref_squeeze %dma_wait3A_167 : memref<1x128xi32, #tpu.memory_space<vmem>> -> memref<128xi32, #tpu.memory_space<vmem>>
      %dma_wait3A_169 = tpu.memref_slice %arg3[%multiple_of3A_72] : memref<160000xi32, #tpu.memory_space<hbm>> -> memref<128xi32, #tpu.memory_space<hbm>>
      tpu.wait_dma2 semaphore(%arg9 : memref<!tpu.dma_semaphore, #tpu.memory_space<semaphore_mem>>) src(%dma_wait3A_169 : memref<128xi32, #tpu.memory_space<hbm>>) dst(%dma_wait3A_168 : memref<128xi32, #tpu.memory_space<vmem>>)
      %dma_wait3A_170 = arith.constant 1 : i32
      %dma_wait3A_171 = arith.constant 0 : i32
      %dma_wait3A_172 = arith.constant 0 : i32
      %dma_wait3A_173 = tpu.memref_slice %arg7[%dma_wait3A_170, %dma_wait3A_171, %dma_wait3A_172] : memref<3x128x128xf32, #tpu.memory_space<vmem>> -> memref<1x128x128xf32, #tpu.memory_space<vmem>>
      %dma_wait3A_174 = tpu.memref_squeeze %dma_wait3A_173 : memref<1x128x128xf32, #tpu.memory_space<vmem>> -> memref<128x128xf32, #tpu.memory_space<vmem>>
      %dma_wait3A_175 = arith.constant 0 : i32
      %dma_wait3A_176 = tpu.memref_slice %arg2[%multiple_of3A_72, %dma_wait3A_175] : memref<160000x128xf32, #tpu.memory_space<hbm>> -> memref<128x128xf32, #tpu.memory_space<hbm>>
      %dma_wait3A_177 = arith.constant 0 : i32
      %dma_wait3A_178 = arith.constant 0 : i32
      %dma_wait3A_179 = tpu.memref_slice %arg7[%dma_wait3A_170, %dma_wait3A_177, %dma_wait3A_178] : memref<3x128x128xf32, #tpu.memory_space<vmem>> -> memref<1x128x128xf32, #tpu.memory_space<vmem>>
      %dma_wait3A_180 = tpu.memref_squeeze %dma_wait3A_179 : memref<1x128x128xf32, #tpu.memory_space<vmem>> -> memref<128x128xf32, #tpu.memory_space<vmem>>
      %dma_wait3A_181 = arith.constant 0 : i32
      %dma_wait3A_182 = tpu.memref_slice %arg2[%multiple_of3A_72, %dma_wait3A_181] : memref<160000x128xf32, #tpu.memory_space<hbm>> -> memref<128x128xf32, #tpu.memory_space<hbm>>
      tpu.wait_dma2 semaphore(%arg9 : memref<!tpu.dma_semaphore, #tpu.memory_space<semaphore_mem>>) src(%dma_wait3A_182 : memref<128x128xf32, #tpu.memory_space<hbm>>) dst(%dma_wait3A_180 : memref<128x128xf32, #tpu.memory_space<vmem>>)
      %dma_start3A_183 = arith.constant 1 : i32
      %dma_start3A_184 = arith.constant 1 : i32
      %dma_start3A_185 = arith.constant 0 : i32
      %dma_start3A_186 = arith.constant 0 : i32
      %dma_start3A_187 = tpu.memref_slice %arg7[%dma_start3A_183, %dma_start3A_185, %dma_start3A_186] : memref<3x128x128xf32, #tpu.memory_space<vmem>> -> memref<1x128x128xf32, #tpu.memory_space<vmem>>
      %dma_start3A_188 = tpu.memref_squeeze %dma_start3A_187 : memref<1x128x128xf32, #tpu.memory_space<vmem>> -> memref<128x128xf32, #tpu.memory_space<vmem>>
      %dma_start3A_189 = arith.constant 0 : i32
      %dma_start3A_190 = tpu.memref_slice %arg6[%dma_start3A_184, %dma_start3A_189] : memref<3x128xi32, #tpu.memory_space<vmem>> -> memref<1x128xi32, #tpu.memory_space<vmem>>
      %dma_start3A_191 = tpu.memref_squeeze %dma_start3A_190 : memref<1x128xi32, #tpu.memory_space<vmem>> -> memref<128xi32, #tpu.memory_space<vmem>>
      %dma_start3A_192 = arith.constant 0 : i32
      %dma_start3A_193 = arith.constant 0 : i32
      %dma_start3A_194 = tpu.memref_slice %arg11[%dma_start3A_192, %dma_start3A_193] : memref<10000x128xf32, #tpu.memory_space<vmem_shared>> -> memref<10000x128xf32, #tpu.memory_space<vmem_shared>>
      tpu.enqueue_indirect_dma source(%dma_start3A_188 : memref<128x128xf32, #tpu.memory_space<vmem>>) target(%dma_start3A_194 : memref<10000x128xf32, #tpu.memory_space<vmem_shared>>) offsets(%dma_start3A_191 : memref<128xi32, #tpu.memory_space<vmem>>) semaphore(%arg9 : memref<!tpu.dma_semaphore, #tpu.memory_space<semaphore_mem>>) {add = true}
      %dma_wait3A_195 = arith.constant 2 : i32
      %dma_wait3A_196 = arith.constant 0 : i32
      %dma_wait3A_197 = tpu.memref_slice %arg6[%dma_wait3A_195, %dma_wait3A_196] : memref<3x128xi32, #tpu.memory_space<vmem>> -> memref<1x128xi32, #tpu.memory_space<vmem>>
      %dma_wait3A_198 = tpu.memref_squeeze %dma_wait3A_197 : memref<1x128xi32, #tpu.memory_space<vmem>> -> memref<128xi32, #tpu.memory_space<vmem>>
      %dma_wait3A_199 = tpu.memref_slice %arg3[%multiple_of3A_105] : memref<160000xi32, #tpu.memory_space<hbm>> -> memref<128xi32, #tpu.memory_space<hbm>>
      %dma_wait3A_200 = arith.constant 0 : i32
      %dma_wait3A_201 = tpu.memref_slice %arg6[%dma_wait3A_195, %dma_wait3A_200] : memref<3x128xi32, #tpu.memory_space<vmem>> -> memref<1x128xi32, #tpu.memory_space<vmem>>
      %dma_wait3A_202 = tpu.memref_squeeze %dma_wait3A_201 : memref<1x128xi32, #tpu.memory_space<vmem>> -> memref<128xi32, #tpu.memory_space<vmem>>
      %dma_wait3A_203 = tpu.memref_slice %arg3[%multiple_of3A_105] : memref<160000xi32, #tpu.memory_space<hbm>> -> memref<128xi32, #tpu.memory_space<hbm>>
      tpu.wait_dma2 semaphore(%arg10 : memref<!tpu.dma_semaphore, #tpu.memory_space<semaphore_mem>>) src(%dma_wait3A_203 : memref<128xi32, #tpu.memory_space<hbm>>) dst(%dma_wait3A_202 : memref<128xi32, #tpu.memory_space<vmem>>)
      %dma_wait3A_204 = arith.constant 2 : i32
      %dma_wait3A_205 = arith.constant 0 : i32
      %dma_wait3A_206 = arith.constant 0 : i32
      %dma_wait3A_207 = tpu.memref_slice %arg7[%dma_wait3A_204, %dma_wait3A_205, %dma_wait3A_206] : memref<3x128x128xf32, #tpu.memory_space<vmem>> -> memref<1x128x128xf32, #tpu.memory_space<vmem>>
      %dma_wait3A_208 = tpu.memref_squeeze %dma_wait3A_207 : memref<1x128x128xf32, #tpu.memory_space<vmem>> -> memref<128x128xf32, #tpu.memory_space<vmem>>
      %dma_wait3A_209 = arith.constant 0 : i32
      %dma_wait3A_210 = tpu.memref_slice %arg2[%multiple_of3A_105, %dma_wait3A_209] : memref<160000x128xf32, #tpu.memory_space<hbm>> -> memref<128x128xf32, #tpu.memory_space<hbm>>
      %dma_wait3A_211 = arith.constant 0 : i32
      %dma_wait3A_212 = arith.constant 0 : i32
      %dma_wait3A_213 = tpu.memref_slice %arg7[%dma_wait3A_204, %dma_wait3A_211, %dma_wait3A_212] : memref<3x128x128xf32, #tpu.memory_space<vmem>> -> memref<1x128x128xf32, #tpu.memory_space<vmem>>
      %dma_wait3A_214 = tpu.memref_squeeze %dma_wait3A_213 : memref<1x128x128xf32, #tpu.memory_space<vmem>> -> memref<128x128xf32, #tpu.memory_space<vmem>>
      %dma_wait3A_215 = arith.constant 0 : i32
      %dma_wait3A_216 = tpu.memref_slice %arg2[%multiple_of3A_105, %dma_wait3A_215] : memref<160000x128xf32, #tpu.memory_space<hbm>> -> memref<128x128xf32, #tpu.memory_space<hbm>>
      tpu.wait_dma2 semaphore(%arg10 : memref<!tpu.dma_semaphore, #tpu.memory_space<semaphore_mem>>) src(%dma_wait3A_216 : memref<128x128xf32, #tpu.memory_space<hbm>>) dst(%dma_wait3A_214 : memref<128x128xf32, #tpu.memory_space<vmem>>)
      %dma_start3A_217 = arith.constant 2 : i32
      %dma_start3A_218 = arith.constant 2 : i32
      %dma_start3A_219 = arith.constant 0 : i32
      %dma_start3A_220 = arith.constant 0 : i32
      %dma_start3A_221 = tpu.memref_slice %arg7[%dma_start3A_217, %dma_start3A_219, %dma_start3A_220] : memref<3x128x128xf32, #tpu.memory_space<vmem>> -> memref<1x128x128xf32, #tpu.memory_space<vmem>>
      %dma_start3A_222 = tpu.memref_squeeze %dma_start3A_221 : memref<1x128x128xf32, #tpu.memory_space<vmem>> -> memref<128x128xf32, #tpu.memory_space<vmem>>
      %dma_start3A_223 = arith.constant 0 : i32
      %dma_start3A_224 = tpu.memref_slice %arg6[%dma_start3A_218, %dma_start3A_223] : memref<3x128xi32, #tpu.memory_space<vmem>> -> memref<1x128xi32, #tpu.memory_space<vmem>>
      %dma_start3A_225 = tpu.memref_squeeze %dma_start3A_224 : memref<1x128xi32, #tpu.memory_space<vmem>> -> memref<128xi32, #tpu.memory_space<vmem>>
      %dma_start3A_226 = arith.constant 0 : i32
      %dma_start3A_227 = arith.constant 0 : i32
      %dma_start3A_228 = tpu.memref_slice %arg11[%dma_start3A_226, %dma_start3A_227] : memref<10000x128xf32, #tpu.memory_space<vmem_shared>> -> memref<10000x128xf32, #tpu.memory_space<vmem_shared>>
      tpu.enqueue_indirect_dma source(%dma_start3A_222 : memref<128x128xf32, #tpu.memory_space<vmem>>) target(%dma_start3A_228 : memref<10000x128xf32, #tpu.memory_space<vmem_shared>>) offsets(%dma_start3A_225 : memref<128xi32, #tpu.memory_space<vmem>>) semaphore(%arg10 : memref<!tpu.dma_semaphore, #tpu.memory_space<semaphore_mem>>) {add = true}
      %dma_wait3A_229 = arith.constant 0 : i32
      %dma_wait3A_230 = arith.constant 0 : i32
      %dma_wait3A_231 = arith.constant 0 : i32
      %dma_wait3A_232 = arith.constant 0 : i32
      %dma_wait3A_233 = tpu.memref_slice %arg7[%dma_wait3A_229, %dma_wait3A_231, %dma_wait3A_232] : memref<3x128x128xf32, #tpu.memory_space<vmem>> -> memref<1x128x128xf32, #tpu.memory_space<vmem>>
      %dma_wait3A_234 = tpu.memref_squeeze %dma_wait3A_233 : memref<1x128x128xf32, #tpu.memory_space<vmem>> -> memref<128x128xf32, #tpu.memory_space<vmem>>
      %dma_wait3A_235 = arith.constant 0 : i32
      %dma_wait3A_236 = tpu.memref_slice %arg6[%dma_wait3A_230, %dma_wait3A_235] : memref<3x128xi32, #tpu.memory_space<vmem>> -> memref<1x128xi32, #tpu.memory_space<vmem>>
      %dma_wait3A_237 = tpu.memref_squeeze %dma_wait3A_236 : memref<1x128xi32, #tpu.memory_space<vmem>> -> memref<128xi32, #tpu.memory_space<vmem>>
      %dma_wait3A_238 = arith.constant 0 : i32
      %dma_wait3A_239 = arith.constant 0 : i32
      %dma_wait3A_240 = tpu.memref_slice %arg11[%dma_wait3A_238, %dma_wait3A_239] : memref<10000x128xf32, #tpu.memory_space<vmem_shared>> -> memref<10000x128xf32, #tpu.memory_space<vmem_shared>>
      tpu.wait_indirect_dma semaphore(%arg8 : memref<!tpu.dma_semaphore, #tpu.memory_space<semaphore_mem>>) src(%dma_wait3A_234 : memref<128x128xf32, #tpu.memory_space<vmem>>) dst(%dma_wait3A_240 : memref<10000x128xf32, #tpu.memory_space<vmem_shared>>)
      %dma_wait3A_241 = arith.constant 1 : i32
      %dma_wait3A_242 = arith.constant 1 : i32
      %dma_wait3A_243 = arith.constant 0 : i32
      %dma_wait3A_244 = arith.constant 0 : i32
      %dma_wait3A_245 = tpu.memref_slice %arg7[%dma_wait3A_241, %dma_wait3A_243, %dma_wait3A_244] : memref<3x128x128xf32, #tpu.memory_space<vmem>> -> memref<1x128x128xf32, #tpu.memory_space<vmem>>
      %dma_wait3A_246 = tpu.memref_squeeze %dma_wait3A_245 : memref<1x128x128xf32, #tpu.memory_space<vmem>> -> memref<128x128xf32, #tpu.memory_space<vmem>>
      %dma_wait3A_247 = arith.constant 0 : i32
      %dma_wait3A_248 = tpu.memref_slice %arg6[%dma_wait3A_242, %dma_wait3A_247] : memref<3x128xi32, #tpu.memory_space<vmem>> -> memref<1x128xi32, #tpu.memory_space<vmem>>
      %dma_wait3A_249 = tpu.memref_squeeze %dma_wait3A_248 : memref<1x128xi32, #tpu.memory_space<vmem>> -> memref<128xi32, #tpu.memory_space<vmem>>
      %dma_wait3A_250 = arith.constant 0 : i32
      %dma_wait3A_251 = arith.constant 0 : i32
      %dma_wait3A_252 = tpu.memref_slice %arg11[%dma_wait3A_250, %dma_wait3A_251] : memref<10000x128xf32, #tpu.memory_space<vmem_shared>> -> memref<10000x128xf32, #tpu.memory_space<vmem_shared>>
      tpu.wait_indirect_dma semaphore(%arg9 : memref<!tpu.dma_semaphore, #tpu.memory_space<semaphore_mem>>) src(%dma_wait3A_246 : memref<128x128xf32, #tpu.memory_space<vmem>>) dst(%dma_wait3A_252 : memref<10000x128xf32, #tpu.memory_space<vmem_shared>>)
      %dma_wait3A_253 = arith.constant 2 : i32
      %dma_wait3A_254 = arith.constant 2 : i32
      %dma_wait3A_255 = arith.constant 0 : i32
      %dma_wait3A_256 = arith.constant 0 : i32
      %dma_wait3A_257 = tpu.memref_slice %arg7[%dma_wait3A_253, %dma_wait3A_255, %dma_wait3A_256] : memref<3x128x128xf32, #tpu.memory_space<vmem>> -> memref<1x128x128xf32, #tpu.memory_space<vmem>>
      %dma_wait3A_258 = tpu.memref_squeeze %dma_wait3A_257 : memref<1x128x128xf32, #tpu.memory_space<vmem>> -> memref<128x128xf32, #tpu.memory_space<vmem>>
      %dma_wait3A_259 = arith.constant 0 : i32
      %dma_wait3A_260 = tpu.memref_slice %arg6[%dma_wait3A_254, %dma_wait3A_259] : memref<3x128xi32, #tpu.memory_space<vmem>> -> memref<1x128xi32, #tpu.memory_space<vmem>>
      %dma_wait3A_261 = tpu.memref_squeeze %dma_wait3A_260 : memref<1x128xi32, #tpu.memory_space<vmem>> -> memref<128xi32, #tpu.memory_space<vmem>>
      %dma_wait3A_262 = arith.constant 0 : i32
      %dma_wait3A_263 = arith.constant 0 : i32
      %dma_wait3A_264 = tpu.memref_slice %arg11[%dma_wait3A_262, %dma_wait3A_263] : memref<10000x128xf32, #tpu.memory_space<vmem_shared>> -> memref<10000x128xf32, #tpu.memory_space<vmem_shared>>
      tpu.wait_indirect_dma semaphore(%arg10 : memref<!tpu.dma_semaphore, #tpu.memory_space<semaphore_mem>>) src(%dma_wait3A_258 : memref<128x128xf32, #tpu.memory_space<vmem>>) dst(%dma_wait3A_264 : memref<10000x128xf32, #tpu.memory_space<vmem_shared>>)
    }
    %scan3A_13 = arith.constant 13 : i32
    %lt3A_14 = arith.constant 1 : i32
    %lt3A_15 = arith.cmpi slt, %arg1, %lt3A_14 : i32
    %convert_element_type3A_16 = arith.extui %lt3A_15 : i1 to i32
    %cond3A_17 = arith.constant 0 : i32
    %cond3A_18 = arith.cmpi ne, %convert_element_type3A_16, %cond3A_17 : i32
    scf.if %cond3A_18 {
      %add3A = arith.addi %mul3A_8, %arg1 : i32
      %add3A_30 = arith.constant 624 : i32
      %add3A_31 = arith.addi %add3A, %add3A_30 : i32
      %mul3A_32 = arith.constant 128 : i32
      %mul3A_33 = arith.muli %add3A_31, %mul3A_32 : i32
      %multiple_of3A_34 = tpu.assume_multiple %mul3A_33, 128 : i32
      %run_scoped3A = arith.constant 0 : i32
      "tpu.region"() ({
        %run_scoped3A_38 = tpu.sem_alloc : memref<!tpu.dma_semaphore, #tpu.memory_space<semaphore_mem>>
        %dma_start3A = arith.constant 0 : i32
        %dma_start3A_39 = tpu.memref_slice %arg6[%run_scoped3A, %dma_start3A] : memref<3x128xi32, #tpu.memory_space<vmem>> -> memref<1x128xi32, #tpu.memory_space<vmem>>
        %dma_start3A_40 = tpu.memref_squeeze %dma_start3A_39 : memref<1x128xi32, #tpu.memory_space<vmem>> -> memref<128xi32, #tpu.memory_space<vmem>>
        %dma_start3A_41 = tpu.memref_slice %arg3[%multiple_of3A_34] : memref<160000xi32, #tpu.memory_space<hbm>> -> memref<128xi32, #tpu.memory_space<hbm>>
        %dma_start3A_42 = arith.constant 0 : i32
        %dma_start3A_43 = tpu.memref_slice %arg6[%run_scoped3A, %dma_start3A_42] : memref<3x128xi32, #tpu.memory_space<vmem>> -> memref<1x128xi32, #tpu.memory_space<vmem>>
        %dma_start3A_44 = tpu.memref_squeeze %dma_start3A_43 : memref<1x128xi32, #tpu.memory_space<vmem>> -> memref<128xi32, #tpu.memory_space<vmem>>
        %dma_start3A_45 = tpu.memref_slice %arg3[%multiple_of3A_34] : memref<160000xi32, #tpu.memory_space<hbm>> -> memref<128xi32, #tpu.memory_space<hbm>>
        tpu.enqueue_dma source(%dma_start3A_45 : memref<128xi32, #tpu.memory_space<hbm>>) target(%dma_start3A_44 : memref<128xi32, #tpu.memory_space<vmem>>) target_semaphore(%run_scoped3A_38 : memref<!tpu.dma_semaphore, #tpu.memory_space<semaphore_mem>>)
        %dma_wait3A = arith.constant 0 : i32
        %dma_wait3A_46 = tpu.memref_slice %arg6[%run_scoped3A, %dma_wait3A] : memref<3x128xi32, #tpu.memory_space<vmem>> -> memref<1x128xi32, #tpu.memory_space<vmem>>
        %dma_wait3A_47 = tpu.memref_squeeze %dma_wait3A_46 : memref<1x128xi32, #tpu.memory_space<vmem>> -> memref<128xi32, #tpu.memory_space<vmem>>
        %dma_wait3A_48 = tpu.memref_slice %arg3[%multiple_of3A_34] : memref<160000xi32, #tpu.memory_space<hbm>> -> memref<128xi32, #tpu.memory_space<hbm>>
        %dma_wait3A_49 = arith.constant 0 : i32
        %dma_wait3A_50 = tpu.memref_slice %arg6[%run_scoped3A, %dma_wait3A_49] : memref<3x128xi32, #tpu.memory_space<vmem>> -> memref<1x128xi32, #tpu.memory_space<vmem>>
        %dma_wait3A_51 = tpu.memref_squeeze %dma_wait3A_50 : memref<1x128xi32, #tpu.memory_space<vmem>> -> memref<128xi32, #tpu.memory_space<vmem>>
        %dma_wait3A_52 = tpu.memref_slice %arg3[%multiple_of3A_34] : memref<160000xi32, #tpu.memory_space<hbm>> -> memref<128xi32, #tpu.memory_space<hbm>>
        tpu.wait_dma2 semaphore(%run_scoped3A_38 : memref<!tpu.dma_semaphore, #tpu.memory_space<semaphore_mem>>) src(%dma_wait3A_52 : memref<128xi32, #tpu.memory_space<hbm>>) dst(%dma_wait3A_51 : memref<128xi32, #tpu.memory_space<vmem>>)
        tpu.yield
      }) : () -> ()
      %run_scoped3A_35 = arith.constant 0 : i32
      "tpu.region"() ({
        %run_scoped3A_38 = tpu.sem_alloc : memref<!tpu.dma_semaphore, #tpu.memory_space<semaphore_mem>>
        %dma_start3A = arith.constant 0 : i32
        %dma_start3A_39 = arith.constant 0 : i32
        %dma_start3A_40 = tpu.memref_slice %arg7[%run_scoped3A_35, %dma_start3A, %dma_start3A_39] : memref<3x128x128xf32, #tpu.memory_space<vmem>> -> memref<1x128x128xf32, #tpu.memory_space<vmem>>
        %dma_start3A_41 = tpu.memref_squeeze %dma_start3A_40 : memref<1x128x128xf32, #tpu.memory_space<vmem>> -> memref<128x128xf32, #tpu.memory_space<vmem>>
        %dma_start3A_42 = arith.constant 0 : i32
        %dma_start3A_43 = tpu.memref_slice %arg2[%multiple_of3A_34, %dma_start3A_42] : memref<160000x128xf32, #tpu.memory_space<hbm>> -> memref<128x128xf32, #tpu.memory_space<hbm>>
        %dma_start3A_44 = arith.constant 0 : i32
        %dma_start3A_45 = arith.constant 0 : i32
        %dma_start3A_46 = tpu.memref_slice %arg7[%run_scoped3A_35, %dma_start3A_44, %dma_start3A_45] : memref<3x128x128xf32, #tpu.memory_space<vmem>> -> memref<1x128x128xf32, #tpu.memory_space<vmem>>
        %dma_start3A_47 = tpu.memref_squeeze %dma_start3A_46 : memref<1x128x128xf32, #tpu.memory_space<vmem>> -> memref<128x128xf32, #tpu.memory_space<vmem>>
        %dma_start3A_48 = arith.constant 0 : i32
        %dma_start3A_49 = tpu.memref_slice %arg2[%multiple_of3A_34, %dma_start3A_48] : memref<160000x128xf32, #tpu.memory_space<hbm>> -> memref<128x128xf32, #tpu.memory_space<hbm>>
        tpu.enqueue_dma source(%dma_start3A_49 : memref<128x128xf32, #tpu.memory_space<hbm>>) target(%dma_start3A_47 : memref<128x128xf32, #tpu.memory_space<vmem>>) target_semaphore(%run_scoped3A_38 : memref<!tpu.dma_semaphore, #tpu.memory_space<semaphore_mem>>)
        %dma_wait3A = arith.constant 0 : i32
        %dma_wait3A_50 = arith.constant 0 : i32
        %dma_wait3A_51 = tpu.memref_slice %arg7[%run_scoped3A_35, %dma_wait3A, %dma_wait3A_50] : memref<3x128x128xf32, #tpu.memory_space<vmem>> -> memref<1x128x128xf32, #tpu.memory_space<vmem>>
        %dma_wait3A_52 = tpu.memref_squeeze %dma_wait3A_51 : memref<1x128x128xf32, #tpu.memory_space<vmem>> -> memref<128x128xf32, #tpu.memory_space<vmem>>
        %dma_wait3A_53 = arith.constant 0 : i32
        %dma_wait3A_54 = tpu.memref_slice %arg2[%multiple_of3A_34, %dma_wait3A_53] : memref<160000x128xf32, #tpu.memory_space<hbm>> -> memref<128x128xf32, #tpu.memory_space<hbm>>
        %dma_wait3A_55 = arith.constant 0 : i32
        %dma_wait3A_56 = arith.constant 0 : i32
        %dma_wait3A_57 = tpu.memref_slice %arg7[%run_scoped3A_35, %dma_wait3A_55, %dma_wait3A_56] : memref<3x128x128xf32, #tpu.memory_space<vmem>> -> memref<1x128x128xf32, #tpu.memory_space<vmem>>
        %dma_wait3A_58 = tpu.memref_squeeze %dma_wait3A_57 : memref<1x128x128xf32, #tpu.memory_space<vmem>> -> memref<128x128xf32, #tpu.memory_space<vmem>>
        %dma_wait3A_59 = arith.constant 0 : i32
        %dma_wait3A_60 = tpu.memref_slice %arg2[%multiple_of3A_34, %dma_wait3A_59] : memref<160000x128xf32, #tpu.memory_space<hbm>> -> memref<128x128xf32, #tpu.memory_space<hbm>>
        tpu.wait_dma2 semaphore(%run_scoped3A_38 : memref<!tpu.dma_semaphore, #tpu.memory_space<semaphore_mem>>) src(%dma_wait3A_60 : memref<128x128xf32, #tpu.memory_space<hbm>>) dst(%dma_wait3A_58 : memref<128x128xf32, #tpu.memory_space<vmem>>)
        tpu.yield
      }) : () -> ()
      %run_scoped3A_36 = arith.constant 0 : i32
      %run_scoped3A_37 = arith.constant 0 : i32
      "tpu.region"() ({
        %run_scoped3A_38 = tpu.sem_alloc : memref<!tpu.dma_semaphore, #tpu.memory_space<semaphore_mem>>
        %dma_start3A = arith.constant 0 : i32
        %dma_start3A_39 = arith.constant 0 : i32
        %dma_start3A_40 = tpu.memref_slice %arg7[%run_scoped3A_36, %dma_start3A, %dma_start3A_39] : memref<3x128x128xf32, #tpu.memory_space<vmem>> -> memref<1x128x128xf32, #tpu.memory_space<vmem>>
        %dma_start3A_41 = tpu.memref_squeeze %dma_start3A_40 : memref<1x128x128xf32, #tpu.memory_space<vmem>> -> memref<128x128xf32, #tpu.memory_space<vmem>>
        %dma_start3A_42 = arith.constant 0 : i32
        %dma_start3A_43 = tpu.memref_slice %arg6[%run_scoped3A_37, %dma_start3A_42] : memref<3x128xi32, #tpu.memory_space<vmem>> -> memref<1x128xi32, #tpu.memory_space<vmem>>
        %dma_start3A_44 = tpu.memref_squeeze %dma_start3A_43 : memref<1x128xi32, #tpu.memory_space<vmem>> -> memref<128xi32, #tpu.memory_space<vmem>>
        %dma_start3A_45 = arith.constant 0 : i32
        %dma_start3A_46 = arith.constant 0 : i32
        %dma_start3A_47 = tpu.memref_slice %arg11[%dma_start3A_45, %dma_start3A_46] : memref<10000x128xf32, #tpu.memory_space<vmem_shared>> -> memref<10000x128xf32, #tpu.memory_space<vmem_shared>>
        tpu.enqueue_indirect_dma source(%dma_start3A_41 : memref<128x128xf32, #tpu.memory_space<vmem>>) target(%dma_start3A_47 : memref<10000x128xf32, #tpu.memory_space<vmem_shared>>) offsets(%dma_start3A_44 : memref<128xi32, #tpu.memory_space<vmem>>) semaphore(%run_scoped3A_38 : memref<!tpu.dma_semaphore, #tpu.memory_space<semaphore_mem>>) {add = true}
        %dma_wait3A = arith.constant 0 : i32
        %dma_wait3A_48 = arith.constant 0 : i32
        %dma_wait3A_49 = tpu.memref_slice %arg7[%run_scoped3A_36, %dma_wait3A, %dma_wait3A_48] : memref<3x128x128xf32, #tpu.memory_space<vmem>> -> memref<1x128x128xf32, #tpu.memory_space<vmem>>
        %dma_wait3A_50 = tpu.memref_squeeze %dma_wait3A_49 : memref<1x128x128xf32, #tpu.memory_space<vmem>> -> memref<128x128xf32, #tpu.memory_space<vmem>>
        %dma_wait3A_51 = arith.constant 0 : i32
        %dma_wait3A_52 = tpu.memref_slice %arg6[%run_scoped3A_37, %dma_wait3A_51] : memref<3x128xi32, #tpu.memory_space<vmem>> -> memref<1x128xi32, #tpu.memory_space<vmem>>
        %dma_wait3A_53 = tpu.memref_squeeze %dma_wait3A_52 : memref<1x128xi32, #tpu.memory_space<vmem>> -> memref<128xi32, #tpu.memory_space<vmem>>
        %dma_wait3A_54 = arith.constant 0 : i32
        %dma_wait3A_55 = arith.constant 0 : i32
        %dma_wait3A_56 = tpu.memref_slice %arg11[%dma_wait3A_54, %dma_wait3A_55] : memref<10000x128xf32, #tpu.memory_space<vmem_shared>> -> memref<10000x128xf32, #tpu.memory_space<vmem_shared>>
        tpu.wait_indirect_dma semaphore(%run_scoped3A_38 : memref<!tpu.dma_semaphore, #tpu.memory_space<semaphore_mem>>) src(%dma_wait3A_50 : memref<128x128xf32, #tpu.memory_space<vmem>>) dst(%dma_wait3A_56 : memref<10000x128xf32, #tpu.memory_space<vmem_shared>>)
        tpu.yield
      }) : () -> ()
    } else {
    }
    %barrier3A_19 = arith.constant 0 : index
    tpu.barrier barrier_id(%barrier3A_19)
    %lt3A_20 = arith.constant 15 : i32
    %lt3A_21 = arith.cmpi slt, %arg1, %lt3A_20 : i32
    %convert_element_type3A_22 = arith.extui %lt3A_21 : i1 to i32
    %cond3A_23 = arith.constant 0 : i32
    %cond3A_24 = arith.cmpi ne, %convert_element_type3A_22, %cond3A_23 : i32
    scf.if %cond3A_24 {
      "tpu.region"() ({
        %run_scoped3A = tpu.sem_alloc : memref<!tpu.dma_semaphore, #tpu.memory_space<semaphore_mem>>
        %dma_start3A = arith.constant 0 : i32
        %dma_start3A_30 = tpu.memref_slice %arg5[%arg0, %multiple_of3A, %dma_start3A] : memref<2x10000x128xf32, #tpu.memory_space<hbm>> -> memref<1x632x128xf32, #tpu.memory_space<hbm>>
        %dma_start3A_31 = tpu.memref_squeeze %dma_start3A_30 : memref<1x632x128xf32, #tpu.memory_space<hbm>> -> memref<632x128xf32, #tpu.memory_space<hbm>>
        %dma_start3A_32 = arith.constant 0 : i32
        %dma_start3A_33 = tpu.memref_slice %arg11[%multiple_of3A, %dma_start3A_32] : memref<10000x128xf32, #tpu.memory_space<vmem_shared>> -> memref<632x128xf32, #tpu.memory_space<vmem_shared>>
        tpu.enqueue_dma source(%dma_start3A_33 : memref<632x128xf32, #tpu.memory_space<vmem_shared>>) target(%dma_start3A_31 : memref<632x128xf32, #tpu.memory_space<hbm>>) target_semaphore(%run_scoped3A : memref<!tpu.dma_semaphore, #tpu.memory_space<semaphore_mem>>)
        %dma_wait3A = arith.constant 0 : i32
        %dma_wait3A_34 = tpu.memref_slice %arg5[%arg0, %multiple_of3A, %dma_wait3A] : memref<2x10000x128xf32, #tpu.memory_space<hbm>> -> memref<1x632x128xf32, #tpu.memory_space<hbm>>
        %dma_wait3A_35 = tpu.memref_squeeze %dma_wait3A_34 : memref<1x632x128xf32, #tpu.memory_space<hbm>> -> memref<632x128xf32, #tpu.memory_space<hbm>>
        %dma_wait3A_36 = arith.constant 0 : i32
        %dma_wait3A_37 = tpu.memref_slice %arg11[%multiple_of3A, %dma_wait3A_36] : memref<10000x128xf32, #tpu.memory_space<vmem_shared>> -> memref<632x128xf32, #tpu.memory_space<vmem_shared>>
        tpu.wait_dma2 semaphore(%run_scoped3A : memref<!tpu.dma_semaphore, #tpu.memory_space<semaphore_mem>>) src(%dma_wait3A_37 : memref<632x128xf32, #tpu.memory_space<vmem_shared>>) dst(%dma_wait3A_35 : memref<632x128xf32, #tpu.memory_space<hbm>>)
        tpu.yield
      }) : () -> ()
    } else {
    }
    %eq3A_25 = arith.constant 15 : i32
    %eq3A_26 = arith.cmpi eq, %arg1, %eq3A_25 : i32
    %convert_element_type3A_27 = arith.extui %eq3A_26 : i1 to i32
    %cond3A_28 = arith.constant 0 : i32
    %cond3A_29 = arith.cmpi ne, %convert_element_type3A_27, %cond3A_28 : i32
    scf.if %cond3A_29 {
      "tpu.region"() ({
        %run_scoped3A = tpu.sem_alloc : memref<!tpu.dma_semaphore, #tpu.memory_space<semaphore_mem>>
        %dma_start3A = arith.constant 9480 : i32
        %dma_start3A_30 = arith.constant 0 : i32
        %dma_start3A_31 = tpu.memref_slice %arg5[%arg0, %dma_start3A, %dma_start3A_30] : memref<2x10000x128xf32, #tpu.memory_space<hbm>> -> memref<1x520x128xf32, #tpu.memory_space<hbm>>
        %dma_start3A_32 = tpu.memref_squeeze %dma_start3A_31 : memref<1x520x128xf32, #tpu.memory_space<hbm>> -> memref<520x128xf32, #tpu.memory_space<hbm>>
        %dma_start3A_33 = arith.constant 9480 : i32
        %dma_start3A_34 = arith.constant 0 : i32
        %dma_start3A_35 = tpu.memref_slice %arg11[%dma_start3A_33, %dma_start3A_34] : memref<10000x128xf32, #tpu.memory_space<vmem_shared>> -> memref<520x128xf32, #tpu.memory_space<vmem_shared>>
        tpu.enqueue_dma source(%dma_start3A_35 : memref<520x128xf32, #tpu.memory_space<vmem_shared>>) target(%dma_start3A_32 : memref<520x128xf32, #tpu.memory_space<hbm>>) target_semaphore(%run_scoped3A : memref<!tpu.dma_semaphore, #tpu.memory_space<semaphore_mem>>)
        %dma_wait3A = arith.constant 9480 : i32
        %dma_wait3A_36 = arith.constant 0 : i32
        %dma_wait3A_37 = tpu.memref_slice %arg5[%arg0, %dma_wait3A, %dma_wait3A_36] : memref<2x10000x128xf32, #tpu.memory_space<hbm>> -> memref<1x520x128xf32, #tpu.memory_space<hbm>>
        %dma_wait3A_38 = tpu.memref_squeeze %dma_wait3A_37 : memref<1x520x128xf32, #tpu.memory_space<hbm>> -> memref<520x128xf32, #tpu.memory_space<hbm>>
        %dma_wait3A_39 = arith.constant 9480 : i32
        %dma_wait3A_40 = arith.constant 0 : i32
        %dma_wait3A_41 = tpu.memref_slice %arg11[%dma_wait3A_39, %dma_wait3A_40] : memref<10000x128xf32, #tpu.memory_space<vmem_shared>> -> memref<520x128xf32, #tpu.memory_space<vmem_shared>>
        tpu.wait_dma2 semaphore(%run_scoped3A : memref<!tpu.dma_semaphore, #tpu.memory_space<semaphore_mem>>) src(%dma_wait3A_41 : memref<520x128xf32, #tpu.memory_space<vmem_shared>>) dst(%dma_wait3A_38 : memref<520x128xf32, #tpu.memory_space<hbm>>)
        tpu.yield
      }) : () -> ()
    } else {
    }
    return
  }
}

#map = affine_map<(d0, d1) -> (0, 0)>
#map1 = affine_map<(d0, d1) -> (0)>
module attributes {stable_mosaic.version = 14 : i64} {
  func.func @_gather_body(%arg0: i32, %arg1: i32, %arg2: memref<10000x128xf32, #tpu.memory_space<hbm>>, %arg3: memref<10000x128xf32, #tpu.memory_space<hbm>>, %arg4: memref<160000xi32, #tpu.memory_space<hbm>>, %arg5: memref<160000xi32, #tpu.memory_space<hbm>>, %arg6: memref<160000x128xf32, #tpu.memory_space<hbm>>, %arg7: memref<3x128xi32, #tpu.memory_space<vmem>>, %arg8: memref<3x128xi32, #tpu.memory_space<vmem>>, %arg9: memref<3x128x128xf32, #tpu.memory_space<vmem>>, %arg10: memref<!tpu.dma_semaphore, #tpu.memory_space<semaphore_mem>>, %arg11: memref<!tpu.dma_semaphore, #tpu.memory_space<semaphore_mem>>, %arg12: memref<!tpu.dma_semaphore, #tpu.memory_space<semaphore_mem>>) attributes {dimension_semantics = [#tpu.dimension_semantics<core_parallel>, #tpu.dimension_semantics<subcore_parallel>], iteration_bounds = array<i64: 2, 16>, scalar_prefetch = 0 : i64, scratch_operands = 6 : i64, tpu.core_type = #tpu.core_type<sc_vector_subcore>, window_params = [{transform_indices = #map}, {transform_indices = #map}, {transform_indices = #map1}, {transform_indices = #map1}, {transform_indices = #map}]} {
    %mul3A = arith.constant 2 : i32
    %mul3A_0 = arith.muli %arg1, %mul3A : i32
    %add3A = arith.addi %mul3A_0, %arg0 : i32
    %scan3A = arith.constant 0 : i32
    %scan3A_1 = arith.constant 0 : i32
    %scan3A_2 = arith.constant 13 : i32
    %scan3A_3 = arith.addi %scan3A_1, %scan3A_2 : i32
    %scan3A_4 = arith.constant 1 : i32
    scf.for %scan3A_8 = %scan3A_1 to %scan3A_3 step %scan3A_4  : i32 {
      %mul3A_9 = arith.constant 3 : i32
      %mul3A_10 = arith.muli %scan3A_8, %mul3A_9 : i32
      %add3A_11 = arith.constant 0 : i32
      %add3A_12 = arith.addi %mul3A_10, %add3A_11 : i32
      %mul3A_13 = arith.constant 32 : i32
      %mul3A_14 = arith.muli %add3A_12, %mul3A_13 : i32
      %add3A_15 = arith.addi %add3A, %mul3A_14 : i32
      %mul3A_16 = arith.constant 128 : i32
      %mul3A_17 = arith.muli %add3A_15, %mul3A_16 : i32
      %multiple_of3A = tpu.assume_multiple %mul3A_17, 128 : i32
      %dma_start3A = arith.constant 0 : i32
      %dma_start3A_18 = arith.constant 0 : i32
      %dma_start3A_19 = tpu.memref_slice %arg7[%dma_start3A, %dma_start3A_18] : memref<3x128xi32, #tpu.memory_space<vmem>> -> memref<1x128xi32, #tpu.memory_space<vmem>>
      %dma_start3A_20 = tpu.memref_squeeze %dma_start3A_19 : memref<1x128xi32, #tpu.memory_space<vmem>> -> memref<128xi32, #tpu.memory_space<vmem>>
      %dma_start3A_21 = tpu.memref_slice %arg5[%multiple_of3A] : memref<160000xi32, #tpu.memory_space<hbm>> -> memref<128xi32, #tpu.memory_space<hbm>>
      %dma_start3A_22 = arith.constant 0 : i32
      %dma_start3A_23 = tpu.memref_slice %arg7[%dma_start3A, %dma_start3A_22] : memref<3x128xi32, #tpu.memory_space<vmem>> -> memref<1x128xi32, #tpu.memory_space<vmem>>
      %dma_start3A_24 = tpu.memref_squeeze %dma_start3A_23 : memref<1x128xi32, #tpu.memory_space<vmem>> -> memref<128xi32, #tpu.memory_space<vmem>>
      %dma_start3A_25 = tpu.memref_slice %arg5[%multiple_of3A] : memref<160000xi32, #tpu.memory_space<hbm>> -> memref<128xi32, #tpu.memory_space<hbm>>
      tpu.enqueue_dma source(%dma_start3A_25 : memref<128xi32, #tpu.memory_space<hbm>>) target(%dma_start3A_24 : memref<128xi32, #tpu.memory_space<vmem>>) target_semaphore(%arg10 : memref<!tpu.dma_semaphore, #tpu.memory_space<semaphore_mem>>)
      %dma_start3A_26 = arith.constant 0 : i32
      %dma_start3A_27 = arith.constant 0 : i32
      %dma_start3A_28 = tpu.memref_slice %arg8[%dma_start3A_26, %dma_start3A_27] : memref<3x128xi32, #tpu.memory_space<vmem>> -> memref<1x128xi32, #tpu.memory_space<vmem>>
      %dma_start3A_29 = tpu.memref_squeeze %dma_start3A_28 : memref<1x128xi32, #tpu.memory_space<vmem>> -> memref<128xi32, #tpu.memory_space<vmem>>
      %dma_start3A_30 = tpu.memref_slice %arg4[%multiple_of3A] : memref<160000xi32, #tpu.memory_space<hbm>> -> memref<128xi32, #tpu.memory_space<hbm>>
      %dma_start3A_31 = arith.constant 0 : i32
      %dma_start3A_32 = tpu.memref_slice %arg8[%dma_start3A_26, %dma_start3A_31] : memref<3x128xi32, #tpu.memory_space<vmem>> -> memref<1x128xi32, #tpu.memory_space<vmem>>
      %dma_start3A_33 = tpu.memref_squeeze %dma_start3A_32 : memref<1x128xi32, #tpu.memory_space<vmem>> -> memref<128xi32, #tpu.memory_space<vmem>>
      %dma_start3A_34 = tpu.memref_slice %arg4[%multiple_of3A] : memref<160000xi32, #tpu.memory_space<hbm>> -> memref<128xi32, #tpu.memory_space<hbm>>
      tpu.enqueue_dma source(%dma_start3A_34 : memref<128xi32, #tpu.memory_space<hbm>>) target(%dma_start3A_33 : memref<128xi32, #tpu.memory_space<vmem>>) target_semaphore(%arg10 : memref<!tpu.dma_semaphore, #tpu.memory_space<semaphore_mem>>)
      %mul3A_35 = arith.constant 3 : i32
      %mul3A_36 = arith.muli %scan3A_8, %mul3A_35 : i32
      %add3A_37 = arith.constant 1 : i32
      %add3A_38 = arith.addi %mul3A_36, %add3A_37 : i32
      %mul3A_39 = arith.constant 32 : i32
      %mul3A_40 = arith.muli %add3A_38, %mul3A_39 : i32
      %add3A_41 = arith.addi %add3A, %mul3A_40 : i32
      %mul3A_42 = arith.constant 128 : i32
      %mul3A_43 = arith.muli %add3A_41, %mul3A_42 : i32
      %multiple_of3A_44 = tpu.assume_multiple %mul3A_43, 128 : i32
      %dma_start3A_45 = arith.constant 1 : i32
      %dma_start3A_46 = arith.constant 0 : i32
      %dma_start3A_47 = tpu.memref_slice %arg7[%dma_start3A_45, %dma_start3A_46] : memref<3x128xi32, #tpu.memory_space<vmem>> -> memref<1x128xi32, #tpu.memory_space<vmem>>
      %dma_start3A_48 = tpu.memref_squeeze %dma_start3A_47 : memref<1x128xi32, #tpu.memory_space<vmem>> -> memref<128xi32, #tpu.memory_space<vmem>>
      %dma_start3A_49 = tpu.memref_slice %arg5[%multiple_of3A_44] : memref<160000xi32, #tpu.memory_space<hbm>> -> memref<128xi32, #tpu.memory_space<hbm>>
      %dma_start3A_50 = arith.constant 0 : i32
      %dma_start3A_51 = tpu.memref_slice %arg7[%dma_start3A_45, %dma_start3A_50] : memref<3x128xi32, #tpu.memory_space<vmem>> -> memref<1x128xi32, #tpu.memory_space<vmem>>
      %dma_start3A_52 = tpu.memref_squeeze %dma_start3A_51 : memref<1x128xi32, #tpu.memory_space<vmem>> -> memref<128xi32, #tpu.memory_space<vmem>>
      %dma_start3A_53 = tpu.memref_slice %arg5[%multiple_of3A_44] : memref<160000xi32, #tpu.memory_space<hbm>> -> memref<128xi32, #tpu.memory_space<hbm>>
      tpu.enqueue_dma source(%dma_start3A_53 : memref<128xi32, #tpu.memory_space<hbm>>) target(%dma_start3A_52 : memref<128xi32, #tpu.memory_space<vmem>>) target_semaphore(%arg11 : memref<!tpu.dma_semaphore, #tpu.memory_space<semaphore_mem>>)
      %dma_start3A_54 = arith.constant 1 : i32
      %dma_start3A_55 = arith.constant 0 : i32
      %dma_start3A_56 = tpu.memref_slice %arg8[%dma_start3A_54, %dma_start3A_55] : memref<3x128xi32, #tpu.memory_space<vmem>> -> memref<1x128xi32, #tpu.memory_space<vmem>>
      %dma_start3A_57 = tpu.memref_squeeze %dma_start3A_56 : memref<1x128xi32, #tpu.memory_space<vmem>> -> memref<128xi32, #tpu.memory_space<vmem>>
      %dma_start3A_58 = tpu.memref_slice %arg4[%multiple_of3A_44] : memref<160000xi32, #tpu.memory_space<hbm>> -> memref<128xi32, #tpu.memory_space<hbm>>
      %dma_start3A_59 = arith.constant 0 : i32
      %dma_start3A_60 = tpu.memref_slice %arg8[%dma_start3A_54, %dma_start3A_59] : memref<3x128xi32, #tpu.memory_space<vmem>> -> memref<1x128xi32, #tpu.memory_space<vmem>>
      %dma_start3A_61 = tpu.memref_squeeze %dma_start3A_60 : memref<1x128xi32, #tpu.memory_space<vmem>> -> memref<128xi32, #tpu.memory_space<vmem>>
      %dma_start3A_62 = tpu.memref_slice %arg4[%multiple_of3A_44] : memref<160000xi32, #tpu.memory_space<hbm>> -> memref<128xi32, #tpu.memory_space<hbm>>
      tpu.enqueue_dma source(%dma_start3A_62 : memref<128xi32, #tpu.memory_space<hbm>>) target(%dma_start3A_61 : memref<128xi32, #tpu.memory_space<vmem>>) target_semaphore(%arg11 : memref<!tpu.dma_semaphore, #tpu.memory_space<semaphore_mem>>)
      %mul3A_63 = arith.constant 3 : i32
      %mul3A_64 = arith.muli %scan3A_8, %mul3A_63 : i32
      %add3A_65 = arith.constant 2 : i32
      %add3A_66 = arith.addi %mul3A_64, %add3A_65 : i32
      %mul3A_67 = arith.constant 32 : i32
      %mul3A_68 = arith.muli %add3A_66, %mul3A_67 : i32
      %add3A_69 = arith.addi %add3A, %mul3A_68 : i32
      %mul3A_70 = arith.constant 128 : i32
      %mul3A_71 = arith.muli %add3A_69, %mul3A_70 : i32
      %multiple_of3A_72 = tpu.assume_multiple %mul3A_71, 128 : i32
      %dma_start3A_73 = arith.constant 2 : i32
      %dma_start3A_74 = arith.constant 0 : i32
      %dma_start3A_75 = tpu.memref_slice %arg7[%dma_start3A_73, %dma_start3A_74] : memref<3x128xi32, #tpu.memory_space<vmem>> -> memref<1x128xi32, #tpu.memory_space<vmem>>
      %dma_start3A_76 = tpu.memref_squeeze %dma_start3A_75 : memref<1x128xi32, #tpu.memory_space<vmem>> -> memref<128xi32, #tpu.memory_space<vmem>>
      %dma_start3A_77 = tpu.memref_slice %arg5[%multiple_of3A_72] : memref<160000xi32, #tpu.memory_space<hbm>> -> memref<128xi32, #tpu.memory_space<hbm>>
      %dma_start3A_78 = arith.constant 0 : i32
      %dma_start3A_79 = tpu.memref_slice %arg7[%dma_start3A_73, %dma_start3A_78] : memref<3x128xi32, #tpu.memory_space<vmem>> -> memref<1x128xi32, #tpu.memory_space<vmem>>
      %dma_start3A_80 = tpu.memref_squeeze %dma_start3A_79 : memref<1x128xi32, #tpu.memory_space<vmem>> -> memref<128xi32, #tpu.memory_space<vmem>>
      %dma_start3A_81 = tpu.memref_slice %arg5[%multiple_of3A_72] : memref<160000xi32, #tpu.memory_space<hbm>> -> memref<128xi32, #tpu.memory_space<hbm>>
      tpu.enqueue_dma source(%dma_start3A_81 : memref<128xi32, #tpu.memory_space<hbm>>) target(%dma_start3A_80 : memref<128xi32, #tpu.memory_space<vmem>>) target_semaphore(%arg12 : memref<!tpu.dma_semaphore, #tpu.memory_space<semaphore_mem>>)
      %dma_start3A_82 = arith.constant 2 : i32
      %dma_start3A_83 = arith.constant 0 : i32
      %dma_start3A_84 = tpu.memref_slice %arg8[%dma_start3A_82, %dma_start3A_83] : memref<3x128xi32, #tpu.memory_space<vmem>> -> memref<1x128xi32, #tpu.memory_space<vmem>>
      %dma_start3A_85 = tpu.memref_squeeze %dma_start3A_84 : memref<1x128xi32, #tpu.memory_space<vmem>> -> memref<128xi32, #tpu.memory_space<vmem>>
      %dma_start3A_86 = tpu.memref_slice %arg4[%multiple_of3A_72] : memref<160000xi32, #tpu.memory_space<hbm>> -> memref<128xi32, #tpu.memory_space<hbm>>
      %dma_start3A_87 = arith.constant 0 : i32
      %dma_start3A_88 = tpu.memref_slice %arg8[%dma_start3A_82, %dma_start3A_87] : memref<3x128xi32, #tpu.memory_space<vmem>> -> memref<1x128xi32, #tpu.memory_space<vmem>>
      %dma_start3A_89 = tpu.memref_squeeze %dma_start3A_88 : memref<1x128xi32, #tpu.memory_space<vmem>> -> memref<128xi32, #tpu.memory_space<vmem>>
      %dma_start3A_90 = tpu.memref_slice %arg4[%multiple_of3A_72] : memref<160000xi32, #tpu.memory_space<hbm>> -> memref<128xi32, #tpu.memory_space<hbm>>
      tpu.enqueue_dma source(%dma_start3A_90 : memref<128xi32, #tpu.memory_space<hbm>>) target(%dma_start3A_89 : memref<128xi32, #tpu.memory_space<vmem>>) target_semaphore(%arg12 : memref<!tpu.dma_semaphore, #tpu.memory_space<semaphore_mem>>)
      %dma_wait3A = arith.constant 0 : i32
      %dma_wait3A_91 = arith.constant 0 : i32
      %dma_wait3A_92 = tpu.memref_slice %arg7[%dma_wait3A, %dma_wait3A_91] : memref<3x128xi32, #tpu.memory_space<vmem>> -> memref<1x128xi32, #tpu.memory_space<vmem>>
      %dma_wait3A_93 = tpu.memref_squeeze %dma_wait3A_92 : memref<1x128xi32, #tpu.memory_space<vmem>> -> memref<128xi32, #tpu.memory_space<vmem>>
      %dma_wait3A_94 = tpu.memref_slice %arg5[%multiple_of3A] : memref<160000xi32, #tpu.memory_space<hbm>> -> memref<128xi32, #tpu.memory_space<hbm>>
      %dma_wait3A_95 = arith.constant 0 : i32
      %dma_wait3A_96 = tpu.memref_slice %arg7[%dma_wait3A, %dma_wait3A_95] : memref<3x128xi32, #tpu.memory_space<vmem>> -> memref<1x128xi32, #tpu.memory_space<vmem>>
      %dma_wait3A_97 = tpu.memref_squeeze %dma_wait3A_96 : memref<1x128xi32, #tpu.memory_space<vmem>> -> memref<128xi32, #tpu.memory_space<vmem>>
      %dma_wait3A_98 = tpu.memref_slice %arg5[%multiple_of3A] : memref<160000xi32, #tpu.memory_space<hbm>> -> memref<128xi32, #tpu.memory_space<hbm>>
      tpu.wait_dma2 semaphore(%arg10 : memref<!tpu.dma_semaphore, #tpu.memory_space<semaphore_mem>>) src(%dma_wait3A_98 : memref<128xi32, #tpu.memory_space<hbm>>) dst(%dma_wait3A_97 : memref<128xi32, #tpu.memory_space<vmem>>)
      %dma_wait3A_99 = arith.constant 0 : i32
      %dma_wait3A_100 = arith.constant 0 : i32
      %dma_wait3A_101 = tpu.memref_slice %arg8[%dma_wait3A_99, %dma_wait3A_100] : memref<3x128xi32, #tpu.memory_space<vmem>> -> memref<1x128xi32, #tpu.memory_space<vmem>>
      %dma_wait3A_102 = tpu.memref_squeeze %dma_wait3A_101 : memref<1x128xi32, #tpu.memory_space<vmem>> -> memref<128xi32, #tpu.memory_space<vmem>>
      %dma_wait3A_103 = tpu.memref_slice %arg4[%multiple_of3A] : memref<160000xi32, #tpu.memory_space<hbm>> -> memref<128xi32, #tpu.memory_space<hbm>>
      %dma_wait3A_104 = arith.constant 0 : i32
      %dma_wait3A_105 = tpu.memref_slice %arg8[%dma_wait3A_99, %dma_wait3A_104] : memref<3x128xi32, #tpu.memory_space<vmem>> -> memref<1x128xi32, #tpu.memory_space<vmem>>
      %dma_wait3A_106 = tpu.memref_squeeze %dma_wait3A_105 : memref<1x128xi32, #tpu.memory_space<vmem>> -> memref<128xi32, #tpu.memory_space<vmem>>
      %dma_wait3A_107 = tpu.memref_slice %arg4[%multiple_of3A] : memref<160000xi32, #tpu.memory_space<hbm>> -> memref<128xi32, #tpu.memory_space<hbm>>
      tpu.wait_dma2 semaphore(%arg10 : memref<!tpu.dma_semaphore, #tpu.memory_space<semaphore_mem>>) src(%dma_wait3A_107 : memref<128xi32, #tpu.memory_space<hbm>>) dst(%dma_wait3A_106 : memref<128xi32, #tpu.memory_space<vmem>>)
      %dma_start3A_108 = arith.constant 0 : i32
      %dma_start3A_109 = arith.constant 0 : i32
      %dma_start3A_110 = arith.constant 0 : i32
      %dma_start3A_111 = arith.constant 0 : i32
      %dma_start3A_112 = tpu.memref_slice %arg9[%dma_start3A_109, %dma_start3A_110, %dma_start3A_111] : memref<3x128x128xf32, #tpu.memory_space<vmem>> -> memref<1x128x128xf32, #tpu.memory_space<vmem>>
      %dma_start3A_113 = tpu.memref_squeeze %dma_start3A_112 : memref<1x128x128xf32, #tpu.memory_space<vmem>> -> memref<128x128xf32, #tpu.memory_space<vmem>>
      %dma_start3A_114 = arith.constant 0 : i32
      %dma_start3A_115 = tpu.memref_slice %arg7[%dma_start3A_108, %dma_start3A_114] : memref<3x128xi32, #tpu.memory_space<vmem>> -> memref<1x128xi32, #tpu.memory_space<vmem>>
      %dma_start3A_116 = tpu.memref_squeeze %dma_start3A_115 : memref<1x128xi32, #tpu.memory_space<vmem>> -> memref<128xi32, #tpu.memory_space<vmem>>
      %dma_start3A_117 = arith.constant 0 : i32
      %dma_start3A_118 = arith.constant 0 : i32
      %dma_start3A_119 = tpu.memref_slice %arg2[%dma_start3A_117, %dma_start3A_118] : memref<10000x128xf32, #tpu.memory_space<hbm>> -> memref<10000x128xf32, #tpu.memory_space<hbm>>
      tpu.enqueue_indirect_dma source(%dma_start3A_119 : memref<10000x128xf32, #tpu.memory_space<hbm>>) target(%dma_start3A_113 : memref<128x128xf32, #tpu.memory_space<vmem>>) offsets(%dma_start3A_116 : memref<128xi32, #tpu.memory_space<vmem>>) semaphore(%arg10 : memref<!tpu.dma_semaphore, #tpu.memory_space<semaphore_mem>>)
      %dma_wait3A_120 = arith.constant 1 : i32
      %dma_wait3A_121 = arith.constant 0 : i32
      %dma_wait3A_122 = tpu.memref_slice %arg7[%dma_wait3A_120, %dma_wait3A_121] : memref<3x128xi32, #tpu.memory_space<vmem>> -> memref<1x128xi32, #tpu.memory_space<vmem>>
      %dma_wait3A_123 = tpu.memref_squeeze %dma_wait3A_122 : memref<1x128xi32, #tpu.memory_space<vmem>> -> memref<128xi32, #tpu.memory_space<vmem>>
      %dma_wait3A_124 = tpu.memref_slice %arg5[%multiple_of3A_44] : memref<160000xi32, #tpu.memory_space<hbm>> -> memref<128xi32, #tpu.memory_space<hbm>>
      %dma_wait3A_125 = arith.constant 0 : i32
      %dma_wait3A_126 = tpu.memref_slice %arg7[%dma_wait3A_120, %dma_wait3A_125] : memref<3x128xi32, #tpu.memory_space<vmem>> -> memref<1x128xi32, #tpu.memory_space<vmem>>
      %dma_wait3A_127 = tpu.memref_squeeze %dma_wait3A_126 : memref<1x128xi32, #tpu.memory_space<vmem>> -> memref<128xi32, #tpu.memory_space<vmem>>
      %dma_wait3A_128 = tpu.memref_slice %arg5[%multiple_of3A_44] : memref<160000xi32, #tpu.memory_space<hbm>> -> memref<128xi32, #tpu.memory_space<hbm>>
      tpu.wait_dma2 semaphore(%arg11 : memref<!tpu.dma_semaphore, #tpu.memory_space<semaphore_mem>>) src(%dma_wait3A_128 : memref<128xi32, #tpu.memory_space<hbm>>) dst(%dma_wait3A_127 : memref<128xi32, #tpu.memory_space<vmem>>)
      %dma_wait3A_129 = arith.constant 1 : i32
      %dma_wait3A_130 = arith.constant 0 : i32
      %dma_wait3A_131 = tpu.memref_slice %arg8[%dma_wait3A_129, %dma_wait3A_130] : memref<3x128xi32, #tpu.memory_space<vmem>> -> memref<1x128xi32, #tpu.memory_space<vmem>>
      %dma_wait3A_132 = tpu.memref_squeeze %dma_wait3A_131 : memref<1x128xi32, #tpu.memory_space<vmem>> -> memref<128xi32, #tpu.memory_space<vmem>>
      %dma_wait3A_133 = tpu.memref_slice %arg4[%multiple_of3A_44] : memref<160000xi32, #tpu.memory_space<hbm>> -> memref<128xi32, #tpu.memory_space<hbm>>
      %dma_wait3A_134 = arith.constant 0 : i32
      %dma_wait3A_135 = tpu.memref_slice %arg8[%dma_wait3A_129, %dma_wait3A_134] : memref<3x128xi32, #tpu.memory_space<vmem>> -> memref<1x128xi32, #tpu.memory_space<vmem>>
      %dma_wait3A_136 = tpu.memref_squeeze %dma_wait3A_135 : memref<1x128xi32, #tpu.memory_space<vmem>> -> memref<128xi32, #tpu.memory_space<vmem>>
      %dma_wait3A_137 = tpu.memref_slice %arg4[%multiple_of3A_44] : memref<160000xi32, #tpu.memory_space<hbm>> -> memref<128xi32, #tpu.memory_space<hbm>>
      tpu.wait_dma2 semaphore(%arg11 : memref<!tpu.dma_semaphore, #tpu.memory_space<semaphore_mem>>) src(%dma_wait3A_137 : memref<128xi32, #tpu.memory_space<hbm>>) dst(%dma_wait3A_136 : memref<128xi32, #tpu.memory_space<vmem>>)
      %dma_start3A_138 = arith.constant 1 : i32
      %dma_start3A_139 = arith.constant 1 : i32
      %dma_start3A_140 = arith.constant 0 : i32
      %dma_start3A_141 = arith.constant 0 : i32
      %dma_start3A_142 = tpu.memref_slice %arg9[%dma_start3A_139, %dma_start3A_140, %dma_start3A_141] : memref<3x128x128xf32, #tpu.memory_space<vmem>> -> memref<1x128x128xf32, #tpu.memory_space<vmem>>
      %dma_start3A_143 = tpu.memref_squeeze %dma_start3A_142 : memref<1x128x128xf32, #tpu.memory_space<vmem>> -> memref<128x128xf32, #tpu.memory_space<vmem>>
      %dma_start3A_144 = arith.constant 0 : i32
      %dma_start3A_145 = tpu.memref_slice %arg7[%dma_start3A_138, %dma_start3A_144] : memref<3x128xi32, #tpu.memory_space<vmem>> -> memref<1x128xi32, #tpu.memory_space<vmem>>
      %dma_start3A_146 = tpu.memref_squeeze %dma_start3A_145 : memref<1x128xi32, #tpu.memory_space<vmem>> -> memref<128xi32, #tpu.memory_space<vmem>>
      %dma_start3A_147 = arith.constant 0 : i32
      %dma_start3A_148 = arith.constant 0 : i32
      %dma_start3A_149 = tpu.memref_slice %arg2[%dma_start3A_147, %dma_start3A_148] : memref<10000x128xf32, #tpu.memory_space<hbm>> -> memref<10000x128xf32, #tpu.memory_space<hbm>>
      tpu.enqueue_indirect_dma source(%dma_start3A_149 : memref<10000x128xf32, #tpu.memory_space<hbm>>) target(%dma_start3A_143 : memref<128x128xf32, #tpu.memory_space<vmem>>) offsets(%dma_start3A_146 : memref<128xi32, #tpu.memory_space<vmem>>) semaphore(%arg11 : memref<!tpu.dma_semaphore, #tpu.memory_space<semaphore_mem>>)
      %dma_wait3A_150 = arith.constant 2 : i32
      %dma_wait3A_151 = arith.constant 0 : i32
      %dma_wait3A_152 = tpu.memref_slice %arg7[%dma_wait3A_150, %dma_wait3A_151] : memref<3x128xi32, #tpu.memory_space<vmem>> -> memref<1x128xi32, #tpu.memory_space<vmem>>
      %dma_wait3A_153 = tpu.memref_squeeze %dma_wait3A_152 : memref<1x128xi32, #tpu.memory_space<vmem>> -> memref<128xi32, #tpu.memory_space<vmem>>
      %dma_wait3A_154 = tpu.memref_slice %arg5[%multiple_of3A_72] : memref<160000xi32, #tpu.memory_space<hbm>> -> memref<128xi32, #tpu.memory_space<hbm>>
      %dma_wait3A_155 = arith.constant 0 : i32
      %dma_wait3A_156 = tpu.memref_slice %arg7[%dma_wait3A_150, %dma_wait3A_155] : memref<3x128xi32, #tpu.memory_space<vmem>> -> memref<1x128xi32, #tpu.memory_space<vmem>>
      %dma_wait3A_157 = tpu.memref_squeeze %dma_wait3A_156 : memref<1x128xi32, #tpu.memory_space<vmem>> -> memref<128xi32, #tpu.memory_space<vmem>>
      %dma_wait3A_158 = tpu.memref_slice %arg5[%multiple_of3A_72] : memref<160000xi32, #tpu.memory_space<hbm>> -> memref<128xi32, #tpu.memory_space<hbm>>
      tpu.wait_dma2 semaphore(%arg12 : memref<!tpu.dma_semaphore, #tpu.memory_space<semaphore_mem>>) src(%dma_wait3A_158 : memref<128xi32, #tpu.memory_space<hbm>>) dst(%dma_wait3A_157 : memref<128xi32, #tpu.memory_space<vmem>>)
      %dma_wait3A_159 = arith.constant 2 : i32
      %dma_wait3A_160 = arith.constant 0 : i32
      %dma_wait3A_161 = tpu.memref_slice %arg8[%dma_wait3A_159, %dma_wait3A_160] : memref<3x128xi32, #tpu.memory_space<vmem>> -> memref<1x128xi32, #tpu.memory_space<vmem>>
      %dma_wait3A_162 = tpu.memref_squeeze %dma_wait3A_161 : memref<1x128xi32, #tpu.memory_space<vmem>> -> memref<128xi32, #tpu.memory_space<vmem>>
      %dma_wait3A_163 = tpu.memref_slice %arg4[%multiple_of3A_72] : memref<160000xi32, #tpu.memory_space<hbm>> -> memref<128xi32, #tpu.memory_space<hbm>>
      %dma_wait3A_164 = arith.constant 0 : i32
      %dma_wait3A_165 = tpu.memref_slice %arg8[%dma_wait3A_159, %dma_wait3A_164] : memref<3x128xi32, #tpu.memory_space<vmem>> -> memref<1x128xi32, #tpu.memory_space<vmem>>
      %dma_wait3A_166 = tpu.memref_squeeze %dma_wait3A_165 : memref<1x128xi32, #tpu.memory_space<vmem>> -> memref<128xi32, #tpu.memory_space<vmem>>
      %dma_wait3A_167 = tpu.memref_slice %arg4[%multiple_of3A_72] : memref<160000xi32, #tpu.memory_space<hbm>> -> memref<128xi32, #tpu.memory_space<hbm>>
      tpu.wait_dma2 semaphore(%arg12 : memref<!tpu.dma_semaphore, #tpu.memory_space<semaphore_mem>>) src(%dma_wait3A_167 : memref<128xi32, #tpu.memory_space<hbm>>) dst(%dma_wait3A_166 : memref<128xi32, #tpu.memory_space<vmem>>)
      %dma_start3A_168 = arith.constant 2 : i32
      %dma_start3A_169 = arith.constant 2 : i32
      %dma_start3A_170 = arith.constant 0 : i32
      %dma_start3A_171 = arith.constant 0 : i32
      %dma_start3A_172 = tpu.memref_slice %arg9[%dma_start3A_169, %dma_start3A_170, %dma_start3A_171] : memref<3x128x128xf32, #tpu.memory_space<vmem>> -> memref<1x128x128xf32, #tpu.memory_space<vmem>>
      %dma_start3A_173 = tpu.memref_squeeze %dma_start3A_172 : memref<1x128x128xf32, #tpu.memory_space<vmem>> -> memref<128x128xf32, #tpu.memory_space<vmem>>
      %dma_start3A_174 = arith.constant 0 : i32
      %dma_start3A_175 = tpu.memref_slice %arg7[%dma_start3A_168, %dma_start3A_174] : memref<3x128xi32, #tpu.memory_space<vmem>> -> memref<1x128xi32, #tpu.memory_space<vmem>>
      %dma_start3A_176 = tpu.memref_squeeze %dma_start3A_175 : memref<1x128xi32, #tpu.memory_space<vmem>> -> memref<128xi32, #tpu.memory_space<vmem>>
      %dma_start3A_177 = arith.constant 0 : i32
      %dma_start3A_178 = arith.constant 0 : i32
      %dma_start3A_179 = tpu.memref_slice %arg2[%dma_start3A_177, %dma_start3A_178] : memref<10000x128xf32, #tpu.memory_space<hbm>> -> memref<10000x128xf32, #tpu.memory_space<hbm>>
      tpu.enqueue_indirect_dma source(%dma_start3A_179 : memref<10000x128xf32, #tpu.memory_space<hbm>>) target(%dma_start3A_173 : memref<128x128xf32, #tpu.memory_space<vmem>>) offsets(%dma_start3A_176 : memref<128xi32, #tpu.memory_space<vmem>>) semaphore(%arg12 : memref<!tpu.dma_semaphore, #tpu.memory_space<semaphore_mem>>)
      %dma_wait3A_180 = arith.constant 0 : i32
      %dma_wait3A_181 = arith.constant 0 : i32
      %dma_wait3A_182 = arith.constant 0 : i32
      %dma_wait3A_183 = arith.constant 0 : i32
      %dma_wait3A_184 = tpu.memref_slice %arg9[%dma_wait3A_181, %dma_wait3A_182, %dma_wait3A_183] : memref<3x128x128xf32, #tpu.memory_space<vmem>> -> memref<1x128x128xf32, #tpu.memory_space<vmem>>
      %dma_wait3A_185 = tpu.memref_squeeze %dma_wait3A_184 : memref<1x128x128xf32, #tpu.memory_space<vmem>> -> memref<128x128xf32, #tpu.memory_space<vmem>>
      %dma_wait3A_186 = arith.constant 0 : i32
      %dma_wait3A_187 = tpu.memref_slice %arg7[%dma_wait3A_180, %dma_wait3A_186] : memref<3x128xi32, #tpu.memory_space<vmem>> -> memref<1x128xi32, #tpu.memory_space<vmem>>
      %dma_wait3A_188 = tpu.memref_squeeze %dma_wait3A_187 : memref<1x128xi32, #tpu.memory_space<vmem>> -> memref<128xi32, #tpu.memory_space<vmem>>
      %dma_wait3A_189 = arith.constant 0 : i32
      %dma_wait3A_190 = arith.constant 0 : i32
      %dma_wait3A_191 = tpu.memref_slice %arg2[%dma_wait3A_189, %dma_wait3A_190] : memref<10000x128xf32, #tpu.memory_space<hbm>> -> memref<10000x128xf32, #tpu.memory_space<hbm>>
      tpu.wait_indirect_dma semaphore(%arg10 : memref<!tpu.dma_semaphore, #tpu.memory_space<semaphore_mem>>) src(%dma_wait3A_191 : memref<10000x128xf32, #tpu.memory_space<hbm>>) dst(%dma_wait3A_185 : memref<128x128xf32, #tpu.memory_space<vmem>>)
      %dma_start3A_192 = arith.constant 0 : i32
      %dma_start3A_193 = arith.constant 0 : i32
      %dma_start3A_194 = arith.constant 0 : i32
      %dma_start3A_195 = arith.constant 0 : i32
      %dma_start3A_196 = tpu.memref_slice %arg9[%dma_start3A_193, %dma_start3A_194, %dma_start3A_195] : memref<3x128x128xf32, #tpu.memory_space<vmem>> -> memref<1x128x128xf32, #tpu.memory_space<vmem>>
      %dma_start3A_197 = tpu.memref_squeeze %dma_start3A_196 : memref<1x128x128xf32, #tpu.memory_space<vmem>> -> memref<128x128xf32, #tpu.memory_space<vmem>>
      %dma_start3A_198 = arith.constant 0 : i32
      %dma_start3A_199 = tpu.memref_slice %arg8[%dma_start3A_192, %dma_start3A_198] : memref<3x128xi32, #tpu.memory_space<vmem>> -> memref<1x128xi32, #tpu.memory_space<vmem>>
      %dma_start3A_200 = tpu.memref_squeeze %dma_start3A_199 : memref<1x128xi32, #tpu.memory_space<vmem>> -> memref<128xi32, #tpu.memory_space<vmem>>
      %dma_start3A_201 = arith.constant 0 : i32
      %dma_start3A_202 = arith.constant 0 : i32
      %dma_start3A_203 = tpu.memref_slice %arg3[%dma_start3A_201, %dma_start3A_202] : memref<10000x128xf32, #tpu.memory_space<hbm>> -> memref<10000x128xf32, #tpu.memory_space<hbm>>
      tpu.enqueue_indirect_dma source(%dma_start3A_203 : memref<10000x128xf32, #tpu.memory_space<hbm>>) target(%dma_start3A_197 : memref<128x128xf32, #tpu.memory_space<vmem>>) offsets(%dma_start3A_200 : memref<128xi32, #tpu.memory_space<vmem>>) semaphore(%arg10 : memref<!tpu.dma_semaphore, #tpu.memory_space<semaphore_mem>>) {add = true}
      %dma_wait3A_204 = arith.constant 1 : i32
      %dma_wait3A_205 = arith.constant 1 : i32
      %dma_wait3A_206 = arith.constant 0 : i32
      %dma_wait3A_207 = arith.constant 0 : i32
      %dma_wait3A_208 = tpu.memref_slice %arg9[%dma_wait3A_205, %dma_wait3A_206, %dma_wait3A_207] : memref<3x128x128xf32, #tpu.memory_space<vmem>> -> memref<1x128x128xf32, #tpu.memory_space<vmem>>
      %dma_wait3A_209 = tpu.memref_squeeze %dma_wait3A_208 : memref<1x128x128xf32, #tpu.memory_space<vmem>> -> memref<128x128xf32, #tpu.memory_space<vmem>>
      %dma_wait3A_210 = arith.constant 0 : i32
      %dma_wait3A_211 = tpu.memref_slice %arg7[%dma_wait3A_204, %dma_wait3A_210] : memref<3x128xi32, #tpu.memory_space<vmem>> -> memref<1x128xi32, #tpu.memory_space<vmem>>
      %dma_wait3A_212 = tpu.memref_squeeze %dma_wait3A_211 : memref<1x128xi32, #tpu.memory_space<vmem>> -> memref<128xi32, #tpu.memory_space<vmem>>
      %dma_wait3A_213 = arith.constant 0 : i32
      %dma_wait3A_214 = arith.constant 0 : i32
      %dma_wait3A_215 = tpu.memref_slice %arg2[%dma_wait3A_213, %dma_wait3A_214] : memref<10000x128xf32, #tpu.memory_space<hbm>> -> memref<10000x128xf32, #tpu.memory_space<hbm>>
      tpu.wait_indirect_dma semaphore(%arg11 : memref<!tpu.dma_semaphore, #tpu.memory_space<semaphore_mem>>) src(%dma_wait3A_215 : memref<10000x128xf32, #tpu.memory_space<hbm>>) dst(%dma_wait3A_209 : memref<128x128xf32, #tpu.memory_space<vmem>>)
      %dma_start3A_216 = arith.constant 1 : i32
      %dma_start3A_217 = arith.constant 1 : i32
      %dma_start3A_218 = arith.constant 0 : i32
      %dma_start3A_219 = arith.constant 0 : i32
      %dma_start3A_220 = tpu.memref_slice %arg9[%dma_start3A_217, %dma_start3A_218, %dma_start3A_219] : memref<3x128x128xf32, #tpu.memory_space<vmem>> -> memref<1x128x128xf32, #tpu.memory_space<vmem>>
      %dma_start3A_221 = tpu.memref_squeeze %dma_start3A_220 : memref<1x128x128xf32, #tpu.memory_space<vmem>> -> memref<128x128xf32, #tpu.memory_space<vmem>>
      %dma_start3A_222 = arith.constant 0 : i32
      %dma_start3A_223 = tpu.memref_slice %arg8[%dma_start3A_216, %dma_start3A_222] : memref<3x128xi32, #tpu.memory_space<vmem>> -> memref<1x128xi32, #tpu.memory_space<vmem>>
      %dma_start3A_224 = tpu.memref_squeeze %dma_start3A_223 : memref<1x128xi32, #tpu.memory_space<vmem>> -> memref<128xi32, #tpu.memory_space<vmem>>
      %dma_start3A_225 = arith.constant 0 : i32
      %dma_start3A_226 = arith.constant 0 : i32
      %dma_start3A_227 = tpu.memref_slice %arg3[%dma_start3A_225, %dma_start3A_226] : memref<10000x128xf32, #tpu.memory_space<hbm>> -> memref<10000x128xf32, #tpu.memory_space<hbm>>
      tpu.enqueue_indirect_dma source(%dma_start3A_227 : memref<10000x128xf32, #tpu.memory_space<hbm>>) target(%dma_start3A_221 : memref<128x128xf32, #tpu.memory_space<vmem>>) offsets(%dma_start3A_224 : memref<128xi32, #tpu.memory_space<vmem>>) semaphore(%arg11 : memref<!tpu.dma_semaphore, #tpu.memory_space<semaphore_mem>>) {add = true}
      %dma_wait3A_228 = arith.constant 2 : i32
      %dma_wait3A_229 = arith.constant 2 : i32
      %dma_wait3A_230 = arith.constant 0 : i32
      %dma_wait3A_231 = arith.constant 0 : i32
      %dma_wait3A_232 = tpu.memref_slice %arg9[%dma_wait3A_229, %dma_wait3A_230, %dma_wait3A_231] : memref<3x128x128xf32, #tpu.memory_space<vmem>> -> memref<1x128x128xf32, #tpu.memory_space<vmem>>
      %dma_wait3A_233 = tpu.memref_squeeze %dma_wait3A_232 : memref<1x128x128xf32, #tpu.memory_space<vmem>> -> memref<128x128xf32, #tpu.memory_space<vmem>>
      %dma_wait3A_234 = arith.constant 0 : i32
      %dma_wait3A_235 = tpu.memref_slice %arg7[%dma_wait3A_228, %dma_wait3A_234] : memref<3x128xi32, #tpu.memory_space<vmem>> -> memref<1x128xi32, #tpu.memory_space<vmem>>
      %dma_wait3A_236 = tpu.memref_squeeze %dma_wait3A_235 : memref<1x128xi32, #tpu.memory_space<vmem>> -> memref<128xi32, #tpu.memory_space<vmem>>
      %dma_wait3A_237 = arith.constant 0 : i32
      %dma_wait3A_238 = arith.constant 0 : i32
      %dma_wait3A_239 = tpu.memref_slice %arg2[%dma_wait3A_237, %dma_wait3A_238] : memref<10000x128xf32, #tpu.memory_space<hbm>> -> memref<10000x128xf32, #tpu.memory_space<hbm>>
      tpu.wait_indirect_dma semaphore(%arg12 : memref<!tpu.dma_semaphore, #tpu.memory_space<semaphore_mem>>) src(%dma_wait3A_239 : memref<10000x128xf32, #tpu.memory_space<hbm>>) dst(%dma_wait3A_233 : memref<128x128xf32, #tpu.memory_space<vmem>>)
      %dma_start3A_240 = arith.constant 2 : i32
      %dma_start3A_241 = arith.constant 2 : i32
      %dma_start3A_242 = arith.constant 0 : i32
      %dma_start3A_243 = arith.constant 0 : i32
      %dma_start3A_244 = tpu.memref_slice %arg9[%dma_start3A_241, %dma_start3A_242, %dma_start3A_243] : memref<3x128x128xf32, #tpu.memory_space<vmem>> -> memref<1x128x128xf32, #tpu.memory_space<vmem>>
      %dma_start3A_245 = tpu.memref_squeeze %dma_start3A_244 : memref<1x128x128xf32, #tpu.memory_space<vmem>> -> memref<128x128xf32, #tpu.memory_space<vmem>>
      %dma_start3A_246 = arith.constant 0 : i32
      %dma_start3A_247 = tpu.memref_slice %arg8[%dma_start3A_240, %dma_start3A_246] : memref<3x128xi32, #tpu.memory_space<vmem>> -> memref<1x128xi32, #tpu.memory_space<vmem>>
      %dma_start3A_248 = tpu.memref_squeeze %dma_start3A_247 : memref<1x128xi32, #tpu.memory_space<vmem>> -> memref<128xi32, #tpu.memory_space<vmem>>
      %dma_start3A_249 = arith.constant 0 : i32
      %dma_start3A_250 = arith.constant 0 : i32
      %dma_start3A_251 = tpu.memref_slice %arg3[%dma_start3A_249, %dma_start3A_250] : memref<10000x128xf32, #tpu.memory_space<hbm>> -> memref<10000x128xf32, #tpu.memory_space<hbm>>
      tpu.enqueue_indirect_dma source(%dma_start3A_251 : memref<10000x128xf32, #tpu.memory_space<hbm>>) target(%dma_start3A_245 : memref<128x128xf32, #tpu.memory_space<vmem>>) offsets(%dma_start3A_248 : memref<128xi32, #tpu.memory_space<vmem>>) semaphore(%arg12 : memref<!tpu.dma_semaphore, #tpu.memory_space<semaphore_mem>>) {add = true}
      %dma_wait3A_252 = arith.constant 0 : i32
      %dma_wait3A_253 = arith.constant 0 : i32
      %dma_wait3A_254 = arith.constant 0 : i32
      %dma_wait3A_255 = arith.constant 0 : i32
      %dma_wait3A_256 = tpu.memref_slice %arg9[%dma_wait3A_253, %dma_wait3A_254, %dma_wait3A_255] : memref<3x128x128xf32, #tpu.memory_space<vmem>> -> memref<1x128x128xf32, #tpu.memory_space<vmem>>
      %dma_wait3A_257 = tpu.memref_squeeze %dma_wait3A_256 : memref<1x128x128xf32, #tpu.memory_space<vmem>> -> memref<128x128xf32, #tpu.memory_space<vmem>>
      %dma_wait3A_258 = arith.constant 0 : i32
      %dma_wait3A_259 = tpu.memref_slice %arg8[%dma_wait3A_252, %dma_wait3A_258] : memref<3x128xi32, #tpu.memory_space<vmem>> -> memref<1x128xi32, #tpu.memory_space<vmem>>
      %dma_wait3A_260 = tpu.memref_squeeze %dma_wait3A_259 : memref<1x128xi32, #tpu.memory_space<vmem>> -> memref<128xi32, #tpu.memory_space<vmem>>
      %dma_wait3A_261 = arith.constant 0 : i32
      %dma_wait3A_262 = arith.constant 0 : i32
      %dma_wait3A_263 = tpu.memref_slice %arg3[%dma_wait3A_261, %dma_wait3A_262] : memref<10000x128xf32, #tpu.memory_space<hbm>> -> memref<10000x128xf32, #tpu.memory_space<hbm>>
      tpu.wait_indirect_dma semaphore(%arg10 : memref<!tpu.dma_semaphore, #tpu.memory_space<semaphore_mem>>) src(%dma_wait3A_263 : memref<10000x128xf32, #tpu.memory_space<hbm>>) dst(%dma_wait3A_257 : memref<128x128xf32, #tpu.memory_space<vmem>>)
      %mul3A_264 = arith.constant 3 : i32
      %mul3A_265 = arith.muli %scan3A_8, %mul3A_264 : i32
      %add3A_266 = arith.constant 0 : i32
      %add3A_267 = arith.addi %mul3A_265, %add3A_266 : i32
      %mul3A_268 = arith.constant 32 : i32
      %mul3A_269 = arith.muli %add3A_267, %mul3A_268 : i32
      %add3A_270 = arith.addi %add3A, %mul3A_269 : i32
      %mul3A_271 = arith.constant 128 : i32
      %mul3A_272 = arith.muli %add3A_270, %mul3A_271 : i32
      %multiple_of3A_273 = tpu.assume_multiple %mul3A_272, 128 : i32
      %dma_start3A_274 = arith.constant 0 : i32
      %dma_start3A_275 = arith.constant 0 : i32
      %dma_start3A_276 = arith.constant 0 : i32
      %dma_start3A_277 = tpu.memref_slice %arg9[%dma_start3A_274, %dma_start3A_275, %dma_start3A_276] : memref<3x128x128xf32, #tpu.memory_space<vmem>> -> memref<1x128x128xf32, #tpu.memory_space<vmem>>
      %dma_start3A_278 = tpu.memref_squeeze %dma_start3A_277 : memref<1x128x128xf32, #tpu.memory_space<vmem>> -> memref<128x128xf32, #tpu.memory_space<vmem>>
      %dma_start3A_279 = arith.constant 0 : i32
      %dma_start3A_280 = tpu.memref_slice %arg6[%multiple_of3A_273, %dma_start3A_279] : memref<160000x128xf32, #tpu.memory_space<hbm>> -> memref<128x128xf32, #tpu.memory_space<hbm>>
      %dma_start3A_281 = arith.constant 0 : i32
      %dma_start3A_282 = tpu.memref_slice %arg6[%multiple_of3A_273, %dma_start3A_281] : memref<160000x128xf32, #tpu.memory_space<hbm>> -> memref<128x128xf32, #tpu.memory_space<hbm>>
      %dma_start3A_283 = arith.constant 0 : i32
      %dma_start3A_284 = arith.constant 0 : i32
      %dma_start3A_285 = tpu.memref_slice %arg9[%dma_start3A_274, %dma_start3A_283, %dma_start3A_284] : memref<3x128x128xf32, #tpu.memory_space<vmem>> -> memref<1x128x128xf32, #tpu.memory_space<vmem>>
      %dma_start3A_286 = tpu.memref_squeeze %dma_start3A_285 : memref<1x128x128xf32, #tpu.memory_space<vmem>> -> memref<128x128xf32, #tpu.memory_space<vmem>>
      tpu.enqueue_dma source(%dma_start3A_286 : memref<128x128xf32, #tpu.memory_space<vmem>>) target(%dma_start3A_282 : memref<128x128xf32, #tpu.memory_space<hbm>>) target_semaphore(%arg10 : memref<!tpu.dma_semaphore, #tpu.memory_space<semaphore_mem>>)
      %dma_wait3A_287 = arith.constant 1 : i32
      %dma_wait3A_288 = arith.constant 1 : i32
      %dma_wait3A_289 = arith.constant 0 : i32
      %dma_wait3A_290 = arith.constant 0 : i32
      %dma_wait3A_291 = tpu.memref_slice %arg9[%dma_wait3A_288, %dma_wait3A_289, %dma_wait3A_290] : memref<3x128x128xf32, #tpu.memory_space<vmem>> -> memref<1x128x128xf32, #tpu.memory_space<vmem>>
      %dma_wait3A_292 = tpu.memref_squeeze %dma_wait3A_291 : memref<1x128x128xf32, #tpu.memory_space<vmem>> -> memref<128x128xf32, #tpu.memory_space<vmem>>
      %dma_wait3A_293 = arith.constant 0 : i32
      %dma_wait3A_294 = tpu.memref_slice %arg8[%dma_wait3A_287, %dma_wait3A_293] : memref<3x128xi32, #tpu.memory_space<vmem>> -> memref<1x128xi32, #tpu.memory_space<vmem>>
      %dma_wait3A_295 = tpu.memref_squeeze %dma_wait3A_294 : memref<1x128xi32, #tpu.memory_space<vmem>> -> memref<128xi32, #tpu.memory_space<vmem>>
      %dma_wait3A_296 = arith.constant 0 : i32
      %dma_wait3A_297 = arith.constant 0 : i32
      %dma_wait3A_298 = tpu.memref_slice %arg3[%dma_wait3A_296, %dma_wait3A_297] : memref<10000x128xf32, #tpu.memory_space<hbm>> -> memref<10000x128xf32, #tpu.memory_space<hbm>>
      tpu.wait_indirect_dma semaphore(%arg11 : memref<!tpu.dma_semaphore, #tpu.memory_space<semaphore_mem>>) src(%dma_wait3A_298 : memref<10000x128xf32, #tpu.memory_space<hbm>>) dst(%dma_wait3A_292 : memref<128x128xf32, #tpu.memory_space<vmem>>)
      %mul3A_299 = arith.constant 3 : i32
      %mul3A_300 = arith.muli %scan3A_8, %mul3A_299 : i32
      %add3A_301 = arith.constant 1 : i32
      %add3A_302 = arith.addi %mul3A_300, %add3A_301 : i32
      %mul3A_303 = arith.constant 32 : i32
      %mul3A_304 = arith.muli %add3A_302, %mul3A_303 : i32
      %add3A_305 = arith.addi %add3A, %mul3A_304 : i32
      %mul3A_306 = arith.constant 128 : i32
      %mul3A_307 = arith.muli %add3A_305, %mul3A_306 : i32
      %multiple_of3A_308 = tpu.assume_multiple %mul3A_307, 128 : i32
      %dma_start3A_309 = arith.constant 1 : i32
      %dma_start3A_310 = arith.constant 0 : i32
      %dma_start3A_311 = arith.constant 0 : i32
      %dma_start3A_312 = tpu.memref_slice %arg9[%dma_start3A_309, %dma_start3A_310, %dma_start3A_311] : memref<3x128x128xf32, #tpu.memory_space<vmem>> -> memref<1x128x128xf32, #tpu.memory_space<vmem>>
      %dma_start3A_313 = tpu.memref_squeeze %dma_start3A_312 : memref<1x128x128xf32, #tpu.memory_space<vmem>> -> memref<128x128xf32, #tpu.memory_space<vmem>>
      %dma_start3A_314 = arith.constant 0 : i32
      %dma_start3A_315 = tpu.memref_slice %arg6[%multiple_of3A_308, %dma_start3A_314] : memref<160000x128xf32, #tpu.memory_space<hbm>> -> memref<128x128xf32, #tpu.memory_space<hbm>>
      %dma_start3A_316 = arith.constant 0 : i32
      %dma_start3A_317 = tpu.memref_slice %arg6[%multiple_of3A_308, %dma_start3A_316] : memref<160000x128xf32, #tpu.memory_space<hbm>> -> memref<128x128xf32, #tpu.memory_space<hbm>>
      %dma_start3A_318 = arith.constant 0 : i32
      %dma_start3A_319 = arith.constant 0 : i32
      %dma_start3A_320 = tpu.memref_slice %arg9[%dma_start3A_309, %dma_start3A_318, %dma_start3A_319] : memref<3x128x128xf32, #tpu.memory_space<vmem>> -> memref<1x128x128xf32, #tpu.memory_space<vmem>>
      %dma_start3A_321 = tpu.memref_squeeze %dma_start3A_320 : memref<1x128x128xf32, #tpu.memory_space<vmem>> -> memref<128x128xf32, #tpu.memory_space<vmem>>
      tpu.enqueue_dma source(%dma_start3A_321 : memref<128x128xf32, #tpu.memory_space<vmem>>) target(%dma_start3A_317 : memref<128x128xf32, #tpu.memory_space<hbm>>) target_semaphore(%arg11 : memref<!tpu.dma_semaphore, #tpu.memory_space<semaphore_mem>>)
      %dma_wait3A_322 = arith.constant 2 : i32
      %dma_wait3A_323 = arith.constant 2 : i32
      %dma_wait3A_324 = arith.constant 0 : i32
      %dma_wait3A_325 = arith.constant 0 : i32
      %dma_wait3A_326 = tpu.memref_slice %arg9[%dma_wait3A_323, %dma_wait3A_324, %dma_wait3A_325] : memref<3x128x128xf32, #tpu.memory_space<vmem>> -> memref<1x128x128xf32, #tpu.memory_space<vmem>>
      %dma_wait3A_327 = tpu.memref_squeeze %dma_wait3A_326 : memref<1x128x128xf32, #tpu.memory_space<vmem>> -> memref<128x128xf32, #tpu.memory_space<vmem>>
      %dma_wait3A_328 = arith.constant 0 : i32
      %dma_wait3A_329 = tpu.memref_slice %arg8[%dma_wait3A_322, %dma_wait3A_328] : memref<3x128xi32, #tpu.memory_space<vmem>> -> memref<1x128xi32, #tpu.memory_space<vmem>>
      %dma_wait3A_330 = tpu.memref_squeeze %dma_wait3A_329 : memref<1x128xi32, #tpu.memory_space<vmem>> -> memref<128xi32, #tpu.memory_space<vmem>>
      %dma_wait3A_331 = arith.constant 0 : i32
      %dma_wait3A_332 = arith.constant 0 : i32
      %dma_wait3A_333 = tpu.memref_slice %arg3[%dma_wait3A_331, %dma_wait3A_332] : memref<10000x128xf32, #tpu.memory_space<hbm>> -> memref<10000x128xf32, #tpu.memory_space<hbm>>
      tpu.wait_indirect_dma semaphore(%arg12 : memref<!tpu.dma_semaphore, #tpu.memory_space<semaphore_mem>>) src(%dma_wait3A_333 : memref<10000x128xf32, #tpu.memory_space<hbm>>) dst(%dma_wait3A_327 : memref<128x128xf32, #tpu.memory_space<vmem>>)
      %mul3A_334 = arith.constant 3 : i32
      %mul3A_335 = arith.muli %scan3A_8, %mul3A_334 : i32
      %add3A_336 = arith.constant 2 : i32
      %add3A_337 = arith.addi %mul3A_335, %add3A_336 : i32
      %mul3A_338 = arith.constant 32 : i32
      %mul3A_339 = arith.muli %add3A_337, %mul3A_338 : i32
      %add3A_340 = arith.addi %add3A, %mul3A_339 : i32
      %mul3A_341 = arith.constant 128 : i32
      %mul3A_342 = arith.muli %add3A_340, %mul3A_341 : i32
      %multiple_of3A_343 = tpu.assume_multiple %mul3A_342, 128 : i32
      %dma_start3A_344 = arith.constant 2 : i32
      %dma_start3A_345 = arith.constant 0 : i32
      %dma_start3A_346 = arith.constant 0 : i32
      %dma_start3A_347 = tpu.memref_slice %arg9[%dma_start3A_344, %dma_start3A_345, %dma_start3A_346] : memref<3x128x128xf32, #tpu.memory_space<vmem>> -> memref<1x128x128xf32, #tpu.memory_space<vmem>>
      %dma_start3A_348 = tpu.memref_squeeze %dma_start3A_347 : memref<1x128x128xf32, #tpu.memory_space<vmem>> -> memref<128x128xf32, #tpu.memory_space<vmem>>
      %dma_start3A_349 = arith.constant 0 : i32
      %dma_start3A_350 = tpu.memref_slice %arg6[%multiple_of3A_343, %dma_start3A_349] : memref<160000x128xf32, #tpu.memory_space<hbm>> -> memref<128x128xf32, #tpu.memory_space<hbm>>
      %dma_start3A_351 = arith.constant 0 : i32
      %dma_start3A_352 = tpu.memref_slice %arg6[%multiple_of3A_343, %dma_start3A_351] : memref<160000x128xf32, #tpu.memory_space<hbm>> -> memref<128x128xf32, #tpu.memory_space<hbm>>
      %dma_start3A_353 = arith.constant 0 : i32
      %dma_start3A_354 = arith.constant 0 : i32
      %dma_start3A_355 = tpu.memref_slice %arg9[%dma_start3A_344, %dma_start3A_353, %dma_start3A_354] : memref<3x128x128xf32, #tpu.memory_space<vmem>> -> memref<1x128x128xf32, #tpu.memory_space<vmem>>
      %dma_start3A_356 = tpu.memref_squeeze %dma_start3A_355 : memref<1x128x128xf32, #tpu.memory_space<vmem>> -> memref<128x128xf32, #tpu.memory_space<vmem>>
      tpu.enqueue_dma source(%dma_start3A_356 : memref<128x128xf32, #tpu.memory_space<vmem>>) target(%dma_start3A_352 : memref<128x128xf32, #tpu.memory_space<hbm>>) target_semaphore(%arg12 : memref<!tpu.dma_semaphore, #tpu.memory_space<semaphore_mem>>)
      %dma_wait3A_357 = arith.constant 0 : i32
      %dma_wait3A_358 = arith.constant 0 : i32
      %dma_wait3A_359 = arith.constant 0 : i32
      %dma_wait3A_360 = tpu.memref_slice %arg9[%dma_wait3A_357, %dma_wait3A_358, %dma_wait3A_359] : memref<3x128x128xf32, #tpu.memory_space<vmem>> -> memref<1x128x128xf32, #tpu.memory_space<vmem>>
      %dma_wait3A_361 = tpu.memref_squeeze %dma_wait3A_360 : memref<1x128x128xf32, #tpu.memory_space<vmem>> -> memref<128x128xf32, #tpu.memory_space<vmem>>
      %dma_wait3A_362 = arith.constant 0 : i32
      %dma_wait3A_363 = tpu.memref_slice %arg6[%multiple_of3A_273, %dma_wait3A_362] : memref<160000x128xf32, #tpu.memory_space<hbm>> -> memref<128x128xf32, #tpu.memory_space<hbm>>
      %dma_wait3A_364 = arith.constant 0 : i32
      %dma_wait3A_365 = tpu.memref_slice %arg6[%multiple_of3A_273, %dma_wait3A_364] : memref<160000x128xf32, #tpu.memory_space<hbm>> -> memref<128x128xf32, #tpu.memory_space<hbm>>
      %dma_wait3A_366 = arith.constant 0 : i32
      %dma_wait3A_367 = arith.constant 0 : i32
      %dma_wait3A_368 = tpu.memref_slice %arg9[%dma_wait3A_357, %dma_wait3A_366, %dma_wait3A_367] : memref<3x128x128xf32, #tpu.memory_space<vmem>> -> memref<1x128x128xf32, #tpu.memory_space<vmem>>
      %dma_wait3A_369 = tpu.memref_squeeze %dma_wait3A_368 : memref<1x128x128xf32, #tpu.memory_space<vmem>> -> memref<128x128xf32, #tpu.memory_space<vmem>>
      tpu.wait_dma2 semaphore(%arg10 : memref<!tpu.dma_semaphore, #tpu.memory_space<semaphore_mem>>) src(%dma_wait3A_369 : memref<128x128xf32, #tpu.memory_space<vmem>>) dst(%dma_wait3A_365 : memref<128x128xf32, #tpu.memory_space<hbm>>)
      %dma_wait3A_370 = arith.constant 1 : i32
      %dma_wait3A_371 = arith.constant 0 : i32
      %dma_wait3A_372 = arith.constant 0 : i32
      %dma_wait3A_373 = tpu.memref_slice %arg9[%dma_wait3A_370, %dma_wait3A_371, %dma_wait3A_372] : memref<3x128x128xf32, #tpu.memory_space<vmem>> -> memref<1x128x128xf32, #tpu.memory_space<vmem>>
      %dma_wait3A_374 = tpu.memref_squeeze %dma_wait3A_373 : memref<1x128x128xf32, #tpu.memory_space<vmem>> -> memref<128x128xf32, #tpu.memory_space<vmem>>
      %dma_wait3A_375 = arith.constant 0 : i32
      %dma_wait3A_376 = tpu.memref_slice %arg6[%multiple_of3A_308, %dma_wait3A_375] : memref<160000x128xf32, #tpu.memory_space<hbm>> -> memref<128x128xf32, #tpu.memory_space<hbm>>
      %dma_wait3A_377 = arith.constant 0 : i32
      %dma_wait3A_378 = tpu.memref_slice %arg6[%multiple_of3A_308, %dma_wait3A_377] : memref<160000x128xf32, #tpu.memory_space<hbm>> -> memref<128x128xf32, #tpu.memory_space<hbm>>
      %dma_wait3A_379 = arith.constant 0 : i32
      %dma_wait3A_380 = arith.constant 0 : i32
      %dma_wait3A_381 = tpu.memref_slice %arg9[%dma_wait3A_370, %dma_wait3A_379, %dma_wait3A_380] : memref<3x128x128xf32, #tpu.memory_space<vmem>> -> memref<1x128x128xf32, #tpu.memory_space<vmem>>
      %dma_wait3A_382 = tpu.memref_squeeze %dma_wait3A_381 : memref<1x128x128xf32, #tpu.memory_space<vmem>> -> memref<128x128xf32, #tpu.memory_space<vmem>>
      tpu.wait_dma2 semaphore(%arg11 : memref<!tpu.dma_semaphore, #tpu.memory_space<semaphore_mem>>) src(%dma_wait3A_382 : memref<128x128xf32, #tpu.memory_space<vmem>>) dst(%dma_wait3A_378 : memref<128x128xf32, #tpu.memory_space<hbm>>)
      %dma_wait3A_383 = arith.constant 2 : i32
      %dma_wait3A_384 = arith.constant 0 : i32
      %dma_wait3A_385 = arith.constant 0 : i32
      %dma_wait3A_386 = tpu.memref_slice %arg9[%dma_wait3A_383, %dma_wait3A_384, %dma_wait3A_385] : memref<3x128x128xf32, #tpu.memory_space<vmem>> -> memref<1x128x128xf32, #tpu.memory_space<vmem>>
      %dma_wait3A_387 = tpu.memref_squeeze %dma_wait3A_386 : memref<1x128x128xf32, #tpu.memory_space<vmem>> -> memref<128x128xf32, #tpu.memory_space<vmem>>
      %dma_wait3A_388 = arith.constant 0 : i32
      %dma_wait3A_389 = tpu.memref_slice %arg6[%multiple_of3A_343, %dma_wait3A_388] : memref<160000x128xf32, #tpu.memory_space<hbm>> -> memref<128x128xf32, #tpu.memory_space<hbm>>
      %dma_wait3A_390 = arith.constant 0 : i32
      %dma_wait3A_391 = tpu.memref_slice %arg6[%multiple_of3A_343, %dma_wait3A_390] : memref<160000x128xf32, #tpu.memory_space<hbm>> -> memref<128x128xf32, #tpu.memory_space<hbm>>
      %dma_wait3A_392 = arith.constant 0 : i32
      %dma_wait3A_393 = arith.constant 0 : i32
      %dma_wait3A_394 = tpu.memref_slice %arg9[%dma_wait3A_383, %dma_wait3A_392, %dma_wait3A_393] : memref<3x128x128xf32, #tpu.memory_space<vmem>> -> memref<1x128x128xf32, #tpu.memory_space<vmem>>
      %dma_wait3A_395 = tpu.memref_squeeze %dma_wait3A_394 : memref<1x128x128xf32, #tpu.memory_space<vmem>> -> memref<128x128xf32, #tpu.memory_space<vmem>>
      tpu.wait_dma2 semaphore(%arg12 : memref<!tpu.dma_semaphore, #tpu.memory_space<semaphore_mem>>) src(%dma_wait3A_395 : memref<128x128xf32, #tpu.memory_space<vmem>>) dst(%dma_wait3A_391 : memref<128x128xf32, #tpu.memory_space<hbm>>)
    }
    %scan3A_5 = arith.constant 13 : i32
    %lt3A = arith.constant 2 : i32
    %lt3A_6 = arith.cmpi slt, %add3A, %lt3A : i32
    %convert_element_type3A = arith.extui %lt3A_6 : i1 to i32
    %cond3A = arith.constant 0 : i32
    %cond3A_7 = arith.cmpi ne, %convert_element_type3A, %cond3A : i32
    scf.if %cond3A_7 {
      %add3A_8 = arith.constant 1248 : i32
      %add3A_9 = arith.addi %add3A, %add3A_8 : i32
      %mul3A_10 = arith.constant 128 : i32
      %mul3A_11 = arith.muli %add3A_9, %mul3A_10 : i32
      %multiple_of3A = tpu.assume_multiple %mul3A_11, 128 : i32
      %run_scoped3A = arith.constant 0 : i32
      "tpu.region"() ({
        %run_scoped3A_60 = tpu.sem_alloc : memref<!tpu.dma_semaphore, #tpu.memory_space<semaphore_mem>>
        %dma_start3A_61 = arith.constant 0 : i32
        %dma_start3A_62 = tpu.memref_slice %arg7[%run_scoped3A, %dma_start3A_61] : memref<3x128xi32, #tpu.memory_space<vmem>> -> memref<1x128xi32, #tpu.memory_space<vmem>>
        %dma_start3A_63 = tpu.memref_squeeze %dma_start3A_62 : memref<1x128xi32, #tpu.memory_space<vmem>> -> memref<128xi32, #tpu.memory_space<vmem>>
        %dma_start3A_64 = tpu.memref_slice %arg5[%multiple_of3A] : memref<160000xi32, #tpu.memory_space<hbm>> -> memref<128xi32, #tpu.memory_space<hbm>>
        %dma_start3A_65 = arith.constant 0 : i32
        %dma_start3A_66 = tpu.memref_slice %arg7[%run_scoped3A, %dma_start3A_65] : memref<3x128xi32, #tpu.memory_space<vmem>> -> memref<1x128xi32, #tpu.memory_space<vmem>>
        %dma_start3A_67 = tpu.memref_squeeze %dma_start3A_66 : memref<1x128xi32, #tpu.memory_space<vmem>> -> memref<128xi32, #tpu.memory_space<vmem>>
        %dma_start3A_68 = tpu.memref_slice %arg5[%multiple_of3A] : memref<160000xi32, #tpu.memory_space<hbm>> -> memref<128xi32, #tpu.memory_space<hbm>>
        tpu.enqueue_dma source(%dma_start3A_68 : memref<128xi32, #tpu.memory_space<hbm>>) target(%dma_start3A_67 : memref<128xi32, #tpu.memory_space<vmem>>) target_semaphore(%run_scoped3A_60 : memref<!tpu.dma_semaphore, #tpu.memory_space<semaphore_mem>>)
        %dma_wait3A_69 = arith.constant 0 : i32
        %dma_wait3A_70 = tpu.memref_slice %arg7[%run_scoped3A, %dma_wait3A_69] : memref<3x128xi32, #tpu.memory_space<vmem>> -> memref<1x128xi32, #tpu.memory_space<vmem>>
        %dma_wait3A_71 = tpu.memref_squeeze %dma_wait3A_70 : memref<1x128xi32, #tpu.memory_space<vmem>> -> memref<128xi32, #tpu.memory_space<vmem>>
        %dma_wait3A_72 = tpu.memref_slice %arg5[%multiple_of3A] : memref<160000xi32, #tpu.memory_space<hbm>> -> memref<128xi32, #tpu.memory_space<hbm>>
        %dma_wait3A_73 = arith.constant 0 : i32
        %dma_wait3A_74 = tpu.memref_slice %arg7[%run_scoped3A, %dma_wait3A_73] : memref<3x128xi32, #tpu.memory_space<vmem>> -> memref<1x128xi32, #tpu.memory_space<vmem>>
        %dma_wait3A_75 = tpu.memref_squeeze %dma_wait3A_74 : memref<1x128xi32, #tpu.memory_space<vmem>> -> memref<128xi32, #tpu.memory_space<vmem>>
        %dma_wait3A_76 = tpu.memref_slice %arg5[%multiple_of3A] : memref<160000xi32, #tpu.memory_space<hbm>> -> memref<128xi32, #tpu.memory_space<hbm>>
        tpu.wait_dma2 semaphore(%run_scoped3A_60 : memref<!tpu.dma_semaphore, #tpu.memory_space<semaphore_mem>>) src(%dma_wait3A_76 : memref<128xi32, #tpu.memory_space<hbm>>) dst(%dma_wait3A_75 : memref<128xi32, #tpu.memory_space<vmem>>)
        tpu.yield
      }) : () -> ()
      %run_scoped3A_12 = arith.constant 0 : i32
      "tpu.region"() ({
        %run_scoped3A_60 = tpu.sem_alloc : memref<!tpu.dma_semaphore, #tpu.memory_space<semaphore_mem>>
        %dma_start3A_61 = arith.constant 0 : i32
        %dma_start3A_62 = tpu.memref_slice %arg8[%run_scoped3A_12, %dma_start3A_61] : memref<3x128xi32, #tpu.memory_space<vmem>> -> memref<1x128xi32, #tpu.memory_space<vmem>>
        %dma_start3A_63 = tpu.memref_squeeze %dma_start3A_62 : memref<1x128xi32, #tpu.memory_space<vmem>> -> memref<128xi32, #tpu.memory_space<vmem>>
        %dma_start3A_64 = tpu.memref_slice %arg4[%multiple_of3A] : memref<160000xi32, #tpu.memory_space<hbm>> -> memref<128xi32, #tpu.memory_space<hbm>>
        %dma_start3A_65 = arith.constant 0 : i32
        %dma_start3A_66 = tpu.memref_slice %arg8[%run_scoped3A_12, %dma_start3A_65] : memref<3x128xi32, #tpu.memory_space<vmem>> -> memref<1x128xi32, #tpu.memory_space<vmem>>
        %dma_start3A_67 = tpu.memref_squeeze %dma_start3A_66 : memref<1x128xi32, #tpu.memory_space<vmem>> -> memref<128xi32, #tpu.memory_space<vmem>>
        %dma_start3A_68 = tpu.memref_slice %arg4[%multiple_of3A] : memref<160000xi32, #tpu.memory_space<hbm>> -> memref<128xi32, #tpu.memory_space<hbm>>
        tpu.enqueue_dma source(%dma_start3A_68 : memref<128xi32, #tpu.memory_space<hbm>>) target(%dma_start3A_67 : memref<128xi32, #tpu.memory_space<vmem>>) target_semaphore(%run_scoped3A_60 : memref<!tpu.dma_semaphore, #tpu.memory_space<semaphore_mem>>)
        %dma_wait3A_69 = arith.constant 0 : i32
        %dma_wait3A_70 = tpu.memref_slice %arg8[%run_scoped3A_12, %dma_wait3A_69] : memref<3x128xi32, #tpu.memory_space<vmem>> -> memref<1x128xi32, #tpu.memory_space<vmem>>
        %dma_wait3A_71 = tpu.memref_squeeze %dma_wait3A_70 : memref<1x128xi32, #tpu.memory_space<vmem>> -> memref<128xi32, #tpu.memory_space<vmem>>
        %dma_wait3A_72 = tpu.memref_slice %arg4[%multiple_of3A] : memref<160000xi32, #tpu.memory_space<hbm>> -> memref<128xi32, #tpu.memory_space<hbm>>
        %dma_wait3A_73 = arith.constant 0 : i32
        %dma_wait3A_74 = tpu.memref_slice %arg8[%run_scoped3A_12, %dma_wait3A_73] : memref<3x128xi32, #tpu.memory_space<vmem>> -> memref<1x128xi32, #tpu.memory_space<vmem>>
        %dma_wait3A_75 = tpu.memref_squeeze %dma_wait3A_74 : memref<1x128xi32, #tpu.memory_space<vmem>> -> memref<128xi32, #tpu.memory_space<vmem>>
        %dma_wait3A_76 = tpu.memref_slice %arg4[%multiple_of3A] : memref<160000xi32, #tpu.memory_space<hbm>> -> memref<128xi32, #tpu.memory_space<hbm>>
        tpu.wait_dma2 semaphore(%run_scoped3A_60 : memref<!tpu.dma_semaphore, #tpu.memory_space<semaphore_mem>>) src(%dma_wait3A_76 : memref<128xi32, #tpu.memory_space<hbm>>) dst(%dma_wait3A_75 : memref<128xi32, #tpu.memory_space<vmem>>)
        tpu.yield
      }) : () -> ()
      %dma_start3A = arith.constant 0 : i32
      %dma_start3A_13 = arith.constant 0 : i32
      %dma_start3A_14 = arith.constant 0 : i32
      %dma_start3A_15 = arith.constant 0 : i32
      %dma_start3A_16 = tpu.memref_slice %arg9[%dma_start3A_13, %dma_start3A_14, %dma_start3A_15] : memref<3x128x128xf32, #tpu.memory_space<vmem>> -> memref<1x128x128xf32, #tpu.memory_space<vmem>>
      %dma_start3A_17 = tpu.memref_squeeze %dma_start3A_16 : memref<1x128x128xf32, #tpu.memory_space<vmem>> -> memref<128x128xf32, #tpu.memory_space<vmem>>
      %dma_start3A_18 = arith.constant 0 : i32
      %dma_start3A_19 = tpu.memref_slice %arg7[%dma_start3A, %dma_start3A_18] : memref<3x128xi32, #tpu.memory_space<vmem>> -> memref<1x128xi32, #tpu.memory_space<vmem>>
      %dma_start3A_20 = tpu.memref_squeeze %dma_start3A_19 : memref<1x128xi32, #tpu.memory_space<vmem>> -> memref<128xi32, #tpu.memory_space<vmem>>
      %dma_start3A_21 = arith.constant 0 : i32
      %dma_start3A_22 = arith.constant 0 : i32
      %dma_start3A_23 = tpu.memref_slice %arg2[%dma_start3A_21, %dma_start3A_22] : memref<10000x128xf32, #tpu.memory_space<hbm>> -> memref<10000x128xf32, #tpu.memory_space<hbm>>
      tpu.enqueue_indirect_dma source(%dma_start3A_23 : memref<10000x128xf32, #tpu.memory_space<hbm>>) target(%dma_start3A_17 : memref<128x128xf32, #tpu.memory_space<vmem>>) offsets(%dma_start3A_20 : memref<128xi32, #tpu.memory_space<vmem>>) semaphore(%arg10 : memref<!tpu.dma_semaphore, #tpu.memory_space<semaphore_mem>>)
      %dma_wait3A = arith.constant 0 : i32
      %dma_wait3A_24 = arith.constant 0 : i32
      %dma_wait3A_25 = arith.constant 0 : i32
      %dma_wait3A_26 = arith.constant 0 : i32
      %dma_wait3A_27 = tpu.memref_slice %arg9[%dma_wait3A_24, %dma_wait3A_25, %dma_wait3A_26] : memref<3x128x128xf32, #tpu.memory_space<vmem>> -> memref<1x128x128xf32, #tpu.memory_space<vmem>>
      %dma_wait3A_28 = tpu.memref_squeeze %dma_wait3A_27 : memref<1x128x128xf32, #tpu.memory_space<vmem>> -> memref<128x128xf32, #tpu.memory_space<vmem>>
      %dma_wait3A_29 = arith.constant 0 : i32
      %dma_wait3A_30 = tpu.memref_slice %arg7[%dma_wait3A, %dma_wait3A_29] : memref<3x128xi32, #tpu.memory_space<vmem>> -> memref<1x128xi32, #tpu.memory_space<vmem>>
      %dma_wait3A_31 = tpu.memref_squeeze %dma_wait3A_30 : memref<1x128xi32, #tpu.memory_space<vmem>> -> memref<128xi32, #tpu.memory_space<vmem>>
      %dma_wait3A_32 = arith.constant 0 : i32
      %dma_wait3A_33 = arith.constant 0 : i32
      %dma_wait3A_34 = tpu.memref_slice %arg2[%dma_wait3A_32, %dma_wait3A_33] : memref<10000x128xf32, #tpu.memory_space<hbm>> -> memref<10000x128xf32, #tpu.memory_space<hbm>>
      tpu.wait_indirect_dma semaphore(%arg10 : memref<!tpu.dma_semaphore, #tpu.memory_space<semaphore_mem>>) src(%dma_wait3A_34 : memref<10000x128xf32, #tpu.memory_space<hbm>>) dst(%dma_wait3A_28 : memref<128x128xf32, #tpu.memory_space<vmem>>)
      %dma_start3A_35 = arith.constant 0 : i32
      %dma_start3A_36 = arith.constant 0 : i32
      %dma_start3A_37 = arith.constant 0 : i32
      %dma_start3A_38 = arith.constant 0 : i32
      %dma_start3A_39 = tpu.memref_slice %arg9[%dma_start3A_36, %dma_start3A_37, %dma_start3A_38] : memref<3x128x128xf32, #tpu.memory_space<vmem>> -> memref<1x128x128xf32, #tpu.memory_space<vmem>>
      %dma_start3A_40 = tpu.memref_squeeze %dma_start3A_39 : memref<1x128x128xf32, #tpu.memory_space<vmem>> -> memref<128x128xf32, #tpu.memory_space<vmem>>
      %dma_start3A_41 = arith.constant 0 : i32
      %dma_start3A_42 = tpu.memref_slice %arg8[%dma_start3A_35, %dma_start3A_41] : memref<3x128xi32, #tpu.memory_space<vmem>> -> memref<1x128xi32, #tpu.memory_space<vmem>>
      %dma_start3A_43 = tpu.memref_squeeze %dma_start3A_42 : memref<1x128xi32, #tpu.memory_space<vmem>> -> memref<128xi32, #tpu.memory_space<vmem>>
      %dma_start3A_44 = arith.constant 0 : i32
      %dma_start3A_45 = arith.constant 0 : i32
      %dma_start3A_46 = tpu.memref_slice %arg3[%dma_start3A_44, %dma_start3A_45] : memref<10000x128xf32, #tpu.memory_space<hbm>> -> memref<10000x128xf32, #tpu.memory_space<hbm>>
      tpu.enqueue_indirect_dma source(%dma_start3A_46 : memref<10000x128xf32, #tpu.memory_space<hbm>>) target(%dma_start3A_40 : memref<128x128xf32, #tpu.memory_space<vmem>>) offsets(%dma_start3A_43 : memref<128xi32, #tpu.memory_space<vmem>>) semaphore(%arg10 : memref<!tpu.dma_semaphore, #tpu.memory_space<semaphore_mem>>) {add = true}
      %dma_wait3A_47 = arith.constant 0 : i32
      %dma_wait3A_48 = arith.constant 0 : i32
      %dma_wait3A_49 = arith.constant 0 : i32
      %dma_wait3A_50 = arith.constant 0 : i32
      %dma_wait3A_51 = tpu.memref_slice %arg9[%dma_wait3A_48, %dma_wait3A_49, %dma_wait3A_50] : memref<3x128x128xf32, #tpu.memory_space<vmem>> -> memref<1x128x128xf32, #tpu.memory_space<vmem>>
      %dma_wait3A_52 = tpu.memref_squeeze %dma_wait3A_51 : memref<1x128x128xf32, #tpu.memory_space<vmem>> -> memref<128x128xf32, #tpu.memory_space<vmem>>
      %dma_wait3A_53 = arith.constant 0 : i32
      %dma_wait3A_54 = tpu.memref_slice %arg8[%dma_wait3A_47, %dma_wait3A_53] : memref<3x128xi32, #tpu.memory_space<vmem>> -> memref<1x128xi32, #tpu.memory_space<vmem>>
      %dma_wait3A_55 = tpu.memref_squeeze %dma_wait3A_54 : memref<1x128xi32, #tpu.memory_space<vmem>> -> memref<128xi32, #tpu.memory_space<vmem>>
      %dma_wait3A_56 = arith.constant 0 : i32
      %dma_wait3A_57 = arith.constant 0 : i32
      %dma_wait3A_58 = tpu.memref_slice %arg3[%dma_wait3A_56, %dma_wait3A_57] : memref<10000x128xf32, #tpu.memory_space<hbm>> -> memref<10000x128xf32, #tpu.memory_space<hbm>>
      tpu.wait_indirect_dma semaphore(%arg10 : memref<!tpu.dma_semaphore, #tpu.memory_space<semaphore_mem>>) src(%dma_wait3A_58 : memref<10000x128xf32, #tpu.memory_space<hbm>>) dst(%dma_wait3A_52 : memref<128x128xf32, #tpu.memory_space<vmem>>)
      %run_scoped3A_59 = arith.constant 0 : i32
      "tpu.region"() ({
        %run_scoped3A_60 = tpu.sem_alloc : memref<!tpu.dma_semaphore, #tpu.memory_space<semaphore_mem>>
        %dma_start3A_61 = arith.constant 0 : i32
        %dma_start3A_62 = arith.constant 0 : i32
        %dma_start3A_63 = tpu.memref_slice %arg9[%run_scoped3A_59, %dma_start3A_61, %dma_start3A_62] : memref<3x128x128xf32, #tpu.memory_space<vmem>> -> memref<1x128x128xf32, #tpu.memory_space<vmem>>
        %dma_start3A_64 = tpu.memref_squeeze %dma_start3A_63 : memref<1x128x128xf32, #tpu.memory_space<vmem>> -> memref<128x128xf32, #tpu.memory_space<vmem>>
        %dma_start3A_65 = arith.constant 0 : i32
        %dma_start3A_66 = tpu.memref_slice %arg6[%multiple_of3A, %dma_start3A_65] : memref<160000x128xf32, #tpu.memory_space<hbm>> -> memref<128x128xf32, #tpu.memory_space<hbm>>
        %dma_start3A_67 = arith.constant 0 : i32
        %dma_start3A_68 = tpu.memref_slice %arg6[%multiple_of3A, %dma_start3A_67] : memref<160000x128xf32, #tpu.memory_space<hbm>> -> memref<128x128xf32, #tpu.memory_space<hbm>>
        %dma_start3A_69 = arith.constant 0 : i32
        %dma_start3A_70 = arith.constant 0 : i32
        %dma_start3A_71 = tpu.memref_slice %arg9[%run_scoped3A_59, %dma_start3A_69, %dma_start3A_70] : memref<3x128x128xf32, #tpu.memory_space<vmem>> -> memref<1x128x128xf32, #tpu.memory_space<vmem>>
        %dma_start3A_72 = tpu.memref_squeeze %dma_start3A_71 : memref<1x128x128xf32, #tpu.memory_space<vmem>> -> memref<128x128xf32, #tpu.memory_space<vmem>>
        tpu.enqueue_dma source(%dma_start3A_72 : memref<128x128xf32, #tpu.memory_space<vmem>>) target(%dma_start3A_68 : memref<128x128xf32, #tpu.memory_space<hbm>>) target_semaphore(%run_scoped3A_60 : memref<!tpu.dma_semaphore, #tpu.memory_space<semaphore_mem>>)
        %dma_wait3A_73 = arith.constant 0 : i32
        %dma_wait3A_74 = arith.constant 0 : i32
        %dma_wait3A_75 = tpu.memref_slice %arg9[%run_scoped3A_59, %dma_wait3A_73, %dma_wait3A_74] : memref<3x128x128xf32, #tpu.memory_space<vmem>> -> memref<1x128x128xf32, #tpu.memory_space<vmem>>
        %dma_wait3A_76 = tpu.memref_squeeze %dma_wait3A_75 : memref<1x128x128xf32, #tpu.memory_space<vmem>> -> memref<128x128xf32, #tpu.memory_space<vmem>>
        %dma_wait3A_77 = arith.constant 0 : i32
        %dma_wait3A_78 = tpu.memref_slice %arg6[%multiple_of3A, %dma_wait3A_77] : memref<160000x128xf32, #tpu.memory_space<hbm>> -> memref<128x128xf32, #tpu.memory_space<hbm>>
        %dma_wait3A_79 = arith.constant 0 : i32
        %dma_wait3A_80 = tpu.memref_slice %arg6[%multiple_of3A, %dma_wait3A_79] : memref<160000x128xf32, #tpu.memory_space<hbm>> -> memref<128x128xf32, #tpu.memory_space<hbm>>
        %dma_wait3A_81 = arith.constant 0 : i32
        %dma_wait3A_82 = arith.constant 0 : i32
        %dma_wait3A_83 = tpu.memref_slice %arg9[%run_scoped3A_59, %dma_wait3A_81, %dma_wait3A_82] : memref<3x128x128xf32, #tpu.memory_space<vmem>> -> memref<1x128x128xf32, #tpu.memory_space<vmem>>
        %dma_wait3A_84 = tpu.memref_squeeze %dma_wait3A_83 : memref<1x128x128xf32, #tpu.memory_space<vmem>> -> memref<128x128xf32, #tpu.memory_space<vmem>>
        tpu.wait_dma2 semaphore(%run_scoped3A_60 : memref<!tpu.dma_semaphore, #tpu.memory_space<semaphore_mem>>) src(%dma_wait3A_84 : memref<128x128xf32, #tpu.memory_space<vmem>>) dst(%dma_wait3A_80 : memref<128x128xf32, #tpu.memory_space<hbm>>)
        tpu.yield
      }) : () -> ()
    } else {
    }
    return
  }
}

#map = affine_map<(d0, d1) -> (0, 0)>
#map1 = affine_map<(d0, d1) -> (0)>
module attributes {stable_mosaic.version = 14 : i64} {
  func.func @_gather_body(%arg0: i32, %arg1: i32, %arg2: memref<10000x128xf32, #tpu.memory_space<hbm>>, %arg3: memref<10000x128xf32, #tpu.memory_space<hbm>>, %arg4: memref<160000xi32, #tpu.memory_space<hbm>>, %arg5: memref<160000xi32, #tpu.memory_space<hbm>>, %arg6: memref<160000x128xf32, #tpu.memory_space<hbm>>, %arg7: memref<3x128xi32, #tpu.memory_space<vmem>>, %arg8: memref<3x128xi32, #tpu.memory_space<vmem>>, %arg9: memref<3x128x128xf32, #tpu.memory_space<vmem>>, %arg10: memref<!tpu.dma_semaphore, #tpu.memory_space<semaphore_mem>>, %arg11: memref<!tpu.dma_semaphore, #tpu.memory_space<semaphore_mem>>, %arg12: memref<!tpu.dma_semaphore, #tpu.memory_space<semaphore_mem>>) attributes {dimension_semantics = [#tpu.dimension_semantics<core_parallel>, #tpu.dimension_semantics<subcore_parallel>], iteration_bounds = array<i64: 2, 16>, scalar_prefetch = 0 : i64, scratch_operands = 6 : i64, tpu.core_type = #tpu.core_type<sc_vector_subcore>, window_params = [{transform_indices = #map}, {transform_indices = #map}, {transform_indices = #map1}, {transform_indices = #map1}, {transform_indices = #map}]} {
    %mul3A = arith.constant 2 : i32
    %mul3A_0 = arith.muli %arg1, %mul3A : i32
    %add3A = arith.addi %mul3A_0, %arg0 : i32
    %scan3A = arith.constant 0 : i32
    %scan3A_1 = arith.constant 0 : i32
    %scan3A_2 = arith.constant 13 : i32
    %scan3A_3 = arith.addi %scan3A_1, %scan3A_2 : i32
    %scan3A_4 = arith.constant 1 : i32
    scf.for %scan3A_8 = %scan3A_1 to %scan3A_3 step %scan3A_4  : i32 {
      %mul3A_9 = arith.constant 3 : i32
      %mul3A_10 = arith.muli %scan3A_8, %mul3A_9 : i32
      %add3A_11 = arith.constant 0 : i32
      %add3A_12 = arith.addi %mul3A_10, %add3A_11 : i32
      %mul3A_13 = arith.constant 32 : i32
      %mul3A_14 = arith.muli %add3A_12, %mul3A_13 : i32
      %add3A_15 = arith.addi %add3A, %mul3A_14 : i32
      %mul3A_16 = arith.constant 128 : i32
      %mul3A_17 = arith.muli %add3A_15, %mul3A_16 : i32
      %multiple_of3A = tpu.assume_multiple %mul3A_17, 128 : i32
      %dma_start3A = arith.constant 0 : i32
      %dma_start3A_18 = arith.constant 0 : i32
      %dma_start3A_19 = tpu.memref_slice %arg7[%dma_start3A, %dma_start3A_18] : memref<3x128xi32, #tpu.memory_space<vmem>> -> memref<1x128xi32, #tpu.memory_space<vmem>>
      %dma_start3A_20 = tpu.memref_squeeze %dma_start3A_19 : memref<1x128xi32, #tpu.memory_space<vmem>> -> memref<128xi32, #tpu.memory_space<vmem>>
      %dma_start3A_21 = tpu.memref_slice %arg5[%multiple_of3A] : memref<160000xi32, #tpu.memory_space<hbm>> -> memref<128xi32, #tpu.memory_space<hbm>>
      %dma_start3A_22 = arith.constant 0 : i32
      %dma_start3A_23 = tpu.memref_slice %arg7[%dma_start3A, %dma_start3A_22] : memref<3x128xi32, #tpu.memory_space<vmem>> -> memref<1x128xi32, #tpu.memory_space<vmem>>
      %dma_start3A_24 = tpu.memref_squeeze %dma_start3A_23 : memref<1x128xi32, #tpu.memory_space<vmem>> -> memref<128xi32, #tpu.memory_space<vmem>>
      %dma_start3A_25 = tpu.memref_slice %arg5[%multiple_of3A] : memref<160000xi32, #tpu.memory_space<hbm>> -> memref<128xi32, #tpu.memory_space<hbm>>
      tpu.enqueue_dma source(%dma_start3A_25 : memref<128xi32, #tpu.memory_space<hbm>>) target(%dma_start3A_24 : memref<128xi32, #tpu.memory_space<vmem>>) target_semaphore(%arg10 : memref<!tpu.dma_semaphore, #tpu.memory_space<semaphore_mem>>)
      %dma_start3A_26 = arith.constant 0 : i32
      %dma_start3A_27 = arith.constant 0 : i32
      %dma_start3A_28 = tpu.memref_slice %arg8[%dma_start3A_26, %dma_start3A_27] : memref<3x128xi32, #tpu.memory_space<vmem>> -> memref<1x128xi32, #tpu.memory_space<vmem>>
      %dma_start3A_29 = tpu.memref_squeeze %dma_start3A_28 : memref<1x128xi32, #tpu.memory_space<vmem>> -> memref<128xi32, #tpu.memory_space<vmem>>
      %dma_start3A_30 = tpu.memref_slice %arg4[%multiple_of3A] : memref<160000xi32, #tpu.memory_space<hbm>> -> memref<128xi32, #tpu.memory_space<hbm>>
      %dma_start3A_31 = arith.constant 0 : i32
      %dma_start3A_32 = tpu.memref_slice %arg8[%dma_start3A_26, %dma_start3A_31] : memref<3x128xi32, #tpu.memory_space<vmem>> -> memref<1x128xi32, #tpu.memory_space<vmem>>
      %dma_start3A_33 = tpu.memref_squeeze %dma_start3A_32 : memref<1x128xi32, #tpu.memory_space<vmem>> -> memref<128xi32, #tpu.memory_space<vmem>>
      %dma_start3A_34 = tpu.memref_slice %arg4[%multiple_of3A] : memref<160000xi32, #tpu.memory_space<hbm>> -> memref<128xi32, #tpu.memory_space<hbm>>
      tpu.enqueue_dma source(%dma_start3A_34 : memref<128xi32, #tpu.memory_space<hbm>>) target(%dma_start3A_33 : memref<128xi32, #tpu.memory_space<vmem>>) target_semaphore(%arg10 : memref<!tpu.dma_semaphore, #tpu.memory_space<semaphore_mem>>)
      %mul3A_35 = arith.constant 3 : i32
      %mul3A_36 = arith.muli %scan3A_8, %mul3A_35 : i32
      %add3A_37 = arith.constant 1 : i32
      %add3A_38 = arith.addi %mul3A_36, %add3A_37 : i32
      %mul3A_39 = arith.constant 32 : i32
      %mul3A_40 = arith.muli %add3A_38, %mul3A_39 : i32
      %add3A_41 = arith.addi %add3A, %mul3A_40 : i32
      %mul3A_42 = arith.constant 128 : i32
      %mul3A_43 = arith.muli %add3A_41, %mul3A_42 : i32
      %multiple_of3A_44 = tpu.assume_multiple %mul3A_43, 128 : i32
      %dma_start3A_45 = arith.constant 1 : i32
      %dma_start3A_46 = arith.constant 0 : i32
      %dma_start3A_47 = tpu.memref_slice %arg7[%dma_start3A_45, %dma_start3A_46] : memref<3x128xi32, #tpu.memory_space<vmem>> -> memref<1x128xi32, #tpu.memory_space<vmem>>
      %dma_start3A_48 = tpu.memref_squeeze %dma_start3A_47 : memref<1x128xi32, #tpu.memory_space<vmem>> -> memref<128xi32, #tpu.memory_space<vmem>>
      %dma_start3A_49 = tpu.memref_slice %arg5[%multiple_of3A_44] : memref<160000xi32, #tpu.memory_space<hbm>> -> memref<128xi32, #tpu.memory_space<hbm>>
      %dma_start3A_50 = arith.constant 0 : i32
      %dma_start3A_51 = tpu.memref_slice %arg7[%dma_start3A_45, %dma_start3A_50] : memref<3x128xi32, #tpu.memory_space<vmem>> -> memref<1x128xi32, #tpu.memory_space<vmem>>
      %dma_start3A_52 = tpu.memref_squeeze %dma_start3A_51 : memref<1x128xi32, #tpu.memory_space<vmem>> -> memref<128xi32, #tpu.memory_space<vmem>>
      %dma_start3A_53 = tpu.memref_slice %arg5[%multiple_of3A_44] : memref<160000xi32, #tpu.memory_space<hbm>> -> memref<128xi32, #tpu.memory_space<hbm>>
      tpu.enqueue_dma source(%dma_start3A_53 : memref<128xi32, #tpu.memory_space<hbm>>) target(%dma_start3A_52 : memref<128xi32, #tpu.memory_space<vmem>>) target_semaphore(%arg11 : memref<!tpu.dma_semaphore, #tpu.memory_space<semaphore_mem>>)
      %dma_start3A_54 = arith.constant 1 : i32
      %dma_start3A_55 = arith.constant 0 : i32
      %dma_start3A_56 = tpu.memref_slice %arg8[%dma_start3A_54, %dma_start3A_55] : memref<3x128xi32, #tpu.memory_space<vmem>> -> memref<1x128xi32, #tpu.memory_space<vmem>>
      %dma_start3A_57 = tpu.memref_squeeze %dma_start3A_56 : memref<1x128xi32, #tpu.memory_space<vmem>> -> memref<128xi32, #tpu.memory_space<vmem>>
      %dma_start3A_58 = tpu.memref_slice %arg4[%multiple_of3A_44] : memref<160000xi32, #tpu.memory_space<hbm>> -> memref<128xi32, #tpu.memory_space<hbm>>
      %dma_start3A_59 = arith.constant 0 : i32
      %dma_start3A_60 = tpu.memref_slice %arg8[%dma_start3A_54, %dma_start3A_59] : memref<3x128xi32, #tpu.memory_space<vmem>> -> memref<1x128xi32, #tpu.memory_space<vmem>>
      %dma_start3A_61 = tpu.memref_squeeze %dma_start3A_60 : memref<1x128xi32, #tpu.memory_space<vmem>> -> memref<128xi32, #tpu.memory_space<vmem>>
      %dma_start3A_62 = tpu.memref_slice %arg4[%multiple_of3A_44] : memref<160000xi32, #tpu.memory_space<hbm>> -> memref<128xi32, #tpu.memory_space<hbm>>
      tpu.enqueue_dma source(%dma_start3A_62 : memref<128xi32, #tpu.memory_space<hbm>>) target(%dma_start3A_61 : memref<128xi32, #tpu.memory_space<vmem>>) target_semaphore(%arg11 : memref<!tpu.dma_semaphore, #tpu.memory_space<semaphore_mem>>)
      %mul3A_63 = arith.constant 3 : i32
      %mul3A_64 = arith.muli %scan3A_8, %mul3A_63 : i32
      %add3A_65 = arith.constant 2 : i32
      %add3A_66 = arith.addi %mul3A_64, %add3A_65 : i32
      %mul3A_67 = arith.constant 32 : i32
      %mul3A_68 = arith.muli %add3A_66, %mul3A_67 : i32
      %add3A_69 = arith.addi %add3A, %mul3A_68 : i32
      %mul3A_70 = arith.constant 128 : i32
      %mul3A_71 = arith.muli %add3A_69, %mul3A_70 : i32
      %multiple_of3A_72 = tpu.assume_multiple %mul3A_71, 128 : i32
      %dma_start3A_73 = arith.constant 2 : i32
      %dma_start3A_74 = arith.constant 0 : i32
      %dma_start3A_75 = tpu.memref_slice %arg7[%dma_start3A_73, %dma_start3A_74] : memref<3x128xi32, #tpu.memory_space<vmem>> -> memref<1x128xi32, #tpu.memory_space<vmem>>
      %dma_start3A_76 = tpu.memref_squeeze %dma_start3A_75 : memref<1x128xi32, #tpu.memory_space<vmem>> -> memref<128xi32, #tpu.memory_space<vmem>>
      %dma_start3A_77 = tpu.memref_slice %arg5[%multiple_of3A_72] : memref<160000xi32, #tpu.memory_space<hbm>> -> memref<128xi32, #tpu.memory_space<hbm>>
      %dma_start3A_78 = arith.constant 0 : i32
      %dma_start3A_79 = tpu.memref_slice %arg7[%dma_start3A_73, %dma_start3A_78] : memref<3x128xi32, #tpu.memory_space<vmem>> -> memref<1x128xi32, #tpu.memory_space<vmem>>
      %dma_start3A_80 = tpu.memref_squeeze %dma_start3A_79 : memref<1x128xi32, #tpu.memory_space<vmem>> -> memref<128xi32, #tpu.memory_space<vmem>>
      %dma_start3A_81 = tpu.memref_slice %arg5[%multiple_of3A_72] : memref<160000xi32, #tpu.memory_space<hbm>> -> memref<128xi32, #tpu.memory_space<hbm>>
      tpu.enqueue_dma source(%dma_start3A_81 : memref<128xi32, #tpu.memory_space<hbm>>) target(%dma_start3A_80 : memref<128xi32, #tpu.memory_space<vmem>>) target_semaphore(%arg12 : memref<!tpu.dma_semaphore, #tpu.memory_space<semaphore_mem>>)
      %dma_start3A_82 = arith.constant 2 : i32
      %dma_start3A_83 = arith.constant 0 : i32
      %dma_start3A_84 = tpu.memref_slice %arg8[%dma_start3A_82, %dma_start3A_83] : memref<3x128xi32, #tpu.memory_space<vmem>> -> memref<1x128xi32, #tpu.memory_space<vmem>>
      %dma_start3A_85 = tpu.memref_squeeze %dma_start3A_84 : memref<1x128xi32, #tpu.memory_space<vmem>> -> memref<128xi32, #tpu.memory_space<vmem>>
      %dma_start3A_86 = tpu.memref_slice %arg4[%multiple_of3A_72] : memref<160000xi32, #tpu.memory_space<hbm>> -> memref<128xi32, #tpu.memory_space<hbm>>
      %dma_start3A_87 = arith.constant 0 : i32
      %dma_start3A_88 = tpu.memref_slice %arg8[%dma_start3A_82, %dma_start3A_87] : memref<3x128xi32, #tpu.memory_space<vmem>> -> memref<1x128xi32, #tpu.memory_space<vmem>>
      %dma_start3A_89 = tpu.memref_squeeze %dma_start3A_88 : memref<1x128xi32, #tpu.memory_space<vmem>> -> memref<128xi32, #tpu.memory_space<vmem>>
      %dma_start3A_90 = tpu.memref_slice %arg4[%multiple_of3A_72] : memref<160000xi32, #tpu.memory_space<hbm>> -> memref<128xi32, #tpu.memory_space<hbm>>
      tpu.enqueue_dma source(%dma_start3A_90 : memref<128xi32, #tpu.memory_space<hbm>>) target(%dma_start3A_89 : memref<128xi32, #tpu.memory_space<vmem>>) target_semaphore(%arg12 : memref<!tpu.dma_semaphore, #tpu.memory_space<semaphore_mem>>)
      %dma_wait3A = arith.constant 0 : i32
      %dma_wait3A_91 = arith.constant 0 : i32
      %dma_wait3A_92 = tpu.memref_slice %arg7[%dma_wait3A, %dma_wait3A_91] : memref<3x128xi32, #tpu.memory_space<vmem>> -> memref<1x128xi32, #tpu.memory_space<vmem>>
      %dma_wait3A_93 = tpu.memref_squeeze %dma_wait3A_92 : memref<1x128xi32, #tpu.memory_space<vmem>> -> memref<128xi32, #tpu.memory_space<vmem>>
      %dma_wait3A_94 = tpu.memref_slice %arg5[%multiple_of3A] : memref<160000xi32, #tpu.memory_space<hbm>> -> memref<128xi32, #tpu.memory_space<hbm>>
      %dma_wait3A_95 = arith.constant 0 : i32
      %dma_wait3A_96 = tpu.memref_slice %arg7[%dma_wait3A, %dma_wait3A_95] : memref<3x128xi32, #tpu.memory_space<vmem>> -> memref<1x128xi32, #tpu.memory_space<vmem>>
      %dma_wait3A_97 = tpu.memref_squeeze %dma_wait3A_96 : memref<1x128xi32, #tpu.memory_space<vmem>> -> memref<128xi32, #tpu.memory_space<vmem>>
      %dma_wait3A_98 = tpu.memref_slice %arg5[%multiple_of3A] : memref<160000xi32, #tpu.memory_space<hbm>> -> memref<128xi32, #tpu.memory_space<hbm>>
      tpu.wait_dma2 semaphore(%arg10 : memref<!tpu.dma_semaphore, #tpu.memory_space<semaphore_mem>>) src(%dma_wait3A_98 : memref<128xi32, #tpu.memory_space<hbm>>) dst(%dma_wait3A_97 : memref<128xi32, #tpu.memory_space<vmem>>)
      %dma_wait3A_99 = arith.constant 0 : i32
      %dma_wait3A_100 = arith.constant 0 : i32
      %dma_wait3A_101 = tpu.memref_slice %arg8[%dma_wait3A_99, %dma_wait3A_100] : memref<3x128xi32, #tpu.memory_space<vmem>> -> memref<1x128xi32, #tpu.memory_space<vmem>>
      %dma_wait3A_102 = tpu.memref_squeeze %dma_wait3A_101 : memref<1x128xi32, #tpu.memory_space<vmem>> -> memref<128xi32, #tpu.memory_space<vmem>>
      %dma_wait3A_103 = tpu.memref_slice %arg4[%multiple_of3A] : memref<160000xi32, #tpu.memory_space<hbm>> -> memref<128xi32, #tpu.memory_space<hbm>>
      %dma_wait3A_104 = arith.constant 0 : i32
      %dma_wait3A_105 = tpu.memref_slice %arg8[%dma_wait3A_99, %dma_wait3A_104] : memref<3x128xi32, #tpu.memory_space<vmem>> -> memref<1x128xi32, #tpu.memory_space<vmem>>
      %dma_wait3A_106 = tpu.memref_squeeze %dma_wait3A_105 : memref<1x128xi32, #tpu.memory_space<vmem>> -> memref<128xi32, #tpu.memory_space<vmem>>
      %dma_wait3A_107 = tpu.memref_slice %arg4[%multiple_of3A] : memref<160000xi32, #tpu.memory_space<hbm>> -> memref<128xi32, #tpu.memory_space<hbm>>
      tpu.wait_dma2 semaphore(%arg10 : memref<!tpu.dma_semaphore, #tpu.memory_space<semaphore_mem>>) src(%dma_wait3A_107 : memref<128xi32, #tpu.memory_space<hbm>>) dst(%dma_wait3A_106 : memref<128xi32, #tpu.memory_space<vmem>>)
      %dma_start3A_108 = arith.constant 0 : i32
      %dma_start3A_109 = arith.constant 0 : i32
      %dma_start3A_110 = arith.constant 0 : i32
      %dma_start3A_111 = arith.constant 0 : i32
      %dma_start3A_112 = tpu.memref_slice %arg9[%dma_start3A_109, %dma_start3A_110, %dma_start3A_111] : memref<3x128x128xf32, #tpu.memory_space<vmem>> -> memref<1x128x128xf32, #tpu.memory_space<vmem>>
      %dma_start3A_113 = tpu.memref_squeeze %dma_start3A_112 : memref<1x128x128xf32, #tpu.memory_space<vmem>> -> memref<128x128xf32, #tpu.memory_space<vmem>>
      %dma_start3A_114 = arith.constant 0 : i32
      %dma_start3A_115 = tpu.memref_slice %arg7[%dma_start3A_108, %dma_start3A_114] : memref<3x128xi32, #tpu.memory_space<vmem>> -> memref<1x128xi32, #tpu.memory_space<vmem>>
      %dma_start3A_116 = tpu.memref_squeeze %dma_start3A_115 : memref<1x128xi32, #tpu.memory_space<vmem>> -> memref<128xi32, #tpu.memory_space<vmem>>
      %dma_start3A_117 = arith.constant 0 : i32
      %dma_start3A_118 = arith.constant 0 : i32
      %dma_start3A_119 = tpu.memref_slice %arg2[%dma_start3A_117, %dma_start3A_118] : memref<10000x128xf32, #tpu.memory_space<hbm>> -> memref<10000x128xf32, #tpu.memory_space<hbm>>
      tpu.enqueue_indirect_dma source(%dma_start3A_119 : memref<10000x128xf32, #tpu.memory_space<hbm>>) target(%dma_start3A_113 : memref<128x128xf32, #tpu.memory_space<vmem>>) offsets(%dma_start3A_116 : memref<128xi32, #tpu.memory_space<vmem>>) semaphore(%arg10 : memref<!tpu.dma_semaphore, #tpu.memory_space<semaphore_mem>>)
      %dma_wait3A_120 = arith.constant 1 : i32
      %dma_wait3A_121 = arith.constant 0 : i32
      %dma_wait3A_122 = tpu.memref_slice %arg7[%dma_wait3A_120, %dma_wait3A_121] : memref<3x128xi32, #tpu.memory_space<vmem>> -> memref<1x128xi32, #tpu.memory_space<vmem>>
      %dma_wait3A_123 = tpu.memref_squeeze %dma_wait3A_122 : memref<1x128xi32, #tpu.memory_space<vmem>> -> memref<128xi32, #tpu.memory_space<vmem>>
      %dma_wait3A_124 = tpu.memref_slice %arg5[%multiple_of3A_44] : memref<160000xi32, #tpu.memory_space<hbm>> -> memref<128xi32, #tpu.memory_space<hbm>>
      %dma_wait3A_125 = arith.constant 0 : i32
      %dma_wait3A_126 = tpu.memref_slice %arg7[%dma_wait3A_120, %dma_wait3A_125] : memref<3x128xi32, #tpu.memory_space<vmem>> -> memref<1x128xi32, #tpu.memory_space<vmem>>
      %dma_wait3A_127 = tpu.memref_squeeze %dma_wait3A_126 : memref<1x128xi32, #tpu.memory_space<vmem>> -> memref<128xi32, #tpu.memory_space<vmem>>
      %dma_wait3A_128 = tpu.memref_slice %arg5[%multiple_of3A_44] : memref<160000xi32, #tpu.memory_space<hbm>> -> memref<128xi32, #tpu.memory_space<hbm>>
      tpu.wait_dma2 semaphore(%arg11 : memref<!tpu.dma_semaphore, #tpu.memory_space<semaphore_mem>>) src(%dma_wait3A_128 : memref<128xi32, #tpu.memory_space<hbm>>) dst(%dma_wait3A_127 : memref<128xi32, #tpu.memory_space<vmem>>)
      %dma_wait3A_129 = arith.constant 1 : i32
      %dma_wait3A_130 = arith.constant 0 : i32
      %dma_wait3A_131 = tpu.memref_slice %arg8[%dma_wait3A_129, %dma_wait3A_130] : memref<3x128xi32, #tpu.memory_space<vmem>> -> memref<1x128xi32, #tpu.memory_space<vmem>>
      %dma_wait3A_132 = tpu.memref_squeeze %dma_wait3A_131 : memref<1x128xi32, #tpu.memory_space<vmem>> -> memref<128xi32, #tpu.memory_space<vmem>>
      %dma_wait3A_133 = tpu.memref_slice %arg4[%multiple_of3A_44] : memref<160000xi32, #tpu.memory_space<hbm>> -> memref<128xi32, #tpu.memory_space<hbm>>
      %dma_wait3A_134 = arith.constant 0 : i32
      %dma_wait3A_135 = tpu.memref_slice %arg8[%dma_wait3A_129, %dma_wait3A_134] : memref<3x128xi32, #tpu.memory_space<vmem>> -> memref<1x128xi32, #tpu.memory_space<vmem>>
      %dma_wait3A_136 = tpu.memref_squeeze %dma_wait3A_135 : memref<1x128xi32, #tpu.memory_space<vmem>> -> memref<128xi32, #tpu.memory_space<vmem>>
      %dma_wait3A_137 = tpu.memref_slice %arg4[%multiple_of3A_44] : memref<160000xi32, #tpu.memory_space<hbm>> -> memref<128xi32, #tpu.memory_space<hbm>>
      tpu.wait_dma2 semaphore(%arg11 : memref<!tpu.dma_semaphore, #tpu.memory_space<semaphore_mem>>) src(%dma_wait3A_137 : memref<128xi32, #tpu.memory_space<hbm>>) dst(%dma_wait3A_136 : memref<128xi32, #tpu.memory_space<vmem>>)
      %dma_start3A_138 = arith.constant 1 : i32
      %dma_start3A_139 = arith.constant 1 : i32
      %dma_start3A_140 = arith.constant 0 : i32
      %dma_start3A_141 = arith.constant 0 : i32
      %dma_start3A_142 = tpu.memref_slice %arg9[%dma_start3A_139, %dma_start3A_140, %dma_start3A_141] : memref<3x128x128xf32, #tpu.memory_space<vmem>> -> memref<1x128x128xf32, #tpu.memory_space<vmem>>
      %dma_start3A_143 = tpu.memref_squeeze %dma_start3A_142 : memref<1x128x128xf32, #tpu.memory_space<vmem>> -> memref<128x128xf32, #tpu.memory_space<vmem>>
      %dma_start3A_144 = arith.constant 0 : i32
      %dma_start3A_145 = tpu.memref_slice %arg7[%dma_start3A_138, %dma_start3A_144] : memref<3x128xi32, #tpu.memory_space<vmem>> -> memref<1x128xi32, #tpu.memory_space<vmem>>
      %dma_start3A_146 = tpu.memref_squeeze %dma_start3A_145 : memref<1x128xi32, #tpu.memory_space<vmem>> -> memref<128xi32, #tpu.memory_space<vmem>>
      %dma_start3A_147 = arith.constant 0 : i32
      %dma_start3A_148 = arith.constant 0 : i32
      %dma_start3A_149 = tpu.memref_slice %arg2[%dma_start3A_147, %dma_start3A_148] : memref<10000x128xf32, #tpu.memory_space<hbm>> -> memref<10000x128xf32, #tpu.memory_space<hbm>>
      tpu.enqueue_indirect_dma source(%dma_start3A_149 : memref<10000x128xf32, #tpu.memory_space<hbm>>) target(%dma_start3A_143 : memref<128x128xf32, #tpu.memory_space<vmem>>) offsets(%dma_start3A_146 : memref<128xi32, #tpu.memory_space<vmem>>) semaphore(%arg11 : memref<!tpu.dma_semaphore, #tpu.memory_space<semaphore_mem>>)
      %dma_wait3A_150 = arith.constant 2 : i32
      %dma_wait3A_151 = arith.constant 0 : i32
      %dma_wait3A_152 = tpu.memref_slice %arg7[%dma_wait3A_150, %dma_wait3A_151] : memref<3x128xi32, #tpu.memory_space<vmem>> -> memref<1x128xi32, #tpu.memory_space<vmem>>
      %dma_wait3A_153 = tpu.memref_squeeze %dma_wait3A_152 : memref<1x128xi32, #tpu.memory_space<vmem>> -> memref<128xi32, #tpu.memory_space<vmem>>
      %dma_wait3A_154 = tpu.memref_slice %arg5[%multiple_of3A_72] : memref<160000xi32, #tpu.memory_space<hbm>> -> memref<128xi32, #tpu.memory_space<hbm>>
      %dma_wait3A_155 = arith.constant 0 : i32
      %dma_wait3A_156 = tpu.memref_slice %arg7[%dma_wait3A_150, %dma_wait3A_155] : memref<3x128xi32, #tpu.memory_space<vmem>> -> memref<1x128xi32, #tpu.memory_space<vmem>>
      %dma_wait3A_157 = tpu.memref_squeeze %dma_wait3A_156 : memref<1x128xi32, #tpu.memory_space<vmem>> -> memref<128xi32, #tpu.memory_space<vmem>>
      %dma_wait3A_158 = tpu.memref_slice %arg5[%multiple_of3A_72] : memref<160000xi32, #tpu.memory_space<hbm>> -> memref<128xi32, #tpu.memory_space<hbm>>
      tpu.wait_dma2 semaphore(%arg12 : memref<!tpu.dma_semaphore, #tpu.memory_space<semaphore_mem>>) src(%dma_wait3A_158 : memref<128xi32, #tpu.memory_space<hbm>>) dst(%dma_wait3A_157 : memref<128xi32, #tpu.memory_space<vmem>>)
      %dma_wait3A_159 = arith.constant 2 : i32
      %dma_wait3A_160 = arith.constant 0 : i32
      %dma_wait3A_161 = tpu.memref_slice %arg8[%dma_wait3A_159, %dma_wait3A_160] : memref<3x128xi32, #tpu.memory_space<vmem>> -> memref<1x128xi32, #tpu.memory_space<vmem>>
      %dma_wait3A_162 = tpu.memref_squeeze %dma_wait3A_161 : memref<1x128xi32, #tpu.memory_space<vmem>> -> memref<128xi32, #tpu.memory_space<vmem>>
      %dma_wait3A_163 = tpu.memref_slice %arg4[%multiple_of3A_72] : memref<160000xi32, #tpu.memory_space<hbm>> -> memref<128xi32, #tpu.memory_space<hbm>>
      %dma_wait3A_164 = arith.constant 0 : i32
      %dma_wait3A_165 = tpu.memref_slice %arg8[%dma_wait3A_159, %dma_wait3A_164] : memref<3x128xi32, #tpu.memory_space<vmem>> -> memref<1x128xi32, #tpu.memory_space<vmem>>
      %dma_wait3A_166 = tpu.memref_squeeze %dma_wait3A_165 : memref<1x128xi32, #tpu.memory_space<vmem>> -> memref<128xi32, #tpu.memory_space<vmem>>
      %dma_wait3A_167 = tpu.memref_slice %arg4[%multiple_of3A_72] : memref<160000xi32, #tpu.memory_space<hbm>> -> memref<128xi32, #tpu.memory_space<hbm>>
      tpu.wait_dma2 semaphore(%arg12 : memref<!tpu.dma_semaphore, #tpu.memory_space<semaphore_mem>>) src(%dma_wait3A_167 : memref<128xi32, #tpu.memory_space<hbm>>) dst(%dma_wait3A_166 : memref<128xi32, #tpu.memory_space<vmem>>)
      %dma_start3A_168 = arith.constant 2 : i32
      %dma_start3A_169 = arith.constant 2 : i32
      %dma_start3A_170 = arith.constant 0 : i32
      %dma_start3A_171 = arith.constant 0 : i32
      %dma_start3A_172 = tpu.memref_slice %arg9[%dma_start3A_169, %dma_start3A_170, %dma_start3A_171] : memref<3x128x128xf32, #tpu.memory_space<vmem>> -> memref<1x128x128xf32, #tpu.memory_space<vmem>>
      %dma_start3A_173 = tpu.memref_squeeze %dma_start3A_172 : memref<1x128x128xf32, #tpu.memory_space<vmem>> -> memref<128x128xf32, #tpu.memory_space<vmem>>
      %dma_start3A_174 = arith.constant 0 : i32
      %dma_start3A_175 = tpu.memref_slice %arg7[%dma_start3A_168, %dma_start3A_174] : memref<3x128xi32, #tpu.memory_space<vmem>> -> memref<1x128xi32, #tpu.memory_space<vmem>>
      %dma_start3A_176 = tpu.memref_squeeze %dma_start3A_175 : memref<1x128xi32, #tpu.memory_space<vmem>> -> memref<128xi32, #tpu.memory_space<vmem>>
      %dma_start3A_177 = arith.constant 0 : i32
      %dma_start3A_178 = arith.constant 0 : i32
      %dma_start3A_179 = tpu.memref_slice %arg2[%dma_start3A_177, %dma_start3A_178] : memref<10000x128xf32, #tpu.memory_space<hbm>> -> memref<10000x128xf32, #tpu.memory_space<hbm>>
      tpu.enqueue_indirect_dma source(%dma_start3A_179 : memref<10000x128xf32, #tpu.memory_space<hbm>>) target(%dma_start3A_173 : memref<128x128xf32, #tpu.memory_space<vmem>>) offsets(%dma_start3A_176 : memref<128xi32, #tpu.memory_space<vmem>>) semaphore(%arg12 : memref<!tpu.dma_semaphore, #tpu.memory_space<semaphore_mem>>)
      %dma_wait3A_180 = arith.constant 0 : i32
      %dma_wait3A_181 = arith.constant 0 : i32
      %dma_wait3A_182 = arith.constant 0 : i32
      %dma_wait3A_183 = arith.constant 0 : i32
      %dma_wait3A_184 = tpu.memref_slice %arg9[%dma_wait3A_181, %dma_wait3A_182, %dma_wait3A_183] : memref<3x128x128xf32, #tpu.memory_space<vmem>> -> memref<1x128x128xf32, #tpu.memory_space<vmem>>
      %dma_wait3A_185 = tpu.memref_squeeze %dma_wait3A_184 : memref<1x128x128xf32, #tpu.memory_space<vmem>> -> memref<128x128xf32, #tpu.memory_space<vmem>>
      %dma_wait3A_186 = arith.constant 0 : i32
      %dma_wait3A_187 = tpu.memref_slice %arg7[%dma_wait3A_180, %dma_wait3A_186] : memref<3x128xi32, #tpu.memory_space<vmem>> -> memref<1x128xi32, #tpu.memory_space<vmem>>
      %dma_wait3A_188 = tpu.memref_squeeze %dma_wait3A_187 : memref<1x128xi32, #tpu.memory_space<vmem>> -> memref<128xi32, #tpu.memory_space<vmem>>
      %dma_wait3A_189 = arith.constant 0 : i32
      %dma_wait3A_190 = arith.constant 0 : i32
      %dma_wait3A_191 = tpu.memref_slice %arg2[%dma_wait3A_189, %dma_wait3A_190] : memref<10000x128xf32, #tpu.memory_space<hbm>> -> memref<10000x128xf32, #tpu.memory_space<hbm>>
      tpu.wait_indirect_dma semaphore(%arg10 : memref<!tpu.dma_semaphore, #tpu.memory_space<semaphore_mem>>) src(%dma_wait3A_191 : memref<10000x128xf32, #tpu.memory_space<hbm>>) dst(%dma_wait3A_185 : memref<128x128xf32, #tpu.memory_space<vmem>>)
      %dma_start3A_192 = arith.constant 0 : i32
      %dma_start3A_193 = arith.constant 0 : i32
      %dma_start3A_194 = arith.constant 0 : i32
      %dma_start3A_195 = arith.constant 0 : i32
      %dma_start3A_196 = tpu.memref_slice %arg9[%dma_start3A_193, %dma_start3A_194, %dma_start3A_195] : memref<3x128x128xf32, #tpu.memory_space<vmem>> -> memref<1x128x128xf32, #tpu.memory_space<vmem>>
      %dma_start3A_197 = tpu.memref_squeeze %dma_start3A_196 : memref<1x128x128xf32, #tpu.memory_space<vmem>> -> memref<128x128xf32, #tpu.memory_space<vmem>>
      %dma_start3A_198 = arith.constant 0 : i32
      %dma_start3A_199 = tpu.memref_slice %arg8[%dma_start3A_192, %dma_start3A_198] : memref<3x128xi32, #tpu.memory_space<vmem>> -> memref<1x128xi32, #tpu.memory_space<vmem>>
      %dma_start3A_200 = tpu.memref_squeeze %dma_start3A_199 : memref<1x128xi32, #tpu.memory_space<vmem>> -> memref<128xi32, #tpu.memory_space<vmem>>
      %dma_start3A_201 = arith.constant 0 : i32
      %dma_start3A_202 = arith.constant 0 : i32
      %dma_start3A_203 = tpu.memref_slice %arg3[%dma_start3A_201, %dma_start3A_202] : memref<10000x128xf32, #tpu.memory_space<hbm>> -> memref<10000x128xf32, #tpu.memory_space<hbm>>
      tpu.enqueue_indirect_dma source(%dma_start3A_203 : memref<10000x128xf32, #tpu.memory_space<hbm>>) target(%dma_start3A_197 : memref<128x128xf32, #tpu.memory_space<vmem>>) offsets(%dma_start3A_200 : memref<128xi32, #tpu.memory_space<vmem>>) semaphore(%arg10 : memref<!tpu.dma_semaphore, #tpu.memory_space<semaphore_mem>>) {add = true}
      %dma_wait3A_204 = arith.constant 1 : i32
      %dma_wait3A_205 = arith.constant 1 : i32
      %dma_wait3A_206 = arith.constant 0 : i32
      %dma_wait3A_207 = arith.constant 0 : i32
      %dma_wait3A_208 = tpu.memref_slice %arg9[%dma_wait3A_205, %dma_wait3A_206, %dma_wait3A_207] : memref<3x128x128xf32, #tpu.memory_space<vmem>> -> memref<1x128x128xf32, #tpu.memory_space<vmem>>
      %dma_wait3A_209 = tpu.memref_squeeze %dma_wait3A_208 : memref<1x128x128xf32, #tpu.memory_space<vmem>> -> memref<128x128xf32, #tpu.memory_space<vmem>>
      %dma_wait3A_210 = arith.constant 0 : i32
      %dma_wait3A_211 = tpu.memref_slice %arg7[%dma_wait3A_204, %dma_wait3A_210] : memref<3x128xi32, #tpu.memory_space<vmem>> -> memref<1x128xi32, #tpu.memory_space<vmem>>
      %dma_wait3A_212 = tpu.memref_squeeze %dma_wait3A_211 : memref<1x128xi32, #tpu.memory_space<vmem>> -> memref<128xi32, #tpu.memory_space<vmem>>
      %dma_wait3A_213 = arith.constant 0 : i32
      %dma_wait3A_214 = arith.constant 0 : i32
      %dma_wait3A_215 = tpu.memref_slice %arg2[%dma_wait3A_213, %dma_wait3A_214] : memref<10000x128xf32, #tpu.memory_space<hbm>> -> memref<10000x128xf32, #tpu.memory_space<hbm>>
      tpu.wait_indirect_dma semaphore(%arg11 : memref<!tpu.dma_semaphore, #tpu.memory_space<semaphore_mem>>) src(%dma_wait3A_215 : memref<10000x128xf32, #tpu.memory_space<hbm>>) dst(%dma_wait3A_209 : memref<128x128xf32, #tpu.memory_space<vmem>>)
      %dma_start3A_216 = arith.constant 1 : i32
      %dma_start3A_217 = arith.constant 1 : i32
      %dma_start3A_218 = arith.constant 0 : i32
      %dma_start3A_219 = arith.constant 0 : i32
      %dma_start3A_220 = tpu.memref_slice %arg9[%dma_start3A_217, %dma_start3A_218, %dma_start3A_219] : memref<3x128x128xf32, #tpu.memory_space<vmem>> -> memref<1x128x128xf32, #tpu.memory_space<vmem>>
      %dma_start3A_221 = tpu.memref_squeeze %dma_start3A_220 : memref<1x128x128xf32, #tpu.memory_space<vmem>> -> memref<128x128xf32, #tpu.memory_space<vmem>>
      %dma_start3A_222 = arith.constant 0 : i32
      %dma_start3A_223 = tpu.memref_slice %arg8[%dma_start3A_216, %dma_start3A_222] : memref<3x128xi32, #tpu.memory_space<vmem>> -> memref<1x128xi32, #tpu.memory_space<vmem>>
      %dma_start3A_224 = tpu.memref_squeeze %dma_start3A_223 : memref<1x128xi32, #tpu.memory_space<vmem>> -> memref<128xi32, #tpu.memory_space<vmem>>
      %dma_start3A_225 = arith.constant 0 : i32
      %dma_start3A_226 = arith.constant 0 : i32
      %dma_start3A_227 = tpu.memref_slice %arg3[%dma_start3A_225, %dma_start3A_226] : memref<10000x128xf32, #tpu.memory_space<hbm>> -> memref<10000x128xf32, #tpu.memory_space<hbm>>
      tpu.enqueue_indirect_dma source(%dma_start3A_227 : memref<10000x128xf32, #tpu.memory_space<hbm>>) target(%dma_start3A_221 : memref<128x128xf32, #tpu.memory_space<vmem>>) offsets(%dma_start3A_224 : memref<128xi32, #tpu.memory_space<vmem>>) semaphore(%arg11 : memref<!tpu.dma_semaphore, #tpu.memory_space<semaphore_mem>>) {add = true}
      %dma_wait3A_228 = arith.constant 2 : i32
      %dma_wait3A_229 = arith.constant 2 : i32
      %dma_wait3A_230 = arith.constant 0 : i32
      %dma_wait3A_231 = arith.constant 0 : i32
      %dma_wait3A_232 = tpu.memref_slice %arg9[%dma_wait3A_229, %dma_wait3A_230, %dma_wait3A_231] : memref<3x128x128xf32, #tpu.memory_space<vmem>> -> memref<1x128x128xf32, #tpu.memory_space<vmem>>
      %dma_wait3A_233 = tpu.memref_squeeze %dma_wait3A_232 : memref<1x128x128xf32, #tpu.memory_space<vmem>> -> memref<128x128xf32, #tpu.memory_space<vmem>>
      %dma_wait3A_234 = arith.constant 0 : i32
      %dma_wait3A_235 = tpu.memref_slice %arg7[%dma_wait3A_228, %dma_wait3A_234] : memref<3x128xi32, #tpu.memory_space<vmem>> -> memref<1x128xi32, #tpu.memory_space<vmem>>
      %dma_wait3A_236 = tpu.memref_squeeze %dma_wait3A_235 : memref<1x128xi32, #tpu.memory_space<vmem>> -> memref<128xi32, #tpu.memory_space<vmem>>
      %dma_wait3A_237 = arith.constant 0 : i32
      %dma_wait3A_238 = arith.constant 0 : i32
      %dma_wait3A_239 = tpu.memref_slice %arg2[%dma_wait3A_237, %dma_wait3A_238] : memref<10000x128xf32, #tpu.memory_space<hbm>> -> memref<10000x128xf32, #tpu.memory_space<hbm>>
      tpu.wait_indirect_dma semaphore(%arg12 : memref<!tpu.dma_semaphore, #tpu.memory_space<semaphore_mem>>) src(%dma_wait3A_239 : memref<10000x128xf32, #tpu.memory_space<hbm>>) dst(%dma_wait3A_233 : memref<128x128xf32, #tpu.memory_space<vmem>>)
      %dma_start3A_240 = arith.constant 2 : i32
      %dma_start3A_241 = arith.constant 2 : i32
      %dma_start3A_242 = arith.constant 0 : i32
      %dma_start3A_243 = arith.constant 0 : i32
      %dma_start3A_244 = tpu.memref_slice %arg9[%dma_start3A_241, %dma_start3A_242, %dma_start3A_243] : memref<3x128x128xf32, #tpu.memory_space<vmem>> -> memref<1x128x128xf32, #tpu.memory_space<vmem>>
      %dma_start3A_245 = tpu.memref_squeeze %dma_start3A_244 : memref<1x128x128xf32, #tpu.memory_space<vmem>> -> memref<128x128xf32, #tpu.memory_space<vmem>>
      %dma_start3A_246 = arith.constant 0 : i32
      %dma_start3A_247 = tpu.memref_slice %arg8[%dma_start3A_240, %dma_start3A_246] : memref<3x128xi32, #tpu.memory_space<vmem>> -> memref<1x128xi32, #tpu.memory_space<vmem>>
      %dma_start3A_248 = tpu.memref_squeeze %dma_start3A_247 : memref<1x128xi32, #tpu.memory_space<vmem>> -> memref<128xi32, #tpu.memory_space<vmem>>
      %dma_start3A_249 = arith.constant 0 : i32
      %dma_start3A_250 = arith.constant 0 : i32
      %dma_start3A_251 = tpu.memref_slice %arg3[%dma_start3A_249, %dma_start3A_250] : memref<10000x128xf32, #tpu.memory_space<hbm>> -> memref<10000x128xf32, #tpu.memory_space<hbm>>
      tpu.enqueue_indirect_dma source(%dma_start3A_251 : memref<10000x128xf32, #tpu.memory_space<hbm>>) target(%dma_start3A_245 : memref<128x128xf32, #tpu.memory_space<vmem>>) offsets(%dma_start3A_248 : memref<128xi32, #tpu.memory_space<vmem>>) semaphore(%arg12 : memref<!tpu.dma_semaphore, #tpu.memory_space<semaphore_mem>>) {add = true}
      %dma_wait3A_252 = arith.constant 0 : i32
      %dma_wait3A_253 = arith.constant 0 : i32
      %dma_wait3A_254 = arith.constant 0 : i32
      %dma_wait3A_255 = arith.constant 0 : i32
      %dma_wait3A_256 = tpu.memref_slice %arg9[%dma_wait3A_253, %dma_wait3A_254, %dma_wait3A_255] : memref<3x128x128xf32, #tpu.memory_space<vmem>> -> memref<1x128x128xf32, #tpu.memory_space<vmem>>
      %dma_wait3A_257 = tpu.memref_squeeze %dma_wait3A_256 : memref<1x128x128xf32, #tpu.memory_space<vmem>> -> memref<128x128xf32, #tpu.memory_space<vmem>>
      %dma_wait3A_258 = arith.constant 0 : i32
      %dma_wait3A_259 = tpu.memref_slice %arg8[%dma_wait3A_252, %dma_wait3A_258] : memref<3x128xi32, #tpu.memory_space<vmem>> -> memref<1x128xi32, #tpu.memory_space<vmem>>
      %dma_wait3A_260 = tpu.memref_squeeze %dma_wait3A_259 : memref<1x128xi32, #tpu.memory_space<vmem>> -> memref<128xi32, #tpu.memory_space<vmem>>
      %dma_wait3A_261 = arith.constant 0 : i32
      %dma_wait3A_262 = arith.constant 0 : i32
      %dma_wait3A_263 = tpu.memref_slice %arg3[%dma_wait3A_261, %dma_wait3A_262] : memref<10000x128xf32, #tpu.memory_space<hbm>> -> memref<10000x128xf32, #tpu.memory_space<hbm>>
      tpu.wait_indirect_dma semaphore(%arg10 : memref<!tpu.dma_semaphore, #tpu.memory_space<semaphore_mem>>) src(%dma_wait3A_263 : memref<10000x128xf32, #tpu.memory_space<hbm>>) dst(%dma_wait3A_257 : memref<128x128xf32, #tpu.memory_space<vmem>>)
      %mul3A_264 = arith.constant 3 : i32
      %mul3A_265 = arith.muli %scan3A_8, %mul3A_264 : i32
      %add3A_266 = arith.constant 0 : i32
      %add3A_267 = arith.addi %mul3A_265, %add3A_266 : i32
      %mul3A_268 = arith.constant 32 : i32
      %mul3A_269 = arith.muli %add3A_267, %mul3A_268 : i32
      %add3A_270 = arith.addi %add3A, %mul3A_269 : i32
      %mul3A_271 = arith.constant 128 : i32
      %mul3A_272 = arith.muli %add3A_270, %mul3A_271 : i32
      %multiple_of3A_273 = tpu.assume_multiple %mul3A_272, 128 : i32
      %dma_start3A_274 = arith.constant 0 : i32
      %dma_start3A_275 = arith.constant 0 : i32
      %dma_start3A_276 = arith.constant 0 : i32
      %dma_start3A_277 = tpu.memref_slice %arg9[%dma_start3A_274, %dma_start3A_275, %dma_start3A_276] : memref<3x128x128xf32, #tpu.memory_space<vmem>> -> memref<1x128x128xf32, #tpu.memory_space<vmem>>
      %dma_start3A_278 = tpu.memref_squeeze %dma_start3A_277 : memref<1x128x128xf32, #tpu.memory_space<vmem>> -> memref<128x128xf32, #tpu.memory_space<vmem>>
      %dma_start3A_279 = arith.constant 0 : i32
      %dma_start3A_280 = tpu.memref_slice %arg6[%multiple_of3A_273, %dma_start3A_279] : memref<160000x128xf32, #tpu.memory_space<hbm>> -> memref<128x128xf32, #tpu.memory_space<hbm>>
      %dma_start3A_281 = arith.constant 0 : i32
      %dma_start3A_282 = tpu.memref_slice %arg6[%multiple_of3A_273, %dma_start3A_281] : memref<160000x128xf32, #tpu.memory_space<hbm>> -> memref<128x128xf32, #tpu.memory_space<hbm>>
      %dma_start3A_283 = arith.constant 0 : i32
      %dma_start3A_284 = arith.constant 0 : i32
      %dma_start3A_285 = tpu.memref_slice %arg9[%dma_start3A_274, %dma_start3A_283, %dma_start3A_284] : memref<3x128x128xf32, #tpu.memory_space<vmem>> -> memref<1x128x128xf32, #tpu.memory_space<vmem>>
      %dma_start3A_286 = tpu.memref_squeeze %dma_start3A_285 : memref<1x128x128xf32, #tpu.memory_space<vmem>> -> memref<128x128xf32, #tpu.memory_space<vmem>>
      tpu.enqueue_dma source(%dma_start3A_286 : memref<128x128xf32, #tpu.memory_space<vmem>>) target(%dma_start3A_282 : memref<128x128xf32, #tpu.memory_space<hbm>>) target_semaphore(%arg10 : memref<!tpu.dma_semaphore, #tpu.memory_space<semaphore_mem>>)
      %dma_wait3A_287 = arith.constant 1 : i32
      %dma_wait3A_288 = arith.constant 1 : i32
      %dma_wait3A_289 = arith.constant 0 : i32
      %dma_wait3A_290 = arith.constant 0 : i32
      %dma_wait3A_291 = tpu.memref_slice %arg9[%dma_wait3A_288, %dma_wait3A_289, %dma_wait3A_290] : memref<3x128x128xf32, #tpu.memory_space<vmem>> -> memref<1x128x128xf32, #tpu.memory_space<vmem>>
      %dma_wait3A_292 = tpu.memref_squeeze %dma_wait3A_291 : memref<1x128x128xf32, #tpu.memory_space<vmem>> -> memref<128x128xf32, #tpu.memory_space<vmem>>
      %dma_wait3A_293 = arith.constant 0 : i32
      %dma_wait3A_294 = tpu.memref_slice %arg8[%dma_wait3A_287, %dma_wait3A_293] : memref<3x128xi32, #tpu.memory_space<vmem>> -> memref<1x128xi32, #tpu.memory_space<vmem>>
      %dma_wait3A_295 = tpu.memref_squeeze %dma_wait3A_294 : memref<1x128xi32, #tpu.memory_space<vmem>> -> memref<128xi32, #tpu.memory_space<vmem>>
      %dma_wait3A_296 = arith.constant 0 : i32
      %dma_wait3A_297 = arith.constant 0 : i32
      %dma_wait3A_298 = tpu.memref_slice %arg3[%dma_wait3A_296, %dma_wait3A_297] : memref<10000x128xf32, #tpu.memory_space<hbm>> -> memref<10000x128xf32, #tpu.memory_space<hbm>>
      tpu.wait_indirect_dma semaphore(%arg11 : memref<!tpu.dma_semaphore, #tpu.memory_space<semaphore_mem>>) src(%dma_wait3A_298 : memref<10000x128xf32, #tpu.memory_space<hbm>>) dst(%dma_wait3A_292 : memref<128x128xf32, #tpu.memory_space<vmem>>)
      %mul3A_299 = arith.constant 3 : i32
      %mul3A_300 = arith.muli %scan3A_8, %mul3A_299 : i32
      %add3A_301 = arith.constant 1 : i32
      %add3A_302 = arith.addi %mul3A_300, %add3A_301 : i32
      %mul3A_303 = arith.constant 32 : i32
      %mul3A_304 = arith.muli %add3A_302, %mul3A_303 : i32
      %add3A_305 = arith.addi %add3A, %mul3A_304 : i32
      %mul3A_306 = arith.constant 128 : i32
      %mul3A_307 = arith.muli %add3A_305, %mul3A_306 : i32
      %multiple_of3A_308 = tpu.assume_multiple %mul3A_307, 128 : i32
      %dma_start3A_309 = arith.constant 1 : i32
      %dma_start3A_310 = arith.constant 0 : i32
      %dma_start3A_311 = arith.constant 0 : i32
      %dma_start3A_312 = tpu.memref_slice %arg9[%dma_start3A_309, %dma_start3A_310, %dma_start3A_311] : memref<3x128x128xf32, #tpu.memory_space<vmem>> -> memref<1x128x128xf32, #tpu.memory_space<vmem>>
      %dma_start3A_313 = tpu.memref_squeeze %dma_start3A_312 : memref<1x128x128xf32, #tpu.memory_space<vmem>> -> memref<128x128xf32, #tpu.memory_space<vmem>>
      %dma_start3A_314 = arith.constant 0 : i32
      %dma_start3A_315 = tpu.memref_slice %arg6[%multiple_of3A_308, %dma_start3A_314] : memref<160000x128xf32, #tpu.memory_space<hbm>> -> memref<128x128xf32, #tpu.memory_space<hbm>>
      %dma_start3A_316 = arith.constant 0 : i32
      %dma_start3A_317 = tpu.memref_slice %arg6[%multiple_of3A_308, %dma_start3A_316] : memref<160000x128xf32, #tpu.memory_space<hbm>> -> memref<128x128xf32, #tpu.memory_space<hbm>>
      %dma_start3A_318 = arith.constant 0 : i32
      %dma_start3A_319 = arith.constant 0 : i32
      %dma_start3A_320 = tpu.memref_slice %arg9[%dma_start3A_309, %dma_start3A_318, %dma_start3A_319] : memref<3x128x128xf32, #tpu.memory_space<vmem>> -> memref<1x128x128xf32, #tpu.memory_space<vmem>>
      %dma_start3A_321 = tpu.memref_squeeze %dma_start3A_320 : memref<1x128x128xf32, #tpu.memory_space<vmem>> -> memref<128x128xf32, #tpu.memory_space<vmem>>
      tpu.enqueue_dma source(%dma_start3A_321 : memref<128x128xf32, #tpu.memory_space<vmem>>) target(%dma_start3A_317 : memref<128x128xf32, #tpu.memory_space<hbm>>) target_semaphore(%arg11 : memref<!tpu.dma_semaphore, #tpu.memory_space<semaphore_mem>>)
      %dma_wait3A_322 = arith.constant 2 : i32
      %dma_wait3A_323 = arith.constant 2 : i32
      %dma_wait3A_324 = arith.constant 0 : i32
      %dma_wait3A_325 = arith.constant 0 : i32
      %dma_wait3A_326 = tpu.memref_slice %arg9[%dma_wait3A_323, %dma_wait3A_324, %dma_wait3A_325] : memref<3x128x128xf32, #tpu.memory_space<vmem>> -> memref<1x128x128xf32, #tpu.memory_space<vmem>>
      %dma_wait3A_327 = tpu.memref_squeeze %dma_wait3A_326 : memref<1x128x128xf32, #tpu.memory_space<vmem>> -> memref<128x128xf32, #tpu.memory_space<vmem>>
      %dma_wait3A_328 = arith.constant 0 : i32
      %dma_wait3A_329 = tpu.memref_slice %arg8[%dma_wait3A_322, %dma_wait3A_328] : memref<3x128xi32, #tpu.memory_space<vmem>> -> memref<1x128xi32, #tpu.memory_space<vmem>>
      %dma_wait3A_330 = tpu.memref_squeeze %dma_wait3A_329 : memref<1x128xi32, #tpu.memory_space<vmem>> -> memref<128xi32, #tpu.memory_space<vmem>>
      %dma_wait3A_331 = arith.constant 0 : i32
      %dma_wait3A_332 = arith.constant 0 : i32
      %dma_wait3A_333 = tpu.memref_slice %arg3[%dma_wait3A_331, %dma_wait3A_332] : memref<10000x128xf32, #tpu.memory_space<hbm>> -> memref<10000x128xf32, #tpu.memory_space<hbm>>
      tpu.wait_indirect_dma semaphore(%arg12 : memref<!tpu.dma_semaphore, #tpu.memory_space<semaphore_mem>>) src(%dma_wait3A_333 : memref<10000x128xf32, #tpu.memory_space<hbm>>) dst(%dma_wait3A_327 : memref<128x128xf32, #tpu.memory_space<vmem>>)
      %mul3A_334 = arith.constant 3 : i32
      %mul3A_335 = arith.muli %scan3A_8, %mul3A_334 : i32
      %add3A_336 = arith.constant 2 : i32
      %add3A_337 = arith.addi %mul3A_335, %add3A_336 : i32
      %mul3A_338 = arith.constant 32 : i32
      %mul3A_339 = arith.muli %add3A_337, %mul3A_338 : i32
      %add3A_340 = arith.addi %add3A, %mul3A_339 : i32
      %mul3A_341 = arith.constant 128 : i32
      %mul3A_342 = arith.muli %add3A_340, %mul3A_341 : i32
      %multiple_of3A_343 = tpu.assume_multiple %mul3A_342, 128 : i32
      %dma_start3A_344 = arith.constant 2 : i32
      %dma_start3A_345 = arith.constant 0 : i32
      %dma_start3A_346 = arith.constant 0 : i32
      %dma_start3A_347 = tpu.memref_slice %arg9[%dma_start3A_344, %dma_start3A_345, %dma_start3A_346] : memref<3x128x128xf32, #tpu.memory_space<vmem>> -> memref<1x128x128xf32, #tpu.memory_space<vmem>>
      %dma_start3A_348 = tpu.memref_squeeze %dma_start3A_347 : memref<1x128x128xf32, #tpu.memory_space<vmem>> -> memref<128x128xf32, #tpu.memory_space<vmem>>
      %dma_start3A_349 = arith.constant 0 : i32
      %dma_start3A_350 = tpu.memref_slice %arg6[%multiple_of3A_343, %dma_start3A_349] : memref<160000x128xf32, #tpu.memory_space<hbm>> -> memref<128x128xf32, #tpu.memory_space<hbm>>
      %dma_start3A_351 = arith.constant 0 : i32
      %dma_start3A_352 = tpu.memref_slice %arg6[%multiple_of3A_343, %dma_start3A_351] : memref<160000x128xf32, #tpu.memory_space<hbm>> -> memref<128x128xf32, #tpu.memory_space<hbm>>
      %dma_start3A_353 = arith.constant 0 : i32
      %dma_start3A_354 = arith.constant 0 : i32
      %dma_start3A_355 = tpu.memref_slice %arg9[%dma_start3A_344, %dma_start3A_353, %dma_start3A_354] : memref<3x128x128xf32, #tpu.memory_space<vmem>> -> memref<1x128x128xf32, #tpu.memory_space<vmem>>
      %dma_start3A_356 = tpu.memref_squeeze %dma_start3A_355 : memref<1x128x128xf32, #tpu.memory_space<vmem>> -> memref<128x128xf32, #tpu.memory_space<vmem>>
      tpu.enqueue_dma source(%dma_start3A_356 : memref<128x128xf32, #tpu.memory_space<vmem>>) target(%dma_start3A_352 : memref<128x128xf32, #tpu.memory_space<hbm>>) target_semaphore(%arg12 : memref<!tpu.dma_semaphore, #tpu.memory_space<semaphore_mem>>)
      %dma_wait3A_357 = arith.constant 0 : i32
      %dma_wait3A_358 = arith.constant 0 : i32
      %dma_wait3A_359 = arith.constant 0 : i32
      %dma_wait3A_360 = tpu.memref_slice %arg9[%dma_wait3A_357, %dma_wait3A_358, %dma_wait3A_359] : memref<3x128x128xf32, #tpu.memory_space<vmem>> -> memref<1x128x128xf32, #tpu.memory_space<vmem>>
      %dma_wait3A_361 = tpu.memref_squeeze %dma_wait3A_360 : memref<1x128x128xf32, #tpu.memory_space<vmem>> -> memref<128x128xf32, #tpu.memory_space<vmem>>
      %dma_wait3A_362 = arith.constant 0 : i32
      %dma_wait3A_363 = tpu.memref_slice %arg6[%multiple_of3A_273, %dma_wait3A_362] : memref<160000x128xf32, #tpu.memory_space<hbm>> -> memref<128x128xf32, #tpu.memory_space<hbm>>
      %dma_wait3A_364 = arith.constant 0 : i32
      %dma_wait3A_365 = tpu.memref_slice %arg6[%multiple_of3A_273, %dma_wait3A_364] : memref<160000x128xf32, #tpu.memory_space<hbm>> -> memref<128x128xf32, #tpu.memory_space<hbm>>
      %dma_wait3A_366 = arith.constant 0 : i32
      %dma_wait3A_367 = arith.constant 0 : i32
      %dma_wait3A_368 = tpu.memref_slice %arg9[%dma_wait3A_357, %dma_wait3A_366, %dma_wait3A_367] : memref<3x128x128xf32, #tpu.memory_space<vmem>> -> memref<1x128x128xf32, #tpu.memory_space<vmem>>
      %dma_wait3A_369 = tpu.memref_squeeze %dma_wait3A_368 : memref<1x128x128xf32, #tpu.memory_space<vmem>> -> memref<128x128xf32, #tpu.memory_space<vmem>>
      tpu.wait_dma2 semaphore(%arg10 : memref<!tpu.dma_semaphore, #tpu.memory_space<semaphore_mem>>) src(%dma_wait3A_369 : memref<128x128xf32, #tpu.memory_space<vmem>>) dst(%dma_wait3A_365 : memref<128x128xf32, #tpu.memory_space<hbm>>)
      %dma_wait3A_370 = arith.constant 1 : i32
      %dma_wait3A_371 = arith.constant 0 : i32
      %dma_wait3A_372 = arith.constant 0 : i32
      %dma_wait3A_373 = tpu.memref_slice %arg9[%dma_wait3A_370, %dma_wait3A_371, %dma_wait3A_372] : memref<3x128x128xf32, #tpu.memory_space<vmem>> -> memref<1x128x128xf32, #tpu.memory_space<vmem>>
      %dma_wait3A_374 = tpu.memref_squeeze %dma_wait3A_373 : memref<1x128x128xf32, #tpu.memory_space<vmem>> -> memref<128x128xf32, #tpu.memory_space<vmem>>
      %dma_wait3A_375 = arith.constant 0 : i32
      %dma_wait3A_376 = tpu.memref_slice %arg6[%multiple_of3A_308, %dma_wait3A_375] : memref<160000x128xf32, #tpu.memory_space<hbm>> -> memref<128x128xf32, #tpu.memory_space<hbm>>
      %dma_wait3A_377 = arith.constant 0 : i32
      %dma_wait3A_378 = tpu.memref_slice %arg6[%multiple_of3A_308, %dma_wait3A_377] : memref<160000x128xf32, #tpu.memory_space<hbm>> -> memref<128x128xf32, #tpu.memory_space<hbm>>
      %dma_wait3A_379 = arith.constant 0 : i32
      %dma_wait3A_380 = arith.constant 0 : i32
      %dma_wait3A_381 = tpu.memref_slice %arg9[%dma_wait3A_370, %dma_wait3A_379, %dma_wait3A_380] : memref<3x128x128xf32, #tpu.memory_space<vmem>> -> memref<1x128x128xf32, #tpu.memory_space<vmem>>
      %dma_wait3A_382 = tpu.memref_squeeze %dma_wait3A_381 : memref<1x128x128xf32, #tpu.memory_space<vmem>> -> memref<128x128xf32, #tpu.memory_space<vmem>>
      tpu.wait_dma2 semaphore(%arg11 : memref<!tpu.dma_semaphore, #tpu.memory_space<semaphore_mem>>) src(%dma_wait3A_382 : memref<128x128xf32, #tpu.memory_space<vmem>>) dst(%dma_wait3A_378 : memref<128x128xf32, #tpu.memory_space<hbm>>)
      %dma_wait3A_383 = arith.constant 2 : i32
      %dma_wait3A_384 = arith.constant 0 : i32
      %dma_wait3A_385 = arith.constant 0 : i32
      %dma_wait3A_386 = tpu.memref_slice %arg9[%dma_wait3A_383, %dma_wait3A_384, %dma_wait3A_385] : memref<3x128x128xf32, #tpu.memory_space<vmem>> -> memref<1x128x128xf32, #tpu.memory_space<vmem>>
      %dma_wait3A_387 = tpu.memref_squeeze %dma_wait3A_386 : memref<1x128x128xf32, #tpu.memory_space<vmem>> -> memref<128x128xf32, #tpu.memory_space<vmem>>
      %dma_wait3A_388 = arith.constant 0 : i32
      %dma_wait3A_389 = tpu.memref_slice %arg6[%multiple_of3A_343, %dma_wait3A_388] : memref<160000x128xf32, #tpu.memory_space<hbm>> -> memref<128x128xf32, #tpu.memory_space<hbm>>
      %dma_wait3A_390 = arith.constant 0 : i32
      %dma_wait3A_391 = tpu.memref_slice %arg6[%multiple_of3A_343, %dma_wait3A_390] : memref<160000x128xf32, #tpu.memory_space<hbm>> -> memref<128x128xf32, #tpu.memory_space<hbm>>
      %dma_wait3A_392 = arith.constant 0 : i32
      %dma_wait3A_393 = arith.constant 0 : i32
      %dma_wait3A_394 = tpu.memref_slice %arg9[%dma_wait3A_383, %dma_wait3A_392, %dma_wait3A_393] : memref<3x128x128xf32, #tpu.memory_space<vmem>> -> memref<1x128x128xf32, #tpu.memory_space<vmem>>
      %dma_wait3A_395 = tpu.memref_squeeze %dma_wait3A_394 : memref<1x128x128xf32, #tpu.memory_space<vmem>> -> memref<128x128xf32, #tpu.memory_space<vmem>>
      tpu.wait_dma2 semaphore(%arg12 : memref<!tpu.dma_semaphore, #tpu.memory_space<semaphore_mem>>) src(%dma_wait3A_395 : memref<128x128xf32, #tpu.memory_space<vmem>>) dst(%dma_wait3A_391 : memref<128x128xf32, #tpu.memory_space<hbm>>)
    }
    %scan3A_5 = arith.constant 13 : i32
    %lt3A = arith.constant 2 : i32
    %lt3A_6 = arith.cmpi slt, %add3A, %lt3A : i32
    %convert_element_type3A = arith.extui %lt3A_6 : i1 to i32
    %cond3A = arith.constant 0 : i32
    %cond3A_7 = arith.cmpi ne, %convert_element_type3A, %cond3A : i32
    scf.if %cond3A_7 {
      %add3A_8 = arith.constant 1248 : i32
      %add3A_9 = arith.addi %add3A, %add3A_8 : i32
      %mul3A_10 = arith.constant 128 : i32
      %mul3A_11 = arith.muli %add3A_9, %mul3A_10 : i32
      %multiple_of3A = tpu.assume_multiple %mul3A_11, 128 : i32
      %run_scoped3A = arith.constant 0 : i32
      "tpu.region"() ({
        %run_scoped3A_60 = tpu.sem_alloc : memref<!tpu.dma_semaphore, #tpu.memory_space<semaphore_mem>>
        %dma_start3A_61 = arith.constant 0 : i32
        %dma_start3A_62 = tpu.memref_slice %arg7[%run_scoped3A, %dma_start3A_61] : memref<3x128xi32, #tpu.memory_space<vmem>> -> memref<1x128xi32, #tpu.memory_space<vmem>>
        %dma_start3A_63 = tpu.memref_squeeze %dma_start3A_62 : memref<1x128xi32, #tpu.memory_space<vmem>> -> memref<128xi32, #tpu.memory_space<vmem>>
        %dma_start3A_64 = tpu.memref_slice %arg5[%multiple_of3A] : memref<160000xi32, #tpu.memory_space<hbm>> -> memref<128xi32, #tpu.memory_space<hbm>>
        %dma_start3A_65 = arith.constant 0 : i32
        %dma_start3A_66 = tpu.memref_slice %arg7[%run_scoped3A, %dma_start3A_65] : memref<3x128xi32, #tpu.memory_space<vmem>> -> memref<1x128xi32, #tpu.memory_space<vmem>>
        %dma_start3A_67 = tpu.memref_squeeze %dma_start3A_66 : memref<1x128xi32, #tpu.memory_space<vmem>> -> memref<128xi32, #tpu.memory_space<vmem>>
        %dma_start3A_68 = tpu.memref_slice %arg5[%multiple_of3A] : memref<160000xi32, #tpu.memory_space<hbm>> -> memref<128xi32, #tpu.memory_space<hbm>>
        tpu.enqueue_dma source(%dma_start3A_68 : memref<128xi32, #tpu.memory_space<hbm>>) target(%dma_start3A_67 : memref<128xi32, #tpu.memory_space<vmem>>) target_semaphore(%run_scoped3A_60 : memref<!tpu.dma_semaphore, #tpu.memory_space<semaphore_mem>>)
        %dma_wait3A_69 = arith.constant 0 : i32
        %dma_wait3A_70 = tpu.memref_slice %arg7[%run_scoped3A, %dma_wait3A_69] : memref<3x128xi32, #tpu.memory_space<vmem>> -> memref<1x128xi32, #tpu.memory_space<vmem>>
        %dma_wait3A_71 = tpu.memref_squeeze %dma_wait3A_70 : memref<1x128xi32, #tpu.memory_space<vmem>> -> memref<128xi32, #tpu.memory_space<vmem>>
        %dma_wait3A_72 = tpu.memref_slice %arg5[%multiple_of3A] : memref<160000xi32, #tpu.memory_space<hbm>> -> memref<128xi32, #tpu.memory_space<hbm>>
        %dma_wait3A_73 = arith.constant 0 : i32
        %dma_wait3A_74 = tpu.memref_slice %arg7[%run_scoped3A, %dma_wait3A_73] : memref<3x128xi32, #tpu.memory_space<vmem>> -> memref<1x128xi32, #tpu.memory_space<vmem>>
        %dma_wait3A_75 = tpu.memref_squeeze %dma_wait3A_74 : memref<1x128xi32, #tpu.memory_space<vmem>> -> memref<128xi32, #tpu.memory_space<vmem>>
        %dma_wait3A_76 = tpu.memref_slice %arg5[%multiple_of3A] : memref<160000xi32, #tpu.memory_space<hbm>> -> memref<128xi32, #tpu.memory_space<hbm>>
        tpu.wait_dma2 semaphore(%run_scoped3A_60 : memref<!tpu.dma_semaphore, #tpu.memory_space<semaphore_mem>>) src(%dma_wait3A_76 : memref<128xi32, #tpu.memory_space<hbm>>) dst(%dma_wait3A_75 : memref<128xi32, #tpu.memory_space<vmem>>)
        tpu.yield
      }) : () -> ()
      %run_scoped3A_12 = arith.constant 0 : i32
      "tpu.region"() ({
        %run_scoped3A_60 = tpu.sem_alloc : memref<!tpu.dma_semaphore, #tpu.memory_space<semaphore_mem>>
        %dma_start3A_61 = arith.constant 0 : i32
        %dma_start3A_62 = tpu.memref_slice %arg8[%run_scoped3A_12, %dma_start3A_61] : memref<3x128xi32, #tpu.memory_space<vmem>> -> memref<1x128xi32, #tpu.memory_space<vmem>>
        %dma_start3A_63 = tpu.memref_squeeze %dma_start3A_62 : memref<1x128xi32, #tpu.memory_space<vmem>> -> memref<128xi32, #tpu.memory_space<vmem>>
        %dma_start3A_64 = tpu.memref_slice %arg4[%multiple_of3A] : memref<160000xi32, #tpu.memory_space<hbm>> -> memref<128xi32, #tpu.memory_space<hbm>>
        %dma_start3A_65 = arith.constant 0 : i32
        %dma_start3A_66 = tpu.memref_slice %arg8[%run_scoped3A_12, %dma_start3A_65] : memref<3x128xi32, #tpu.memory_space<vmem>> -> memref<1x128xi32, #tpu.memory_space<vmem>>
        %dma_start3A_67 = tpu.memref_squeeze %dma_start3A_66 : memref<1x128xi32, #tpu.memory_space<vmem>> -> memref<128xi32, #tpu.memory_space<vmem>>
        %dma_start3A_68 = tpu.memref_slice %arg4[%multiple_of3A] : memref<160000xi32, #tpu.memory_space<hbm>> -> memref<128xi32, #tpu.memory_space<hbm>>
        tpu.enqueue_dma source(%dma_start3A_68 : memref<128xi32, #tpu.memory_space<hbm>>) target(%dma_start3A_67 : memref<128xi32, #tpu.memory_space<vmem>>) target_semaphore(%run_scoped3A_60 : memref<!tpu.dma_semaphore, #tpu.memory_space<semaphore_mem>>)
        %dma_wait3A_69 = arith.constant 0 : i32
        %dma_wait3A_70 = tpu.memref_slice %arg8[%run_scoped3A_12, %dma_wait3A_69] : memref<3x128xi32, #tpu.memory_space<vmem>> -> memref<1x128xi32, #tpu.memory_space<vmem>>
        %dma_wait3A_71 = tpu.memref_squeeze %dma_wait3A_70 : memref<1x128xi32, #tpu.memory_space<vmem>> -> memref<128xi32, #tpu.memory_space<vmem>>
        %dma_wait3A_72 = tpu.memref_slice %arg4[%multiple_of3A] : memref<160000xi32, #tpu.memory_space<hbm>> -> memref<128xi32, #tpu.memory_space<hbm>>
        %dma_wait3A_73 = arith.constant 0 : i32
        %dma_wait3A_74 = tpu.memref_slice %arg8[%run_scoped3A_12, %dma_wait3A_73] : memref<3x128xi32, #tpu.memory_space<vmem>> -> memref<1x128xi32, #tpu.memory_space<vmem>>
        %dma_wait3A_75 = tpu.memref_squeeze %dma_wait3A_74 : memref<1x128xi32, #tpu.memory_space<vmem>> -> memref<128xi32, #tpu.memory_space<vmem>>
        %dma_wait3A_76 = tpu.memref_slice %arg4[%multiple_of3A] : memref<160000xi32, #tpu.memory_space<hbm>> -> memref<128xi32, #tpu.memory_space<hbm>>
        tpu.wait_dma2 semaphore(%run_scoped3A_60 : memref<!tpu.dma_semaphore, #tpu.memory_space<semaphore_mem>>) src(%dma_wait3A_76 : memref<128xi32, #tpu.memory_space<hbm>>) dst(%dma_wait3A_75 : memref<128xi32, #tpu.memory_space<vmem>>)
        tpu.yield
      }) : () -> ()
      %dma_start3A = arith.constant 0 : i32
      %dma_start3A_13 = arith.constant 0 : i32
      %dma_start3A_14 = arith.constant 0 : i32
      %dma_start3A_15 = arith.constant 0 : i32
      %dma_start3A_16 = tpu.memref_slice %arg9[%dma_start3A_13, %dma_start3A_14, %dma_start3A_15] : memref<3x128x128xf32, #tpu.memory_space<vmem>> -> memref<1x128x128xf32, #tpu.memory_space<vmem>>
      %dma_start3A_17 = tpu.memref_squeeze %dma_start3A_16 : memref<1x128x128xf32, #tpu.memory_space<vmem>> -> memref<128x128xf32, #tpu.memory_space<vmem>>
      %dma_start3A_18 = arith.constant 0 : i32
      %dma_start3A_19 = tpu.memref_slice %arg7[%dma_start3A, %dma_start3A_18] : memref<3x128xi32, #tpu.memory_space<vmem>> -> memref<1x128xi32, #tpu.memory_space<vmem>>
      %dma_start3A_20 = tpu.memref_squeeze %dma_start3A_19 : memref<1x128xi32, #tpu.memory_space<vmem>> -> memref<128xi32, #tpu.memory_space<vmem>>
      %dma_start3A_21 = arith.constant 0 : i32
      %dma_start3A_22 = arith.constant 0 : i32
      %dma_start3A_23 = tpu.memref_slice %arg2[%dma_start3A_21, %dma_start3A_22] : memref<10000x128xf32, #tpu.memory_space<hbm>> -> memref<10000x128xf32, #tpu.memory_space<hbm>>
      tpu.enqueue_indirect_dma source(%dma_start3A_23 : memref<10000x128xf32, #tpu.memory_space<hbm>>) target(%dma_start3A_17 : memref<128x128xf32, #tpu.memory_space<vmem>>) offsets(%dma_start3A_20 : memref<128xi32, #tpu.memory_space<vmem>>) semaphore(%arg10 : memref<!tpu.dma_semaphore, #tpu.memory_space<semaphore_mem>>)
      %dma_wait3A = arith.constant 0 : i32
      %dma_wait3A_24 = arith.constant 0 : i32
      %dma_wait3A_25 = arith.constant 0 : i32
      %dma_wait3A_26 = arith.constant 0 : i32
      %dma_wait3A_27 = tpu.memref_slice %arg9[%dma_wait3A_24, %dma_wait3A_25, %dma_wait3A_26] : memref<3x128x128xf32, #tpu.memory_space<vmem>> -> memref<1x128x128xf32, #tpu.memory_space<vmem>>
      %dma_wait3A_28 = tpu.memref_squeeze %dma_wait3A_27 : memref<1x128x128xf32, #tpu.memory_space<vmem>> -> memref<128x128xf32, #tpu.memory_space<vmem>>
      %dma_wait3A_29 = arith.constant 0 : i32
      %dma_wait3A_30 = tpu.memref_slice %arg7[%dma_wait3A, %dma_wait3A_29] : memref<3x128xi32, #tpu.memory_space<vmem>> -> memref<1x128xi32, #tpu.memory_space<vmem>>
      %dma_wait3A_31 = tpu.memref_squeeze %dma_wait3A_30 : memref<1x128xi32, #tpu.memory_space<vmem>> -> memref<128xi32, #tpu.memory_space<vmem>>
      %dma_wait3A_32 = arith.constant 0 : i32
      %dma_wait3A_33 = arith.constant 0 : i32
      %dma_wait3A_34 = tpu.memref_slice %arg2[%dma_wait3A_32, %dma_wait3A_33] : memref<10000x128xf32, #tpu.memory_space<hbm>> -> memref<10000x128xf32, #tpu.memory_space<hbm>>
      tpu.wait_indirect_dma semaphore(%arg10 : memref<!tpu.dma_semaphore, #tpu.memory_space<semaphore_mem>>) src(%dma_wait3A_34 : memref<10000x128xf32, #tpu.memory_space<hbm>>) dst(%dma_wait3A_28 : memref<128x128xf32, #tpu.memory_space<vmem>>)
      %dma_start3A_35 = arith.constant 0 : i32
      %dma_start3A_36 = arith.constant 0 : i32
      %dma_start3A_37 = arith.constant 0 : i32
      %dma_start3A_38 = arith.constant 0 : i32
      %dma_start3A_39 = tpu.memref_slice %arg9[%dma_start3A_36, %dma_start3A_37, %dma_start3A_38] : memref<3x128x128xf32, #tpu.memory_space<vmem>> -> memref<1x128x128xf32, #tpu.memory_space<vmem>>
      %dma_start3A_40 = tpu.memref_squeeze %dma_start3A_39 : memref<1x128x128xf32, #tpu.memory_space<vmem>> -> memref<128x128xf32, #tpu.memory_space<vmem>>
      %dma_start3A_41 = arith.constant 0 : i32
      %dma_start3A_42 = tpu.memref_slice %arg8[%dma_start3A_35, %dma_start3A_41] : memref<3x128xi32, #tpu.memory_space<vmem>> -> memref<1x128xi32, #tpu.memory_space<vmem>>
      %dma_start3A_43 = tpu.memref_squeeze %dma_start3A_42 : memref<1x128xi32, #tpu.memory_space<vmem>> -> memref<128xi32, #tpu.memory_space<vmem>>
      %dma_start3A_44 = arith.constant 0 : i32
      %dma_start3A_45 = arith.constant 0 : i32
      %dma_start3A_46 = tpu.memref_slice %arg3[%dma_start3A_44, %dma_start3A_45] : memref<10000x128xf32, #tpu.memory_space<hbm>> -> memref<10000x128xf32, #tpu.memory_space<hbm>>
      tpu.enqueue_indirect_dma source(%dma_start3A_46 : memref<10000x128xf32, #tpu.memory_space<hbm>>) target(%dma_start3A_40 : memref<128x128xf32, #tpu.memory_space<vmem>>) offsets(%dma_start3A_43 : memref<128xi32, #tpu.memory_space<vmem>>) semaphore(%arg10 : memref<!tpu.dma_semaphore, #tpu.memory_space<semaphore_mem>>) {add = true}
      %dma_wait3A_47 = arith.constant 0 : i32
      %dma_wait3A_48 = arith.constant 0 : i32
      %dma_wait3A_49 = arith.constant 0 : i32
      %dma_wait3A_50 = arith.constant 0 : i32
      %dma_wait3A_51 = tpu.memref_slice %arg9[%dma_wait3A_48, %dma_wait3A_49, %dma_wait3A_50] : memref<3x128x128xf32, #tpu.memory_space<vmem>> -> memref<1x128x128xf32, #tpu.memory_space<vmem>>
      %dma_wait3A_52 = tpu.memref_squeeze %dma_wait3A_51 : memref<1x128x128xf32, #tpu.memory_space<vmem>> -> memref<128x128xf32, #tpu.memory_space<vmem>>
      %dma_wait3A_53 = arith.constant 0 : i32
      %dma_wait3A_54 = tpu.memref_slice %arg8[%dma_wait3A_47, %dma_wait3A_53] : memref<3x128xi32, #tpu.memory_space<vmem>> -> memref<1x128xi32, #tpu.memory_space<vmem>>
      %dma_wait3A_55 = tpu.memref_squeeze %dma_wait3A_54 : memref<1x128xi32, #tpu.memory_space<vmem>> -> memref<128xi32, #tpu.memory_space<vmem>>
      %dma_wait3A_56 = arith.constant 0 : i32
      %dma_wait3A_57 = arith.constant 0 : i32
      %dma_wait3A_58 = tpu.memref_slice %arg3[%dma_wait3A_56, %dma_wait3A_57] : memref<10000x128xf32, #tpu.memory_space<hbm>> -> memref<10000x128xf32, #tpu.memory_space<hbm>>
      tpu.wait_indirect_dma semaphore(%arg10 : memref<!tpu.dma_semaphore, #tpu.memory_space<semaphore_mem>>) src(%dma_wait3A_58 : memref<10000x128xf32, #tpu.memory_space<hbm>>) dst(%dma_wait3A_52 : memref<128x128xf32, #tpu.memory_space<vmem>>)
      %run_scoped3A_59 = arith.constant 0 : i32
      "tpu.region"() ({
        %run_scoped3A_60 = tpu.sem_alloc : memref<!tpu.dma_semaphore, #tpu.memory_space<semaphore_mem>>
        %dma_start3A_61 = arith.constant 0 : i32
        %dma_start3A_62 = arith.constant 0 : i32
        %dma_start3A_63 = tpu.memref_slice %arg9[%run_scoped3A_59, %dma_start3A_61, %dma_start3A_62] : memref<3x128x128xf32, #tpu.memory_space<vmem>> -> memref<1x128x128xf32, #tpu.memory_space<vmem>>
        %dma_start3A_64 = tpu.memref_squeeze %dma_start3A_63 : memref<1x128x128xf32, #tpu.memory_space<vmem>> -> memref<128x128xf32, #tpu.memory_space<vmem>>
        %dma_start3A_65 = arith.constant 0 : i32
        %dma_start3A_66 = tpu.memref_slice %arg6[%multiple_of3A, %dma_start3A_65] : memref<160000x128xf32, #tpu.memory_space<hbm>> -> memref<128x128xf32, #tpu.memory_space<hbm>>
        %dma_start3A_67 = arith.constant 0 : i32
        %dma_start3A_68 = tpu.memref_slice %arg6[%multiple_of3A, %dma_start3A_67] : memref<160000x128xf32, #tpu.memory_space<hbm>> -> memref<128x128xf32, #tpu.memory_space<hbm>>
        %dma_start3A_69 = arith.constant 0 : i32
        %dma_start3A_70 = arith.constant 0 : i32
        %dma_start3A_71 = tpu.memref_slice %arg9[%run_scoped3A_59, %dma_start3A_69, %dma_start3A_70] : memref<3x128x128xf32, #tpu.memory_space<vmem>> -> memref<1x128x128xf32, #tpu.memory_space<vmem>>
        %dma_start3A_72 = tpu.memref_squeeze %dma_start3A_71 : memref<1x128x128xf32, #tpu.memory_space<vmem>> -> memref<128x128xf32, #tpu.memory_space<vmem>>
        tpu.enqueue_dma source(%dma_start3A_72 : memref<128x128xf32, #tpu.memory_space<vmem>>) target(%dma_start3A_68 : memref<128x128xf32, #tpu.memory_space<hbm>>) target_semaphore(%run_scoped3A_60 : memref<!tpu.dma_semaphore, #tpu.memory_space<semaphore_mem>>)
        %dma_wait3A_73 = arith.constant 0 : i32
        %dma_wait3A_74 = arith.constant 0 : i32
        %dma_wait3A_75 = tpu.memref_slice %arg9[%run_scoped3A_59, %dma_wait3A_73, %dma_wait3A_74] : memref<3x128x128xf32, #tpu.memory_space<vmem>> -> memref<1x128x128xf32, #tpu.memory_space<vmem>>
        %dma_wait3A_76 = tpu.memref_squeeze %dma_wait3A_75 : memref<1x128x128xf32, #tpu.memory_space<vmem>> -> memref<128x128xf32, #tpu.memory_space<vmem>>
        %dma_wait3A_77 = arith.constant 0 : i32
        %dma_wait3A_78 = tpu.memref_slice %arg6[%multiple_of3A, %dma_wait3A_77] : memref<160000x128xf32, #tpu.memory_space<hbm>> -> memref<128x128xf32, #tpu.memory_space<hbm>>
        %dma_wait3A_79 = arith.constant 0 : i32
        %dma_wait3A_80 = tpu.memref_slice %arg6[%multiple_of3A, %dma_wait3A_79] : memref<160000x128xf32, #tpu.memory_space<hbm>> -> memref<128x128xf32, #tpu.memory_space<hbm>>
        %dma_wait3A_81 = arith.constant 0 : i32
        %dma_wait3A_82 = arith.constant 0 : i32
        %dma_wait3A_83 = tpu.memref_slice %arg9[%run_scoped3A_59, %dma_wait3A_81, %dma_wait3A_82] : memref<3x128x128xf32, #tpu.memory_space<vmem>> -> memref<1x128x128xf32, #tpu.memory_space<vmem>>
        %dma_wait3A_84 = tpu.memref_squeeze %dma_wait3A_83 : memref<1x128x128xf32, #tpu.memory_space<vmem>> -> memref<128x128xf32, #tpu.memory_space<vmem>>
        tpu.wait_dma2 semaphore(%run_scoped3A_60 : memref<!tpu.dma_semaphore, #tpu.memory_space<semaphore_mem>>) src(%dma_wait3A_84 : memref<128x128xf32, #tpu.memory_space<vmem>>) dst(%dma_wait3A_80 : memref<128x128xf32, #tpu.memory_space<hbm>>)
        tpu.yield
      }) : () -> ()
    } else {
    }
    return
  }
}

#map = affine_map<(d0, d1) -> (0, 0)>
#map1 = affine_map<(d0, d1) -> (0)>
#map2 = affine_map<(d0, d1) -> (0, 0, 0)>
module attributes {stable_mosaic.version = 14 : i64} {
  func.func @_scatter_body(%arg0: i32, %arg1: i32, %arg2: memref<160000x128xf32, #tpu.memory_space<hbm>>, %arg3: memref<160000xi32, #tpu.memory_space<hbm>>, %arg4: memref<10000x128xf32, #tpu.memory_space<hbm>>, %arg5: memref<2x10000x128xf32, #tpu.memory_space<hbm>>, %arg6: memref<3x128xi32, #tpu.memory_space<vmem>>, %arg7: memref<3x128x128xf32, #tpu.memory_space<vmem>>, %arg8: memref<!tpu.dma_semaphore, #tpu.memory_space<semaphore_mem>>, %arg9: memref<!tpu.dma_semaphore, #tpu.memory_space<semaphore_mem>>, %arg10: memref<!tpu.dma_semaphore, #tpu.memory_space<semaphore_mem>>, %arg11: memref<10000x128xf32, #tpu.memory_space<vmem_shared>>) attributes {dimension_semantics = [#tpu.dimension_semantics<core_parallel>, #tpu.dimension_semantics<subcore_parallel>], iteration_bounds = array<i64: 2, 16>, scalar_prefetch = 0 : i64, scratch_operands = 6 : i64, tpu.core_type = #tpu.core_type<sc_vector_subcore>, window_params = [{transform_indices = #map}, {transform_indices = #map1}, {transform_indices = #map}, {transform_indices = #map2}]} {
    %mul3A = arith.constant 632 : i32
    %mul3A_0 = arith.muli %arg1, %mul3A : i32
    %multiple_of3A = tpu.assume_multiple %mul3A_0, 8 : i32
    %lt3A = arith.constant 15 : i32
    %lt3A_1 = arith.cmpi slt, %arg1, %lt3A : i32
    %convert_element_type3A = arith.extui %lt3A_1 : i1 to i32
    %cond3A = arith.constant 0 : i32
    %cond3A_2 = arith.cmpi ne, %convert_element_type3A, %cond3A : i32
    scf.if %cond3A_2 {
      "tpu.region"() ({
        %run_scoped3A = tpu.sem_alloc : memref<!tpu.dma_semaphore, #tpu.memory_space<semaphore_mem>>
        %dma_start3A = arith.constant 0 : i32
        %dma_start3A_30 = tpu.memref_slice %arg11[%multiple_of3A, %dma_start3A] : memref<10000x128xf32, #tpu.memory_space<vmem_shared>> -> memref<632x128xf32, #tpu.memory_space<vmem_shared>>
        %dma_start3A_31 = arith.constant 0 : i32
        %dma_start3A_32 = tpu.memref_slice %arg4[%multiple_of3A, %dma_start3A_31] : memref<10000x128xf32, #tpu.memory_space<hbm>> -> memref<632x128xf32, #tpu.memory_space<hbm>>
        tpu.enqueue_dma source(%dma_start3A_32 : memref<632x128xf32, #tpu.memory_space<hbm>>) target(%dma_start3A_30 : memref<632x128xf32, #tpu.memory_space<vmem_shared>>) target_semaphore(%run_scoped3A : memref<!tpu.dma_semaphore, #tpu.memory_space<semaphore_mem>>)
        %dma_wait3A = arith.constant 0 : i32
        %dma_wait3A_33 = tpu.memref_slice %arg11[%multiple_of3A, %dma_wait3A] : memref<10000x128xf32, #tpu.memory_space<vmem_shared>> -> memref<632x128xf32, #tpu.memory_space<vmem_shared>>
        %dma_wait3A_34 = arith.constant 0 : i32
        %dma_wait3A_35 = tpu.memref_slice %arg4[%multiple_of3A, %dma_wait3A_34] : memref<10000x128xf32, #tpu.memory_space<hbm>> -> memref<632x128xf32, #tpu.memory_space<hbm>>
        tpu.wait_dma2 semaphore(%run_scoped3A : memref<!tpu.dma_semaphore, #tpu.memory_space<semaphore_mem>>) src(%dma_wait3A_35 : memref<632x128xf32, #tpu.memory_space<hbm>>) dst(%dma_wait3A_33 : memref<632x128xf32, #tpu.memory_space<vmem_shared>>)
        tpu.yield
      }) : () -> ()
    } else {
    }
    %eq3A = arith.constant 15 : i32
    %eq3A_3 = arith.cmpi eq, %arg1, %eq3A : i32
    %convert_element_type3A_4 = arith.extui %eq3A_3 : i1 to i32
    %cond3A_5 = arith.constant 0 : i32
    %cond3A_6 = arith.cmpi ne, %convert_element_type3A_4, %cond3A_5 : i32
    scf.if %cond3A_6 {
      "tpu.region"() ({
        %run_scoped3A = tpu.sem_alloc : memref<!tpu.dma_semaphore, #tpu.memory_space<semaphore_mem>>
        %dma_start3A = arith.constant 9480 : i32
        %dma_start3A_30 = arith.constant 0 : i32
        %dma_start3A_31 = tpu.memref_slice %arg11[%dma_start3A, %dma_start3A_30] : memref<10000x128xf32, #tpu.memory_space<vmem_shared>> -> memref<520x128xf32, #tpu.memory_space<vmem_shared>>
        %dma_start3A_32 = arith.constant 9480 : i32
        %dma_start3A_33 = arith.constant 0 : i32
        %dma_start3A_34 = tpu.memref_slice %arg4[%dma_start3A_32, %dma_start3A_33] : memref<10000x128xf32, #tpu.memory_space<hbm>> -> memref<520x128xf32, #tpu.memory_space<hbm>>
        tpu.enqueue_dma source(%dma_start3A_34 : memref<520x128xf32, #tpu.memory_space<hbm>>) target(%dma_start3A_31 : memref<520x128xf32, #tpu.memory_space<vmem_shared>>) target_semaphore(%run_scoped3A : memref<!tpu.dma_semaphore, #tpu.memory_space<semaphore_mem>>)
        %dma_wait3A = arith.constant 9480 : i32
        %dma_wait3A_35 = arith.constant 0 : i32
        %dma_wait3A_36 = tpu.memref_slice %arg11[%dma_wait3A, %dma_wait3A_35] : memref<10000x128xf32, #tpu.memory_space<vmem_shared>> -> memref<520x128xf32, #tpu.memory_space<vmem_shared>>
        %dma_wait3A_37 = arith.constant 9480 : i32
        %dma_wait3A_38 = arith.constant 0 : i32
        %dma_wait3A_39 = tpu.memref_slice %arg4[%dma_wait3A_37, %dma_wait3A_38] : memref<10000x128xf32, #tpu.memory_space<hbm>> -> memref<520x128xf32, #tpu.memory_space<hbm>>
        tpu.wait_dma2 semaphore(%run_scoped3A : memref<!tpu.dma_semaphore, #tpu.memory_space<semaphore_mem>>) src(%dma_wait3A_39 : memref<520x128xf32, #tpu.memory_space<hbm>>) dst(%dma_wait3A_36 : memref<520x128xf32, #tpu.memory_space<vmem_shared>>)
        tpu.yield
      }) : () -> ()
    } else {
    }
    %barrier3A = arith.constant 0 : index
    tpu.barrier barrier_id(%barrier3A)
    %mul3A_7 = arith.constant 625 : i32
    %mul3A_8 = arith.muli %arg0, %mul3A_7 : i32
    %scan3A = arith.constant 0 : i32
    %scan3A_9 = arith.constant 0 : i32
    %scan3A_10 = arith.constant 13 : i32
    %scan3A_11 = arith.addi %scan3A_9, %scan3A_10 : i32
    %scan3A_12 = arith.constant 1 : i32
    scf.for %scan3A_30 = %scan3A_9 to %scan3A_11 step %scan3A_12  : i32 {
      %mul3A_31 = arith.constant 3 : i32
      %mul3A_32 = arith.muli %scan3A_30, %mul3A_31 : i32
      %add3A = arith.constant 0 : i32
      %add3A_33 = arith.addi %mul3A_32, %add3A : i32
      %add3A_34 = arith.addi %mul3A_8, %arg1 : i32
      %mul3A_35 = arith.constant 16 : i32
      %mul3A_36 = arith.muli %add3A_33, %mul3A_35 : i32
      %add3A_37 = arith.addi %add3A_34, %mul3A_36 : i32
      %mul3A_38 = arith.constant 128 : i32
      %mul3A_39 = arith.muli %add3A_37, %mul3A_38 : i32
      %multiple_of3A_40 = tpu.assume_multiple %mul3A_39, 128 : i32
      %dma_start3A = arith.constant 0 : i32
      %dma_start3A_41 = arith.constant 0 : i32
      %dma_start3A_42 = tpu.memref_slice %arg6[%dma_start3A, %dma_start3A_41] : memref<3x128xi32, #tpu.memory_space<vmem>> -> memref<1x128xi32, #tpu.memory_space<vmem>>
      %dma_start3A_43 = tpu.memref_squeeze %dma_start3A_42 : memref<1x128xi32, #tpu.memory_space<vmem>> -> memref<128xi32, #tpu.memory_space<vmem>>
      %dma_start3A_44 = tpu.memref_slice %arg3[%multiple_of3A_40] : memref<160000xi32, #tpu.memory_space<hbm>> -> memref<128xi32, #tpu.memory_space<hbm>>
      %dma_start3A_45 = arith.constant 0 : i32
      %dma_start3A_46 = tpu.memref_slice %arg6[%dma_start3A, %dma_start3A_45] : memref<3x128xi32, #tpu.memory_space<vmem>> -> memref<1x128xi32, #tpu.memory_space<vmem>>
      %dma_start3A_47 = tpu.memref_squeeze %dma_start3A_46 : memref<1x128xi32, #tpu.memory_space<vmem>> -> memref<128xi32, #tpu.memory_space<vmem>>
      %dma_start3A_48 = tpu.memref_slice %arg3[%multiple_of3A_40] : memref<160000xi32, #tpu.memory_space<hbm>> -> memref<128xi32, #tpu.memory_space<hbm>>
      tpu.enqueue_dma source(%dma_start3A_48 : memref<128xi32, #tpu.memory_space<hbm>>) target(%dma_start3A_47 : memref<128xi32, #tpu.memory_space<vmem>>) target_semaphore(%arg8 : memref<!tpu.dma_semaphore, #tpu.memory_space<semaphore_mem>>)
      %dma_start3A_49 = arith.constant 0 : i32
      %dma_start3A_50 = arith.constant 0 : i32
      %dma_start3A_51 = arith.constant 0 : i32
      %dma_start3A_52 = tpu.memref_slice %arg7[%dma_start3A_49, %dma_start3A_50, %dma_start3A_51] : memref<3x128x128xf32, #tpu.memory_space<vmem>> -> memref<1x128x128xf32, #tpu.memory_space<vmem>>
      %dma_start3A_53 = tpu.memref_squeeze %dma_start3A_52 : memref<1x128x128xf32, #tpu.memory_space<vmem>> -> memref<128x128xf32, #tpu.memory_space<vmem>>
      %dma_start3A_54 = arith.constant 0 : i32
      %dma_start3A_55 = tpu.memref_slice %arg2[%multiple_of3A_40, %dma_start3A_54] : memref<160000x128xf32, #tpu.memory_space<hbm>> -> memref<128x128xf32, #tpu.memory_space<hbm>>
      %dma_start3A_56 = arith.constant 0 : i32
      %dma_start3A_57 = arith.constant 0 : i32
      %dma_start3A_58 = tpu.memref_slice %arg7[%dma_start3A_49, %dma_start3A_56, %dma_start3A_57] : memref<3x128x128xf32, #tpu.memory_space<vmem>> -> memref<1x128x128xf32, #tpu.memory_space<vmem>>
      %dma_start3A_59 = tpu.memref_squeeze %dma_start3A_58 : memref<1x128x128xf32, #tpu.memory_space<vmem>> -> memref<128x128xf32, #tpu.memory_space<vmem>>
      %dma_start3A_60 = arith.constant 0 : i32
      %dma_start3A_61 = tpu.memref_slice %arg2[%multiple_of3A_40, %dma_start3A_60] : memref<160000x128xf32, #tpu.memory_space<hbm>> -> memref<128x128xf32, #tpu.memory_space<hbm>>
      tpu.enqueue_dma source(%dma_start3A_61 : memref<128x128xf32, #tpu.memory_space<hbm>>) target(%dma_start3A_59 : memref<128x128xf32, #tpu.memory_space<vmem>>) target_semaphore(%arg8 : memref<!tpu.dma_semaphore, #tpu.memory_space<semaphore_mem>>)
      %mul3A_62 = arith.constant 3 : i32
      %mul3A_63 = arith.muli %scan3A_30, %mul3A_62 : i32
      %add3A_64 = arith.constant 1 : i32
      %add3A_65 = arith.addi %mul3A_63, %add3A_64 : i32
      %add3A_66 = arith.addi %mul3A_8, %arg1 : i32
      %mul3A_67 = arith.constant 16 : i32
      %mul3A_68 = arith.muli %add3A_65, %mul3A_67 : i32
      %add3A_69 = arith.addi %add3A_66, %mul3A_68 : i32
      %mul3A_70 = arith.constant 128 : i32
      %mul3A_71 = arith.muli %add3A_69, %mul3A_70 : i32
      %multiple_of3A_72 = tpu.assume_multiple %mul3A_71, 128 : i32
      %dma_start3A_73 = arith.constant 1 : i32
      %dma_start3A_74 = arith.constant 0 : i32
      %dma_start3A_75 = tpu.memref_slice %arg6[%dma_start3A_73, %dma_start3A_74] : memref<3x128xi32, #tpu.memory_space<vmem>> -> memref<1x128xi32, #tpu.memory_space<vmem>>
      %dma_start3A_76 = tpu.memref_squeeze %dma_start3A_75 : memref<1x128xi32, #tpu.memory_space<vmem>> -> memref<128xi32, #tpu.memory_space<vmem>>
      %dma_start3A_77 = tpu.memref_slice %arg3[%multiple_of3A_72] : memref<160000xi32, #tpu.memory_space<hbm>> -> memref<128xi32, #tpu.memory_space<hbm>>
      %dma_start3A_78 = arith.constant 0 : i32
      %dma_start3A_79 = tpu.memref_slice %arg6[%dma_start3A_73, %dma_start3A_78] : memref<3x128xi32, #tpu.memory_space<vmem>> -> memref<1x128xi32, #tpu.memory_space<vmem>>
      %dma_start3A_80 = tpu.memref_squeeze %dma_start3A_79 : memref<1x128xi32, #tpu.memory_space<vmem>> -> memref<128xi32, #tpu.memory_space<vmem>>
      %dma_start3A_81 = tpu.memref_slice %arg3[%multiple_of3A_72] : memref<160000xi32, #tpu.memory_space<hbm>> -> memref<128xi32, #tpu.memory_space<hbm>>
      tpu.enqueue_dma source(%dma_start3A_81 : memref<128xi32, #tpu.memory_space<hbm>>) target(%dma_start3A_80 : memref<128xi32, #tpu.memory_space<vmem>>) target_semaphore(%arg9 : memref<!tpu.dma_semaphore, #tpu.memory_space<semaphore_mem>>)
      %dma_start3A_82 = arith.constant 1 : i32
      %dma_start3A_83 = arith.constant 0 : i32
      %dma_start3A_84 = arith.constant 0 : i32
      %dma_start3A_85 = tpu.memref_slice %arg7[%dma_start3A_82, %dma_start3A_83, %dma_start3A_84] : memref<3x128x128xf32, #tpu.memory_space<vmem>> -> memref<1x128x128xf32, #tpu.memory_space<vmem>>
      %dma_start3A_86 = tpu.memref_squeeze %dma_start3A_85 : memref<1x128x128xf32, #tpu.memory_space<vmem>> -> memref<128x128xf32, #tpu.memory_space<vmem>>
      %dma_start3A_87 = arith.constant 0 : i32
      %dma_start3A_88 = tpu.memref_slice %arg2[%multiple_of3A_72, %dma_start3A_87] : memref<160000x128xf32, #tpu.memory_space<hbm>> -> memref<128x128xf32, #tpu.memory_space<hbm>>
      %dma_start3A_89 = arith.constant 0 : i32
      %dma_start3A_90 = arith.constant 0 : i32
      %dma_start3A_91 = tpu.memref_slice %arg7[%dma_start3A_82, %dma_start3A_89, %dma_start3A_90] : memref<3x128x128xf32, #tpu.memory_space<vmem>> -> memref<1x128x128xf32, #tpu.memory_space<vmem>>
      %dma_start3A_92 = tpu.memref_squeeze %dma_start3A_91 : memref<1x128x128xf32, #tpu.memory_space<vmem>> -> memref<128x128xf32, #tpu.memory_space<vmem>>
      %dma_start3A_93 = arith.constant 0 : i32
      %dma_start3A_94 = tpu.memref_slice %arg2[%multiple_of3A_72, %dma_start3A_93] : memref<160000x128xf32, #tpu.memory_space<hbm>> -> memref<128x128xf32, #tpu.memory_space<hbm>>
      tpu.enqueue_dma source(%dma_start3A_94 : memref<128x128xf32, #tpu.memory_space<hbm>>) target(%dma_start3A_92 : memref<128x128xf32, #tpu.memory_space<vmem>>) target_semaphore(%arg9 : memref<!tpu.dma_semaphore, #tpu.memory_space<semaphore_mem>>)
      %mul3A_95 = arith.constant 3 : i32
      %mul3A_96 = arith.muli %scan3A_30, %mul3A_95 : i32
      %add3A_97 = arith.constant 2 : i32
      %add3A_98 = arith.addi %mul3A_96, %add3A_97 : i32
      %add3A_99 = arith.addi %mul3A_8, %arg1 : i32
      %mul3A_100 = arith.constant 16 : i32
      %mul3A_101 = arith.muli %add3A_98, %mul3A_100 : i32
      %add3A_102 = arith.addi %add3A_99, %mul3A_101 : i32
      %mul3A_103 = arith.constant 128 : i32
      %mul3A_104 = arith.muli %add3A_102, %mul3A_103 : i32
      %multiple_of3A_105 = tpu.assume_multiple %mul3A_104, 128 : i32
      %dma_start3A_106 = arith.constant 2 : i32
      %dma_start3A_107 = arith.constant 0 : i32
      %dma_start3A_108 = tpu.memref_slice %arg6[%dma_start3A_106, %dma_start3A_107] : memref<3x128xi32, #tpu.memory_space<vmem>> -> memref<1x128xi32, #tpu.memory_space<vmem>>
      %dma_start3A_109 = tpu.memref_squeeze %dma_start3A_108 : memref<1x128xi32, #tpu.memory_space<vmem>> -> memref<128xi32, #tpu.memory_space<vmem>>
      %dma_start3A_110 = tpu.memref_slice %arg3[%multiple_of3A_105] : memref<160000xi32, #tpu.memory_space<hbm>> -> memref<128xi32, #tpu.memory_space<hbm>>
      %dma_start3A_111 = arith.constant 0 : i32
      %dma_start3A_112 = tpu.memref_slice %arg6[%dma_start3A_106, %dma_start3A_111] : memref<3x128xi32, #tpu.memory_space<vmem>> -> memref<1x128xi32, #tpu.memory_space<vmem>>
      %dma_start3A_113 = tpu.memref_squeeze %dma_start3A_112 : memref<1x128xi32, #tpu.memory_space<vmem>> -> memref<128xi32, #tpu.memory_space<vmem>>
      %dma_start3A_114 = tpu.memref_slice %arg3[%multiple_of3A_105] : memref<160000xi32, #tpu.memory_space<hbm>> -> memref<128xi32, #tpu.memory_space<hbm>>
      tpu.enqueue_dma source(%dma_start3A_114 : memref<128xi32, #tpu.memory_space<hbm>>) target(%dma_start3A_113 : memref<128xi32, #tpu.memory_space<vmem>>) target_semaphore(%arg10 : memref<!tpu.dma_semaphore, #tpu.memory_space<semaphore_mem>>)
      %dma_start3A_115 = arith.constant 2 : i32
      %dma_start3A_116 = arith.constant 0 : i32
      %dma_start3A_117 = arith.constant 0 : i32
      %dma_start3A_118 = tpu.memref_slice %arg7[%dma_start3A_115, %dma_start3A_116, %dma_start3A_117] : memref<3x128x128xf32, #tpu.memory_space<vmem>> -> memref<1x128x128xf32, #tpu.memory_space<vmem>>
      %dma_start3A_119 = tpu.memref_squeeze %dma_start3A_118 : memref<1x128x128xf32, #tpu.memory_space<vmem>> -> memref<128x128xf32, #tpu.memory_space<vmem>>
      %dma_start3A_120 = arith.constant 0 : i32
      %dma_start3A_121 = tpu.memref_slice %arg2[%multiple_of3A_105, %dma_start3A_120] : memref<160000x128xf32, #tpu.memory_space<hbm>> -> memref<128x128xf32, #tpu.memory_space<hbm>>
      %dma_start3A_122 = arith.constant 0 : i32
      %dma_start3A_123 = arith.constant 0 : i32
      %dma_start3A_124 = tpu.memref_slice %arg7[%dma_start3A_115, %dma_start3A_122, %dma_start3A_123] : memref<3x128x128xf32, #tpu.memory_space<vmem>> -> memref<1x128x128xf32, #tpu.memory_space<vmem>>
      %dma_start3A_125 = tpu.memref_squeeze %dma_start3A_124 : memref<1x128x128xf32, #tpu.memory_space<vmem>> -> memref<128x128xf32, #tpu.memory_space<vmem>>
      %dma_start3A_126 = arith.constant 0 : i32
      %dma_start3A_127 = tpu.memref_slice %arg2[%multiple_of3A_105, %dma_start3A_126] : memref<160000x128xf32, #tpu.memory_space<hbm>> -> memref<128x128xf32, #tpu.memory_space<hbm>>
      tpu.enqueue_dma source(%dma_start3A_127 : memref<128x128xf32, #tpu.memory_space<hbm>>) target(%dma_start3A_125 : memref<128x128xf32, #tpu.memory_space<vmem>>) target_semaphore(%arg10 : memref<!tpu.dma_semaphore, #tpu.memory_space<semaphore_mem>>)
      %dma_wait3A = arith.constant 0 : i32
      %dma_wait3A_128 = arith.constant 0 : i32
      %dma_wait3A_129 = tpu.memref_slice %arg6[%dma_wait3A, %dma_wait3A_128] : memref<3x128xi32, #tpu.memory_space<vmem>> -> memref<1x128xi32, #tpu.memory_space<vmem>>
      %dma_wait3A_130 = tpu.memref_squeeze %dma_wait3A_129 : memref<1x128xi32, #tpu.memory_space<vmem>> -> memref<128xi32, #tpu.memory_space<vmem>>
      %dma_wait3A_131 = tpu.memref_slice %arg3[%multiple_of3A_40] : memref<160000xi32, #tpu.memory_space<hbm>> -> memref<128xi32, #tpu.memory_space<hbm>>
      %dma_wait3A_132 = arith.constant 0 : i32
      %dma_wait3A_133 = tpu.memref_slice %arg6[%dma_wait3A, %dma_wait3A_132] : memref<3x128xi32, #tpu.memory_space<vmem>> -> memref<1x128xi32, #tpu.memory_space<vmem>>
      %dma_wait3A_134 = tpu.memref_squeeze %dma_wait3A_133 : memref<1x128xi32, #tpu.memory_space<vmem>> -> memref<128xi32, #tpu.memory_space<vmem>>
      %dma_wait3A_135 = tpu.memref_slice %arg3[%multiple_of3A_40] : memref<160000xi32, #tpu.memory_space<hbm>> -> memref<128xi32, #tpu.memory_space<hbm>>
      tpu.wait_dma2 semaphore(%arg8 : memref<!tpu.dma_semaphore, #tpu.memory_space<semaphore_mem>>) src(%dma_wait3A_135 : memref<128xi32, #tpu.memory_space<hbm>>) dst(%dma_wait3A_134 : memref<128xi32, #tpu.memory_space<vmem>>)
      %dma_wait3A_136 = arith.constant 0 : i32
      %dma_wait3A_137 = arith.constant 0 : i32
      %dma_wait3A_138 = arith.constant 0 : i32
      %dma_wait3A_139 = tpu.memref_slice %arg7[%dma_wait3A_136, %dma_wait3A_137, %dma_wait3A_138] : memref<3x128x128xf32, #tpu.memory_space<vmem>> -> memref<1x128x128xf32, #tpu.memory_space<vmem>>
      %dma_wait3A_140 = tpu.memref_squeeze %dma_wait3A_139 : memref<1x128x128xf32, #tpu.memory_space<vmem>> -> memref<128x128xf32, #tpu.memory_space<vmem>>
      %dma_wait3A_141 = arith.constant 0 : i32
      %dma_wait3A_142 = tpu.memref_slice %arg2[%multiple_of3A_40, %dma_wait3A_141] : memref<160000x128xf32, #tpu.memory_space<hbm>> -> memref<128x128xf32, #tpu.memory_space<hbm>>
      %dma_wait3A_143 = arith.constant 0 : i32
      %dma_wait3A_144 = arith.constant 0 : i32
      %dma_wait3A_145 = tpu.memref_slice %arg7[%dma_wait3A_136, %dma_wait3A_143, %dma_wait3A_144] : memref<3x128x128xf32, #tpu.memory_space<vmem>> -> memref<1x128x128xf32, #tpu.memory_space<vmem>>
      %dma_wait3A_146 = tpu.memref_squeeze %dma_wait3A_145 : memref<1x128x128xf32, #tpu.memory_space<vmem>> -> memref<128x128xf32, #tpu.memory_space<vmem>>
      %dma_wait3A_147 = arith.constant 0 : i32
      %dma_wait3A_148 = tpu.memref_slice %arg2[%multiple_of3A_40, %dma_wait3A_147] : memref<160000x128xf32, #tpu.memory_space<hbm>> -> memref<128x128xf32, #tpu.memory_space<hbm>>
      tpu.wait_dma2 semaphore(%arg8 : memref<!tpu.dma_semaphore, #tpu.memory_space<semaphore_mem>>) src(%dma_wait3A_148 : memref<128x128xf32, #tpu.memory_space<hbm>>) dst(%dma_wait3A_146 : memref<128x128xf32, #tpu.memory_space<vmem>>)
      %dma_start3A_149 = arith.constant 0 : i32
      %dma_start3A_150 = arith.constant 0 : i32
      %dma_start3A_151 = arith.constant 0 : i32
      %dma_start3A_152 = arith.constant 0 : i32
      %dma_start3A_153 = tpu.memref_slice %arg7[%dma_start3A_149, %dma_start3A_151, %dma_start3A_152] : memref<3x128x128xf32, #tpu.memory_space<vmem>> -> memref<1x128x128xf32, #tpu.memory_space<vmem>>
      %dma_start3A_154 = tpu.memref_squeeze %dma_start3A_153 : memref<1x128x128xf32, #tpu.memory_space<vmem>> -> memref<128x128xf32, #tpu.memory_space<vmem>>
      %dma_start3A_155 = arith.constant 0 : i32
      %dma_start3A_156 = tpu.memref_slice %arg6[%dma_start3A_150, %dma_start3A_155] : memref<3x128xi32, #tpu.memory_space<vmem>> -> memref<1x128xi32, #tpu.memory_space<vmem>>
      %dma_start3A_157 = tpu.memref_squeeze %dma_start3A_156 : memref<1x128xi32, #tpu.memory_space<vmem>> -> memref<128xi32, #tpu.memory_space<vmem>>
      %dma_start3A_158 = arith.constant 0 : i32
      %dma_start3A_159 = arith.constant 0 : i32
      %dma_start3A_160 = tpu.memref_slice %arg11[%dma_start3A_158, %dma_start3A_159] : memref<10000x128xf32, #tpu.memory_space<vmem_shared>> -> memref<10000x128xf32, #tpu.memory_space<vmem_shared>>
      tpu.enqueue_indirect_dma source(%dma_start3A_154 : memref<128x128xf32, #tpu.memory_space<vmem>>) target(%dma_start3A_160 : memref<10000x128xf32, #tpu.memory_space<vmem_shared>>) offsets(%dma_start3A_157 : memref<128xi32, #tpu.memory_space<vmem>>) semaphore(%arg8 : memref<!tpu.dma_semaphore, #tpu.memory_space<semaphore_mem>>) {add = true}
      %dma_wait3A_161 = arith.constant 1 : i32
      %dma_wait3A_162 = arith.constant 0 : i32
      %dma_wait3A_163 = tpu.memref_slice %arg6[%dma_wait3A_161, %dma_wait3A_162] : memref<3x128xi32, #tpu.memory_space<vmem>> -> memref<1x128xi32, #tpu.memory_space<vmem>>
      %dma_wait3A_164 = tpu.memref_squeeze %dma_wait3A_163 : memref<1x128xi32, #tpu.memory_space<vmem>> -> memref<128xi32, #tpu.memory_space<vmem>>
      %dma_wait3A_165 = tpu.memref_slice %arg3[%multiple_of3A_72] : memref<160000xi32, #tpu.memory_space<hbm>> -> memref<128xi32, #tpu.memory_space<hbm>>
      %dma_wait3A_166 = arith.constant 0 : i32
      %dma_wait3A_167 = tpu.memref_slice %arg6[%dma_wait3A_161, %dma_wait3A_166] : memref<3x128xi32, #tpu.memory_space<vmem>> -> memref<1x128xi32, #tpu.memory_space<vmem>>
      %dma_wait3A_168 = tpu.memref_squeeze %dma_wait3A_167 : memref<1x128xi32, #tpu.memory_space<vmem>> -> memref<128xi32, #tpu.memory_space<vmem>>
      %dma_wait3A_169 = tpu.memref_slice %arg3[%multiple_of3A_72] : memref<160000xi32, #tpu.memory_space<hbm>> -> memref<128xi32, #tpu.memory_space<hbm>>
      tpu.wait_dma2 semaphore(%arg9 : memref<!tpu.dma_semaphore, #tpu.memory_space<semaphore_mem>>) src(%dma_wait3A_169 : memref<128xi32, #tpu.memory_space<hbm>>) dst(%dma_wait3A_168 : memref<128xi32, #tpu.memory_space<vmem>>)
      %dma_wait3A_170 = arith.constant 1 : i32
      %dma_wait3A_171 = arith.constant 0 : i32
      %dma_wait3A_172 = arith.constant 0 : i32
      %dma_wait3A_173 = tpu.memref_slice %arg7[%dma_wait3A_170, %dma_wait3A_171, %dma_wait3A_172] : memref<3x128x128xf32, #tpu.memory_space<vmem>> -> memref<1x128x128xf32, #tpu.memory_space<vmem>>
      %dma_wait3A_174 = tpu.memref_squeeze %dma_wait3A_173 : memref<1x128x128xf32, #tpu.memory_space<vmem>> -> memref<128x128xf32, #tpu.memory_space<vmem>>
      %dma_wait3A_175 = arith.constant 0 : i32
      %dma_wait3A_176 = tpu.memref_slice %arg2[%multiple_of3A_72, %dma_wait3A_175] : memref<160000x128xf32, #tpu.memory_space<hbm>> -> memref<128x128xf32, #tpu.memory_space<hbm>>
      %dma_wait3A_177 = arith.constant 0 : i32
      %dma_wait3A_178 = arith.constant 0 : i32
      %dma_wait3A_179 = tpu.memref_slice %arg7[%dma_wait3A_170, %dma_wait3A_177, %dma_wait3A_178] : memref<3x128x128xf32, #tpu.memory_space<vmem>> -> memref<1x128x128xf32, #tpu.memory_space<vmem>>
      %dma_wait3A_180 = tpu.memref_squeeze %dma_wait3A_179 : memref<1x128x128xf32, #tpu.memory_space<vmem>> -> memref<128x128xf32, #tpu.memory_space<vmem>>
      %dma_wait3A_181 = arith.constant 0 : i32
      %dma_wait3A_182 = tpu.memref_slice %arg2[%multiple_of3A_72, %dma_wait3A_181] : memref<160000x128xf32, #tpu.memory_space<hbm>> -> memref<128x128xf32, #tpu.memory_space<hbm>>
      tpu.wait_dma2 semaphore(%arg9 : memref<!tpu.dma_semaphore, #tpu.memory_space<semaphore_mem>>) src(%dma_wait3A_182 : memref<128x128xf32, #tpu.memory_space<hbm>>) dst(%dma_wait3A_180 : memref<128x128xf32, #tpu.memory_space<vmem>>)
      %dma_start3A_183 = arith.constant 1 : i32
      %dma_start3A_184 = arith.constant 1 : i32
      %dma_start3A_185 = arith.constant 0 : i32
      %dma_start3A_186 = arith.constant 0 : i32
      %dma_start3A_187 = tpu.memref_slice %arg7[%dma_start3A_183, %dma_start3A_185, %dma_start3A_186] : memref<3x128x128xf32, #tpu.memory_space<vmem>> -> memref<1x128x128xf32, #tpu.memory_space<vmem>>
      %dma_start3A_188 = tpu.memref_squeeze %dma_start3A_187 : memref<1x128x128xf32, #tpu.memory_space<vmem>> -> memref<128x128xf32, #tpu.memory_space<vmem>>
      %dma_start3A_189 = arith.constant 0 : i32
      %dma_start3A_190 = tpu.memref_slice %arg6[%dma_start3A_184, %dma_start3A_189] : memref<3x128xi32, #tpu.memory_space<vmem>> -> memref<1x128xi32, #tpu.memory_space<vmem>>
      %dma_start3A_191 = tpu.memref_squeeze %dma_start3A_190 : memref<1x128xi32, #tpu.memory_space<vmem>> -> memref<128xi32, #tpu.memory_space<vmem>>
      %dma_start3A_192 = arith.constant 0 : i32
      %dma_start3A_193 = arith.constant 0 : i32
      %dma_start3A_194 = tpu.memref_slice %arg11[%dma_start3A_192, %dma_start3A_193] : memref<10000x128xf32, #tpu.memory_space<vmem_shared>> -> memref<10000x128xf32, #tpu.memory_space<vmem_shared>>
      tpu.enqueue_indirect_dma source(%dma_start3A_188 : memref<128x128xf32, #tpu.memory_space<vmem>>) target(%dma_start3A_194 : memref<10000x128xf32, #tpu.memory_space<vmem_shared>>) offsets(%dma_start3A_191 : memref<128xi32, #tpu.memory_space<vmem>>) semaphore(%arg9 : memref<!tpu.dma_semaphore, #tpu.memory_space<semaphore_mem>>) {add = true}
      %dma_wait3A_195 = arith.constant 2 : i32
      %dma_wait3A_196 = arith.constant 0 : i32
      %dma_wait3A_197 = tpu.memref_slice %arg6[%dma_wait3A_195, %dma_wait3A_196] : memref<3x128xi32, #tpu.memory_space<vmem>> -> memref<1x128xi32, #tpu.memory_space<vmem>>
      %dma_wait3A_198 = tpu.memref_squeeze %dma_wait3A_197 : memref<1x128xi32, #tpu.memory_space<vmem>> -> memref<128xi32, #tpu.memory_space<vmem>>
      %dma_wait3A_199 = tpu.memref_slice %arg3[%multiple_of3A_105] : memref<160000xi32, #tpu.memory_space<hbm>> -> memref<128xi32, #tpu.memory_space<hbm>>
      %dma_wait3A_200 = arith.constant 0 : i32
      %dma_wait3A_201 = tpu.memref_slice %arg6[%dma_wait3A_195, %dma_wait3A_200] : memref<3x128xi32, #tpu.memory_space<vmem>> -> memref<1x128xi32, #tpu.memory_space<vmem>>
      %dma_wait3A_202 = tpu.memref_squeeze %dma_wait3A_201 : memref<1x128xi32, #tpu.memory_space<vmem>> -> memref<128xi32, #tpu.memory_space<vmem>>
      %dma_wait3A_203 = tpu.memref_slice %arg3[%multiple_of3A_105] : memref<160000xi32, #tpu.memory_space<hbm>> -> memref<128xi32, #tpu.memory_space<hbm>>
      tpu.wait_dma2 semaphore(%arg10 : memref<!tpu.dma_semaphore, #tpu.memory_space<semaphore_mem>>) src(%dma_wait3A_203 : memref<128xi32, #tpu.memory_space<hbm>>) dst(%dma_wait3A_202 : memref<128xi32, #tpu.memory_space<vmem>>)
      %dma_wait3A_204 = arith.constant 2 : i32
      %dma_wait3A_205 = arith.constant 0 : i32
      %dma_wait3A_206 = arith.constant 0 : i32
      %dma_wait3A_207 = tpu.memref_slice %arg7[%dma_wait3A_204, %dma_wait3A_205, %dma_wait3A_206] : memref<3x128x128xf32, #tpu.memory_space<vmem>> -> memref<1x128x128xf32, #tpu.memory_space<vmem>>
      %dma_wait3A_208 = tpu.memref_squeeze %dma_wait3A_207 : memref<1x128x128xf32, #tpu.memory_space<vmem>> -> memref<128x128xf32, #tpu.memory_space<vmem>>
      %dma_wait3A_209 = arith.constant 0 : i32
      %dma_wait3A_210 = tpu.memref_slice %arg2[%multiple_of3A_105, %dma_wait3A_209] : memref<160000x128xf32, #tpu.memory_space<hbm>> -> memref<128x128xf32, #tpu.memory_space<hbm>>
      %dma_wait3A_211 = arith.constant 0 : i32
      %dma_wait3A_212 = arith.constant 0 : i32
      %dma_wait3A_213 = tpu.memref_slice %arg7[%dma_wait3A_204, %dma_wait3A_211, %dma_wait3A_212] : memref<3x128x128xf32, #tpu.memory_space<vmem>> -> memref<1x128x128xf32, #tpu.memory_space<vmem>>
      %dma_wait3A_214 = tpu.memref_squeeze %dma_wait3A_213 : memref<1x128x128xf32, #tpu.memory_space<vmem>> -> memref<128x128xf32, #tpu.memory_space<vmem>>
      %dma_wait3A_215 = arith.constant 0 : i32
      %dma_wait3A_216 = tpu.memref_slice %arg2[%multiple_of3A_105, %dma_wait3A_215] : memref<160000x128xf32, #tpu.memory_space<hbm>> -> memref<128x128xf32, #tpu.memory_space<hbm>>
      tpu.wait_dma2 semaphore(%arg10 : memref<!tpu.dma_semaphore, #tpu.memory_space<semaphore_mem>>) src(%dma_wait3A_216 : memref<128x128xf32, #tpu.memory_space<hbm>>) dst(%dma_wait3A_214 : memref<128x128xf32, #tpu.memory_space<vmem>>)
      %dma_start3A_217 = arith.constant 2 : i32
      %dma_start3A_218 = arith.constant 2 : i32
      %dma_start3A_219 = arith.constant 0 : i32
      %dma_start3A_220 = arith.constant 0 : i32
      %dma_start3A_221 = tpu.memref_slice %arg7[%dma_start3A_217, %dma_start3A_219, %dma_start3A_220] : memref<3x128x128xf32, #tpu.memory_space<vmem>> -> memref<1x128x128xf32, #tpu.memory_space<vmem>>
      %dma_start3A_222 = tpu.memref_squeeze %dma_start3A_221 : memref<1x128x128xf32, #tpu.memory_space<vmem>> -> memref<128x128xf32, #tpu.memory_space<vmem>>
      %dma_start3A_223 = arith.constant 0 : i32
      %dma_start3A_224 = tpu.memref_slice %arg6[%dma_start3A_218, %dma_start3A_223] : memref<3x128xi32, #tpu.memory_space<vmem>> -> memref<1x128xi32, #tpu.memory_space<vmem>>
      %dma_start3A_225 = tpu.memref_squeeze %dma_start3A_224 : memref<1x128xi32, #tpu.memory_space<vmem>> -> memref<128xi32, #tpu.memory_space<vmem>>
      %dma_start3A_226 = arith.constant 0 : i32
      %dma_start3A_227 = arith.constant 0 : i32
      %dma_start3A_228 = tpu.memref_slice %arg11[%dma_start3A_226, %dma_start3A_227] : memref<10000x128xf32, #tpu.memory_space<vmem_shared>> -> memref<10000x128xf32, #tpu.memory_space<vmem_shared>>
      tpu.enqueue_indirect_dma source(%dma_start3A_222 : memref<128x128xf32, #tpu.memory_space<vmem>>) target(%dma_start3A_228 : memref<10000x128xf32, #tpu.memory_space<vmem_shared>>) offsets(%dma_start3A_225 : memref<128xi32, #tpu.memory_space<vmem>>) semaphore(%arg10 : memref<!tpu.dma_semaphore, #tpu.memory_space<semaphore_mem>>) {add = true}
      %dma_wait3A_229 = arith.constant 0 : i32
      %dma_wait3A_230 = arith.constant 0 : i32
      %dma_wait3A_231 = arith.constant 0 : i32
      %dma_wait3A_232 = arith.constant 0 : i32
      %dma_wait3A_233 = tpu.memref_slice %arg7[%dma_wait3A_229, %dma_wait3A_231, %dma_wait3A_232] : memref<3x128x128xf32, #tpu.memory_space<vmem>> -> memref<1x128x128xf32, #tpu.memory_space<vmem>>
      %dma_wait3A_234 = tpu.memref_squeeze %dma_wait3A_233 : memref<1x128x128xf32, #tpu.memory_space<vmem>> -> memref<128x128xf32, #tpu.memory_space<vmem>>
      %dma_wait3A_235 = arith.constant 0 : i32
      %dma_wait3A_236 = tpu.memref_slice %arg6[%dma_wait3A_230, %dma_wait3A_235] : memref<3x128xi32, #tpu.memory_space<vmem>> -> memref<1x128xi32, #tpu.memory_space<vmem>>
      %dma_wait3A_237 = tpu.memref_squeeze %dma_wait3A_236 : memref<1x128xi32, #tpu.memory_space<vmem>> -> memref<128xi32, #tpu.memory_space<vmem>>
      %dma_wait3A_238 = arith.constant 0 : i32
      %dma_wait3A_239 = arith.constant 0 : i32
      %dma_wait3A_240 = tpu.memref_slice %arg11[%dma_wait3A_238, %dma_wait3A_239] : memref<10000x128xf32, #tpu.memory_space<vmem_shared>> -> memref<10000x128xf32, #tpu.memory_space<vmem_shared>>
      tpu.wait_indirect_dma semaphore(%arg8 : memref<!tpu.dma_semaphore, #tpu.memory_space<semaphore_mem>>) src(%dma_wait3A_234 : memref<128x128xf32, #tpu.memory_space<vmem>>) dst(%dma_wait3A_240 : memref<10000x128xf32, #tpu.memory_space<vmem_shared>>)
      %dma_wait3A_241 = arith.constant 1 : i32
      %dma_wait3A_242 = arith.constant 1 : i32
      %dma_wait3A_243 = arith.constant 0 : i32
      %dma_wait3A_244 = arith.constant 0 : i32
      %dma_wait3A_245 = tpu.memref_slice %arg7[%dma_wait3A_241, %dma_wait3A_243, %dma_wait3A_244] : memref<3x128x128xf32, #tpu.memory_space<vmem>> -> memref<1x128x128xf32, #tpu.memory_space<vmem>>
      %dma_wait3A_246 = tpu.memref_squeeze %dma_wait3A_245 : memref<1x128x128xf32, #tpu.memory_space<vmem>> -> memref<128x128xf32, #tpu.memory_space<vmem>>
      %dma_wait3A_247 = arith.constant 0 : i32
      %dma_wait3A_248 = tpu.memref_slice %arg6[%dma_wait3A_242, %dma_wait3A_247] : memref<3x128xi32, #tpu.memory_space<vmem>> -> memref<1x128xi32, #tpu.memory_space<vmem>>
      %dma_wait3A_249 = tpu.memref_squeeze %dma_wait3A_248 : memref<1x128xi32, #tpu.memory_space<vmem>> -> memref<128xi32, #tpu.memory_space<vmem>>
      %dma_wait3A_250 = arith.constant 0 : i32
      %dma_wait3A_251 = arith.constant 0 : i32
      %dma_wait3A_252 = tpu.memref_slice %arg11[%dma_wait3A_250, %dma_wait3A_251] : memref<10000x128xf32, #tpu.memory_space<vmem_shared>> -> memref<10000x128xf32, #tpu.memory_space<vmem_shared>>
      tpu.wait_indirect_dma semaphore(%arg9 : memref<!tpu.dma_semaphore, #tpu.memory_space<semaphore_mem>>) src(%dma_wait3A_246 : memref<128x128xf32, #tpu.memory_space<vmem>>) dst(%dma_wait3A_252 : memref<10000x128xf32, #tpu.memory_space<vmem_shared>>)
      %dma_wait3A_253 = arith.constant 2 : i32
      %dma_wait3A_254 = arith.constant 2 : i32
      %dma_wait3A_255 = arith.constant 0 : i32
      %dma_wait3A_256 = arith.constant 0 : i32
      %dma_wait3A_257 = tpu.memref_slice %arg7[%dma_wait3A_253, %dma_wait3A_255, %dma_wait3A_256] : memref<3x128x128xf32, #tpu.memory_space<vmem>> -> memref<1x128x128xf32, #tpu.memory_space<vmem>>
      %dma_wait3A_258 = tpu.memref_squeeze %dma_wait3A_257 : memref<1x128x128xf32, #tpu.memory_space<vmem>> -> memref<128x128xf32, #tpu.memory_space<vmem>>
      %dma_wait3A_259 = arith.constant 0 : i32
      %dma_wait3A_260 = tpu.memref_slice %arg6[%dma_wait3A_254, %dma_wait3A_259] : memref<3x128xi32, #tpu.memory_space<vmem>> -> memref<1x128xi32, #tpu.memory_space<vmem>>
      %dma_wait3A_261 = tpu.memref_squeeze %dma_wait3A_260 : memref<1x128xi32, #tpu.memory_space<vmem>> -> memref<128xi32, #tpu.memory_space<vmem>>
      %dma_wait3A_262 = arith.constant 0 : i32
      %dma_wait3A_263 = arith.constant 0 : i32
      %dma_wait3A_264 = tpu.memref_slice %arg11[%dma_wait3A_262, %dma_wait3A_263] : memref<10000x128xf32, #tpu.memory_space<vmem_shared>> -> memref<10000x128xf32, #tpu.memory_space<vmem_shared>>
      tpu.wait_indirect_dma semaphore(%arg10 : memref<!tpu.dma_semaphore, #tpu.memory_space<semaphore_mem>>) src(%dma_wait3A_258 : memref<128x128xf32, #tpu.memory_space<vmem>>) dst(%dma_wait3A_264 : memref<10000x128xf32, #tpu.memory_space<vmem_shared>>)
    }
    %scan3A_13 = arith.constant 13 : i32
    %lt3A_14 = arith.constant 1 : i32
    %lt3A_15 = arith.cmpi slt, %arg1, %lt3A_14 : i32
    %convert_element_type3A_16 = arith.extui %lt3A_15 : i1 to i32
    %cond3A_17 = arith.constant 0 : i32
    %cond3A_18 = arith.cmpi ne, %convert_element_type3A_16, %cond3A_17 : i32
    scf.if %cond3A_18 {
      %add3A = arith.addi %mul3A_8, %arg1 : i32
      %add3A_30 = arith.constant 624 : i32
      %add3A_31 = arith.addi %add3A, %add3A_30 : i32
      %mul3A_32 = arith.constant 128 : i32
      %mul3A_33 = arith.muli %add3A_31, %mul3A_32 : i32
      %multiple_of3A_34 = tpu.assume_multiple %mul3A_33, 128 : i32
      %run_scoped3A = arith.constant 0 : i32
      "tpu.region"() ({
        %run_scoped3A_38 = tpu.sem_alloc : memref<!tpu.dma_semaphore, #tpu.memory_space<semaphore_mem>>
        %dma_start3A = arith.constant 0 : i32
        %dma_start3A_39 = tpu.memref_slice %arg6[%run_scoped3A, %dma_start3A] : memref<3x128xi32, #tpu.memory_space<vmem>> -> memref<1x128xi32, #tpu.memory_space<vmem>>
        %dma_start3A_40 = tpu.memref_squeeze %dma_start3A_39 : memref<1x128xi32, #tpu.memory_space<vmem>> -> memref<128xi32, #tpu.memory_space<vmem>>
        %dma_start3A_41 = tpu.memref_slice %arg3[%multiple_of3A_34] : memref<160000xi32, #tpu.memory_space<hbm>> -> memref<128xi32, #tpu.memory_space<hbm>>
        %dma_start3A_42 = arith.constant 0 : i32
        %dma_start3A_43 = tpu.memref_slice %arg6[%run_scoped3A, %dma_start3A_42] : memref<3x128xi32, #tpu.memory_space<vmem>> -> memref<1x128xi32, #tpu.memory_space<vmem>>
        %dma_start3A_44 = tpu.memref_squeeze %dma_start3A_43 : memref<1x128xi32, #tpu.memory_space<vmem>> -> memref<128xi32, #tpu.memory_space<vmem>>
        %dma_start3A_45 = tpu.memref_slice %arg3[%multiple_of3A_34] : memref<160000xi32, #tpu.memory_space<hbm>> -> memref<128xi32, #tpu.memory_space<hbm>>
        tpu.enqueue_dma source(%dma_start3A_45 : memref<128xi32, #tpu.memory_space<hbm>>) target(%dma_start3A_44 : memref<128xi32, #tpu.memory_space<vmem>>) target_semaphore(%run_scoped3A_38 : memref<!tpu.dma_semaphore, #tpu.memory_space<semaphore_mem>>)
        %dma_wait3A = arith.constant 0 : i32
        %dma_wait3A_46 = tpu.memref_slice %arg6[%run_scoped3A, %dma_wait3A] : memref<3x128xi32, #tpu.memory_space<vmem>> -> memref<1x128xi32, #tpu.memory_space<vmem>>
        %dma_wait3A_47 = tpu.memref_squeeze %dma_wait3A_46 : memref<1x128xi32, #tpu.memory_space<vmem>> -> memref<128xi32, #tpu.memory_space<vmem>>
        %dma_wait3A_48 = tpu.memref_slice %arg3[%multiple_of3A_34] : memref<160000xi32, #tpu.memory_space<hbm>> -> memref<128xi32, #tpu.memory_space<hbm>>
        %dma_wait3A_49 = arith.constant 0 : i32
        %dma_wait3A_50 = tpu.memref_slice %arg6[%run_scoped3A, %dma_wait3A_49] : memref<3x128xi32, #tpu.memory_space<vmem>> -> memref<1x128xi32, #tpu.memory_space<vmem>>
        %dma_wait3A_51 = tpu.memref_squeeze %dma_wait3A_50 : memref<1x128xi32, #tpu.memory_space<vmem>> -> memref<128xi32, #tpu.memory_space<vmem>>
        %dma_wait3A_52 = tpu.memref_slice %arg3[%multiple_of3A_34] : memref<160000xi32, #tpu.memory_space<hbm>> -> memref<128xi32, #tpu.memory_space<hbm>>
        tpu.wait_dma2 semaphore(%run_scoped3A_38 : memref<!tpu.dma_semaphore, #tpu.memory_space<semaphore_mem>>) src(%dma_wait3A_52 : memref<128xi32, #tpu.memory_space<hbm>>) dst(%dma_wait3A_51 : memref<128xi32, #tpu.memory_space<vmem>>)
        tpu.yield
      }) : () -> ()
      %run_scoped3A_35 = arith.constant 0 : i32
      "tpu.region"() ({
        %run_scoped3A_38 = tpu.sem_alloc : memref<!tpu.dma_semaphore, #tpu.memory_space<semaphore_mem>>
        %dma_start3A = arith.constant 0 : i32
        %dma_start3A_39 = arith.constant 0 : i32
        %dma_start3A_40 = tpu.memref_slice %arg7[%run_scoped3A_35, %dma_start3A, %dma_start3A_39] : memref<3x128x128xf32, #tpu.memory_space<vmem>> -> memref<1x128x128xf32, #tpu.memory_space<vmem>>
        %dma_start3A_41 = tpu.memref_squeeze %dma_start3A_40 : memref<1x128x128xf32, #tpu.memory_space<vmem>> -> memref<128x128xf32, #tpu.memory_space<vmem>>
        %dma_start3A_42 = arith.constant 0 : i32
        %dma_start3A_43 = tpu.memref_slice %arg2[%multiple_of3A_34, %dma_start3A_42] : memref<160000x128xf32, #tpu.memory_space<hbm>> -> memref<128x128xf32, #tpu.memory_space<hbm>>
        %dma_start3A_44 = arith.constant 0 : i32
        %dma_start3A_45 = arith.constant 0 : i32
        %dma_start3A_46 = tpu.memref_slice %arg7[%run_scoped3A_35, %dma_start3A_44, %dma_start3A_45] : memref<3x128x128xf32, #tpu.memory_space<vmem>> -> memref<1x128x128xf32, #tpu.memory_space<vmem>>
        %dma_start3A_47 = tpu.memref_squeeze %dma_start3A_46 : memref<1x128x128xf32, #tpu.memory_space<vmem>> -> memref<128x128xf32, #tpu.memory_space<vmem>>
        %dma_start3A_48 = arith.constant 0 : i32
        %dma_start3A_49 = tpu.memref_slice %arg2[%multiple_of3A_34, %dma_start3A_48] : memref<160000x128xf32, #tpu.memory_space<hbm>> -> memref<128x128xf32, #tpu.memory_space<hbm>>
        tpu.enqueue_dma source(%dma_start3A_49 : memref<128x128xf32, #tpu.memory_space<hbm>>) target(%dma_start3A_47 : memref<128x128xf32, #tpu.memory_space<vmem>>) target_semaphore(%run_scoped3A_38 : memref<!tpu.dma_semaphore, #tpu.memory_space<semaphore_mem>>)
        %dma_wait3A = arith.constant 0 : i32
        %dma_wait3A_50 = arith.constant 0 : i32
        %dma_wait3A_51 = tpu.memref_slice %arg7[%run_scoped3A_35, %dma_wait3A, %dma_wait3A_50] : memref<3x128x128xf32, #tpu.memory_space<vmem>> -> memref<1x128x128xf32, #tpu.memory_space<vmem>>
        %dma_wait3A_52 = tpu.memref_squeeze %dma_wait3A_51 : memref<1x128x128xf32, #tpu.memory_space<vmem>> -> memref<128x128xf32, #tpu.memory_space<vmem>>
        %dma_wait3A_53 = arith.constant 0 : i32
        %dma_wait3A_54 = tpu.memref_slice %arg2[%multiple_of3A_34, %dma_wait3A_53] : memref<160000x128xf32, #tpu.memory_space<hbm>> -> memref<128x128xf32, #tpu.memory_space<hbm>>
        %dma_wait3A_55 = arith.constant 0 : i32
        %dma_wait3A_56 = arith.constant 0 : i32
        %dma_wait3A_57 = tpu.memref_slice %arg7[%run_scoped3A_35, %dma_wait3A_55, %dma_wait3A_56] : memref<3x128x128xf32, #tpu.memory_space<vmem>> -> memref<1x128x128xf32, #tpu.memory_space<vmem>>
        %dma_wait3A_58 = tpu.memref_squeeze %dma_wait3A_57 : memref<1x128x128xf32, #tpu.memory_space<vmem>> -> memref<128x128xf32, #tpu.memory_space<vmem>>
        %dma_wait3A_59 = arith.constant 0 : i32
        %dma_wait3A_60 = tpu.memref_slice %arg2[%multiple_of3A_34, %dma_wait3A_59] : memref<160000x128xf32, #tpu.memory_space<hbm>> -> memref<128x128xf32, #tpu.memory_space<hbm>>
        tpu.wait_dma2 semaphore(%run_scoped3A_38 : memref<!tpu.dma_semaphore, #tpu.memory_space<semaphore_mem>>) src(%dma_wait3A_60 : memref<128x128xf32, #tpu.memory_space<hbm>>) dst(%dma_wait3A_58 : memref<128x128xf32, #tpu.memory_space<vmem>>)
        tpu.yield
      }) : () -> ()
      %run_scoped3A_36 = arith.constant 0 : i32
      %run_scoped3A_37 = arith.constant 0 : i32
      "tpu.region"() ({
        %run_scoped3A_38 = tpu.sem_alloc : memref<!tpu.dma_semaphore, #tpu.memory_space<semaphore_mem>>
        %dma_start3A = arith.constant 0 : i32
        %dma_start3A_39 = arith.constant 0 : i32
        %dma_start3A_40 = tpu.memref_slice %arg7[%run_scoped3A_36, %dma_start3A, %dma_start3A_39] : memref<3x128x128xf32, #tpu.memory_space<vmem>> -> memref<1x128x128xf32, #tpu.memory_space<vmem>>
        %dma_start3A_41 = tpu.memref_squeeze %dma_start3A_40 : memref<1x128x128xf32, #tpu.memory_space<vmem>> -> memref<128x128xf32, #tpu.memory_space<vmem>>
        %dma_start3A_42 = arith.constant 0 : i32
        %dma_start3A_43 = tpu.memref_slice %arg6[%run_scoped3A_37, %dma_start3A_42] : memref<3x128xi32, #tpu.memory_space<vmem>> -> memref<1x128xi32, #tpu.memory_space<vmem>>
        %dma_start3A_44 = tpu.memref_squeeze %dma_start3A_43 : memref<1x128xi32, #tpu.memory_space<vmem>> -> memref<128xi32, #tpu.memory_space<vmem>>
        %dma_start3A_45 = arith.constant 0 : i32
        %dma_start3A_46 = arith.constant 0 : i32
        %dma_start3A_47 = tpu.memref_slice %arg11[%dma_start3A_45, %dma_start3A_46] : memref<10000x128xf32, #tpu.memory_space<vmem_shared>> -> memref<10000x128xf32, #tpu.memory_space<vmem_shared>>
        tpu.enqueue_indirect_dma source(%dma_start3A_41 : memref<128x128xf32, #tpu.memory_space<vmem>>) target(%dma_start3A_47 : memref<10000x128xf32, #tpu.memory_space<vmem_shared>>) offsets(%dma_start3A_44 : memref<128xi32, #tpu.memory_space<vmem>>) semaphore(%run_scoped3A_38 : memref<!tpu.dma_semaphore, #tpu.memory_space<semaphore_mem>>) {add = true}
        %dma_wait3A = arith.constant 0 : i32
        %dma_wait3A_48 = arith.constant 0 : i32
        %dma_wait3A_49 = tpu.memref_slice %arg7[%run_scoped3A_36, %dma_wait3A, %dma_wait3A_48] : memref<3x128x128xf32, #tpu.memory_space<vmem>> -> memref<1x128x128xf32, #tpu.memory_space<vmem>>
        %dma_wait3A_50 = tpu.memref_squeeze %dma_wait3A_49 : memref<1x128x128xf32, #tpu.memory_space<vmem>> -> memref<128x128xf32, #tpu.memory_space<vmem>>
        %dma_wait3A_51 = arith.constant 0 : i32
        %dma_wait3A_52 = tpu.memref_slice %arg6[%run_scoped3A_37, %dma_wait3A_51] : memref<3x128xi32, #tpu.memory_space<vmem>> -> memref<1x128xi32, #tpu.memory_space<vmem>>
        %dma_wait3A_53 = tpu.memref_squeeze %dma_wait3A_52 : memref<1x128xi32, #tpu.memory_space<vmem>> -> memref<128xi32, #tpu.memory_space<vmem>>
        %dma_wait3A_54 = arith.constant 0 : i32
        %dma_wait3A_55 = arith.constant 0 : i32
        %dma_wait3A_56 = tpu.memref_slice %arg11[%dma_wait3A_54, %dma_wait3A_55] : memref<10000x128xf32, #tpu.memory_space<vmem_shared>> -> memref<10000x128xf32, #tpu.memory_space<vmem_shared>>
        tpu.wait_indirect_dma semaphore(%run_scoped3A_38 : memref<!tpu.dma_semaphore, #tpu.memory_space<semaphore_mem>>) src(%dma_wait3A_50 : memref<128x128xf32, #tpu.memory_space<vmem>>) dst(%dma_wait3A_56 : memref<10000x128xf32, #tpu.memory_space<vmem_shared>>)
        tpu.yield
      }) : () -> ()
    } else {
    }
    %barrier3A_19 = arith.constant 0 : index
    tpu.barrier barrier_id(%barrier3A_19)
    %lt3A_20 = arith.constant 15 : i32
    %lt3A_21 = arith.cmpi slt, %arg1, %lt3A_20 : i32
    %convert_element_type3A_22 = arith.extui %lt3A_21 : i1 to i32
    %cond3A_23 = arith.constant 0 : i32
    %cond3A_24 = arith.cmpi ne, %convert_element_type3A_22, %cond3A_23 : i32
    scf.if %cond3A_24 {
      "tpu.region"() ({
        %run_scoped3A = tpu.sem_alloc : memref<!tpu.dma_semaphore, #tpu.memory_space<semaphore_mem>>
        %dma_start3A = arith.constant 0 : i32
        %dma_start3A_30 = tpu.memref_slice %arg5[%arg0, %multiple_of3A, %dma_start3A] : memref<2x10000x128xf32, #tpu.memory_space<hbm>> -> memref<1x632x128xf32, #tpu.memory_space<hbm>>
        %dma_start3A_31 = tpu.memref_squeeze %dma_start3A_30 : memref<1x632x128xf32, #tpu.memory_space<hbm>> -> memref<632x128xf32, #tpu.memory_space<hbm>>
        %dma_start3A_32 = arith.constant 0 : i32
        %dma_start3A_33 = tpu.memref_slice %arg11[%multiple_of3A, %dma_start3A_32] : memref<10000x128xf32, #tpu.memory_space<vmem_shared>> -> memref<632x128xf32, #tpu.memory_space<vmem_shared>>
        tpu.enqueue_dma source(%dma_start3A_33 : memref<632x128xf32, #tpu.memory_space<vmem_shared>>) target(%dma_start3A_31 : memref<632x128xf32, #tpu.memory_space<hbm>>) target_semaphore(%run_scoped3A : memref<!tpu.dma_semaphore, #tpu.memory_space<semaphore_mem>>)
        %dma_wait3A = arith.constant 0 : i32
        %dma_wait3A_34 = tpu.memref_slice %arg5[%arg0, %multiple_of3A, %dma_wait3A] : memref<2x10000x128xf32, #tpu.memory_space<hbm>> -> memref<1x632x128xf32, #tpu.memory_space<hbm>>
        %dma_wait3A_35 = tpu.memref_squeeze %dma_wait3A_34 : memref<1x632x128xf32, #tpu.memory_space<hbm>> -> memref<632x128xf32, #tpu.memory_space<hbm>>
        %dma_wait3A_36 = arith.constant 0 : i32
        %dma_wait3A_37 = tpu.memref_slice %arg11[%multiple_of3A, %dma_wait3A_36] : memref<10000x128xf32, #tpu.memory_space<vmem_shared>> -> memref<632x128xf32, #tpu.memory_space<vmem_shared>>
        tpu.wait_dma2 semaphore(%run_scoped3A : memref<!tpu.dma_semaphore, #tpu.memory_space<semaphore_mem>>) src(%dma_wait3A_37 : memref<632x128xf32, #tpu.memory_space<vmem_shared>>) dst(%dma_wait3A_35 : memref<632x128xf32, #tpu.memory_space<hbm>>)
        tpu.yield
      }) : () -> ()
    } else {
    }
    %eq3A_25 = arith.constant 15 : i32
    %eq3A_26 = arith.cmpi eq, %arg1, %eq3A_25 : i32
    %convert_element_type3A_27 = arith.extui %eq3A_26 : i1 to i32
    %cond3A_28 = arith.constant 0 : i32
    %cond3A_29 = arith.cmpi ne, %convert_element_type3A_27, %cond3A_28 : i32
    scf.if %cond3A_29 {
      "tpu.region"() ({
        %run_scoped3A = tpu.sem_alloc : memref<!tpu.dma_semaphore, #tpu.memory_space<semaphore_mem>>
        %dma_start3A = arith.constant 9480 : i32
        %dma_start3A_30 = arith.constant 0 : i32
        %dma_start3A_31 = tpu.memref_slice %arg5[%arg0, %dma_start3A, %dma_start3A_30] : memref<2x10000x128xf32, #tpu.memory_space<hbm>> -> memref<1x520x128xf32, #tpu.memory_space<hbm>>
        %dma_start3A_32 = tpu.memref_squeeze %dma_start3A_31 : memref<1x520x128xf32, #tpu.memory_space<hbm>> -> memref<520x128xf32, #tpu.memory_space<hbm>>
        %dma_start3A_33 = arith.constant 9480 : i32
        %dma_start3A_34 = arith.constant 0 : i32
        %dma_start3A_35 = tpu.memref_slice %arg11[%dma_start3A_33, %dma_start3A_34] : memref<10000x128xf32, #tpu.memory_space<vmem_shared>> -> memref<520x128xf32, #tpu.memory_space<vmem_shared>>
        tpu.enqueue_dma source(%dma_start3A_35 : memref<520x128xf32, #tpu.memory_space<vmem_shared>>) target(%dma_start3A_32 : memref<520x128xf32, #tpu.memory_space<hbm>>) target_semaphore(%run_scoped3A : memref<!tpu.dma_semaphore, #tpu.memory_space<semaphore_mem>>)
        %dma_wait3A = arith.constant 9480 : i32
        %dma_wait3A_36 = arith.constant 0 : i32
        %dma_wait3A_37 = tpu.memref_slice %arg5[%arg0, %dma_wait3A, %dma_wait3A_36] : memref<2x10000x128xf32, #tpu.memory_space<hbm>> -> memref<1x520x128xf32, #tpu.memory_space<hbm>>
        %dma_wait3A_38 = tpu.memref_squeeze %dma_wait3A_37 : memref<1x520x128xf32, #tpu.memory_space<hbm>> -> memref<520x128xf32, #tpu.memory_space<hbm>>
        %dma_wait3A_39 = arith.constant 9480 : i32
        %dma_wait3A_40 = arith.constant 0 : i32
        %dma_wait3A_41 = tpu.memref_slice %arg11[%dma_wait3A_39, %dma_wait3A_40] : memref<10000x128xf32, #tpu.memory_space<vmem_shared>> -> memref<520x128xf32, #tpu.memory_space<vmem_shared>>
        tpu.wait_dma2 semaphore(%run_scoped3A : memref<!tpu.dma_semaphore, #tpu.memory_space<semaphore_mem>>) src(%dma_wait3A_41 : memref<520x128xf32, #tpu.memory_space<vmem_shared>>) dst(%dma_wait3A_38 : memref<520x128xf32, #tpu.memory_space<hbm>>)
        tpu.yield
      }) : () -> ()
    } else {
    }
    return
  }
}

module attributes {stable_mosaic.version = 14 : i64} {
  func.func @_embed_body(%arg0: i32, %arg1: memref<1000x1xf32, #tpu.memory_space<vmem>>, %arg2: memref<1000x4xf32, #tpu.memory_space<vmem>>, %arg3: memref<1x256xf32, #tpu.memory_space<vmem>>, %arg4: memref<1x64xf32, #tpu.memory_space<vmem>>, %arg5: memref<1000x128xf32, #tpu.memory_space<vmem>>, %arg6: memref<1000x128xf32, #tpu.memory_space<vmem>>) attributes {dimension_semantics = [#tpu.dimension_semantics<arbitrary>], iteration_bounds = array<i64: 10>, scalar_prefetch = 0 : i64, scratch_operands = 0 : i64, tpu.core_type = #tpu.core_type<tc>, window_params = [{transform_indices = @transform_0, window_bounds = array<i64: 1000, 1>}, {transform_indices = @transform_1, window_bounds = array<i64: 1000, 4>}, {pipeline_mode = #tpu.pipeline_mode<synchronous>, transform_indices = @transform_2, window_bounds = array<i64: 1, 256>}, {pipeline_mode = #tpu.pipeline_mode<synchronous>, transform_indices = @transform_3, window_bounds = array<i64: 1, 64>}, {transform_indices = @transform_4, window_bounds = array<i64: 1000, 128>}, {transform_indices = @transform_5, window_bounds = array<i64: 1000, 128>}]} {
    %get3A = arith.constant 0 : index
    %get3A_0 = arith.constant 0 : index
    %get3A_1 = vector.load %arg1[%get3A, %get3A_0] : memref<1000x1xf32, #tpu.memory_space<vmem>>, vector<1000x1xf32>
    %get3A_2 = arith.constant 0 : index
    %get3A_3 = arith.constant 0 : index
    %get3A_4 = vector.load %arg3[%get3A_2, %get3A_3] : memref<1x256xf32, #tpu.memory_space<vmem>>, vector<1x256xf32>
    %mul3A = vector.broadcast %get3A_1 : vector<1000x1xf32> to vector<1000x256xf32>
    %mul3A_5 = vector.broadcast %get3A_4 : vector<1x256xf32> to vector<1000x256xf32>
    %mul3A_6 = arith.mulf %mul3A, %mul3A_5 : vector<1000x256xf32>
    %get3A_7 = arith.constant 0 : index
    %get3A_8 = arith.constant 0 : index
    %get3A_9 = vector.load %arg2[%get3A_7, %get3A_8] : memref<1000x4xf32, #tpu.memory_space<vmem>>, vector<1000x4xf32>
    %slice3A = vector.extract_strided_slice %mul3A_6 {offsets = [0, 0], sizes = [1000, 64], strides = [1, 1]} : vector<1000x256xf32> to vector<1000x64xf32>
    %slice3A_10 = vector.extract_strided_slice %get3A_9 {offsets = [0, 0], sizes = [1000, 1], strides = [1, 1]} : vector<1000x4xf32> to vector<1000x1xf32>
    %mul3A_11 = vector.broadcast %slice3A_10 : vector<1000x1xf32> to vector<1000x64xf32>
    %mul3A_12 = arith.mulf %slice3A, %mul3A_11 : vector<1000x64xf32>
    %slice3A_13 = vector.extract_strided_slice %mul3A_6 {offsets = [0, 64], sizes = [1000, 64], strides = [1, 1]} : vector<1000x256xf32> to vector<1000x64xf32>
    %slice3A_14 = vector.extract_strided_slice %get3A_9 {offsets = [0, 1], sizes = [1000, 1], strides = [1, 1]} : vector<1000x4xf32> to vector<1000x1xf32>
    %mul3A_15 = vector.broadcast %slice3A_14 : vector<1000x1xf32> to vector<1000x64xf32>
    %mul3A_16 = arith.mulf %slice3A_13, %mul3A_15 : vector<1000x64xf32>
    %add3A = arith.addf %mul3A_12, %mul3A_16 : vector<1000x64xf32>
    %slice3A_17 = vector.extract_strided_slice %mul3A_6 {offsets = [0, 128], sizes = [1000, 64], strides = [1, 1]} : vector<1000x256xf32> to vector<1000x64xf32>
    %slice3A_18 = vector.extract_strided_slice %get3A_9 {offsets = [0, 2], sizes = [1000, 1], strides = [1, 1]} : vector<1000x4xf32> to vector<1000x1xf32>
    %mul3A_19 = vector.broadcast %slice3A_18 : vector<1000x1xf32> to vector<1000x64xf32>
    %mul3A_20 = arith.mulf %slice3A_17, %mul3A_19 : vector<1000x64xf32>
    %add3A_21 = arith.addf %add3A, %mul3A_20 : vector<1000x64xf32>
    %slice3A_22 = vector.extract_strided_slice %mul3A_6 {offsets = [0, 192], sizes = [1000, 64], strides = [1, 1]} : vector<1000x256xf32> to vector<1000x64xf32>
    %slice3A_23 = vector.extract_strided_slice %get3A_9 {offsets = [0, 3], sizes = [1000, 1], strides = [1, 1]} : vector<1000x4xf32> to vector<1000x1xf32>
    %mul3A_24 = vector.broadcast %slice3A_23 : vector<1000x1xf32> to vector<1000x64xf32>
    %mul3A_25 = arith.mulf %slice3A_22, %mul3A_24 : vector<1000x64xf32>
    %add3A_26 = arith.addf %add3A_21, %mul3A_25 : vector<1000x64xf32>
    %get3A_27 = arith.constant 0 : index
    %get3A_28 = arith.constant 0 : index
    %get3A_29 = vector.load %arg4[%get3A_27, %get3A_28] : memref<1x64xf32, #tpu.memory_space<vmem>>, vector<1x64xf32>
    %add3A_30 = vector.broadcast %get3A_29 : vector<1x64xf32> to vector<1000x64xf32>
    %add3A_31 = arith.addf %add3A_26, %add3A_30 : vector<1000x64xf32>
    %broadcast_in_dim3A = arith.constant 0.000000e+00 : f32
    %broadcast_in_dim3A_32 = vector.broadcast %broadcast_in_dim3A : f32 to vector<1000x64xf32>
    %concatenate3A = tpu.concatenate %add3A_31, %broadcast_in_dim3A_32 in 1 : vector<1000x64xf32>, vector<1000x64xf32> -> vector<1000x128xf32>
    %swap3A = arith.constant 0 : index
    %swap3A_33 = arith.constant 0 : index
    %swap3A_34 = vector.load %arg5[%swap3A, %swap3A_33] : memref<1000x128xf32, #tpu.memory_space<vmem>>, vector<1000x128xf32>
    tpu.vector_store %arg5[%swap3A, %swap3A_33], %concatenate3A {strides = array<i32>} : memref<1000x128xf32, #tpu.memory_space<vmem>>, vector<1000x128xf32>,
    %concatenate3A_35 = tpu.concatenate %broadcast_in_dim3A_32, %add3A_31 in 1 : vector<1000x64xf32>, vector<1000x64xf32> -> vector<1000x128xf32>
    %swap3A_36 = arith.constant 0 : index
    %swap3A_37 = arith.constant 0 : index
    %swap3A_38 = vector.load %arg6[%swap3A_36, %swap3A_37] : memref<1000x128xf32, #tpu.memory_space<vmem>>, vector<1000x128xf32>
    tpu.vector_store %arg6[%swap3A_36, %swap3A_37], %concatenate3A_35 {strides = array<i32>} : memref<1000x128xf32, #tpu.memory_space<vmem>>, vector<1000x128xf32>,
    return
  }
  func.func @transform_0(%arg0: i32) -> (i32, i32) {
    %c0_i32 = arith.constant 0 : i32
    %c0_i32_0 = arith.constant 0 : i32
    return %arg0, %c0_i32 : i32, i32
  }
  func.func @transform_1(%arg0: i32) -> (i32, i32) {
    %c0_i32 = arith.constant 0 : i32
    %c0_i32_0 = arith.constant 0 : i32
    return %arg0, %c0_i32 : i32, i32
  }
  func.func @transform_2(%arg0: i32) -> (i32, i32) {
    %c0_i32 = arith.constant 0 : i32
    %c0_i32_0 = arith.constant 0 : i32
    %c0_i32_1 = arith.constant 0 : i32
    return %c0_i32, %c0_i32_0 : i32, i32
  }
  func.func @transform_3(%arg0: i32) -> (i32, i32) {
    %c0_i32 = arith.constant 0 : i32
    %c0_i32_0 = arith.constant 0 : i32
    %c0_i32_1 = arith.constant 0 : i32
    return %c0_i32, %c0_i32_0 : i32, i32
  }
  func.func @transform_4(%arg0: i32) -> (i32, i32) {
    %c0_i32 = arith.constant 0 : i32
    %c0_i32_0 = arith.constant 0 : i32
    return %arg0, %c0_i32 : i32, i32
  }
  func.func @transform_5(%arg0: i32) -> (i32, i32) {
    %c0_i32 = arith.constant 0 : i32
    %c0_i32_0 = arith.constant 0 : i32
    return %arg0, %c0_i32 : i32, i32
  }
}

module attributes {stable_mosaic.version = 14 : i64} {
  func.func @_edge_body(%arg0: i32, %arg1: memref<2000x128xf32, #tpu.memory_space<vmem>>, %arg2: memref<2000x4xf32, #tpu.memory_space<vmem>>, %arg3: memref<2000x1xf32, #tpu.memory_space<vmem>>, %arg4: memref<128x256xf32, #tpu.memory_space<vmem>>, %arg5: memref<1x256xf32, #tpu.memory_space<vmem>>, %arg6: memref<64x256xf32, #tpu.memory_space<vmem>>, %arg7: memref<1x64xf32, #tpu.memory_space<vmem>>, %arg8: memref<1x64xf32, #tpu.memory_space<vmem>>, %arg9: memref<2000x128xf32, #tpu.memory_space<vmem>>) attributes {dimension_semantics = [#tpu.dimension_semantics<arbitrary>], iteration_bounds = array<i64: 80>, scalar_prefetch = 0 : i64, scratch_operands = 0 : i64, tpu.core_type = #tpu.core_type<tc>, window_params = [{transform_indices = @transform_0, window_bounds = array<i64: 2000, 128>}, {transform_indices = @transform_1, window_bounds = array<i64: 2000, 4>}, {transform_indices = @transform_2, window_bounds = array<i64: 2000, 1>}, {pipeline_mode = #tpu.pipeline_mode<synchronous>, transform_indices = @transform_3, window_bounds = array<i64: 128, 256>}, {pipeline_mode = #tpu.pipeline_mode<synchronous>, transform_indices = @transform_4, window_bounds = array<i64: 1, 256>}, {pipeline_mode = #tpu.pipeline_mode<synchronous>, transform_indices = @transform_5, window_bounds = array<i64: 64, 256>}, {pipeline_mode = #tpu.pipeline_mode<synchronous>, transform_indices = @transform_6, window_bounds = array<i64: 1, 64>}, {pipeline_mode = #tpu.pipeline_mode<synchronous>, transform_indices = @transform_7, window_bounds = array<i64: 1, 64>}, {transform_indices = @transform_8, window_bounds = array<i64: 2000, 128>}]} {
    %get3A = arith.constant 0 : index
    %get3A_0 = arith.constant 0 : index
    %get3A_1 = vector.load %arg1[%get3A, %get3A_0] : memref<2000x128xf32, #tpu.memory_space<vmem>>, vector<2000x128xf32>
    %get3A_2 = arith.constant 0 : index
    %get3A_3 = arith.constant 0 : index
    %get3A_4 = vector.load %arg4[%get3A_2, %get3A_3] : memref<128x256xf32, #tpu.memory_space<vmem>>, vector<128x256xf32>
    %convert_element_type3A = arith.truncf %get3A_1 : vector<2000x128xf32> to vector<2000x128xbf16>
    %convert_element_type3A_5 = arith.truncf %get3A_4 : vector<128x256xf32> to vector<128x256xbf16>
    %dot_general3A = arith.constant dense<0.000000e+00> : vector<2000x256xf32>
    %dot_general3A_6 = tpu.matmul %convert_element_type3A, %convert_element_type3A_5, %dot_general3A {dimension_numbers = #tpu.dot_dimension_numbers<[1], [0], [0], [1], [0, 0, 1, 1], [], []>, transpose_lhs_hint = false} : vector<2000x128xbf16>, vector<128x256xbf16>, vector<2000x256xf32> -> vector<2000x256xf32>
    %get3A_7 = arith.constant 0 : index
    %get3A_8 = arith.constant 0 : index
    %get3A_9 = vector.load %arg3[%get3A_7, %get3A_8] : memref<2000x1xf32, #tpu.memory_space<vmem>>, vector<2000x1xf32>
    %get3A_10 = arith.constant 0 : index
    %get3A_11 = arith.constant 0 : index
    %get3A_12 = vector.load %arg5[%get3A_10, %get3A_11] : memref<1x256xf32, #tpu.memory_space<vmem>>, vector<1x256xf32>
    %convert_element_type3A_13 = arith.truncf %get3A_9 : vector<2000x1xf32> to vector<2000x1xbf16>
    %convert_element_type3A_14 = arith.truncf %get3A_12 : vector<1x256xf32> to vector<1x256xbf16>
    %dot_general3A_15 = arith.constant dense<0.000000e+00> : vector<2000x256xf32>
    %dot_general3A_16 = tpu.matmul %convert_element_type3A_13, %convert_element_type3A_14, %dot_general3A_15 {dimension_numbers = #tpu.dot_dimension_numbers<[1], [0], [0], [1], [0, 0, 1, 1], [], []>, transpose_lhs_hint = false} : vector<2000x1xbf16>, vector<1x256xbf16>, vector<2000x256xf32> -> vector<2000x256xf32>
    %add3A = arith.addf %dot_general3A_6, %dot_general3A_16 : vector<2000x256xf32>
    %get3A_17 = arith.constant 0 : index
    %get3A_18 = arith.constant 0 : index
    %get3A_19 = vector.load %arg2[%get3A_17, %get3A_18] : memref<2000x4xf32, #tpu.memory_space<vmem>>, vector<2000x4xf32>
    %slice3A = vector.extract_strided_slice %add3A {offsets = [0, 0], sizes = [2000, 64], strides = [1, 1]} : vector<2000x256xf32> to vector<2000x64xf32>
    %slice3A_20 = vector.extract_strided_slice %get3A_19 {offsets = [0, 0], sizes = [2000, 1], strides = [1, 1]} : vector<2000x4xf32> to vector<2000x1xf32>
    %mul3A = vector.broadcast %slice3A_20 : vector<2000x1xf32> to vector<2000x64xf32>
    %mul3A_21 = arith.mulf %slice3A, %mul3A : vector<2000x64xf32>
    %slice3A_22 = vector.extract_strided_slice %add3A {offsets = [0, 64], sizes = [2000, 64], strides = [1, 1]} : vector<2000x256xf32> to vector<2000x64xf32>
    %slice3A_23 = vector.extract_strided_slice %get3A_19 {offsets = [0, 1], sizes = [2000, 1], strides = [1, 1]} : vector<2000x4xf32> to vector<2000x1xf32>
    %mul3A_24 = vector.broadcast %slice3A_23 : vector<2000x1xf32> to vector<2000x64xf32>
    %mul3A_25 = arith.mulf %slice3A_22, %mul3A_24 : vector<2000x64xf32>
    %add3A_26 = arith.addf %mul3A_21, %mul3A_25 : vector<2000x64xf32>
    %slice3A_27 = vector.extract_strided_slice %add3A {offsets = [0, 128], sizes = [2000, 64], strides = [1, 1]} : vector<2000x256xf32> to vector<2000x64xf32>
    %slice3A_28 = vector.extract_strided_slice %get3A_19 {offsets = [0, 2], sizes = [2000, 1], strides = [1, 1]} : vector<2000x4xf32> to vector<2000x1xf32>
    %mul3A_29 = vector.broadcast %slice3A_28 : vector<2000x1xf32> to vector<2000x64xf32>
    %mul3A_30 = arith.mulf %slice3A_27, %mul3A_29 : vector<2000x64xf32>
    %add3A_31 = arith.addf %add3A_26, %mul3A_30 : vector<2000x64xf32>
    %slice3A_32 = vector.extract_strided_slice %add3A {offsets = [0, 192], sizes = [2000, 64], strides = [1, 1]} : vector<2000x256xf32> to vector<2000x64xf32>
    %slice3A_33 = vector.extract_strided_slice %get3A_19 {offsets = [0, 3], sizes = [2000, 1], strides = [1, 1]} : vector<2000x4xf32> to vector<2000x1xf32>
    %mul3A_34 = vector.broadcast %slice3A_33 : vector<2000x1xf32> to vector<2000x64xf32>
    %mul3A_35 = arith.mulf %slice3A_32, %mul3A_34 : vector<2000x64xf32>
    %add3A_36 = arith.addf %add3A_31, %mul3A_35 : vector<2000x64xf32>
    %get3A_37 = arith.constant 0 : index
    %get3A_38 = arith.constant 0 : index
    %get3A_39 = vector.load %arg7[%get3A_37, %get3A_38] : memref<1x64xf32, #tpu.memory_space<vmem>>, vector<1x64xf32>
    %add3A_40 = vector.broadcast %get3A_39 : vector<1x64xf32> to vector<2000x64xf32>
    %add3A_41 = arith.addf %add3A_36, %add3A_40 : vector<2000x64xf32>
    %logistic3A = arith.negf %add3A_41 : vector<2000x64xf32>
    %logistic3A_42 = math.exp %logistic3A : vector<2000x64xf32>
    %logistic3A_43 = arith.constant 1.000000e+00 : f32
    %logistic3A_44 = vector.broadcast %logistic3A_43 : f32 to vector<2000x64xf32>
    %logistic3A_45 = arith.addf %logistic3A_44, %logistic3A_42 : vector<2000x64xf32>
    %logistic3A_46 = arith.divf %logistic3A_44, %logistic3A_45 : vector<2000x64xf32>
    %mul3A_47 = arith.mulf %add3A_41, %logistic3A_46 : vector<2000x64xf32>
    %get3A_48 = arith.constant 0 : index
    %get3A_49 = arith.constant 0 : index
    %get3A_50 = vector.load %arg6[%get3A_48, %get3A_49] : memref<64x256xf32, #tpu.memory_space<vmem>>, vector<64x256xf32>
    %dot_general3A_51 = arith.constant dense<0.000000e+00> : vector<2000x256xf32>
    %dot_general3A_52 = tpu.matmul %mul3A_47, %get3A_50, %dot_general3A_51 {dimension_numbers = #tpu.dot_dimension_numbers<[1], [0], [0], [1], [0, 0, 1, 1], [], []>, precision = #tpu.contract_precision<fp32>, transpose_lhs_hint = false} : vector<2000x64xf32>, vector<64x256xf32>, vector<2000x256xf32> -> vector<2000x256xf32>
    %slice3A_53 = vector.extract_strided_slice %dot_general3A_52 {offsets = [0, 0], sizes = [2000, 64], strides = [1, 1]} : vector<2000x256xf32> to vector<2000x64xf32>
    %slice3A_54 = vector.extract_strided_slice %get3A_19 {offsets = [0, 0], sizes = [2000, 1], strides = [1, 1]} : vector<2000x4xf32> to vector<2000x1xf32>
    %mul3A_55 = vector.broadcast %slice3A_54 : vector<2000x1xf32> to vector<2000x64xf32>
    %mul3A_56 = arith.mulf %slice3A_53, %mul3A_55 : vector<2000x64xf32>
    %slice3A_57 = vector.extract_strided_slice %dot_general3A_52 {offsets = [0, 64], sizes = [2000, 64], strides = [1, 1]} : vector<2000x256xf32> to vector<2000x64xf32>
    %slice3A_58 = vector.extract_strided_slice %get3A_19 {offsets = [0, 1], sizes = [2000, 1], strides = [1, 1]} : vector<2000x4xf32> to vector<2000x1xf32>
    %mul3A_59 = vector.broadcast %slice3A_58 : vector<2000x1xf32> to vector<2000x64xf32>
    %mul3A_60 = arith.mulf %slice3A_57, %mul3A_59 : vector<2000x64xf32>
    %add3A_61 = arith.addf %mul3A_56, %mul3A_60 : vector<2000x64xf32>
    %slice3A_62 = vector.extract_strided_slice %dot_general3A_52 {offsets = [0, 128], sizes = [2000, 64], strides = [1, 1]} : vector<2000x256xf32> to vector<2000x64xf32>
    %slice3A_63 = vector.extract_strided_slice %get3A_19 {offsets = [0, 2], sizes = [2000, 1], strides = [1, 1]} : vector<2000x4xf32> to vector<2000x1xf32>
    %mul3A_64 = vector.broadcast %slice3A_63 : vector<2000x1xf32> to vector<2000x64xf32>
    %mul3A_65 = arith.mulf %slice3A_62, %mul3A_64 : vector<2000x64xf32>
    %add3A_66 = arith.addf %add3A_61, %mul3A_65 : vector<2000x64xf32>
    %slice3A_67 = vector.extract_strided_slice %dot_general3A_52 {offsets = [0, 192], sizes = [2000, 64], strides = [1, 1]} : vector<2000x256xf32> to vector<2000x64xf32>
    %slice3A_68 = vector.extract_strided_slice %get3A_19 {offsets = [0, 3], sizes = [2000, 1], strides = [1, 1]} : vector<2000x4xf32> to vector<2000x1xf32>
    %mul3A_69 = vector.broadcast %slice3A_68 : vector<2000x1xf32> to vector<2000x64xf32>
    %mul3A_70 = arith.mulf %slice3A_67, %mul3A_69 : vector<2000x64xf32>
    %add3A_71 = arith.addf %add3A_66, %mul3A_70 : vector<2000x64xf32>
    %get3A_72 = arith.constant 0 : index
    %get3A_73 = arith.constant 0 : index
    %get3A_74 = vector.load %arg8[%get3A_72, %get3A_73] : memref<1x64xf32, #tpu.memory_space<vmem>>, vector<1x64xf32>
    %add3A_75 = vector.broadcast %get3A_74 : vector<1x64xf32> to vector<2000x64xf32>
    %add3A_76 = arith.addf %add3A_71, %add3A_75 : vector<2000x64xf32>
    %logistic3A_77 = arith.negf %add3A_76 : vector<2000x64xf32>
    %logistic3A_78 = math.exp %logistic3A_77 : vector<2000x64xf32>
    %logistic3A_79 = arith.constant 1.000000e+00 : f32
    %logistic3A_80 = vector.broadcast %logistic3A_79 : f32 to vector<2000x64xf32>
    %logistic3A_81 = arith.addf %logistic3A_80, %logistic3A_78 : vector<2000x64xf32>
    %logistic3A_82 = arith.divf %logistic3A_80, %logistic3A_81 : vector<2000x64xf32>
    %mul3A_83 = arith.mulf %add3A_76, %logistic3A_82 : vector<2000x64xf32>
    %broadcast_in_dim3A = arith.constant 0.000000e+00 : f32
    %broadcast_in_dim3A_84 = vector.broadcast %broadcast_in_dim3A : f32 to vector<2000x64xf32>
    %concatenate3A = tpu.concatenate %mul3A_83, %broadcast_in_dim3A_84 in 1 : vector<2000x64xf32>, vector<2000x64xf32> -> vector<2000x128xf32>
    %swap3A = arith.constant 0 : index
    %swap3A_85 = arith.constant 0 : index
    %swap3A_86 = vector.load %arg9[%swap3A, %swap3A_85] : memref<2000x128xf32, #tpu.memory_space<vmem>>, vector<2000x128xf32>
    tpu.vector_store %arg9[%swap3A, %swap3A_85], %concatenate3A {strides = array<i32>} : memref<2000x128xf32, #tpu.memory_space<vmem>>, vector<2000x128xf32>,
    return
  }
  func.func @transform_0(%arg0: i32) -> (i32, i32) {
    %c0_i32 = arith.constant 0 : i32
    %c0_i32_0 = arith.constant 0 : i32
    return %arg0, %c0_i32 : i32, i32
  }
  func.func @transform_1(%arg0: i32) -> (i32, i32) {
    %c0_i32 = arith.constant 0 : i32
    %c0_i32_0 = arith.constant 0 : i32
    return %arg0, %c0_i32 : i32, i32
  }
  func.func @transform_2(%arg0: i32) -> (i32, i32) {
    %c0_i32 = arith.constant 0 : i32
    %c0_i32_0 = arith.constant 0 : i32
    return %arg0, %c0_i32 : i32, i32
  }
  func.func @transform_3(%arg0: i32) -> (i32, i32) {
    %c0_i32 = arith.constant 0 : i32
    %c0_i32_0 = arith.constant 0 : i32
    %c0_i32_1 = arith.constant 0 : i32
    return %c0_i32, %c0_i32_0 : i32, i32
  }
  func.func @transform_4(%arg0: i32) -> (i32, i32) {
    %c0_i32 = arith.constant 0 : i32
    %c0_i32_0 = arith.constant 0 : i32
    %c0_i32_1 = arith.constant 0 : i32
    return %c0_i32, %c0_i32_0 : i32, i32
  }
  func.func @transform_5(%arg0: i32) -> (i32, i32) {
    %c0_i32 = arith.constant 0 : i32
    %c0_i32_0 = arith.constant 0 : i32
    %c0_i32_1 = arith.constant 0 : i32
    return %c0_i32, %c0_i32_0 : i32, i32
  }
  func.func @transform_6(%arg0: i32) -> (i32, i32) {
    %c0_i32 = arith.constant 0 : i32
    %c0_i32_0 = arith.constant 0 : i32
    %c0_i32_1 = arith.constant 0 : i32
    return %c0_i32, %c0_i32_0 : i32, i32
  }
  func.func @transform_7(%arg0: i32) -> (i32, i32) {
    %c0_i32 = arith.constant 0 : i32
    %c0_i32_0 = arith.constant 0 : i32
    %c0_i32_1 = arith.constant 0 : i32
    return %c0_i32, %c0_i32_0 : i32, i32
  }
  func.func @transform_8(%arg0: i32) -> (i32, i32) {
    %c0_i32 = arith.constant 0 : i32
    %c0_i32_0 = arith.constant 0 : i32
    return %arg0, %c0_i32 : i32, i32
  }
}

module attributes {stable_mosaic.version = 14 : i64} {
  func.func @_node_body(%arg0: i32, %arg1: memref<1000x128xf32, #tpu.memory_space<vmem>>, %arg2: memref<2x1000x128xf32, #tpu.memory_space<vmem>>, %arg3: memref<1000x4xf32, #tpu.memory_space<vmem>>, %arg4: memref<128x256xf32, #tpu.memory_space<vmem>>, %arg5: memref<64x256xf32, #tpu.memory_space<vmem>>, %arg6: memref<1x64xf32, #tpu.memory_space<vmem>>, %arg7: memref<1x64xf32, #tpu.memory_space<vmem>>, %arg8: memref<1000x128xf32, #tpu.memory_space<vmem>>, %arg9: memref<1000x128xf32, #tpu.memory_space<vmem>>) attributes {dimension_semantics = [#tpu.dimension_semantics<arbitrary>], iteration_bounds = array<i64: 10>, scalar_prefetch = 0 : i64, scratch_operands = 0 : i64, tpu.core_type = #tpu.core_type<tc>, window_params = [{transform_indices = @transform_0, window_bounds = array<i64: 1000, 128>}, {transform_indices = @transform_1, window_bounds = array<i64: 2, 1000, 128>}, {transform_indices = @transform_2, window_bounds = array<i64: 1000, 4>}, {pipeline_mode = #tpu.pipeline_mode<synchronous>, transform_indices = @transform_3, window_bounds = array<i64: 128, 256>}, {pipeline_mode = #tpu.pipeline_mode<synchronous>, transform_indices = @transform_4, window_bounds = array<i64: 64, 256>}, {pipeline_mode = #tpu.pipeline_mode<synchronous>, transform_indices = @transform_5, window_bounds = array<i64: 1, 64>}, {pipeline_mode = #tpu.pipeline_mode<synchronous>, transform_indices = @transform_6, window_bounds = array<i64: 1, 64>}, {transform_indices = @transform_7, window_bounds = array<i64: 1000, 128>}, {transform_indices = @transform_8, window_bounds = array<i64: 1000, 128>}]} {
    %get3A = arith.constant 0 : index
    %get3A_0 = arith.constant 0 : index
    %get3A_1 = vector.load %arg1[%get3A, %get3A_0] : memref<1000x128xf32, #tpu.memory_space<vmem>>, vector<1000x64xf32>
    %get3A_2 = arith.constant 0 : index
    %get3A_3 = arith.constant 0 : index
    %get3A_4 = arith.constant 0 : index
    %get3A_5 = vector.load %arg2[%get3A_2, %get3A_3, %get3A_4] : memref<2x1000x128xf32, #tpu.memory_space<vmem>>, vector<1x1000x128xf32>
    %get3A_6 = vector.shape_cast %get3A_5 : vector<1x1000x128xf32> to vector<1000x128xf32>
    %get3A_7 = arith.constant 1 : index
    %get3A_8 = arith.constant 0 : index
    %get3A_9 = arith.constant 0 : index
    %get3A_10 = vector.load %arg2[%get3A_7, %get3A_8, %get3A_9] : memref<2x1000x128xf32, #tpu.memory_space<vmem>>, vector<1x1000x128xf32>
    %get3A_11 = vector.shape_cast %get3A_10 : vector<1x1000x128xf32> to vector<1000x128xf32>
    %add3A = arith.addf %get3A_6, %get3A_11 : vector<1000x128xf32>
    %slice3A = vector.extract_strided_slice %add3A {offsets = [0, 0], sizes = [1000, 64], strides = [1, 1]} : vector<1000x128xf32> to vector<1000x64xf32>
    %concatenate3A = tpu.concatenate %get3A_1, %slice3A in 1 : vector<1000x64xf32>, vector<1000x64xf32> -> vector<1000x128xf32>
    %get3A_12 = arith.constant 0 : index
    %get3A_13 = arith.constant 0 : index
    %get3A_14 = vector.load %arg3[%get3A_12, %get3A_13] : memref<1000x4xf32, #tpu.memory_space<vmem>>, vector<1000x4xf32>
    %get3A_15 = arith.constant 0 : index
    %get3A_16 = arith.constant 0 : index
    %get3A_17 = vector.load %arg4[%get3A_15, %get3A_16] : memref<128x256xf32, #tpu.memory_space<vmem>>, vector<128x256xf32>
    %dot_general3A = arith.constant dense<0.000000e+00> : vector<1000x256xf32>
    %dot_general3A_18 = tpu.matmul %concatenate3A, %get3A_17, %dot_general3A {dimension_numbers = #tpu.dot_dimension_numbers<[1], [0], [0], [1], [0, 0, 1, 1], [], []>, precision = #tpu.contract_precision<fp32>, transpose_lhs_hint = false} : vector<1000x128xf32>, vector<128x256xf32>, vector<1000x256xf32> -> vector<1000x256xf32>
    %slice3A_19 = vector.extract_strided_slice %dot_general3A_18 {offsets = [0, 0], sizes = [1000, 64], strides = [1, 1]} : vector<1000x256xf32> to vector<1000x64xf32>
    %slice3A_20 = vector.extract_strided_slice %get3A_14 {offsets = [0, 0], sizes = [1000, 1], strides = [1, 1]} : vector<1000x4xf32> to vector<1000x1xf32>
    %mul3A = vector.broadcast %slice3A_20 : vector<1000x1xf32> to vector<1000x64xf32>
    %mul3A_21 = arith.mulf %slice3A_19, %mul3A : vector<1000x64xf32>
    %slice3A_22 = vector.extract_strided_slice %dot_general3A_18 {offsets = [0, 64], sizes = [1000, 64], strides = [1, 1]} : vector<1000x256xf32> to vector<1000x64xf32>
    %slice3A_23 = vector.extract_strided_slice %get3A_14 {offsets = [0, 1], sizes = [1000, 1], strides = [1, 1]} : vector<1000x4xf32> to vector<1000x1xf32>
    %mul3A_24 = vector.broadcast %slice3A_23 : vector<1000x1xf32> to vector<1000x64xf32>
    %mul3A_25 = arith.mulf %slice3A_22, %mul3A_24 : vector<1000x64xf32>
    %add3A_26 = arith.addf %mul3A_21, %mul3A_25 : vector<1000x64xf32>
    %slice3A_27 = vector.extract_strided_slice %dot_general3A_18 {offsets = [0, 128], sizes = [1000, 64], strides = [1, 1]} : vector<1000x256xf32> to vector<1000x64xf32>
    %slice3A_28 = vector.extract_strided_slice %get3A_14 {offsets = [0, 2], sizes = [1000, 1], strides = [1, 1]} : vector<1000x4xf32> to vector<1000x1xf32>
    %mul3A_29 = vector.broadcast %slice3A_28 : vector<1000x1xf32> to vector<1000x64xf32>
    %mul3A_30 = arith.mulf %slice3A_27, %mul3A_29 : vector<1000x64xf32>
    %add3A_31 = arith.addf %add3A_26, %mul3A_30 : vector<1000x64xf32>
    %slice3A_32 = vector.extract_strided_slice %dot_general3A_18 {offsets = [0, 192], sizes = [1000, 64], strides = [1, 1]} : vector<1000x256xf32> to vector<1000x64xf32>
    %slice3A_33 = vector.extract_strided_slice %get3A_14 {offsets = [0, 3], sizes = [1000, 1], strides = [1, 1]} : vector<1000x4xf32> to vector<1000x1xf32>
    %mul3A_34 = vector.broadcast %slice3A_33 : vector<1000x1xf32> to vector<1000x64xf32>
    %mul3A_35 = arith.mulf %slice3A_32, %mul3A_34 : vector<1000x64xf32>
    %add3A_36 = arith.addf %add3A_31, %mul3A_35 : vector<1000x64xf32>
    %get3A_37 = arith.constant 0 : index
    %get3A_38 = arith.constant 0 : index
    %get3A_39 = vector.load %arg6[%get3A_37, %get3A_38] : memref<1x64xf32, #tpu.memory_space<vmem>>, vector<1x64xf32>
    %add3A_40 = vector.broadcast %get3A_39 : vector<1x64xf32> to vector<1000x64xf32>
    %add3A_41 = arith.addf %add3A_36, %add3A_40 : vector<1000x64xf32>
    %logistic3A = arith.negf %add3A_41 : vector<1000x64xf32>
    %logistic3A_42 = math.exp %logistic3A : vector<1000x64xf32>
    %logistic3A_43 = arith.constant 1.000000e+00 : f32
    %logistic3A_44 = vector.broadcast %logistic3A_43 : f32 to vector<1000x64xf32>
    %logistic3A_45 = arith.addf %logistic3A_44, %logistic3A_42 : vector<1000x64xf32>
    %logistic3A_46 = arith.divf %logistic3A_44, %logistic3A_45 : vector<1000x64xf32>
    %mul3A_47 = arith.mulf %add3A_41, %logistic3A_46 : vector<1000x64xf32>
    %get3A_48 = arith.constant 0 : index
    %get3A_49 = arith.constant 0 : index
    %get3A_50 = vector.load %arg5[%get3A_48, %get3A_49] : memref<64x256xf32, #tpu.memory_space<vmem>>, vector<64x256xf32>
    %dot_general3A_51 = arith.constant dense<0.000000e+00> : vector<1000x256xf32>
    %dot_general3A_52 = tpu.matmul %mul3A_47, %get3A_50, %dot_general3A_51 {dimension_numbers = #tpu.dot_dimension_numbers<[1], [0], [0], [1], [0, 0, 1, 1], [], []>, precision = #tpu.contract_precision<fp32>, transpose_lhs_hint = false} : vector<1000x64xf32>, vector<64x256xf32>, vector<1000x256xf32> -> vector<1000x256xf32>
    %slice3A_53 = vector.extract_strided_slice %dot_general3A_52 {offsets = [0, 0], sizes = [1000, 64], strides = [1, 1]} : vector<1000x256xf32> to vector<1000x64xf32>
    %slice3A_54 = vector.extract_strided_slice %get3A_14 {offsets = [0, 0], sizes = [1000, 1], strides = [1, 1]} : vector<1000x4xf32> to vector<1000x1xf32>
    %mul3A_55 = vector.broadcast %slice3A_54 : vector<1000x1xf32> to vector<1000x64xf32>
    %mul3A_56 = arith.mulf %slice3A_53, %mul3A_55 : vector<1000x64xf32>
    %slice3A_57 = vector.extract_strided_slice %dot_general3A_52 {offsets = [0, 64], sizes = [1000, 64], strides = [1, 1]} : vector<1000x256xf32> to vector<1000x64xf32>
    %slice3A_58 = vector.extract_strided_slice %get3A_14 {offsets = [0, 1], sizes = [1000, 1], strides = [1, 1]} : vector<1000x4xf32> to vector<1000x1xf32>
    %mul3A_59 = vector.broadcast %slice3A_58 : vector<1000x1xf32> to vector<1000x64xf32>
    %mul3A_60 = arith.mulf %slice3A_57, %mul3A_59 : vector<1000x64xf32>
    %add3A_61 = arith.addf %mul3A_56, %mul3A_60 : vector<1000x64xf32>
    %slice3A_62 = vector.extract_strided_slice %dot_general3A_52 {offsets = [0, 128], sizes = [1000, 64], strides = [1, 1]} : vector<1000x256xf32> to vector<1000x64xf32>
    %slice3A_63 = vector.extract_strided_slice %get3A_14 {offsets = [0, 2], sizes = [1000, 1], strides = [1, 1]} : vector<1000x4xf32> to vector<1000x1xf32>
    %mul3A_64 = vector.broadcast %slice3A_63 : vector<1000x1xf32> to vector<1000x64xf32>
    %mul3A_65 = arith.mulf %slice3A_62, %mul3A_64 : vector<1000x64xf32>
    %add3A_66 = arith.addf %add3A_61, %mul3A_65 : vector<1000x64xf32>
    %slice3A_67 = vector.extract_strided_slice %dot_general3A_52 {offsets = [0, 192], sizes = [1000, 64], strides = [1, 1]} : vector<1000x256xf32> to vector<1000x64xf32>
    %slice3A_68 = vector.extract_strided_slice %get3A_14 {offsets = [0, 3], sizes = [1000, 1], strides = [1, 1]} : vector<1000x4xf32> to vector<1000x1xf32>
    %mul3A_69 = vector.broadcast %slice3A_68 : vector<1000x1xf32> to vector<1000x64xf32>
    %mul3A_70 = arith.mulf %slice3A_67, %mul3A_69 : vector<1000x64xf32>
    %add3A_71 = arith.addf %add3A_66, %mul3A_70 : vector<1000x64xf32>
    %get3A_72 = arith.constant 0 : index
    %get3A_73 = arith.constant 0 : index
    %get3A_74 = vector.load %arg7[%get3A_72, %get3A_73] : memref<1x64xf32, #tpu.memory_space<vmem>>, vector<1x64xf32>
    %add3A_75 = vector.broadcast %get3A_74 : vector<1x64xf32> to vector<1000x64xf32>
    %add3A_76 = arith.addf %add3A_71, %add3A_75 : vector<1000x64xf32>
    %add3A_77 = arith.addf %get3A_1, %add3A_76 : vector<1000x64xf32>
    %broadcast_in_dim3A = arith.constant 0.000000e+00 : f32
    %broadcast_in_dim3A_78 = vector.broadcast %broadcast_in_dim3A : f32 to vector<1000x64xf32>
    %concatenate3A_79 = tpu.concatenate %add3A_77, %broadcast_in_dim3A_78 in 1 : vector<1000x64xf32>, vector<1000x64xf32> -> vector<1000x128xf32>
    %swap3A = arith.constant 0 : index
    %swap3A_80 = arith.constant 0 : index
    %swap3A_81 = vector.load %arg8[%swap3A, %swap3A_80] : memref<1000x128xf32, #tpu.memory_space<vmem>>, vector<1000x128xf32>
    tpu.vector_store %arg8[%swap3A, %swap3A_80], %concatenate3A_79 {strides = array<i32>} : memref<1000x128xf32, #tpu.memory_space<vmem>>, vector<1000x128xf32>,
    %concatenate3A_82 = tpu.concatenate %broadcast_in_dim3A_78, %add3A_77 in 1 : vector<1000x64xf32>, vector<1000x64xf32> -> vector<1000x128xf32>
    %swap3A_83 = arith.constant 0 : index
    %swap3A_84 = arith.constant 0 : index
    %swap3A_85 = vector.load %arg9[%swap3A_83, %swap3A_84] : memref<1000x128xf32, #tpu.memory_space<vmem>>, vector<1000x128xf32>
    tpu.vector_store %arg9[%swap3A_83, %swap3A_84], %concatenate3A_82 {strides = array<i32>} : memref<1000x128xf32, #tpu.memory_space<vmem>>, vector<1000x128xf32>,
    return
  }
  func.func @transform_0(%arg0: i32) -> (i32, i32) {
    %c0_i32 = arith.constant 0 : i32
    %c0_i32_0 = arith.constant 0 : i32
    return %arg0, %c0_i32 : i32, i32
  }
  func.func @transform_1(%arg0: i32) -> (i32, i32, i32) {
    %c0_i32 = arith.constant 0 : i32
    %c0_i32_0 = arith.constant 0 : i32
    %c0_i32_1 = arith.constant 0 : i32
    return %c0_i32, %arg0, %c0_i32_0 : i32, i32, i32
  }
  func.func @transform_2(%arg0: i32) -> (i32, i32) {
    %c0_i32 = arith.constant 0 : i32
    %c0_i32_0 = arith.constant 0 : i32
    return %arg0, %c0_i32 : i32, i32
  }
  func.func @transform_3(%arg0: i32) -> (i32, i32) {
    %c0_i32 = arith.constant 0 : i32
    %c0_i32_0 = arith.constant 0 : i32
    %c0_i32_1 = arith.constant 0 : i32
    return %c0_i32, %c0_i32_0 : i32, i32
  }
  func.func @transform_4(%arg0: i32) -> (i32, i32) {
    %c0_i32 = arith.constant 0 : i32
    %c0_i32_0 = arith.constant 0 : i32
    %c0_i32_1 = arith.constant 0 : i32
    return %c0_i32, %c0_i32_0 : i32, i32
  }
  func.func @transform_5(%arg0: i32) -> (i32, i32) {
    %c0_i32 = arith.constant 0 : i32
    %c0_i32_0 = arith.constant 0 : i32
    %c0_i32_1 = arith.constant 0 : i32
    return %c0_i32, %c0_i32_0 : i32, i32
  }
  func.func @transform_6(%arg0: i32) -> (i32, i32) {
    %c0_i32 = arith.constant 0 : i32
    %c0_i32_0 = arith.constant 0 : i32
    %c0_i32_1 = arith.constant 0 : i32
    return %c0_i32, %c0_i32_0 : i32, i32
  }
  func.func @transform_7(%arg0: i32) -> (i32, i32) {
    %c0_i32 = arith.constant 0 : i32
    %c0_i32_0 = arith.constant 0 : i32
    return %arg0, %c0_i32 : i32, i32
  }
  func.func @transform_8(%arg0: i32) -> (i32, i32) {
    %c0_i32 = arith.constant 0 : i32
    %c0_i32_0 = arith.constant 0 : i32
    return %arg0, %c0_i32 : i32, i32
  }
}

module attributes {stable_mosaic.version = 14 : i64} {
  func.func @_node_body(%arg0: i32, %arg1: memref<1000x128xf32, #tpu.memory_space<vmem>>, %arg2: memref<2x1000x128xf32, #tpu.memory_space<vmem>>, %arg3: memref<1000x4xf32, #tpu.memory_space<vmem>>, %arg4: memref<128x256xf32, #tpu.memory_space<vmem>>, %arg5: memref<64x256xf32, #tpu.memory_space<vmem>>, %arg6: memref<1x64xf32, #tpu.memory_space<vmem>>, %arg7: memref<1x64xf32, #tpu.memory_space<vmem>>, %arg8: memref<1000x128xf32, #tpu.memory_space<vmem>>, %arg9: memref<1000x128xf32, #tpu.memory_space<vmem>>) attributes {dimension_semantics = [#tpu.dimension_semantics<arbitrary>], iteration_bounds = array<i64: 10>, scalar_prefetch = 0 : i64, scratch_operands = 0 : i64, tpu.core_type = #tpu.core_type<tc>, window_params = [{transform_indices = @transform_0, window_bounds = array<i64: 1000, 128>}, {transform_indices = @transform_1, window_bounds = array<i64: 2, 1000, 128>}, {transform_indices = @transform_2, window_bounds = array<i64: 1000, 4>}, {pipeline_mode = #tpu.pipeline_mode<synchronous>, transform_indices = @transform_3, window_bounds = array<i64: 128, 256>}, {pipeline_mode = #tpu.pipeline_mode<synchronous>, transform_indices = @transform_4, window_bounds = array<i64: 64, 256>}, {pipeline_mode = #tpu.pipeline_mode<synchronous>, transform_indices = @transform_5, window_bounds = array<i64: 1, 64>}, {pipeline_mode = #tpu.pipeline_mode<synchronous>, transform_indices = @transform_6, window_bounds = array<i64: 1, 64>}, {transform_indices = @transform_7, window_bounds = array<i64: 1000, 128>}, {transform_indices = @transform_8, window_bounds = array<i64: 1000, 128>}]} {
    %get3A = arith.constant 0 : index
    %get3A_0 = arith.constant 0 : index
    %get3A_1 = vector.load %arg1[%get3A, %get3A_0] : memref<1000x128xf32, #tpu.memory_space<vmem>>, vector<1000x64xf32>
    %get3A_2 = arith.constant 0 : index
    %get3A_3 = arith.constant 0 : index
    %get3A_4 = arith.constant 0 : index
    %get3A_5 = vector.load %arg2[%get3A_2, %get3A_3, %get3A_4] : memref<2x1000x128xf32, #tpu.memory_space<vmem>>, vector<1x1000x128xf32>
    %get3A_6 = vector.shape_cast %get3A_5 : vector<1x1000x128xf32> to vector<1000x128xf32>
    %get3A_7 = arith.constant 1 : index
    %get3A_8 = arith.constant 0 : index
    %get3A_9 = arith.constant 0 : index
    %get3A_10 = vector.load %arg2[%get3A_7, %get3A_8, %get3A_9] : memref<2x1000x128xf32, #tpu.memory_space<vmem>>, vector<1x1000x128xf32>
    %get3A_11 = vector.shape_cast %get3A_10 : vector<1x1000x128xf32> to vector<1000x128xf32>
    %add3A = arith.addf %get3A_6, %get3A_11 : vector<1000x128xf32>
    %slice3A = vector.extract_strided_slice %add3A {offsets = [0, 0], sizes = [1000, 64], strides = [1, 1]} : vector<1000x128xf32> to vector<1000x64xf32>
    %concatenate3A = tpu.concatenate %get3A_1, %slice3A in 1 : vector<1000x64xf32>, vector<1000x64xf32> -> vector<1000x128xf32>
    %get3A_12 = arith.constant 0 : index
    %get3A_13 = arith.constant 0 : index
    %get3A_14 = vector.load %arg3[%get3A_12, %get3A_13] : memref<1000x4xf32, #tpu.memory_space<vmem>>, vector<1000x4xf32>
    %get3A_15 = arith.constant 0 : index
    %get3A_16 = arith.constant 0 : index
    %get3A_17 = vector.load %arg4[%get3A_15, %get3A_16] : memref<128x256xf32, #tpu.memory_space<vmem>>, vector<128x256xf32>
    %dot_general3A = arith.constant dense<0.000000e+00> : vector<1000x256xf32>
    %dot_general3A_18 = tpu.matmul %concatenate3A, %get3A_17, %dot_general3A {dimension_numbers = #tpu.dot_dimension_numbers<[1], [0], [0], [1], [0, 0, 1, 1], [], []>, precision = #tpu.contract_precision<fp32>, transpose_lhs_hint = false} : vector<1000x128xf32>, vector<128x256xf32>, vector<1000x256xf32> -> vector<1000x256xf32>
    %slice3A_19 = vector.extract_strided_slice %dot_general3A_18 {offsets = [0, 0], sizes = [1000, 64], strides = [1, 1]} : vector<1000x256xf32> to vector<1000x64xf32>
    %slice3A_20 = vector.extract_strided_slice %get3A_14 {offsets = [0, 0], sizes = [1000, 1], strides = [1, 1]} : vector<1000x4xf32> to vector<1000x1xf32>
    %mul3A = vector.broadcast %slice3A_20 : vector<1000x1xf32> to vector<1000x64xf32>
    %mul3A_21 = arith.mulf %slice3A_19, %mul3A : vector<1000x64xf32>
    %slice3A_22 = vector.extract_strided_slice %dot_general3A_18 {offsets = [0, 64], sizes = [1000, 64], strides = [1, 1]} : vector<1000x256xf32> to vector<1000x64xf32>
    %slice3A_23 = vector.extract_strided_slice %get3A_14 {offsets = [0, 1], sizes = [1000, 1], strides = [1, 1]} : vector<1000x4xf32> to vector<1000x1xf32>
    %mul3A_24 = vector.broadcast %slice3A_23 : vector<1000x1xf32> to vector<1000x64xf32>
    %mul3A_25 = arith.mulf %slice3A_22, %mul3A_24 : vector<1000x64xf32>
    %add3A_26 = arith.addf %mul3A_21, %mul3A_25 : vector<1000x64xf32>
    %slice3A_27 = vector.extract_strided_slice %dot_general3A_18 {offsets = [0, 128], sizes = [1000, 64], strides = [1, 1]} : vector<1000x256xf32> to vector<1000x64xf32>
    %slice3A_28 = vector.extract_strided_slice %get3A_14 {offsets = [0, 2], sizes = [1000, 1], strides = [1, 1]} : vector<1000x4xf32> to vector<1000x1xf32>
    %mul3A_29 = vector.broadcast %slice3A_28 : vector<1000x1xf32> to vector<1000x64xf32>
    %mul3A_30 = arith.mulf %slice3A_27, %mul3A_29 : vector<1000x64xf32>
    %add3A_31 = arith.addf %add3A_26, %mul3A_30 : vector<1000x64xf32>
    %slice3A_32 = vector.extract_strided_slice %dot_general3A_18 {offsets = [0, 192], sizes = [1000, 64], strides = [1, 1]} : vector<1000x256xf32> to vector<1000x64xf32>
    %slice3A_33 = vector.extract_strided_slice %get3A_14 {offsets = [0, 3], sizes = [1000, 1], strides = [1, 1]} : vector<1000x4xf32> to vector<1000x1xf32>
    %mul3A_34 = vector.broadcast %slice3A_33 : vector<1000x1xf32> to vector<1000x64xf32>
    %mul3A_35 = arith.mulf %slice3A_32, %mul3A_34 : vector<1000x64xf32>
    %add3A_36 = arith.addf %add3A_31, %mul3A_35 : vector<1000x64xf32>
    %get3A_37 = arith.constant 0 : index
    %get3A_38 = arith.constant 0 : index
    %get3A_39 = vector.load %arg6[%get3A_37, %get3A_38] : memref<1x64xf32, #tpu.memory_space<vmem>>, vector<1x64xf32>
    %add3A_40 = vector.broadcast %get3A_39 : vector<1x64xf32> to vector<1000x64xf32>
    %add3A_41 = arith.addf %add3A_36, %add3A_40 : vector<1000x64xf32>
    %logistic3A = arith.negf %add3A_41 : vector<1000x64xf32>
    %logistic3A_42 = math.exp %logistic3A : vector<1000x64xf32>
    %logistic3A_43 = arith.constant 1.000000e+00 : f32
    %logistic3A_44 = vector.broadcast %logistic3A_43 : f32 to vector<1000x64xf32>
    %logistic3A_45 = arith.addf %logistic3A_44, %logistic3A_42 : vector<1000x64xf32>
    %logistic3A_46 = arith.divf %logistic3A_44, %logistic3A_45 : vector<1000x64xf32>
    %mul3A_47 = arith.mulf %add3A_41, %logistic3A_46 : vector<1000x64xf32>
    %get3A_48 = arith.constant 0 : index
    %get3A_49 = arith.constant 0 : index
    %get3A_50 = vector.load %arg5[%get3A_48, %get3A_49] : memref<64x256xf32, #tpu.memory_space<vmem>>, vector<64x256xf32>
    %dot_general3A_51 = arith.constant dense<0.000000e+00> : vector<1000x256xf32>
    %dot_general3A_52 = tpu.matmul %mul3A_47, %get3A_50, %dot_general3A_51 {dimension_numbers = #tpu.dot_dimension_numbers<[1], [0], [0], [1], [0, 0, 1, 1], [], []>, precision = #tpu.contract_precision<fp32>, transpose_lhs_hint = false} : vector<1000x64xf32>, vector<64x256xf32>, vector<1000x256xf32> -> vector<1000x256xf32>
    %slice3A_53 = vector.extract_strided_slice %dot_general3A_52 {offsets = [0, 0], sizes = [1000, 64], strides = [1, 1]} : vector<1000x256xf32> to vector<1000x64xf32>
    %slice3A_54 = vector.extract_strided_slice %get3A_14 {offsets = [0, 0], sizes = [1000, 1], strides = [1, 1]} : vector<1000x4xf32> to vector<1000x1xf32>
    %mul3A_55 = vector.broadcast %slice3A_54 : vector<1000x1xf32> to vector<1000x64xf32>
    %mul3A_56 = arith.mulf %slice3A_53, %mul3A_55 : vector<1000x64xf32>
    %slice3A_57 = vector.extract_strided_slice %dot_general3A_52 {offsets = [0, 64], sizes = [1000, 64], strides = [1, 1]} : vector<1000x256xf32> to vector<1000x64xf32>
    %slice3A_58 = vector.extract_strided_slice %get3A_14 {offsets = [0, 1], sizes = [1000, 1], strides = [1, 1]} : vector<1000x4xf32> to vector<1000x1xf32>
    %mul3A_59 = vector.broadcast %slice3A_58 : vector<1000x1xf32> to vector<1000x64xf32>
    %mul3A_60 = arith.mulf %slice3A_57, %mul3A_59 : vector<1000x64xf32>
    %add3A_61 = arith.addf %mul3A_56, %mul3A_60 : vector<1000x64xf32>
    %slice3A_62 = vector.extract_strided_slice %dot_general3A_52 {offsets = [0, 128], sizes = [1000, 64], strides = [1, 1]} : vector<1000x256xf32> to vector<1000x64xf32>
    %slice3A_63 = vector.extract_strided_slice %get3A_14 {offsets = [0, 2], sizes = [1000, 1], strides = [1, 1]} : vector<1000x4xf32> to vector<1000x1xf32>
    %mul3A_64 = vector.broadcast %slice3A_63 : vector<1000x1xf32> to vector<1000x64xf32>
    %mul3A_65 = arith.mulf %slice3A_62, %mul3A_64 : vector<1000x64xf32>
    %add3A_66 = arith.addf %add3A_61, %mul3A_65 : vector<1000x64xf32>
    %slice3A_67 = vector.extract_strided_slice %dot_general3A_52 {offsets = [0, 192], sizes = [1000, 64], strides = [1, 1]} : vector<1000x256xf32> to vector<1000x64xf32>
    %slice3A_68 = vector.extract_strided_slice %get3A_14 {offsets = [0, 3], sizes = [1000, 1], strides = [1, 1]} : vector<1000x4xf32> to vector<1000x1xf32>
    %mul3A_69 = vector.broadcast %slice3A_68 : vector<1000x1xf32> to vector<1000x64xf32>
    %mul3A_70 = arith.mulf %slice3A_67, %mul3A_69 : vector<1000x64xf32>
    %add3A_71 = arith.addf %add3A_66, %mul3A_70 : vector<1000x64xf32>
    %get3A_72 = arith.constant 0 : index
    %get3A_73 = arith.constant 0 : index
    %get3A_74 = vector.load %arg7[%get3A_72, %get3A_73] : memref<1x64xf32, #tpu.memory_space<vmem>>, vector<1x64xf32>
    %add3A_75 = vector.broadcast %get3A_74 : vector<1x64xf32> to vector<1000x64xf32>
    %add3A_76 = arith.addf %add3A_71, %add3A_75 : vector<1000x64xf32>
    %add3A_77 = arith.addf %get3A_1, %add3A_76 : vector<1000x64xf32>
    %broadcast_in_dim3A = arith.constant 0.000000e+00 : f32
    %broadcast_in_dim3A_78 = vector.broadcast %broadcast_in_dim3A : f32 to vector<1000x64xf32>
    %concatenate3A_79 = tpu.concatenate %add3A_77, %broadcast_in_dim3A_78 in 1 : vector<1000x64xf32>, vector<1000x64xf32> -> vector<1000x128xf32>
    %swap3A = arith.constant 0 : index
    %swap3A_80 = arith.constant 0 : index
    %swap3A_81 = vector.load %arg8[%swap3A, %swap3A_80] : memref<1000x128xf32, #tpu.memory_space<vmem>>, vector<1000x128xf32>
    tpu.vector_store %arg8[%swap3A, %swap3A_80], %concatenate3A_79 {strides = array<i32>} : memref<1000x128xf32, #tpu.memory_space<vmem>>, vector<1000x128xf32>,
    %concatenate3A_82 = tpu.concatenate %broadcast_in_dim3A_78, %add3A_77 in 1 : vector<1000x64xf32>, vector<1000x64xf32> -> vector<1000x128xf32>
    %swap3A_83 = arith.constant 0 : index
    %swap3A_84 = arith.constant 0 : index
    %swap3A_85 = vector.load %arg9[%swap3A_83, %swap3A_84] : memref<1000x128xf32, #tpu.memory_space<vmem>>, vector<1000x128xf32>
    tpu.vector_store %arg9[%swap3A_83, %swap3A_84], %concatenate3A_82 {strides = array<i32>} : memref<1000x128xf32, #tpu.memory_space<vmem>>, vector<1000x128xf32>,
    return
  }
  func.func @transform_0(%arg0: i32) -> (i32, i32) {
    %c0_i32 = arith.constant 0 : i32
    %c0_i32_0 = arith.constant 0 : i32
    return %arg0, %c0_i32 : i32, i32
  }
  func.func @transform_1(%arg0: i32) -> (i32, i32, i32) {
    %c0_i32 = arith.constant 0 : i32
    %c0_i32_0 = arith.constant 0 : i32
    %c0_i32_1 = arith.constant 0 : i32
    return %c0_i32, %arg0, %c0_i32_0 : i32, i32, i32
  }
  func.func @transform_2(%arg0: i32) -> (i32, i32) {
    %c0_i32 = arith.constant 0 : i32
    %c0_i32_0 = arith.constant 0 : i32
    return %arg0, %c0_i32 : i32, i32
  }
  func.func @transform_3(%arg0: i32) -> (i32, i32) {
    %c0_i32 = arith.constant 0 : i32
    %c0_i32_0 = arith.constant 0 : i32
    %c0_i32_1 = arith.constant 0 : i32
    return %c0_i32, %c0_i32_0 : i32, i32
  }
  func.func @transform_4(%arg0: i32) -> (i32, i32) {
    %c0_i32 = arith.constant 0 : i32
    %c0_i32_0 = arith.constant 0 : i32
    %c0_i32_1 = arith.constant 0 : i32
    return %c0_i32, %c0_i32_0 : i32, i32
  }
  func.func @transform_5(%arg0: i32) -> (i32, i32) {
    %c0_i32 = arith.constant 0 : i32
    %c0_i32_0 = arith.constant 0 : i32
    %c0_i32_1 = arith.constant 0 : i32
    return %c0_i32, %c0_i32_0 : i32, i32
  }
  func.func @transform_6(%arg0: i32) -> (i32, i32) {
    %c0_i32 = arith.constant 0 : i32
    %c0_i32_0 = arith.constant 0 : i32
    %c0_i32_1 = arith.constant 0 : i32
    return %c0_i32, %c0_i32_0 : i32, i32
  }
  func.func @transform_7(%arg0: i32) -> (i32, i32) {
    %c0_i32 = arith.constant 0 : i32
    %c0_i32_0 = arith.constant 0 : i32
    return %arg0, %c0_i32 : i32, i32
  }
  func.func @transform_8(%arg0: i32) -> (i32, i32) {
    %c0_i32 = arith.constant 0 : i32
    %c0_i32_0 = arith.constant 0 : i32
    return %arg0, %c0_i32 : i32, i32
  }
}

module attributes {stable_mosaic.version = 14 : i64} {
  func.func @_readout_body(%arg0: i32, %arg1: memref<1000x128xf32, #tpu.memory_space<vmem>>, %arg2: memref<1000x4xf32, #tpu.memory_space<vmem>>, %arg3: memref<64x256xf32, #tpu.memory_space<vmem>>, %arg4: memref<64x256xf32, #tpu.memory_space<vmem>>, %arg5: memref<1x64xf32, #tpu.memory_space<vmem>>, %arg6: memref<1x64xf32, #tpu.memory_space<vmem>>, %arg7: memref<64x64xf32, #tpu.memory_space<vmem>>, %arg8: memref<1x64xf32, #tpu.memory_space<vmem>>, %arg9: memref<64x1xf32, #tpu.memory_space<vmem>>, %arg10: memref<1x1xf32, #tpu.memory_space<vmem>>, %arg11: memref<1x1xf32, #tpu.memory_space<vmem>>, %arg12: memref<1x64xf32, #tpu.memory_space<vmem>>) attributes {dimension_semantics = [#tpu.dimension_semantics<arbitrary>], iteration_bounds = array<i64: 10>, scalar_prefetch = 0 : i64, scratch_operands = 1 : i64, tpu.core_type = #tpu.core_type<tc>, window_params = [{transform_indices = @transform_0, window_bounds = array<i64: 1000, 128>}, {transform_indices = @transform_1, window_bounds = array<i64: 1000, 4>}, {pipeline_mode = #tpu.pipeline_mode<synchronous>, transform_indices = @transform_2, window_bounds = array<i64: 64, 256>}, {pipeline_mode = #tpu.pipeline_mode<synchronous>, transform_indices = @transform_3, window_bounds = array<i64: 64, 256>}, {pipeline_mode = #tpu.pipeline_mode<synchronous>, transform_indices = @transform_4, window_bounds = array<i64: 1, 64>}, {pipeline_mode = #tpu.pipeline_mode<synchronous>, transform_indices = @transform_5, window_bounds = array<i64: 1, 64>}, {pipeline_mode = #tpu.pipeline_mode<synchronous>, transform_indices = @transform_6, window_bounds = array<i64: 64, 64>}, {pipeline_mode = #tpu.pipeline_mode<synchronous>, transform_indices = @transform_7, window_bounds = array<i64: 1, 64>}, {pipeline_mode = #tpu.pipeline_mode<synchronous>, transform_indices = @transform_8, window_bounds = array<i64: 64, 1>}, {pipeline_mode = #tpu.pipeline_mode<synchronous>, transform_indices = @transform_9, window_bounds = array<i64: 1, 1>}, {pipeline_mode = #tpu.pipeline_mode<synchronous>, transform_indices = @transform_10, window_bounds = array<i64: 1, 1>}]} {
    %eq3A = arith.constant 0 : i32
    %eq3A_0 = arith.cmpi eq, %arg0, %eq3A : i32
    %convert_element_type3A = arith.extui %eq3A_0 : i1 to i32
    %cond3A = arith.constant 0 : i32
    %cond3A_1 = arith.cmpi ne, %convert_element_type3A, %cond3A : i32
    scf.if %cond3A_1 {
      %broadcast_in_dim3A_79 = arith.constant 0.000000e+00 : f32
      %broadcast_in_dim3A_80 = vector.broadcast %broadcast_in_dim3A_79 : f32 to vector<1x64xf32>
      %swap3A_81 = arith.constant 0 : index
      %swap3A_82 = arith.constant 0 : index
      %swap3A_83 = vector.load %arg12[%swap3A_81, %swap3A_82] : memref<1x64xf32, #tpu.memory_space<vmem>>, vector<1x64xf32>
      tpu.vector_store %arg12[%swap3A_81, %swap3A_82], %broadcast_in_dim3A_80 {strides = array<i32>} : memref<1x64xf32, #tpu.memory_space<vmem>>, vector<1x64xf32>,
    } else {
    }
    %get3A = arith.constant 0 : index
    %get3A_2 = arith.constant 0 : index
    %get3A_3 = vector.load %arg2[%get3A, %get3A_2] : memref<1000x4xf32, #tpu.memory_space<vmem>>, vector<1000x4xf32>
    %get3A_4 = arith.constant 0 : index
    %get3A_5 = arith.constant 0 : index
    %get3A_6 = vector.load %arg1[%get3A_4, %get3A_5] : memref<1000x128xf32, #tpu.memory_space<vmem>>, vector<1000x64xf32>
    %get3A_7 = arith.constant 0 : index
    %get3A_8 = arith.constant 0 : index
    %get3A_9 = vector.load %arg3[%get3A_7, %get3A_8] : memref<64x256xf32, #tpu.memory_space<vmem>>, vector<64x256xf32>
    %dot_general3A = arith.constant dense<0.000000e+00> : vector<1000x256xf32>
    %dot_general3A_10 = tpu.matmul %get3A_6, %get3A_9, %dot_general3A {dimension_numbers = #tpu.dot_dimension_numbers<[1], [0], [0], [1], [0, 0, 1, 1], [], []>, precision = #tpu.contract_precision<fp32>, transpose_lhs_hint = false} : vector<1000x64xf32>, vector<64x256xf32>, vector<1000x256xf32> -> vector<1000x256xf32>
    %slice3A = vector.extract_strided_slice %dot_general3A_10 {offsets = [0, 0], sizes = [1000, 64], strides = [1, 1]} : vector<1000x256xf32> to vector<1000x64xf32>
    %slice3A_11 = vector.extract_strided_slice %get3A_3 {offsets = [0, 0], sizes = [1000, 1], strides = [1, 1]} : vector<1000x4xf32> to vector<1000x1xf32>
    %mul3A = vector.broadcast %slice3A_11 : vector<1000x1xf32> to vector<1000x64xf32>
    %mul3A_12 = arith.mulf %slice3A, %mul3A : vector<1000x64xf32>
    %slice3A_13 = vector.extract_strided_slice %dot_general3A_10 {offsets = [0, 64], sizes = [1000, 64], strides = [1, 1]} : vector<1000x256xf32> to vector<1000x64xf32>
    %slice3A_14 = vector.extract_strided_slice %get3A_3 {offsets = [0, 1], sizes = [1000, 1], strides = [1, 1]} : vector<1000x4xf32> to vector<1000x1xf32>
    %mul3A_15 = vector.broadcast %slice3A_14 : vector<1000x1xf32> to vector<1000x64xf32>
    %mul3A_16 = arith.mulf %slice3A_13, %mul3A_15 : vector<1000x64xf32>
    %add3A = arith.addf %mul3A_12, %mul3A_16 : vector<1000x64xf32>
    %slice3A_17 = vector.extract_strided_slice %dot_general3A_10 {offsets = [0, 128], sizes = [1000, 64], strides = [1, 1]} : vector<1000x256xf32> to vector<1000x64xf32>
    %slice3A_18 = vector.extract_strided_slice %get3A_3 {offsets = [0, 2], sizes = [1000, 1], strides = [1, 1]} : vector<1000x4xf32> to vector<1000x1xf32>
    %mul3A_19 = vector.broadcast %slice3A_18 : vector<1000x1xf32> to vector<1000x64xf32>
    %mul3A_20 = arith.mulf %slice3A_17, %mul3A_19 : vector<1000x64xf32>
    %add3A_21 = arith.addf %add3A, %mul3A_20 : vector<1000x64xf32>
    %slice3A_22 = vector.extract_strided_slice %dot_general3A_10 {offsets = [0, 192], sizes = [1000, 64], strides = [1, 1]} : vector<1000x256xf32> to vector<1000x64xf32>
    %slice3A_23 = vector.extract_strided_slice %get3A_3 {offsets = [0, 3], sizes = [1000, 1], strides = [1, 1]} : vector<1000x4xf32> to vector<1000x1xf32>
    %mul3A_24 = vector.broadcast %slice3A_23 : vector<1000x1xf32> to vector<1000x64xf32>
    %mul3A_25 = arith.mulf %slice3A_22, %mul3A_24 : vector<1000x64xf32>
    %add3A_26 = arith.addf %add3A_21, %mul3A_25 : vector<1000x64xf32>
    %get3A_27 = arith.constant 0 : index
    %get3A_28 = arith.constant 0 : index
    %get3A_29 = vector.load %arg5[%get3A_27, %get3A_28] : memref<1x64xf32, #tpu.memory_space<vmem>>, vector<1x64xf32>
    %add3A_30 = vector.broadcast %get3A_29 : vector<1x64xf32> to vector<1000x64xf32>
    %add3A_31 = arith.addf %add3A_26, %add3A_30 : vector<1000x64xf32>
    %logistic3A = arith.negf %add3A_31 : vector<1000x64xf32>
    %logistic3A_32 = math.exp %logistic3A : vector<1000x64xf32>
    %logistic3A_33 = arith.constant 1.000000e+00 : f32
    %logistic3A_34 = vector.broadcast %logistic3A_33 : f32 to vector<1000x64xf32>
    %logistic3A_35 = arith.addf %logistic3A_34, %logistic3A_32 : vector<1000x64xf32>
    %logistic3A_36 = arith.divf %logistic3A_34, %logistic3A_35 : vector<1000x64xf32>
    %mul3A_37 = arith.mulf %add3A_31, %logistic3A_36 : vector<1000x64xf32>
    %get3A_38 = arith.constant 0 : index
    %get3A_39 = arith.constant 0 : index
    %get3A_40 = vector.load %arg4[%get3A_38, %get3A_39] : memref<64x256xf32, #tpu.memory_space<vmem>>, vector<64x256xf32>
    %dot_general3A_41 = arith.constant dense<0.000000e+00> : vector<1000x256xf32>
    %dot_general3A_42 = tpu.matmul %mul3A_37, %get3A_40, %dot_general3A_41 {dimension_numbers = #tpu.dot_dimension_numbers<[1], [0], [0], [1], [0, 0, 1, 1], [], []>, precision = #tpu.contract_precision<fp32>, transpose_lhs_hint = false} : vector<1000x64xf32>, vector<64x256xf32>, vector<1000x256xf32> -> vector<1000x256xf32>
    %slice3A_43 = vector.extract_strided_slice %dot_general3A_42 {offsets = [0, 0], sizes = [1000, 64], strides = [1, 1]} : vector<1000x256xf32> to vector<1000x64xf32>
    %slice3A_44 = vector.extract_strided_slice %get3A_3 {offsets = [0, 0], sizes = [1000, 1], strides = [1, 1]} : vector<1000x4xf32> to vector<1000x1xf32>
    %mul3A_45 = vector.broadcast %slice3A_44 : vector<1000x1xf32> to vector<1000x64xf32>
    %mul3A_46 = arith.mulf %slice3A_43, %mul3A_45 : vector<1000x64xf32>
    %slice3A_47 = vector.extract_strided_slice %dot_general3A_42 {offsets = [0, 64], sizes = [1000, 64], strides = [1, 1]} : vector<1000x256xf32> to vector<1000x64xf32>
    %slice3A_48 = vector.extract_strided_slice %get3A_3 {offsets = [0, 1], sizes = [1000, 1], strides = [1, 1]} : vector<1000x4xf32> to vector<1000x1xf32>
    %mul3A_49 = vector.broadcast %slice3A_48 : vector<1000x1xf32> to vector<1000x64xf32>
    %mul3A_50 = arith.mulf %slice3A_47, %mul3A_49 : vector<1000x64xf32>
    %add3A_51 = arith.addf %mul3A_46, %mul3A_50 : vector<1000x64xf32>
    %slice3A_52 = vector.extract_strided_slice %dot_general3A_42 {offsets = [0, 128], sizes = [1000, 64], strides = [1, 1]} : vector<1000x256xf32> to vector<1000x64xf32>
    %slice3A_53 = vector.extract_strided_slice %get3A_3 {offsets = [0, 2], sizes = [1000, 1], strides = [1, 1]} : vector<1000x4xf32> to vector<1000x1xf32>
    %mul3A_54 = vector.broadcast %slice3A_53 : vector<1000x1xf32> to vector<1000x64xf32>
    %mul3A_55 = arith.mulf %slice3A_52, %mul3A_54 : vector<1000x64xf32>
    %add3A_56 = arith.addf %add3A_51, %mul3A_55 : vector<1000x64xf32>
    %slice3A_57 = vector.extract_strided_slice %dot_general3A_42 {offsets = [0, 192], sizes = [1000, 64], strides = [1, 1]} : vector<1000x256xf32> to vector<1000x64xf32>
    %slice3A_58 = vector.extract_strided_slice %get3A_3 {offsets = [0, 3], sizes = [1000, 1], strides = [1, 1]} : vector<1000x4xf32> to vector<1000x1xf32>
    %mul3A_59 = vector.broadcast %slice3A_58 : vector<1000x1xf32> to vector<1000x64xf32>
    %mul3A_60 = arith.mulf %slice3A_57, %mul3A_59 : vector<1000x64xf32>
    %add3A_61 = arith.addf %add3A_56, %mul3A_60 : vector<1000x64xf32>
    %get3A_62 = arith.constant 0 : index
    %get3A_63 = arith.constant 0 : index
    %get3A_64 = vector.load %arg6[%get3A_62, %get3A_63] : memref<1x64xf32, #tpu.memory_space<vmem>>, vector<1x64xf32>
    %add3A_65 = vector.broadcast %get3A_64 : vector<1x64xf32> to vector<1000x64xf32>
    %add3A_66 = arith.addf %add3A_61, %add3A_65 : vector<1000x64xf32>
    %get3A_67 = arith.constant 0 : index
    %get3A_68 = arith.constant 0 : index
    %get3A_69 = vector.load %arg12[%get3A_67, %get3A_68] : memref<1x64xf32, #tpu.memory_space<vmem>>, vector<1x64xf32>
    %reduce_sum3A = arith.constant dense<0.000000e+00> : vector<64xf32>
    %reduce_sum3A_70 = vector.multi_reduction <add>, %add3A_66, %reduce_sum3A [0] : vector<1000x64xf32> to vector<64xf32>
    %broadcast_in_dim3A = vector.shape_cast %reduce_sum3A_70 : vector<64xf32> to vector<1x64xf32>
    %add3A_71 = arith.addf %get3A_69, %broadcast_in_dim3A : vector<1x64xf32>
    %swap3A = arith.constant 0 : index
    %swap3A_72 = arith.constant 0 : index
    %swap3A_73 = vector.load %arg12[%swap3A, %swap3A_72] : memref<1x64xf32, #tpu.memory_space<vmem>>, vector<1x64xf32>
    tpu.vector_store %arg12[%swap3A, %swap3A_72], %add3A_71 {strides = array<i32>} : memref<1x64xf32, #tpu.memory_space<vmem>>, vector<1x64xf32>,
    %eq3A_74 = arith.constant 9 : i32
    %eq3A_75 = arith.cmpi eq, %arg0, %eq3A_74 : i32
    %convert_element_type3A_76 = arith.extui %eq3A_75 : i1 to i32
    %cond3A_77 = arith.constant 0 : i32
    %cond3A_78 = arith.cmpi ne, %convert_element_type3A_76, %cond3A_77 : i32
    scf.if %cond3A_78 {
      %get3A_79 = arith.constant 0 : index
      %get3A_80 = arith.constant 0 : index
      %get3A_81 = vector.load %arg12[%get3A_79, %get3A_80] : memref<1x64xf32, #tpu.memory_space<vmem>>, vector<1x64xf32>
      %div3A = arith.constant 1.000000e+04 : f32
      %div3A_82 = vector.broadcast %div3A : f32 to vector<1x64xf32>
      %div3A_83 = arith.divf %get3A_81, %div3A_82 : vector<1x64xf32>
      %get3A_84 = arith.constant 0 : index
      %get3A_85 = arith.constant 0 : index
      %get3A_86 = vector.load %arg7[%get3A_84, %get3A_85] : memref<64x64xf32, #tpu.memory_space<vmem>>, vector<64x64xf32>
      %dot_general3A_87 = arith.constant dense<0.000000e+00> : vector<1x64xf32>
      %dot_general3A_88 = tpu.matmul %div3A_83, %get3A_86, %dot_general3A_87 {dimension_numbers = #tpu.dot_dimension_numbers<[1], [0], [0], [1], [0, 0, 1, 1], [], []>, precision = #tpu.contract_precision<fp32>, transpose_lhs_hint = false} : vector<1x64xf32>, vector<64x64xf32>, vector<1x64xf32> -> vector<1x64xf32>
      %get3A_89 = arith.constant 0 : index
      %get3A_90 = arith.constant 0 : index
      %get3A_91 = vector.load %arg8[%get3A_89, %get3A_90] : memref<1x64xf32, #tpu.memory_space<vmem>>, vector<1x64xf32>
      %add3A_92 = arith.addf %dot_general3A_88, %get3A_91 : vector<1x64xf32>
      %logistic3A_93 = arith.negf %add3A_92 : vector<1x64xf32>
      %logistic3A_94 = math.exp %logistic3A_93 : vector<1x64xf32>
      %logistic3A_95 = arith.constant 1.000000e+00 : f32
      %logistic3A_96 = vector.broadcast %logistic3A_95 : f32 to vector<1x64xf32>
      %logistic3A_97 = arith.addf %logistic3A_96, %logistic3A_94 : vector<1x64xf32>
      %logistic3A_98 = arith.divf %logistic3A_96, %logistic3A_97 : vector<1x64xf32>
      %mul3A_99 = arith.mulf %add3A_92, %logistic3A_98 : vector<1x64xf32>
      %get3A_100 = arith.constant 0 : index
      %get3A_101 = arith.constant 0 : index
      %get3A_102 = vector.load %arg9[%get3A_100, %get3A_101] : memref<64x1xf32, #tpu.memory_space<vmem>>, vector<64x1xf32>
      %dot_general3A_103 = arith.constant dense<0.000000e+00> : vector<1x1xf32>
      %dot_general3A_104 = tpu.matmul %mul3A_99, %get3A_102, %dot_general3A_103 {dimension_numbers = #tpu.dot_dimension_numbers<[1], [0], [0], [1], [0, 0, 1, 1], [], []>, precision = #tpu.contract_precision<fp32>, transpose_lhs_hint = false} : vector<1x64xf32>, vector<64x1xf32>, vector<1x1xf32> -> vector<1x1xf32>
      %get3A_105 = arith.constant 0 : index
      %get3A_106 = arith.constant 0 : index
      %get3A_107 = vector.load %arg10[%get3A_105, %get3A_106] : memref<1x1xf32, #tpu.memory_space<vmem>>, vector<1x1xf32>
      %add3A_108 = arith.addf %dot_general3A_104, %get3A_107 : vector<1x1xf32>
      %swap3A_109 = arith.constant 0 : index
      %swap3A_110 = arith.constant 0 : index
      %swap3A_111 = vector.load %arg11[%swap3A_109, %swap3A_110] : memref<1x1xf32, #tpu.memory_space<vmem>>, vector<1x1xf32>
      tpu.vector_store %arg11[%swap3A_109, %swap3A_110], %add3A_108 {strides = array<i32>} : memref<1x1xf32, #tpu.memory_space<vmem>>, vector<1x1xf32>,
    } else {
    }
    return
  }
  func.func @transform_0(%arg0: i32) -> (i32, i32) {
    %c0_i32 = arith.constant 0 : i32
    %c0_i32_0 = arith.constant 0 : i32
    return %arg0, %c0_i32 : i32, i32
  }
  func.func @transform_1(%arg0: i32) -> (i32, i32) {
    %c0_i32 = arith.constant 0 : i32
    %c0_i32_0 = arith.constant 0 : i32
    return %arg0, %c0_i32 : i32, i32
  }
  func.func @transform_2(%arg0: i32) -> (i32, i32) {
    %c0_i32 = arith.constant 0 : i32
    %c0_i32_0 = arith.constant 0 : i32
    %c0_i32_1 = arith.constant 0 : i32
    return %c0_i32, %c0_i32_0 : i32, i32
  }
  func.func @transform_3(%arg0: i32) -> (i32, i32) {
    %c0_i32 = arith.constant 0 : i32
    %c0_i32_0 = arith.constant 0 : i32
    %c0_i32_1 = arith.constant 0 : i32
    return %c0_i32, %c0_i32_0 : i32, i32
  }
  func.func @transform_4(%arg0: i32) -> (i32, i32) {
    %c0_i32 = arith.constant 0 : i32
    %c0_i32_0 = arith.constant 0 : i32
    %c0_i32_1 = arith.constant 0 : i32
    return %c0_i32, %c0_i32_0 : i32, i32
  }
  func.func @transform_5(%arg0: i32) -> (i32, i32) {
    %c0_i32 = arith.constant 0 : i32
    %c0_i32_0 = arith.constant 0 : i32
    %c0_i32_1 = arith.constant 0 : i32
    return %c0_i32, %c0_i32_0 : i32, i32
  }
  func.func @transform_6(%arg0: i32) -> (i32, i32) {
    %c0_i32 = arith.constant 0 : i32
    %c0_i32_0 = arith.constant 0 : i32
    %c0_i32_1 = arith.constant 0 : i32
    return %c0_i32, %c0_i32_0 : i32, i32
  }
  func.func @transform_7(%arg0: i32) -> (i32, i32) {
    %c0_i32 = arith.constant 0 : i32
    %c0_i32_0 = arith.constant 0 : i32
    %c0_i32_1 = arith.constant 0 : i32
    return %c0_i32, %c0_i32_0 : i32, i32
  }
  func.func @transform_8(%arg0: i32) -> (i32, i32) {
    %c0_i32 = arith.constant 0 : i32
    %c0_i32_0 = arith.constant 0 : i32
    %c0_i32_1 = arith.constant 0 : i32
    return %c0_i32, %c0_i32_0 : i32, i32
  }
  func.func @transform_9(%arg0: i32) -> (i32, i32) {
    %c0_i32 = arith.constant 0 : i32
    %c0_i32_0 = arith.constant 0 : i32
    %c0_i32_1 = arith.constant 0 : i32
    return %c0_i32, %c0_i32_0 : i32, i32
  }
  func.func @transform_10(%arg0: i32) -> (i32, i32) {
    %c0_i32 = arith.constant 0 : i32
    %c0_i32_0 = arith.constant 0 : i32
    %c0_i32_1 = arith.constant 0 : i32
    return %c0_i32, %c0_i32_0 : i32, i32
  }
}

</mosaic_0001>

<sc_bundles>
// kernel: kernel.12.cloned.1.call-start
scs
__scs_entry_jumppad:
0x0: {  	(pc) =	sbr.rel $0x88, $3  }
0x1: {  	(tag) =	ssettag $0x0;
	lr =	simm.s32 $0x1  }
0x2: {  	[smem:$0x3F82] =	sst lr;
	_ =	strace $0xD0000000  }
0x3: {  	_ = 	snop  }
0x4: {  	_ = 	snop  }
0x5: {  	_ = 	snop  }
0x6: {  	_ = 	snop  }
0x7: {  	_ = 	snop  }
__scs_overlays_trampoline_lowered:
0x8: {  	[smem:$0x3F91] =	sst s0  }
0x9: {  	[smem:$0x3F92] =	sst s1  }
0xa: {  	[smem:$0x3F93] =	sst s2  }
0xb: {  	[smem:$0x3F94] =	sst s3  }
0xc: {  	[smem:$0x3F95] =	sst s4  }
0xd: {  	[smem:$0x3F96] =	sst s5  }
0xe: {  	[smem:$0x3F97] =	sst s6  }
0xf: {  	[smem:$0x3F98] =	sst s7  }
0x10: {  	[smem:$0x3F99] =	sst s8  }
0x11: {  	[smem:$0x3F9A] =	sst s9;
	s0 =	simm.s32 @!p0 $0x0  }
0x12: {  	s1 =	sld [smem:$0x3F80];
	s0 =	simm.s32 @p0 $0x1  }
0x13: {  	[smem:$0x3F9B] =	sst s0;
	s0 =	simm.s32 @!p1 $0x0  }
0x14: {  	s2 =	sld [smem:$0x3F7F];
	s0 =	simm.s32 @p1 $0x1  }
0x15: {  	[smem:$0x3F9C] =	sst s0;
	s0 =	simm.s32 @!p2 $0x0  }
0x16: {  	s3 =	sld [smem:$0x3FDB];
	s0 =	simm.s32 @p2 $0x1  }
0x17: {  	s4 =	simm.s32 $0x1BF5;
	[smem:$0x3F9E] =	sst s0  }
0x18: {  	s0 =	sld [smem:$0x3F81];
	_ =	swait.ge [sflag:s4], $0x0  }
0x19: {  	s7 =	sld [smem:$0x3F82]  }
0x1a: {  	s8 =	sadd.s32 $0xFFFFE003, lr  }
0x1b: {  	s9 =	sadd.s32 $0xFFFFFEF7, lr;
	s5 =	simm.s32 $0xFFFFFFFF;
	p2 =	slt.u32 s8, $0xFFFFF086  }
0x1c: {  	p1 =	slt.u32 s9, $0xF7A;
	s5 =	simm.s32 @!p2 $0x0  }
0x1d: {  	s5 =	simm.s32 @p1 $0x1;
	p0 =	seq.s32 s7, s2  }
0x1e: {  	s7 =	smul.u32 @!p0 $0xF7A, s2;
	p2 =	seq.s32 @!p0 s5, $0x0  }
0x1f: {  	s9 =	smul.u32 $0xF7A, s1;
	s8 =	simm.s32 @!p0 $0x1BF5;
	p2 =	por !p2, p0  }
0x20: {  	[sflag:s8] =	ssyncset.s32 @!p0 $0xFFFFF086;
	s6 =	sadd.s32 @!p0 s3, s7;
	s7 =	simm.s32 @!p0 $0x108  }
0x21: {  	s3 =	sadd.s32 s3, s9;
	s6 =	sadd.s32 @!p0 $0x88, s6;
	s7 =	simm.s32 @p2 $0x1082  }
0x22: {  	[simem:s7], [sflag:s8] =	dma.local @!p0 [hbm:s6], $0xF7A  }
0x23: {  	s9 =	sor.u32 $0xD0000000, s2;
	s6 =	simm.s32 $0x108;
	_ =	swait.ge @!p0 [sflag:s8], $0x0  }
0x24: {  	s3 =	sadd.s32 $0x88, s3;
	s6 =	simm.s32 @!p1 $0x1082;
	[sflag:s4] =	ssyncset.s32 $0xFFFFF086  }
0x25: {  	[simem:s6], [sflag:s4] =	dma.local [hbm:s3], $0xF7A  }
0x26: {  	[smem:$0x3F82] =	sst s1;
	(tag) =	ssettag s2;
	_ =	strace s9  }
0x27: {  	s1 =	sld [smem:$0x3F92]  }
0x28: {  	s2 =	sld [smem:$0x3F93]  }
0x29: {  	s4 =	sld [smem:$0x3F95]  }
0x2a: {  	p0 =	seq.s32 s5, $0x0;
	s5 =	sld [smem:$0x3F96]  }
0x2b: {  	s6 =	sld [smem:$0x3F97]  }
0x2c: {  	s7 =	sld [smem:$0x3F98]  }
0x2d: {  	s3 =	simm.s32 $0x108;
	s8 =	sld [smem:$0x3F99]  }
0x2e: {  	s3 =	simm.s32 @!p0 $0x1082;
	s9 =	sld [smem:$0x3F9A]  }
0x2f: {  	lr =	sadd.s32 s0, s3;
	s0 =	sld [smem:$0x3F91]  }
0x30: {  	s3 =	sld [smem:$0x3F94]  }
0x31: {  	[smem:$0x3F9D] =	sst s10  }
0x32: {  	s10 =	sld [smem:$0x3F9B];
	_ =	sdelay $0x3  }
0x33: {  	p0 =	seq.s32 s10, $0x1;
	s10 =	sld [smem:$0x3F9D];
	_ =	sdelay $0x3  }
0x34: {  	[smem:$0x3F9D] =	sst s10  }
0x35: {  	s10 =	sld [smem:$0x3F9C];
	_ =	sdelay $0x3  }
0x36: {  	p1 =	seq.s32 s10, $0x1;
	s10 =	sld [smem:$0x3F9D];
	_ =	sdelay $0x3  }
0x37: {  	[smem:$0x3F9D] =	sst s10  }
0x38: {  	s10 =	sld [smem:$0x3F9E]  }
0x39: {  	_ = 	snop;
	(pc) =	sbr.ind lr, $3  }
0x3a: {  	_ = 	snop  }
0x3b: {  	_ = 	snop  }
0x3c: {  	p2 =	seq.s32 s10, $0x1;
	s10 =	sld [smem:$0x3F9D]  }
0x3d: {  	_ =	shalt  }
0x3e: {  	_ =	shalt  }
0x3f: {  	_ =	shalt  }
0x40: {  	_ =	shalt  }
0x41: {  	_ =	shalt  }
0x42: {  	_ =	shalt  }
0x43: {  	_ =	shalt  }
0x44: {  	_ =	shalt  }
0x45: {  	_ =	shalt  }
0x46: {  	_ =	shalt  }
0x47: {  	_ =	shalt  }
0x48: {  	_ =	shalt  }
0x49: {  	_ =	shalt  }
0x4a: {  	_ =	shalt  }
0x4b: {  	_ =	shalt  }
0x4c: {  	_ =	shalt  }
0x4d: {  	_ =	shalt  }
0x4e: {  	_ =	shalt  }
0x4f: {  	_ =	shalt  }
0x50: {  	_ =	shalt  }
0x51: {  	_ =	shalt  }
0x52: {  	_ =	shalt  }
0x53: {  	_ =	shalt  }
0x54: {  	_ =	shalt  }
0x55: {  	_ =	shalt  }
0x56: {  	_ =	shalt  }
0x57: {  	_ =	shalt  }
0x58: {  	_ =	shalt  }
0x59: {  	_ =	shalt  }
0x5a: {  	_ =	shalt  }
0x5b: {  	_ =	shalt  }
0x5c: {  	_ =	shalt  }
0x5d: {  	_ =	shalt  }
0x5e: {  	_ =	shalt  }
0x5f: {  	_ =	shalt  }
0x60: {  	_ =	shalt  }
0x61: {  	_ =	shalt  }
0x62: {  	_ =	shalt  }
0x63: {  	_ =	shalt  }
0x64: {  	_ =	shalt  }
0x65: {  	_ =	shalt  }
0x66: {  	_ =	shalt  }
0x67: {  	_ =	shalt  }
0x68: {  	_ =	shalt  }
0x69: {  	_ =	shalt  }
0x6a: {  	_ =	shalt  }
0x6b: {  	_ =	shalt  }
0x6c: {  	_ =	shalt  }
0x6d: {  	_ =	shalt  }
0x6e: {  	_ =	shalt  }
0x6f: {  	_ =	shalt  }
0x70: {  	_ =	shalt  }
0x71: {  	_ =	shalt  }
0x72: {  	_ =	shalt  }
0x73: {  	_ =	shalt  }
0x74: {  	_ =	shalt  }
0x75: {  	_ =	shalt  }
0x76: {  	_ =	shalt  }
0x77: {  	_ =	shalt  }
0x78: {  	_ =	shalt  }
0x79: {  	_ =	shalt  }
0x7a: {  	_ =	shalt  }
0x7b: {  	_ =	shalt  }
0x7c: {  	_ =	shalt  }
0x7d: {  	_ =	shalt  }
0x7e: {  	_ =	shalt  }
0x7f: {  	_ =	shalt  }
0x80: {  	_ =	shalt  }
0x81: {  	_ =	shalt  }
0x82: {  	_ =	shalt  }
0x83: {  	_ =	shalt  }
0x84: {  	_ =	shalt  }
0x85: {  	_ =	shalt  }
0x86: {  	_ =	shalt  }
0x87: {  	_ =	shalt  }
.Lfunc_end0:
.L_simem_size_0:
called_computation_lowered:
.L_overlay_start_0:
0x88: {  	s2 =	sld [smem:$0x3FD9]  }
0x89: {  	s3 =	sld [smem:$0x3FFE];
	_ =	sdelay $0x1  }
0x8a: {  	s1 =	srdreg.scid  }
0x8b: {  	s0 =	sand.u32 $0x1, s1  }
0x8c: {  	s16 =	sshll.u32 s0, $0xA;
	s2 =	sadd.s32 s3, s2  }
0x8d: {  	s2 =	sadd.s32 s2, s16  }
0x8e: {  	[smem:$0x3FA9] =	sst s2  }
0x8f: {  	_ = 	snop  }
0x90: {  	(tm) =	ssettm $0x1  }
0x91: {  	s17 =	sld [smem:$0x3FFB];
	_ =	sdelay $0x3  }
0x92: {  	_ =	strace s17  }
0x93: {  	s2 =	sld [smem:$0x3FFC];
	_ =	sdelay $0x3  }
0x94: {  	_ =	strace s2  }
0x95: {  	s2 =	sld [smem:$0x3FFD];
	_ =	sdelay $0x3  }
0x96: {  	_ =	strace s2  }
0x97: {  	_ =	strace $0x8FFFFFFF  }
0x98: {  	s18 =	sld [smem:$0x3FDB];
	_ =	sdelay $0x1  }
0x99: {  	s19 =	simm.s32 $_scs_section_size  }
0x9a: {  	s4 =	simm.s32 $_size__tile_overlayer_lowered;
	s5 =	simm.s32 $_tile_overlayer_lowered  }
0x9b: {  	s22 =	simm.s32 $0x1BFF;
	s21 =	sshll.u32 s5, $0x1;
	s2 =	sadd.s32 s19, s18  }
0x9c: {  	s6 =	simm.s32 $0x0;
	s20 =	sshll.u32 s4, $0x1;
	s4 =	sadd.s32 s21, s2  }
0x9d: {  	[timem:s6], [sflag:s22] =	dma.local [hbm:s4], s20  }
0x9e: {  	_ =	swait.ge [sflag:s22], s20  }
0x9f: {  	s3 =	ssub.s32 $0x0, s20;
	[sflag:s22] =	ssyncset.done $0x0  }
0xa0: {  	[sflag:s22] =	ssyncadd.s32 s3;
	_ =	sdelay $0x1  }
0xa1: {  	s23 =	simm.s32 $0x1B8B  }
0xa2: {  	_ =	swait.ge [sflag:s23], $0x1  }
0xa3: {  	[sflag:s23] =	ssyncset.done $0x0  }
0xa4: {  	s25 =	simm.s32 $0x1B8E;
	s24 =	sld [smem:$0x3FFE];
	[sflag:s23] =	ssyncadd.s32 $0xFFFFFFFF  }
0xa5: {  	s26 =	simm.s32 $execute0_lowered;
	[smem:$0x3FD2] =	sst s25  }
0xa6: {  	s4 =	sshll.u32 s26, $0x1;
	_ =	strace $0x80000046;
	[dreg:$0x1] =	wrdreg $0xFFFFFFFF  }
0xa7: {  	s28 =	simm.s32 $_size_execute0_lowered;
	s2 =	sadd.s32 s2, s4;
	[dreg:$0x0] =	wrdreg $0x0  }
0xa8: {  	s4 =	sshll.u32 s28, $0x1;
	[dreg:$0x2] =	wrdreg s2  }
0xa9: {  	[dreg:$0x3] =	wrdreg s4  }
0xaa: {  	[dreg:$0x4] =	wrdreg $0xC0  }
0xab: {  	_ =	task [dreg:s6], $0x5FFFF  }
0xac: {  	[dreg:$0x1] =	wrdreg $0xFFFFFFFF  }
0xad: {  	[dreg:$0x0] =	wrdreg $0x60  }
0xae: {  	[dreg:$0x2] =	wrdreg s24  }
0xaf: {  	[dreg:$0x3] =	wrdreg $0x9  }
0xb0: {  	_ =	task.clear_ibuf [dreg:s6], $0x4FFFF;
	_ =	strace $0x90000046  }
0xb1: {  	s29 =	simm.s32 $0x9;
	_ =	strace $0x80000048  }
0xb2: {  	_ =	swait.ge [sflag:s29], $0x1  }
0xb3: {  	[sflag:s29] =	ssyncadd.s32 $0xFFFFFFFF  }
0xb4: {  	_ =	strace $0x90000048  }
0xb5: {  	_ =	sfence  }
0xb6: {  	s30 =	sld [smem:$0x0];
	_ =	sdelay $0x2  }
0xb7: {  	s31 =	sshll.u32 s1, $0xD;
	s1 =	sshrl.u32 s1, $0x2  }
0xb8: {  	s3 =	sand.u32 $0x4000, s31;
	s1 =	sadd.s32 s1, s30  }
0xb9: {  	s0 =	sor.u32 s3, s0;
	s1 =	sshll.u32 s1, $0x11  }
0xba: {  	s0 =	sor.u32 s1, s0  }
0xbb: {  	s0 =	sadd.s32 $0x8F2B, s0  }
0xbc: {  	[sflag:s0] =	ssyncadd.remote.s32 $0x1  }
0xbd: {  	_ =	sfence.sel $0xFFFF  }
0xbe: {  	[dreg:$0x0] =	wrdreg $0xFFFFFFFF;
	(pc) =	sbr.abs _section_cstart, $3  }
0xbf: {  	[dreg:$0x1] =	wrdreg $0xFFFFFFFF  }
0xc0: {  	_ =	task.clear_ibuf [dreg:s6], $0x2FFFF;
	_ =	strace $0x9FFFFFFF  }
0xc1: {  	(tm) =	ssettm $0x7FFFFFFF  }
tec
execute0_lowered:
.L_overlay_start_1:
0x0: {  	(tag) =	ssettag $0x1  }
0x1: {  	s4 =	rddreg [dreg:$0x0]  }
0x2: {  	s0 =	rddreg [dreg:$0x1];
	s1 =	simm.s32 $0x0  }
0x3: {  	s5 =	srdreg.scid;
	s22 =	stileid.u32;
	s15 =	simm.s32 $0x300  }
0x4: {  	s16 =	simm.s32 $0x1;
	s17 =	simm.s32 $0x400;
	s18 =	simm.s32 $0x2  }
0x5: {  	s19 =	simm.s32 $0x4400;
	s20 =	simm.s32 $0x3;
	s21 =	simm.s32 $0x8400  }
0x6: {  	[smem:$0x7FF] =	sst s1;
	s2 =	sadd.s32 $0x36E00, s4;
	s3 =	sadd.s32 $0x5E000, s4  }
0x7: {  	s9 =	sand.u32 $0x1, s5;
	s10 =	sadd.s32 $0x5C00, s4;
	s11 =	sadd.s32 $0xAC00, s4  }
0x8: {  	s6 =	sadd.s32 $0x85200, s4;
	s12 =	sshll.u32 s22, $0xC;
	s30 =	sshll.u32 s22, $0x5  }
0x9: {  	p0 =	sne.s32 s22, $0x0;
	s22 =	simm.s32 $0x0;
	_ =	strace $0x80000047  }
0xa: {  	s5 =	sshll.u32 s9, $0x7;
	s28 =	ssub.s32 $0x2, s9;
	s12 =	sadd.s32 s12, s6  }
0xb: {  	s14 =	sshll.u32 s9, $0xB;
	s31 =	sshll.u32 s9, $0x4;
	s5 =	sor.u32 $0x27000, s5  }
0xc: {  	s7 =	sshrl.u32 s28, $0x1;
	s29 =	sadd.s32 s14, s12;
	s12 =	simm.s32 $0x80  }
0xd: {  	s14 =	simm.s32 $0x100;
	s8 =	sshrl.u32 s5, $0x3;
	s7 =	ssub.s32 s28, s7  }
0xe: {  	s13 =	sshll.u32 s5, $0x4;
	s4 =	sadd.s32 s11, s8;
	s5 =	sadd.s32 s10, s8  }
0xf: {  	s6 =	sadd.s32 s6, s13;
	s7 =	smax.u32 s7, $0x1;
	s8 =	sadd.s32 $0x20000, s29  }
0x10: {  	s10 =	sadd.s32 s30, s10;
	s11 =	sadd.s32 s30, s11;
	s13 =	simm.s32 $0x280  }
0x11: {  	s9 =	sadd.s32 s31, s10;
	s10 =	sadd.s32 s31, s11;
	s11 =	simm.s32 $0x200  }
.LBB2_1:
0x12: {  	s23 =	sadd.s32 $0x0, s10  }
0x13: {  	[tilespmem:s1], [sflag:$0x1] =	stream.linear.gather [hbm4b:s23+s1], $0x80, $0x38;
	[tilespmem:$0xC400] =	vst v63  }
0x14: {  	s24 =	sadd.s32 $0x0, s9  }
0x15: {  	[tilespmem:s11], [sflag:$0x1] =	stream.linear.gather [hbm4b:s24+s1], $0x80, $0x38;
	[tilespmem:$0xC400] =	vst v63  }
0x16: {  	s25 =	sadd.s32 $0x200, s23  }
0x17: {  	[tilespmem:s12], [sflag:$0x2] =	stream.linear.gather [hbm4b:s25+s1], $0x80, $0x38;
	[tilespmem:$0xC400] =	vst v63  }
0x18: {  	s28 =	sadd.s32 $0x200, s24  }
0x19: {  	[tilespmem:s13], [sflag:$0x2] =	stream.linear.gather [hbm4b:s28+s1], $0x80, $0x38;
	[tilespmem:$0xC400] =	vst v63  }
0x1a: {  	s23 =	sadd.s32 $0x400, s23  }
0x1b: {  	[tilespmem:s14], [sflag:$0x3] =	stream.linear.gather [hbm4b:s23+s1], $0x80, $0x38;
	[tilespmem:$0xC400] =	vst v63  }
0x1c: {  	s29 =	sadd.s32 $0x400, s24  }
0x1d: {  	[tilespmem:s15], [sflag:$0x3] =	stream.linear.gather [hbm4b:s29+s1], $0x80, $0x38;
	[tilespmem:$0xC400] =	vst v63  }
0x1e: {  	_ =	swait.ge [sflag:s16], $0x80  }
0x1f: {  	[sflag:s16] =	ssyncset.done $0x0  }
0x20: {  	[sflag:s16] =	ssyncadd.s32 $0xFFFFFF80  }
0x21: {  	_ =	swait.ge [sflag:s16], $0x80  }
0x22: {  	[sflag:s16] =	ssyncset.done $0x0  }
0x23: {  	[sflag:s16] =	ssyncadd.s32 $0xFFFFFF80  }
0x24: {  	[tilespmem:s17], [sflag:$0x1] =	stream.indirect.gather [hbm4b:s2+s12], $0x80, s1, s12, $0xb8;
	[tilespmem:$0xC400] =	vst v63  }
0x25: {  	_ =	swait.ge [sflag:s18], $0x80  }
0x26: {  	[sflag:s18] =	ssyncset.done $0x0  }
0x27: {  	[sflag:s18] =	ssyncadd.s32 $0xFFFFFF80  }
0x28: {  	_ =	swait.ge [sflag:s18], $0x80  }
0x29: {  	[sflag:s18] =	ssyncset.done $0x0  }
0x2a: {  	[sflag:s18] =	ssyncadd.s32 $0xFFFFFF80  }
0x2b: {  	[tilespmem:s19], [sflag:$0x2] =	stream.indirect.gather [hbm4b:s2+s12], $0x80, s12, s12, $0xb8;
	[tilespmem:$0xC400] =	vst v63  }
0x2c: {  	_ =	swait.ge [sflag:s20], $0x80  }
0x2d: {  	[sflag:s20] =	ssyncset.done $0x0  }
0x2e: {  	[sflag:s20] =	ssyncadd.s32 $0xFFFFFF80  }
0x2f: {  	_ =	swait.ge [sflag:s20], $0x80  }
0x30: {  	[sflag:s20] =	ssyncset.done $0x0  }
0x31: {  	[sflag:s20] =	ssyncadd.s32 $0xFFFFFF80  }
0x32: {  	[tilespmem:s21], [sflag:$0x3] =	stream.indirect.gather [hbm4b:s2+s12], $0x80, s14, s12, $0xb8;
	[tilespmem:$0xC400] =	vst v63  }
0x33: {  	_ =	swait.ge [sflag:s16], $0x4000  }
0x34: {  	[sflag:s16] =	ssyncset.done $0x0  }
0x35: {  	[sflag:s16] =	ssyncadd.s32 $0xFFFFC000  }
0x36: {  	[tilespmem:s17], [sflag:$0x1] =	stream.indirect.gather.add.f32 [hbm:s3], $0x80, s11, s12, $0xb8;
	[tilespmem:$0xC400] =	vst v63  }
0x37: {  	_ =	swait.ge [sflag:s18], $0x4000  }
0x38: {  	[sflag:s18] =	ssyncset.done $0x0  }
0x39: {  	[sflag:s18] =	ssyncadd.s32 $0xFFFFC000  }
0x3a: {  	[tilespmem:s19], [sflag:$0x2] =	stream.indirect.gather.add.f32 [hbm:s3], $0x80, s13, s12, $0xb8;
	[tilespmem:$0xC400] =	vst v63  }
0x3b: {  	_ =	swait.ge [sflag:s20], $0x4000  }
0x3c: {  	[sflag:s20] =	ssyncset.done $0x0  }
0x3d: {  	[sflag:s20] =	ssyncadd.s32 $0xFFFFC000  }
0x3e: {  	[tilespmem:s21], [sflag:$0x3] =	stream.indirect.gather.add.f32 [hbm:s3], $0x80, s15, s12, $0xb8;
	[tilespmem:$0xC400] =	vst v63  }
0x3f: {  	_ =	swait.ge [sflag:s16], $0x4000  }
0x40: {  	[sflag:s16] =	ssyncset.done $0x0  }
0x41: {  	s30 =	sadd.s32 $0xFFFE0000, s8;
	[sflag:s16] =	ssyncadd.s32 $0xFFFFC000  }
0x42: {  	[hbm4b:s30+s1] =	stream.linear.scatter [tilespmem:s17], [sflag:$0x1], $0x4000, $0x38;
	[tilespmem:$0xC400] =	vst v63  }
0x43: {  	_ =	swait.ge [sflag:s18], $0x4000  }
0x44: {  	[sflag:s18] =	ssyncset.done $0x0  }
0x45: {  	s31 =	sadd.s32 $0xFFFF0000, s8;
	[sflag:s18] =	ssyncadd.s32 $0xFFFFC000  }
0x46: {  	[hbm4b:s31+s1] =	stream.linear.scatter [tilespmem:s19], [sflag:$0x2], $0x4000, $0x38;
	[tilespmem:$0xC400] =	vst v63  }
0x47: {  	_ =	swait.ge [sflag:s20], $0x4000  }
0x48: {  	[sflag:s20] =	ssyncset.done $0x0  }
0x49: {  	[sflag:s20] =	ssyncadd.s32 $0xFFFFC000  }
0x4a: {  	[hbm4b:s8+s1] =	stream.linear.scatter [tilespmem:s21], [sflag:$0x3], $0x4000, $0x38;
	[tilespmem:$0xC400] =	vst v63  }
0x4b: {  	_ =	swait.ge [sflag:s16], $0x4000  }
0x4c: {  	[sflag:s16] =	ssyncset.done $0x0  }
0x4d: {  	[sflag:s16] =	ssyncadd.s32 $0xFFFFC000  }
0x4e: {  	_ =	swait.ge [sflag:s18], $0x4000  }
0x4f: {  	[sflag:s18] =	ssyncset.done $0x0  }
0x50: {  	[sflag:s18] =	ssyncadd.s32 $0xFFFFC000  }
0x51: {  	s26 =	simm.s32 $0xC00;
	_ =	swait.ge [sflag:s20], $0x4000  }
0x52: {  	s24 =	simm.s32 $0x600;
	s23 =	sadd.s32 $0x30000, s8;
	[sflag:s20] =	ssyncset.done $0x0  }
.LBB2_2:
0x53: {  	s28 =	sadd.s32 s24, s10  }
0x54: {  	[sflag:s20] =	ssyncadd.s32 $0xFFFFC000;
	s29 =	smov.u32 s26;
	s25 =	sadd.s32 $0x600, s26  }
0x55: {  	[tilespmem:s1], [sflag:$0x1] =	stream.linear.gather [hbm4b:s28+s1], $0x80, $0x38;
	[tilespmem:$0xC400] =	vst v63  }
0x56: {  	p1 =	sne.s32 s26, $0x4800;
	s26 =	sadd.s32 s24, s9;
	s24 =	smov.u32 s29  }
0x57: {  	[tilespmem:s11], [sflag:$0x1] =	stream.linear.gather [hbm4b:s26+s1], $0x80, $0x38;
	[tilespmem:$0xC400] =	vst v63  }
0x58: {  	s29 =	sadd.s32 $0x200, s28  }
0x59: {  	[tilespmem:s12], [sflag:$0x2] =	stream.linear.gather [hbm4b:s29+s1], $0x80, $0x38;
	[tilespmem:$0xC400] =	vst v63  }
0x5a: {  	s29 =	sadd.s32 $0x200, s26  }
0x5b: {  	[tilespmem:s13], [sflag:$0x2] =	stream.linear.gather [hbm4b:s29+s1], $0x80, $0x38;
	[tilespmem:$0xC400] =	vst v63  }
0x5c: {  	s28 =	sadd.s32 $0x400, s28  }
0x5d: {  	[tilespmem:s14], [sflag:$0x3] =	stream.linear.gather [hbm4b:s28+s1], $0x80, $0x38;
	[tilespmem:$0xC400] =	vst v63  }
0x5e: {  	s26 =	sadd.s32 $0x400, s26  }
0x5f: {  	[tilespmem:s15], [sflag:$0x3] =	stream.linear.gather [hbm4b:s26+s1], $0x80, $0x38;
	[tilespmem:$0xC400] =	vst v63  }
0x60: {  	_ =	swait.ge [sflag:s16], $0x80  }
0x61: {  	[sflag:s16] =	ssyncset.done $0x0  }
0x62: {  	[sflag:s16] =	ssyncadd.s32 $0xFFFFFF80  }
0x63: {  	_ =	swait.ge [sflag:s16], $0x80  }
0x64: {  	[sflag:s16] =	ssyncset.done $0x0  }
0x65: {  	[sflag:s16] =	ssyncadd.s32 $0xFFFFFF80  }
0x66: {  	[tilespmem:s17], [sflag:$0x1] =	stream.indirect.gather [hbm4b:s2+s12], $0x80, s1, s12, $0xb8;
	[tilespmem:$0xC400] =	vst v63  }
0x67: {  	_ =	swait.ge [sflag:s18], $0x80  }
0x68: {  	[sflag:s18] =	ssyncset.done $0x0  }
0x69: {  	[sflag:s18] =	ssyncadd.s32 $0xFFFFFF80  }
0x6a: {  	_ =	swait.ge [sflag:s18], $0x80  }
0x6b: {  	[sflag:s18] =	ssyncset.done $0x0  }
0x6c: {  	[sflag:s18] =	ssyncadd.s32 $0xFFFFFF80  }
0x6d: {  	[tilespmem:s19], [sflag:$0x2] =	stream.indirect.gather [hbm4b:s2+s12], $0x80, s12, s12, $0xb8;
	[tilespmem:$0xC400] =	vst v63  }
0x6e: {  	_ =	swait.ge [sflag:s20], $0x80  }
0x6f: {  	[sflag:s20] =	ssyncset.done $0x0  }
0x70: {  	[sflag:s20] =	ssyncadd.s32 $0xFFFFFF80  }
0x71: {  	_ =	swait.ge [sflag:s20], $0x80  }
0x72: {  	[sflag:s20] =	ssyncset.done $0x0  }
0x73: {  	[sflag:s20] =	ssyncadd.s32 $0xFFFFFF80  }
0x74: {  	[tilespmem:s21], [sflag:$0x3] =	stream.indirect.gather [hbm4b:s2+s12], $0x80, s14, s12, $0xb8;
	[tilespmem:$0xC400] =	vst v63  }
0x75: {  	_ =	swait.ge [sflag:s16], $0x4000  }
0x76: {  	[sflag:s16] =	ssyncset.done $0x0  }
0x77: {  	[sflag:s16] =	ssyncadd.s32 $0xFFFFC000  }
0x78: {  	[tilespmem:s17], [sflag:$0x1] =	stream.indirect.gather.add.f32 [hbm:s3], $0x80, s11, s12, $0xb8;
	[tilespmem:$0xC400] =	vst v63  }
0x79: {  	_ =	swait.ge [sflag:s18], $0x4000  }
0x7a: {  	[sflag:s18] =	ssyncset.done $0x0  }
0x7b: {  	[sflag:s18] =	ssyncadd.s32 $0xFFFFC000  }
0x7c: {  	[tilespmem:s19], [sflag:$0x2] =	stream.indirect.gather.add.f32 [hbm:s3], $0x80, s13, s12, $0xb8;
	[tilespmem:$0xC400] =	vst v63  }
0x7d: {  	_ =	swait.ge [sflag:s20], $0x4000  }
0x7e: {  	[sflag:s20] =	ssyncset.done $0x0  }
0x7f: {  	[sflag:s20] =	ssyncadd.s32 $0xFFFFC000  }
0x80: {  	[tilespmem:s21], [sflag:$0x3] =	stream.indirect.gather.add.f32 [hbm:s3], $0x80, s15, s12, $0xb8;
	[tilespmem:$0xC400] =	vst v63  }
0x81: {  	_ =	swait.ge [sflag:s16], $0x4000  }
0x82: {  	[sflag:s16] =	ssyncset.done $0x0  }
0x83: {  	s26 =	sadd.s32 $0xFFFE0000, s23;
	[sflag:s16] =	ssyncadd.s32 $0xFFFFC000  }
0x84: {  	[hbm4b:s26+s1] =	stream.linear.scatter [tilespmem:s17], [sflag:$0x1], $0x4000, $0x38;
	[tilespmem:$0xC400] =	vst v63  }
0x85: {  	_ =	swait.ge [sflag:s18], $0x4000  }
0x86: {  	[sflag:s18] =	ssyncset.done $0x0  }
0x87: {  	s26 =	sadd.s32 $0xFFFF0000, s23;
	[sflag:s18] =	ssyncadd.s32 $0xFFFFC000  }
0x88: {  	[hbm4b:s26+s1] =	stream.linear.scatter [tilespmem:s19], [sflag:$0x2], $0x4000, $0x38;
	[tilespmem:$0xC400] =	vst v63  }
0x89: {  	_ =	swait.ge [sflag:s20], $0x4000  }
0x8a: {  	[sflag:s20] =	ssyncset.done $0x0  }
0x8b: {  	[sflag:s20] =	ssyncadd.s32 $0xFFFFC000  }
0x8c: {  	[hbm4b:s23+s1] =	stream.linear.scatter [tilespmem:s21], [sflag:$0x3], $0x4000, $0x38;
	[tilespmem:$0xC400] =	vst v63  }
0x8d: {  	_ =	swait.ge [sflag:s16], $0x4000  }
0x8e: {  	[sflag:s16] =	ssyncset.done $0x0  }
0x8f: {  	[sflag:s16] =	ssyncadd.s32 $0xFFFFC000  }
.Ltmp0:
0x90: {  	_ =	swait.ge [sflag:s18], $0x4000;
	(pc) =	sbr.rel @p1 .LBB2_2-.Ltmp0, $4  }
0x91: {  	[sflag:s18] =	ssyncset.done $0x0  }
0x92: {  	[sflag:s18] =	ssyncadd.s32 $0xFFFFC000  }
0x93: {  	_ =	swait.ge [sflag:s20], $0x4000  }
0x94: {  	s26 =	smov.u32 s25;
	s23 =	sadd.s32 $0x30000, s23;
	[sflag:s20] =	ssyncset.done $0x0  }
0x95: {  	s25 =	sadd.s32 s24, s10;
	[sflag:s20] =	ssyncadd.s32 $0xFFFFC000  }
0x96: {  	[tilespmem:s1], [sflag:$0x1] =	stream.linear.gather [hbm4b:s25+s1], $0x80, $0x38;
	[tilespmem:$0xC400] =	vst v63  }
0x97: {  	s28 =	sadd.s32 s24, s9  }
0x98: {  	[tilespmem:s11], [sflag:$0x1] =	stream.linear.gather [hbm4b:s28+s1], $0x80, $0x38;
	[tilespmem:$0xC400] =	vst v63  }
0x99: {  	s26 =	sadd.s32 $0x200, s25  }
0x9a: {  	[tilespmem:s12], [sflag:$0x2] =	stream.linear.gather [hbm4b:s26+s1], $0x80, $0x38;
	[tilespmem:$0xC400] =	vst v63  }
0x9b: {  	s29 =	sadd.s32 $0x200, s28  }
0x9c: {  	[tilespmem:s13], [sflag:$0x2] =	stream.linear.gather [hbm4b:s29+s1], $0x80, $0x38;
	[tilespmem:$0xC400] =	vst v63  }
0x9d: {  	s25 =	sadd.s32 $0x400, s25  }
0x9e: {  	[tilespmem:s14], [sflag:$0x3] =	stream.linear.gather [hbm4b:s25+s1], $0x80, $0x38;
	[tilespmem:$0xC400] =	vst v63  }
0x9f: {  	s24 =	sadd.s32 $0x400, s28  }
0xa0: {  	[tilespmem:s15], [sflag:$0x3] =	stream.linear.gather [hbm4b:s24+s1], $0x80, $0x38;
	[tilespmem:$0xC400] =	vst v63  }
0xa1: {  	_ =	swait.ge [sflag:s16], $0x80  }
0xa2: {  	[sflag:s16] =	ssyncset.done $0x0  }
0xa3: {  	[sflag:s16] =	ssyncadd.s32 $0xFFFFFF80  }
0xa4: {  	_ =	swait.ge [sflag:s16], $0x80  }
0xa5: {  	[sflag:s16] =	ssyncset.done $0x0  }
0xa6: {  	[sflag:s16] =	ssyncadd.s32 $0xFFFFFF80  }
0xa7: {  	[tilespmem:s17], [sflag:$0x1] =	stream.indirect.gather [hbm4b:s2+s12], $0x80, s1, s12, $0xb8;
	[tilespmem:$0xC400] =	vst v63  }
0xa8: {  	_ =	swait.ge [sflag:s18], $0x80  }
0xa9: {  	[sflag:s18] =	ssyncset.done $0x0  }
0xaa: {  	[sflag:s18] =	ssyncadd.s32 $0xFFFFFF80  }
0xab: {  	_ =	swait.ge [sflag:s18], $0x80  }
0xac: {  	[sflag:s18] =	ssyncset.done $0x0  }
0xad: {  	[sflag:s18] =	ssyncadd.s32 $0xFFFFFF80  }
0xae: {  	[tilespmem:s19], [sflag:$0x2] =	stream.indirect.gather [hbm4b:s2+s12], $0x80, s12, s12, $0xb8;
	[tilespmem:$0xC400] =	vst v63  }
0xaf: {  	_ =	swait.ge [sflag:s20], $0x80  }
0xb0: {  	[sflag:s20] =	ssyncset.done $0x0  }
0xb1: {  	[sflag:s20] =	ssyncadd.s32 $0xFFFFFF80  }
0xb2: {  	_ =	swait.ge [sflag:s20], $0x80  }
0xb3: {  	[sflag:s20] =	ssyncset.done $0x0  }
0xb4: {  	[sflag:s20] =	ssyncadd.s32 $0xFFFFFF80  }
0xb5: {  	[tilespmem:s21], [sflag:$0x3] =	stream.indirect.gather [hbm4b:s2+s12], $0x80, s14, s12, $0xb8;
	[tilespmem:$0xC400] =	vst v63  }
0xb6: {  	_ =	swait.ge [sflag:s16], $0x4000  }
0xb7: {  	[sflag:s16] =	ssyncset.done $0x0  }
0xb8: {  	[sflag:s16] =	ssyncadd.s32 $0xFFFFC000  }
0xb9: {  	[tilespmem:s17], [sflag:$0x1] =	stream.indirect.gather.add.f32 [hbm:s3], $0x80, s11, s12, $0xb8;
	[tilespmem:$0xC400] =	vst v63  }
0xba: {  	_ =	swait.ge [sflag:s18], $0x4000  }
0xbb: {  	[sflag:s18] =	ssyncset.done $0x0  }
0xbc: {  	[sflag:s18] =	ssyncadd.s32 $0xFFFFC000  }
0xbd: {  	[tilespmem:s19], [sflag:$0x2] =	stream.indirect.gather.add.f32 [hbm:s3], $0x80, s13, s12, $0xb8;
	[tilespmem:$0xC400] =	vst v63  }
0xbe: {  	_ =	swait.ge [sflag:s20], $0x4000  }
0xbf: {  	[sflag:s20] =	ssyncset.done $0x0  }
0xc0: {  	[sflag:s20] =	ssyncadd.s32 $0xFFFFC000  }
0xc1: {  	[tilespmem:s21], [sflag:$0x3] =	stream.indirect.gather.add.f32 [hbm:s3], $0x80, s15, s12, $0xb8;
	[tilespmem:$0xC400] =	vst v63  }
0xc2: {  	_ =	swait.ge [sflag:s16], $0x4000  }
0xc3: {  	[sflag:s16] =	ssyncset.done $0x0  }
0xc4: {  	s30 =	sadd.s32 $0xFFFE0000, s23;
	[sflag:s16] =	ssyncadd.s32 $0xFFFFC000  }
0xc5: {  	[hbm4b:s30+s1] =	stream.linear.scatter [tilespmem:s17], [sflag:$0x1], $0x4000, $0x38;
	[tilespmem:$0xC400] =	vst v63  }
0xc6: {  	_ =	swait.ge [sflag:s18], $0x4000  }
0xc7: {  	[sflag:s18] =	ssyncset.done $0x0  }
0xc8: {  	s31 =	sadd.s32 $0xFFFF0000, s23;
	[sflag:s18] =	ssyncadd.s32 $0xFFFFC000  }
0xc9: {  	[hbm4b:s31+s1] =	stream.linear.scatter [tilespmem:s19], [sflag:$0x2], $0x4000, $0x38;
	[tilespmem:$0xC400] =	vst v63  }
0xca: {  	_ =	swait.ge [sflag:s20], $0x4000  }
0xcb: {  	[sflag:s20] =	ssyncset.done $0x0  }
0xcc: {  	[sflag:s20] =	ssyncadd.s32 $0xFFFFC000  }
0xcd: {  	[hbm4b:s23+s1] =	stream.linear.scatter [tilespmem:s21], [sflag:$0x3], $0x4000, $0x38;
	[tilespmem:$0xC400] =	vst v63  }
0xce: {  	_ =	swait.ge [sflag:s16], $0x4000  }
0xcf: {  	[sflag:s16] =	ssyncset.done $0x0  }
0xd0: {  	[sflag:s16] =	ssyncadd.s32 $0xFFFFC000  }
0xd1: {  	_ =	swait.ge [sflag:s18], $0x4000  }
0xd2: {  	[sflag:s18] =	ssyncset.done $0x0  }
0xd3: {  	[sflag:s18] =	ssyncadd.s32 $0xFFFFC000  }
0xd4: {  	_ =	swait.ge [sflag:s20], $0x4000  }
0xd5: {  	[sflag:s20] =	ssyncset.done $0x0  }
0xd6: {  	s24 =	simm.s32 @!p0 $0x4;
	s23 =	simm.s32 @!p0 $0x0;
	[sflag:s20] =	ssyncadd.s32 $0xFFFFC000  }
0xd7: {  	[tilespmem:s23], [sflag:$0x4] =	stream.linear.gather @!p0 [hbm4b:s4+s23], $0x80, $0x38;
	[tilespmem:$0xC400] =	vst v63  }
0xd8: {  	_ =	swait.ge @!p0 [sflag:s24], $0x80  }
0xd9: {  	[sflag:s24] =	ssyncset.done @!p0 $0x0  }
0xda: {  	s25 =	simm.s32 @!p0 $0x200;
	[sflag:s24] =	ssyncadd.s32 @!p0 $0xFFFFFF80  }
0xdb: {  	[tilespmem:s25], [sflag:$0x4] =	stream.linear.gather @!p0 [hbm4b:s5+s23], $0x80, $0x38;
	[tilespmem:$0xC400] =	vst v63  }
0xdc: {  	_ =	swait.ge @!p0 [sflag:s24], $0x80  }
0xdd: {  	s28 =	simm.s32 @!p0 $0x400;
	[sflag:s24] =	ssyncset.done @!p0 $0x0  }
0xde: {  	s26 =	simm.s32 @!p0 $0x80;
	s29 =	simm.s32 @!p0 $0x1;
	[sflag:s24] =	ssyncadd.s32 @!p0 $0xFFFFFF80  }
0xdf: {  	[tilespmem:s28], [sflag:$0x1] =	stream.indirect.gather @!p0 [hbm4b:s2+s26], $0x80, s23, s26, $0xb8;
	[tilespmem:$0xC400] =	vst v63  }
0xe0: {  	_ =	swait.ge @!p0 [sflag:s29], $0x4000  }
0xe1: {  	[sflag:s29] =	ssyncset.done @!p0 $0x0  }
0xe2: {  	[sflag:s29] =	ssyncadd.s32 @!p0 $0xFFFFC000  }
0xe3: {  	[tilespmem:s28], [sflag:$0x1] =	stream.indirect.gather.add.f32 @!p0 [hbm:s3], $0x80, s25, s26, $0xb8;
	[tilespmem:$0xC400] =	vst v63  }
0xe4: {  	s22 =	sadd.s32 $0x1, s22;
	_ =	swait.ge @!p0 [sflag:s29], $0x4000  }
0xe5: {  	p1 =	sne.s32 s22, s7;
	[sflag:s29] =	ssyncset.done @!p0 $0x0  }
.Ltmp1:
0xe6: {  	[sflag:s29] =	ssyncadd.s32 @!p0 $0xFFFFC000;
	(pc) =	sbr.rel @p1 .LBB2_1-.Ltmp1, $4  }
0xe7: {  	[hbm4b:s6+s23] =	stream.linear.scatter @!p0 [tilespmem:s28], [sflag:$0x4], $0x4000, $0x38;
	[tilespmem:$0xC400] =	vst v63  }
0xe8: {  	_ =	swait.ge @!p0 [sflag:s24], $0x4000  }
0xe9: {  	[sflag:s24] =	ssyncset.done @!p0 $0x0  }
0xea: {  	[sflag:s24] =	ssyncadd.s32 @!p0 $0xFFFFC000  }
0xeb: {  	_ =	sfence.sel $0x180000  }
0xec: {  	[bflag:$0x0] =	sbarrier.arrive $0xFFFF  }
0xed: {  	_ =	strace $0x90000047  }
0xee: {  	s0 =	sadd.s32 @!p0 $0x100000, s0;
	[bflag:$0x2] =	sbarrier.arrive $0xFFFF  }
0xef: {  	[sflag:s0] =	ssyncadd.tile.s32 @!p0 $0x1;
	_ =	shalt  }
.Lfunc_end2:
_tile_overlayer_lowered:
.L_overlay_start_2:
0xf0: {  	(tag) =	ssettag $0x2  }
0xf1: {  	s0 =	rddreg [dreg:$0x0];
	s2 =	stileid.u32  }
0xf2: {  	s1 =	rddreg [dreg:$0x1];
	p0 =	sne.s32 s2, $0x0  }
0xf3: {  	s3 =	rddreg [dreg:$0x2];
	[bflag:$0x3] =	sbarrier.arrive $0xFFFF;
	s2 =	simm.s32 @!p0 $0x1C04  }
0xf4: {  	[timem:s3], [sflag:s2] =	dma.local @!p0 [hbm:s0], s1  }
0xf5: {  	s0 =	simm.s32 @!p0 $0x4  }
0xf6: {  	_ =	swait.ge @!p0 [sflag:s0], s1  }
0xf7: {  	s1 =	ssub.s32 @!p0 $0x0, s1;
	[sflag:s0] =	ssyncset.done @!p0 $0x0  }
0xf8: {  	[sflag:s0] =	ssyncadd.s32 @!p0 s1  }
0xf9: {  	[bflag:$0x3] =	sbarrier.arrive $0xFFFF  }
0xfa: {  	_ =	shalt  }

// kernel: kernel.15.cloned.1.call-start
scs
__scs_entry_jumppad:
0x0: {  	(pc) =	sbr.rel $0x88, $3  }
0x1: {  	(tag) =	ssettag $0x0;
	lr =	simm.s32 $0x1  }
0x2: {  	[smem:$0x3F82] =	sst lr;
	_ =	strace $0xD0000000  }
0x3: {  	_ = 	snop  }
0x4: {  	_ = 	snop  }
0x5: {  	_ = 	snop  }
0x6: {  	_ = 	snop  }
0x7: {  	_ = 	snop  }
__scs_overlays_trampoline_lowered:
0x8: {  	[smem:$0x3F91] =	sst s0  }
0x9: {  	[smem:$0x3F92] =	sst s1  }
0xa: {  	[smem:$0x3F93] =	sst s2  }
0xb: {  	[smem:$0x3F94] =	sst s3  }
0xc: {  	[smem:$0x3F95] =	sst s4  }
0xd: {  	[smem:$0x3F96] =	sst s5  }
0xe: {  	[smem:$0x3F97] =	sst s6  }
0xf: {  	[smem:$0x3F98] =	sst s7  }
0x10: {  	[smem:$0x3F99] =	sst s8  }
0x11: {  	[smem:$0x3F9A] =	sst s9;
	s0 =	simm.s32 @!p0 $0x0  }
0x12: {  	s1 =	sld [smem:$0x3F80];
	s0 =	simm.s32 @p0 $0x1  }
0x13: {  	[smem:$0x3F9B] =	sst s0;
	s0 =	simm.s32 @!p1 $0x0  }
0x14: {  	s2 =	sld [smem:$0x3F7F];
	s0 =	simm.s32 @p1 $0x1  }
0x15: {  	[smem:$0x3F9C] =	sst s0;
	s0 =	simm.s32 @!p2 $0x0  }
0x16: {  	s3 =	sld [smem:$0x3FDB];
	s0 =	simm.s32 @p2 $0x1  }
0x17: {  	s4 =	simm.s32 $0x1BF5;
	[smem:$0x3F9E] =	sst s0  }
0x18: {  	s0 =	sld [smem:$0x3F81];
	_ =	swait.ge [sflag:s4], $0x0  }
0x19: {  	s7 =	sld [smem:$0x3F82]  }
0x1a: {  	s8 =	sadd.s32 $0xFFFFE003, lr  }
0x1b: {  	s9 =	sadd.s32 $0xFFFFFEF7, lr;
	s5 =	simm.s32 $0xFFFFFFFF;
	p2 =	slt.u32 s8, $0xFFFFF086  }
0x1c: {  	p1 =	slt.u32 s9, $0xF7A;
	s5 =	simm.s32 @!p2 $0x0  }
0x1d: {  	s5 =	simm.s32 @p1 $0x1;
	p0 =	seq.s32 s7, s2  }
0x1e: {  	s7 =	smul.u32 @!p0 $0xF7A, s2;
	p2 =	seq.s32 @!p0 s5, $0x0  }
0x1f: {  	s9 =	smul.u32 $0xF7A, s1;
	s8 =	simm.s32 @!p0 $0x1BF5;
	p2 =	por !p2, p0  }
0x20: {  	[sflag:s8] =	ssyncset.s32 @!p0 $0xFFFFF086;
	s6 =	sadd.s32 @!p0 s3, s7;
	s7 =	simm.s32 @!p0 $0x108  }
0x21: {  	s3 =	sadd.s32 s3, s9;
	s6 =	sadd.s32 @!p0 $0x88, s6;
	s7 =	simm.s32 @p2 $0x1082  }
0x22: {  	[simem:s7], [sflag:s8] =	dma.local @!p0 [hbm:s6], $0xF7A  }
0x23: {  	s9 =	sor.u32 $0xD0000000, s2;
	s6 =	simm.s32 $0x108;
	_ =	swait.ge @!p0 [sflag:s8], $0x0  }
0x24: {  	s3 =	sadd.s32 $0x88, s3;
	s6 =	simm.s32 @!p1 $0x1082;
	[sflag:s4] =	ssyncset.s32 $0xFFFFF086  }
0x25: {  	[simem:s6], [sflag:s4] =	dma.local [hbm:s3], $0xF7A  }
0x26: {  	[smem:$0x3F82] =	sst s1;
	(tag) =	ssettag s2;
	_ =	strace s9  }
0x27: {  	s1 =	sld [smem:$0x3F92]  }
0x28: {  	s2 =	sld [smem:$0x3F93]  }
0x29: {  	s4 =	sld [smem:$0x3F95]  }
0x2a: {  	p0 =	seq.s32 s5, $0x0;
	s5 =	sld [smem:$0x3F96]  }
0x2b: {  	s6 =	sld [smem:$0x3F97]  }
0x2c: {  	s7 =	sld [smem:$0x3F98]  }
0x2d: {  	s3 =	simm.s32 $0x108;
	s8 =	sld [smem:$0x3F99]  }
0x2e: {  	s3 =	simm.s32 @!p0 $0x1082;
	s9 =	sld [smem:$0x3F9A]  }
0x2f: {  	lr =	sadd.s32 s0, s3;
	s0 =	sld [smem:$0x3F91]  }
0x30: {  	s3 =	sld [smem:$0x3F94]  }
0x31: {  	[smem:$0x3F9D] =	sst s10  }
0x32: {  	s10 =	sld [smem:$0x3F9B];
	_ =	sdelay $0x3  }
0x33: {  	p0 =	seq.s32 s10, $0x1;
	s10 =	sld [smem:$0x3F9D];
	_ =	sdelay $0x3  }
0x34: {  	[smem:$0x3F9D] =	sst s10  }
0x35: {  	s10 =	sld [smem:$0x3F9C];
	_ =	sdelay $0x3  }
0x36: {  	p1 =	seq.s32 s10, $0x1;
	s10 =	sld [smem:$0x3F9D];
	_ =	sdelay $0x3  }
0x37: {  	[smem:$0x3F9D] =	sst s10  }
0x38: {  	s10 =	sld [smem:$0x3F9E]  }
0x39: {  	_ = 	snop;
	(pc) =	sbr.ind lr, $3  }
0x3a: {  	_ = 	snop  }
0x3b: {  	_ = 	snop  }
0x3c: {  	p2 =	seq.s32 s10, $0x1;
	s10 =	sld [smem:$0x3F9D]  }
0x3d: {  	_ =	shalt  }
0x3e: {  	_ =	shalt  }
0x3f: {  	_ =	shalt  }
0x40: {  	_ =	shalt  }
0x41: {  	_ =	shalt  }
0x42: {  	_ =	shalt  }
0x43: {  	_ =	shalt  }
0x44: {  	_ =	shalt  }
0x45: {  	_ =	shalt  }
0x46: {  	_ =	shalt  }
0x47: {  	_ =	shalt  }
0x48: {  	_ =	shalt  }
0x49: {  	_ =	shalt  }
0x4a: {  	_ =	shalt  }
0x4b: {  	_ =	shalt  }
0x4c: {  	_ =	shalt  }
0x4d: {  	_ =	shalt  }
0x4e: {  	_ =	shalt  }
0x4f: {  	_ =	shalt  }
0x50: {  	_ =	shalt  }
0x51: {  	_ =	shalt  }
0x52: {  	_ =	shalt  }
0x53: {  	_ =	shalt  }
0x54: {  	_ =	shalt  }
0x55: {  	_ =	shalt  }
0x56: {  	_ =	shalt  }
0x57: {  	_ =	shalt  }
0x58: {  	_ =	shalt  }
0x59: {  	_ =	shalt  }
0x5a: {  	_ =	shalt  }
0x5b: {  	_ =	shalt  }
0x5c: {  	_ =	shalt  }
0x5d: {  	_ =	shalt  }
0x5e: {  	_ =	shalt  }
0x5f: {  	_ =	shalt  }
0x60: {  	_ =	shalt  }
0x61: {  	_ =	shalt  }
0x62: {  	_ =	shalt  }
0x63: {  	_ =	shalt  }
0x64: {  	_ =	shalt  }
0x65: {  	_ =	shalt  }
0x66: {  	_ =	shalt  }
0x67: {  	_ =	shalt  }
0x68: {  	_ =	shalt  }
0x69: {  	_ =	shalt  }
0x6a: {  	_ =	shalt  }
0x6b: {  	_ =	shalt  }
0x6c: {  	_ =	shalt  }
0x6d: {  	_ =	shalt  }
0x6e: {  	_ =	shalt  }
0x6f: {  	_ =	shalt  }
0x70: {  	_ =	shalt  }
0x71: {  	_ =	shalt  }
0x72: {  	_ =	shalt  }
0x73: {  	_ =	shalt  }
0x74: {  	_ =	shalt  }
0x75: {  	_ =	shalt  }
0x76: {  	_ =	shalt  }
0x77: {  	_ =	shalt  }
0x78: {  	_ =	shalt  }
0x79: {  	_ =	shalt  }
0x7a: {  	_ =	shalt  }
0x7b: {  	_ =	shalt  }
0x7c: {  	_ =	shalt  }
0x7d: {  	_ =	shalt  }
0x7e: {  	_ =	shalt  }
0x7f: {  	_ =	shalt  }
0x80: {  	_ =	shalt  }
0x81: {  	_ =	shalt  }
0x82: {  	_ =	shalt  }
0x83: {  	_ =	shalt  }
0x84: {  	_ =	shalt  }
0x85: {  	_ =	shalt  }
0x86: {  	_ =	shalt  }
0x87: {  	_ =	shalt  }
.Lfunc_end0:
.L_simem_size_0:
called_computation.1_lowered:
.L_overlay_start_0:
0x88: {  	s2 =	sld [smem:$0x3FD9]  }
0x89: {  	s3 =	sld [smem:$0x3FFE];
	_ =	sdelay $0x1  }
0x8a: {  	s1 =	srdreg.scid  }
0x8b: {  	s0 =	sand.u32 $0x1, s1  }
0x8c: {  	s16 =	sshll.u32 s0, $0xA;
	s2 =	sadd.s32 s3, s2  }
0x8d: {  	s2 =	sadd.s32 s2, s16  }
0x8e: {  	[smem:$0x3FA9] =	sst s2  }
0x8f: {  	_ = 	snop  }
0x90: {  	(tm) =	ssettm $0x1  }
0x91: {  	s17 =	sld [smem:$0x3FFB];
	_ =	sdelay $0x3  }
0x92: {  	_ =	strace s17  }
0x93: {  	s2 =	sld [smem:$0x3FFC];
	_ =	sdelay $0x3  }
0x94: {  	_ =	strace s2  }
0x95: {  	s2 =	sld [smem:$0x3FFD];
	_ =	sdelay $0x3  }
0x96: {  	_ =	strace s2  }
0x97: {  	_ =	strace $0x8FFFFFFF  }
0x98: {  	s18 =	sld [smem:$0x3FDB];
	_ =	sdelay $0x1  }
0x99: {  	s19 =	simm.s32 $_scs_section_size  }
0x9a: {  	s4 =	simm.s32 $_size__tile_overlayer_lowered;
	s5 =	simm.s32 $_tile_overlayer_lowered  }
0x9b: {  	s22 =	simm.s32 $0x1BFF;
	s21 =	sshll.u32 s5, $0x1;
	s2 =	sadd.s32 s19, s18  }
0x9c: {  	s6 =	simm.s32 $0x0;
	s20 =	sshll.u32 s4, $0x1;
	s4 =	sadd.s32 s21, s2  }
0x9d: {  	[timem:s6], [sflag:s22] =	dma.local [hbm:s4], s20  }
0x9e: {  	_ =	swait.ge [sflag:s22], s20  }
0x9f: {  	s3 =	ssub.s32 $0x0, s20;
	[sflag:s22] =	ssyncset.done $0x0  }
0xa0: {  	[sflag:s22] =	ssyncadd.s32 s3;
	_ =	sdelay $0x1  }
0xa1: {  	s23 =	simm.s32 $0x1B8B  }
0xa2: {  	_ =	swait.ge [sflag:s23], $0x1  }
0xa3: {  	[sflag:s23] =	ssyncset.done $0x0  }
0xa4: {  	s25 =	simm.s32 $0x1B8E;
	s24 =	sld [smem:$0x3FFE];
	[sflag:s23] =	ssyncadd.s32 $0xFFFFFFFF  }
0xa5: {  	s26 =	simm.s32 $execute0_lowered;
	[smem:$0x3FD2] =	sst s25  }
0xa6: {  	s4 =	sshll.u32 s26, $0x1;
	_ =	strace $0x80000049;
	[dreg:$0x1] =	wrdreg $0xFFFFFFFF  }
0xa7: {  	s28 =	simm.s32 $_size_execute0_lowered;
	s2 =	sadd.s32 s2, s4;
	[dreg:$0x0] =	wrdreg $0x0  }
0xa8: {  	s4 =	sshll.u32 s28, $0x1;
	[dreg:$0x2] =	wrdreg s2  }
0xa9: {  	[dreg:$0x3] =	wrdreg s4  }
0xaa: {  	[dreg:$0x4] =	wrdreg $0xC0  }
0xab: {  	_ =	task [dreg:s6], $0x5FFFF  }
0xac: {  	[dreg:$0x1] =	wrdreg $0xFFFFFFFF  }
0xad: {  	[dreg:$0x0] =	wrdreg $0x60  }
0xae: {  	[dreg:$0x2] =	wrdreg s24  }
0xaf: {  	[dreg:$0x3] =	wrdreg $0xC2000  }
0xb0: {  	[dreg:$0x4] =	wrdreg $0x9  }
0xb1: {  	_ =	task.clear_ibuf [dreg:s6], $0x5FFFF;
	_ =	strace $0x90000049  }
0xb2: {  	s29 =	simm.s32 $0x9;
	_ =	strace $0x8000004B  }
0xb3: {  	_ =	swait.ge [sflag:s29], $0x1  }
0xb4: {  	[sflag:s29] =	ssyncadd.s32 $0xFFFFFFFF  }
0xb5: {  	_ =	strace $0x9000004B  }
0xb6: {  	_ =	sfence  }
0xb7: {  	s30 =	sld [smem:$0x0];
	_ =	sdelay $0x2  }
0xb8: {  	s31 =	sshll.u32 s1, $0xD;
	s1 =	sshrl.u32 s1, $0x2  }
0xb9: {  	s3 =	sand.u32 $0x4000, s31;
	s1 =	sadd.s32 s1, s30  }
0xba: {  	s0 =	sor.u32 s3, s0;
	s1 =	sshll.u32 s1, $0x11  }
0xbb: {  	s0 =	sor.u32 s1, s0  }
0xbc: {  	s0 =	sadd.s32 $0x8F2B, s0  }
0xbd: {  	[sflag:s0] =	ssyncadd.remote.s32 $0x1  }
0xbe: {  	_ =	sfence.sel $0xFFFF  }
0xbf: {  	[dreg:$0x0] =	wrdreg $0xFFFFFFFF;
	(pc) =	sbr.abs _section_cstart, $3  }
0xc0: {  	[dreg:$0x1] =	wrdreg $0xFFFFFFFF  }
0xc1: {  	_ =	task.clear_ibuf [dreg:s6], $0x2FFFF;
	_ =	strace $0x9FFFFFFF  }
0xc2: {  	(tm) =	ssettm $0x7FFFFFFF  }
0xc3: {  	_ =	shalt  }
tec
execute0_lowered:
.L_overlay_start_1:
0x0: {  	(tag) =	ssettag $0x1  }
0x1: {  	s0 =	rddreg [dreg:$0x0]  }
0x2: {  	s1 =	rddreg [dreg:$0x1];
	s2 =	simm.s32 $0x0  }
0x3: {  	s3 =	stileid.u32;
	s5 =	srdreg.scid;
	s18 =	simm.s32 $0x200  }
0x4: {  	s29 =	simm.s32 $0x0;
	[smem:$0x7FF] =	sst s2;
	s4 =	smul.u32 $0x2780, s3  }
0x5: {  	s13 =	sadd.s32 $0x7D8200, s0;
	s14 =	sadd.s32 $0xAC00, s0;
	s6 =	smul.u32 $0x4F000, s3  }
0x6: {  	s10 =	sand.u32 $0x1, s5;
	s11 =	sadd.s32 $0x85200, s0;
	s17 =	smul.u32 $0x13C00, s3  }
0x7: {  	s30 =	sshll.u32 s3, $0x4;
	s31 =	sshll.u32 s3, $0xB;
	s15 =	smul.u32 $0x138800, s10  }
0x8: {  	p0 =	seq.s32 s3, $0xF;
	p1 =	sne.s32 s3, $0x0;
	s22 =	smul.u32 $0x13880, s10  }
0x9: {  	_ =	strace $0x8000004A;
	s20 =	ssub.s32 $0x2, s10;
	s25 =	smul.u32 $0x2710, s10  }
0xa: {  	s19 =	sadd.s32 s4, s0;
	s7 =	sshrl.u32 s20, $0x1;
	s21 =	sshrl.u32 s6, $0x2  }
0xb: {  	s6 =	sadd.s32 $0x128400, s1;
	s12 =	ssub.s32 s20, s7;
	s4 =	sadd.s32 s21, s1  }
0xc: {  	s5 =	sadd.s32 $0x5E000, s19;
	s8 =	sshrl.u32 s15, $0x3;
	s16 =	sadd.s32 $0x13800, s22  }
0xd: {  	s7 =	sadd.s32 $0x83080, s0;
	s24 =	sadd.s32 s17, s15;
	s26 =	sadd.s32 s15, s13  }
0xe: {  	s28 =	sadd.s32 s25, s14;
	s15 =	sshrl.u32 @p0 s6, $0x3;
	s19 =	simm.s32 $0x80  }
0xf: {  	s20 =	simm.s32 $0x4200;
	s21 =	simm.s32 $0x100;
	s22 =	simm.s32 $0x8200  }
0x10: {  	s25 =	simm.s32 $0x3;
	s23 =	sadd.s32 s11, s8;
	s9 =	sshrl.u32 s16, $0x3  }
0x11: {  	s16 =	sshll.u32 s16, $0x4;
	s12 =	smax.u32 s12, $0x1;
	s17 =	sshrl.u32 @!p0 s4, $0x3  }
.Ltmp0:
0x12: {  	s0 =	sadd.s32 $0x25080, s23;
	s9 =	sadd.s32 s14, s9;
	(pc) =	sbr.rel .LBB2_1-.Ltmp0, $4  }
0x13: {  	s10 =	sadd.s32 s13, s16;
	s14 =	sadd.s32 s30, s28;
	s13 =	sadd.s32 s31, s26  }
0x14: {  	s23 =	simm.s32 $0x1;
	[dreg:$0x3] =	wrdreg s0;
	s0 =	sshrl.u32 s24, $0x3  }
0x15: {  	s26 =	simm.s32 $0x4;
	s11 =	sadd.s32 s11, s0;
	s0 =	sshll.u32 @!p0 s3, $0x6  }
0x16: {  	s14 =	sadd.s32 $0x200, s14;
	s24 =	simm.s32 $0x2;
	s16 =	sor.u32 @!p0 $0x1C04, s0  }
.LBB2_7:
0x17: {  	s0 =	sshrl.u32 s6, $0x3;
	s8 =	rddreg [dreg:$0x3];
	s28 =	simm.s32 $0x1FC4  }
0x18: {  	[hbm:s8], [sflag:s28] =	dma.local [spmem:s0], $0x2080  }
0x19: {  	_ =	swait.ge [sflag:s26], $0x2080  }
0x1a: {  	[sflag:s26] =	ssyncset.done $0x0  }
0x1b: {  	[sflag:s26] =	ssyncadd.s32 $0xFFFFDF80  }
.LBB2_8:
0x1c: {  	s29 =	sadd.s32 $0x1, s29  }
0x1d: {  	p2 =	sne.s32 s29, s12  }
.Ltmp1:
0x1e: {  	_ = 	snop;
	(pc) =	sbr.rel @!p2 .LBB2_9-.Ltmp1, $1  }
0x1f: {  	_ =	sdelay $0x3  }
.LBB2_1:
0x20: {  	s0 =	simm.s32 @p0 $0x1FC4  }
0x21: {  	[spmem:s15], [sflag:s0] =	dma.local @p0 [hbm:s7], $0x2080  }
0x22: {  	s0 =	simm.s32 @p0 $0x4  }
0x23: {  	_ =	swait.ge @p0 [sflag:s0], $0x2080  }
0x24: {  	[sflag:s0] =	ssyncset.done @p0 $0x0  }
0x25: {  	[sflag:s0] =	ssyncadd.s32 @p0 $0xFFFFDF80;
	s0 =	simm.s32 @!p0 $0x4  }
0x26: {  	[spmem:s17], [sflag:s16] =	dma.local @!p0 [hbm:s5], $0x2780  }
0x27: {  	_ =	swait.ge @!p0 [sflag:s0], $0x2780  }
0x28: {  	[sflag:s0] =	ssyncset.done @!p0 $0x0  }
0x29: {  	[sflag:s0] =	ssyncadd.s32 @!p0 $0xFFFFD880  }
0x2a: {  	s8 =	sadd.s32 $0xFFFFFE00, s14;
	[bflag:$0x0] =	sbarrier.arrive $0xFFFF  }
0x2b: {  	[tilespmem:s2], [sflag:$0x1] =	stream.linear.gather [hbm4b:s8+s2], $0x80, $0x38;
	[tilespmem:$0x1FA80] =	vst v63  }
0x2c: {  	s28 =	sadd.s32 $0x0, s13  }
0x2d: {  	[tilespmem:s18], [sflag:$0x1] =	stream.linear.gather [hbm4b:s28+s2], $0x4000, $0x38;
	[tilespmem:$0x1FA80] =	vst v63  }
0x2e: {  	s30 =	sadd.s32 $0xFFFFFF00, s14  }
0x2f: {  	[tilespmem:s19], [sflag:$0x2] =	stream.linear.gather [hbm4b:s30+s2], $0x80, $0x38;
	[tilespmem:$0x1FA80] =	vst v63  }
0x30: {  	s30 =	sadd.s32 $0x8000, s28  }
0x31: {  	[tilespmem:s20], [sflag:$0x2] =	stream.linear.gather [hbm4b:s30+s2], $0x4000, $0x38;
	[tilespmem:$0x1FA80] =	vst v63  }
0x32: {  	_ = 	snop  }
0x33: {  	[tilespmem:s21], [sflag:$0x3] =	stream.linear.gather [hbm4b:s14+s2], $0x80, $0x38;
	[tilespmem:$0x1FA80] =	vst v63  }
0x34: {  	s0 =	sadd.s32 $0x10000, s28  }
0x35: {  	[tilespmem:s22], [sflag:$0x3] =	stream.linear.gather [hbm4b:s0+s2], $0x4000, $0x38;
	[tilespmem:$0x1FA80] =	vst v63  }
0x36: {  	_ =	swait.ge [sflag:s23], $0x80  }
0x37: {  	[sflag:s23] =	ssyncset.done $0x0  }
0x38: {  	[sflag:s23] =	ssyncadd.s32 $0xFFFFFF80  }
0x39: {  	_ =	swait.ge [sflag:s23], $0x4000  }
0x3a: {  	[sflag:s23] =	ssyncset.done $0x0  }
0x3b: {  	[sflag:s23] =	ssyncadd.s32 $0xFFFFC000  }
0x3c: {  	[spmem:s1] =	stream.indirect.scatter.add.f32 [tilespmem:s18], [sflag:$0x1], $0x80, s2, s19, $0xb8;
	[tilespmem:$0x1FA80] =	vst v63  }
0x3d: {  	_ =	swait.ge [sflag:s24], $0x80  }
0x3e: {  	[sflag:s24] =	ssyncset.done $0x0  }
0x3f: {  	[sflag:s24] =	ssyncadd.s32 $0xFFFFFF80  }
0x40: {  	_ =	swait.ge [sflag:s24], $0x4000  }
0x41: {  	[sflag:s24] =	ssyncset.done $0x0  }
0x42: {  	[sflag:s24] =	ssyncadd.s32 $0xFFFFC000  }
0x43: {  	[spmem:s1] =	stream.indirect.scatter.add.f32 [tilespmem:s20], [sflag:$0x2], $0x80, s19, s19, $0xb8;
	[tilespmem:$0x1FA80] =	vst v63  }
0x44: {  	_ =	swait.ge [sflag:s25], $0x80  }
0x45: {  	[sflag:s25] =	ssyncset.done $0x0  }
0x46: {  	[sflag:s25] =	ssyncadd.s32 $0xFFFFFF80  }
0x47: {  	_ =	swait.ge [sflag:s25], $0x4000  }
0x48: {  	[sflag:s25] =	ssyncset.done $0x0  }
0x49: {  	[sflag:s25] =	ssyncadd.s32 $0xFFFFC000  }
0x4a: {  	[spmem:s1] =	stream.indirect.scatter.add.f32 [tilespmem:s22], [sflag:$0x3], $0x80, s21, s19, $0xb8;
	[tilespmem:$0x1FA80] =	vst v63  }
0x4b: {  	_ =	swait.ge [sflag:s23], $0x4000  }
0x4c: {  	[sflag:s23] =	ssyncset.done $0x0  }
0x4d: {  	[sflag:s23] =	ssyncadd.s32 $0xFFFFC000  }
0x4e: {  	_ =	swait.ge [sflag:s24], $0x4000  }
0x4f: {  	[sflag:s24] =	ssyncset.done $0x0  }
0x50: {  	[sflag:s24] =	ssyncadd.s32 $0xFFFFC000  }
0x51: {  	s31 =	simm.s32 $0x18000;
	_ =	swait.ge [sflag:s25], $0x4000  }
0x52: {  	s30 =	sadd.s32 $0x300, s14;
	s0 =	simm.s32 $0x30000;
	[sflag:s25] =	ssyncset.done $0x0  }
.LBB2_2:
0x53: {  	p2 =	sne.s32 s0, $0x120000;
	s28 =	sadd.s32 $0xFFFFFE00, s30;
	[sflag:s25] =	ssyncadd.s32 $0xFFFFC000  }
0x54: {  	[tilespmem:s2], [sflag:$0x1] =	stream.linear.gather [hbm4b:s28+s2], $0x80, $0x38;
	[tilespmem:$0x1FA80] =	vst v63  }
0x55: {  	s28 =	sadd.s32 s31, s13;
	s31 =	smov.u32 s0;
	s0 =	sadd.s32 $0x18000, s0  }
0x56: {  	[tilespmem:s18], [sflag:$0x1] =	stream.linear.gather [hbm4b:s28+s2], $0x4000, $0x38;
	[tilespmem:$0x1FA80] =	vst v63  }
0x57: {  	s8 =	sadd.s32 $0xFFFFFF00, s30  }
0x58: {  	[tilespmem:s19], [sflag:$0x2] =	stream.linear.gather [hbm4b:s8+s2], $0x80, $0x38;
	[tilespmem:$0x1FA80] =	vst v63  }
0x59: {  	s8 =	sadd.s32 $0x8000, s28  }
0x5a: {  	[tilespmem:s20], [sflag:$0x2] =	stream.linear.gather [hbm4b:s8+s2], $0x4000, $0x38;
	[tilespmem:$0x1FA80] =	vst v63  }
0x5b: {  	_ = 	snop  }
0x5c: {  	[tilespmem:s21], [sflag:$0x3] =	stream.linear.gather [hbm4b:s30+s2], $0x80, $0x38;
	[tilespmem:$0x1FA80] =	vst v63  }
0x5d: {  	s8 =	sadd.s32 $0x10000, s28  }
0x5e: {  	[tilespmem:s22], [sflag:$0x3] =	stream.linear.gather [hbm4b:s8+s2], $0x4000, $0x38;
	[tilespmem:$0x1FA80] =	vst v63  }
0x5f: {  	_ =	swait.ge [sflag:s23], $0x80  }
0x60: {  	[sflag:s23] =	ssyncset.done $0x0  }
0x61: {  	[sflag:s23] =	ssyncadd.s32 $0xFFFFFF80  }
0x62: {  	_ =	swait.ge [sflag:s23], $0x4000  }
0x63: {  	[sflag:s23] =	ssyncset.done $0x0  }
0x64: {  	[sflag:s23] =	ssyncadd.s32 $0xFFFFC000  }
0x65: {  	[spmem:s1] =	stream.indirect.scatter.add.f32 [tilespmem:s18], [sflag:$0x1], $0x80, s2, s19, $0xb8;
	[tilespmem:$0x1FA80] =	vst v63  }
0x66: {  	_ =	swait.ge [sflag:s24], $0x80  }
0x67: {  	[sflag:s24] =	ssyncset.done $0x0  }
0x68: {  	[sflag:s24] =	ssyncadd.s32 $0xFFFFFF80  }
0x69: {  	_ =	swait.ge [sflag:s24], $0x4000  }
0x6a: {  	[sflag:s24] =	ssyncset.done $0x0  }
0x6b: {  	[sflag:s24] =	ssyncadd.s32 $0xFFFFC000  }
0x6c: {  	[spmem:s1] =	stream.indirect.scatter.add.f32 [tilespmem:s20], [sflag:$0x2], $0x80, s19, s19, $0xb8;
	[tilespmem:$0x1FA80] =	vst v63  }
0x6d: {  	_ =	swait.ge [sflag:s25], $0x80  }
0x6e: {  	[sflag:s25] =	ssyncset.done $0x0  }
0x6f: {  	[sflag:s25] =	ssyncadd.s32 $0xFFFFFF80  }
0x70: {  	_ =	swait.ge [sflag:s25], $0x4000  }
0x71: {  	[sflag:s25] =	ssyncset.done $0x0  }
0x72: {  	[sflag:s25] =	ssyncadd.s32 $0xFFFFC000  }
0x73: {  	[spmem:s1] =	stream.indirect.scatter.add.f32 [tilespmem:s22], [sflag:$0x3], $0x80, s21, s19, $0xb8;
	[tilespmem:$0x1FA80] =	vst v63  }
0x74: {  	_ =	swait.ge [sflag:s23], $0x4000  }
0x75: {  	[sflag:s23] =	ssyncset.done $0x0  }
0x76: {  	[sflag:s23] =	ssyncadd.s32 $0xFFFFC000  }
.Ltmp2:
0x77: {  	_ =	swait.ge [sflag:s24], $0x4000;
	(pc) =	sbr.rel @p2 .LBB2_2-.Ltmp2, $4  }
0x78: {  	[sflag:s24] =	ssyncset.done $0x0  }
0x79: {  	[sflag:s24] =	ssyncadd.s32 $0xFFFFC000  }
0x7a: {  	_ =	swait.ge [sflag:s25], $0x4000  }
0x7b: {  	s30 =	sadd.s32 $0x300, s30;
	[sflag:s25] =	ssyncset.done $0x0  }
0x7c: {  	s0 =	sadd.s32 $0xFFFFFE00, s30;
	[sflag:s25] =	ssyncadd.s32 $0xFFFFC000  }
0x7d: {  	[tilespmem:s2], [sflag:$0x1] =	stream.linear.gather [hbm4b:s0+s2], $0x80, $0x38;
	[tilespmem:$0x1FA80] =	vst v63  }
0x7e: {  	s28 =	sadd.s32 s31, s13  }
0x7f: {  	[tilespmem:s18], [sflag:$0x1] =	stream.linear.gather [hbm4b:s28+s2], $0x4000, $0x38;
	[tilespmem:$0x1FA80] =	vst v63  }
0x80: {  	s8 =	sadd.s32 $0xFFFFFF00, s30  }
0x81: {  	[tilespmem:s19], [sflag:$0x2] =	stream.linear.gather [hbm4b:s8+s2], $0x80, $0x38;
	[tilespmem:$0x1FA80] =	vst v63  }
0x82: {  	s31 =	sadd.s32 $0x8000, s28  }
0x83: {  	[tilespmem:s20], [sflag:$0x2] =	stream.linear.gather [hbm4b:s31+s2], $0x4000, $0x38;
	[tilespmem:$0x1FA80] =	vst v63  }
0x84: {  	_ = 	snop  }
0x85: {  	[tilespmem:s21], [sflag:$0x3] =	stream.linear.gather [hbm4b:s30+s2], $0x80, $0x38;
	[tilespmem:$0x1FA80] =	vst v63  }
0x86: {  	s0 =	sadd.s32 $0x10000, s28  }
0x87: {  	[tilespmem:s22], [sflag:$0x3] =	stream.linear.gather [hbm4b:s0+s2], $0x4000, $0x38;
	[tilespmem:$0x1FA80] =	vst v63  }
0x88: {  	_ =	swait.ge [sflag:s23], $0x80  }
0x89: {  	[sflag:s23] =	ssyncset.done $0x0  }
0x8a: {  	[sflag:s23] =	ssyncadd.s32 $0xFFFFFF80  }
0x8b: {  	_ =	swait.ge [sflag:s23], $0x4000  }
0x8c: {  	[sflag:s23] =	ssyncset.done $0x0  }
0x8d: {  	[sflag:s23] =	ssyncadd.s32 $0xFFFFC000  }
0x8e: {  	[spmem:s1] =	stream.indirect.scatter.add.f32 [tilespmem:s18], [sflag:$0x1], $0x80, s2, s19, $0xb8;
	[tilespmem:$0x1FA80] =	vst v63  }
0x8f: {  	_ =	swait.ge [sflag:s24], $0x80  }
0x90: {  	[sflag:s24] =	ssyncset.done $0x0  }
0x91: {  	[sflag:s24] =	ssyncadd.s32 $0xFFFFFF80  }
0x92: {  	_ =	swait.ge [sflag:s24], $0x4000  }
0x93: {  	[sflag:s24] =	ssyncset.done $0x0  }
0x94: {  	[sflag:s24] =	ssyncadd.s32 $0xFFFFC000  }
0x95: {  	[spmem:s1] =	stream.indirect.scatter.add.f32 [tilespmem:s20], [sflag:$0x2], $0x80, s19, s19, $0xb8;
	[tilespmem:$0x1FA80] =	vst v63  }
0x96: {  	_ =	swait.ge [sflag:s25], $0x80  }
0x97: {  	[sflag:s25] =	ssyncset.done $0x0  }
0x98: {  	[sflag:s25] =	ssyncadd.s32 $0xFFFFFF80  }
0x99: {  	_ =	swait.ge [sflag:s25], $0x4000  }
0x9a: {  	[sflag:s25] =	ssyncset.done $0x0  }
0x9b: {  	[sflag:s25] =	ssyncadd.s32 $0xFFFFC000  }
0x9c: {  	[spmem:s1] =	stream.indirect.scatter.add.f32 [tilespmem:s22], [sflag:$0x3], $0x80, s21, s19, $0xb8;
	[tilespmem:$0x1FA80] =	vst v63  }
0x9d: {  	_ =	swait.ge [sflag:s23], $0x4000  }
0x9e: {  	[sflag:s23] =	ssyncset.done $0x0  }
0x9f: {  	[sflag:s23] =	ssyncadd.s32 $0xFFFFC000  }
0xa0: {  	_ =	swait.ge [sflag:s24], $0x4000  }
.Ltmp3:
0xa1: {  	[sflag:s24] =	ssyncset.done $0x0;
	(pc) =	sbr.rel @!p1 .LBB2_4-.Ltmp3, $4  }
0xa2: {  	[sflag:s24] =	ssyncadd.s32 $0xFFFFC000  }
0xa3: {  	_ =	swait.ge [sflag:s25], $0x4000  }
0xa4: {  	[sflag:s25] =	ssyncset.done $0x0  }
0xa5: {  	[sflag:s25] =	ssyncadd.s32 $0xFFFFC000  }
.Ltmp4:
0xa6: {  	(pc) =	sbr.rel @p0 .LBB2_7-.Ltmp4, $4  }
.Ltmp5:
0xa7: {  	(pc) =	sbr.rel @!p0 .LBB2_6-.Ltmp5, $4  }
0xa8: {  	_ = 	snop  }
0xa9: {  	[bflag:$0x0] =	sbarrier.arrive $0xFFFF  }
0xaa: {  	_ = 	snop  }
0xab: {  	_ = 	snop  }
.LBB2_4:
0xac: {  	[tilespmem:s2], [sflag:$0x4] =	stream.linear.gather [hbm4b:s9+s2], $0x80, $0x38;
	[tilespmem:$0x1FA80] =	vst v63  }
0xad: {  	_ =	swait.ge [sflag:s26], $0x80  }
0xae: {  	[sflag:s26] =	ssyncset.done $0x0  }
0xaf: {  	[sflag:s26] =	ssyncadd.s32 $0xFFFFFF80  }
0xb0: {  	[tilespmem:s18], [sflag:$0x4] =	stream.linear.gather [hbm4b:s10+s2], $0x4000, $0x38;
	[tilespmem:$0x1FA80] =	vst v63  }
0xb1: {  	_ =	swait.ge [sflag:s26], $0x4000  }
0xb2: {  	[sflag:s26] =	ssyncset.done $0x0  }
0xb3: {  	[sflag:s26] =	ssyncadd.s32 $0xFFFFC000  }
0xb4: {  	[spmem:s1] =	stream.indirect.scatter.add.f32 [tilespmem:s18], [sflag:$0x4], $0x80, s2, s19, $0xb8;
	[tilespmem:$0x1FA80] =	vst v63  }
0xb5: {  	_ =	swait.ge [sflag:s26], $0x4000  }
0xb6: {  	[sflag:s26] =	ssyncset.done $0x0  }
0xb7: {  	[sflag:s26] =	ssyncadd.s32 $0xFFFFC000  }
0xb8: {  	[bflag:$0x0] =	sbarrier.arrive $0xFFFF  }
.LBB2_6:
0xb9: {  	s0 =	sshll.u32 s3, $0x6  }
.Ltmp6:
0xba: {  	s8 =	sshrl.u32 s4, $0x3;
	s0 =	sor.u32 $0x1C04, s0;
	(pc) =	sbr.rel .LBB2_8-.Ltmp6, $4  }
0xbb: {  	[hbm:s11], [sflag:s0] =	dma.local [spmem:s8], $0x2780  }
0xbc: {  	_ =	swait.ge [sflag:s26], $0x2780  }
0xbd: {  	[sflag:s26] =	ssyncset.done $0x0  }
0xbe: {  	[sflag:s26] =	ssyncadd.s32 $0xFFFFD880  }
.LBB2_9:
0xbf: {  	_ =	sfence.sel $0x180000  }
0xc0: {  	[bflag:$0x0] =	sbarrier.arrive $0xFFFF  }
0xc1: {  	_ =	strace $0x9000004A  }
0xc2: {  	[bflag:$0x2] =	sbarrier.arrive $0xFFFF  }
0xc3: {  	s0 =	rddreg [dreg:$0x2]  }
0xc4: {  	s0 =	sadd.s32 @!p1 $0x100000, s0  }
0xc5: {  	[sflag:s0] =	ssyncadd.tile.s32 @!p1 $0x1;
	_ =	shalt  }
.Lfunc_end2:
_tile_overlayer_lowered:
.L_overlay_start_2:
0xc6: {  	(tag) =	ssettag $0x2  }
0xc7: {  	s0 =	rddreg [dreg:$0x0];
	s2 =	stileid.u32  }
0xc8: {  	s1 =	rddreg [dreg:$0x1];
	p0 =	sne.s32 s2, $0x0  }
0xc9: {  	s3 =	rddreg [dreg:$0x2];
	[bflag:$0x3] =	sbarrier.arrive $0xFFFF;
	s2 =	simm.s32 @!p0 $0x1C04  }
0xca: {  	[timem:s3], [sflag:s2] =	dma.local @!p0 [hbm:s0], s1  }
0xcb: {  	s0 =	simm.s32 @!p0 $0x4  }
0xcc: {  	_ =	swait.ge @!p0 [sflag:s0], s1  }
0xcd: {  	s1 =	ssub.s32 @!p0 $0x0, s1;
	[sflag:s0] =	ssyncset.done @!p0 $0x0  }
0xce: {  	[sflag:s0] =	ssyncadd.s32 @!p0 s1  }
0xcf: {  	[bflag:$0x3] =	sbarrier.arrive $0xFFFF  }
0xd0: {  	_ =	shalt  }

// kernel: kernel.18.cloned.1.call-start
scs
__scs_entry_jumppad:
0x0: {  	(pc) =	sbr.rel $0x88, $3  }
0x1: {  	(tag) =	ssettag $0x0;
	lr =	simm.s32 $0x1  }
0x2: {  	[smem:$0x3F82] =	sst lr;
	_ =	strace $0xD0000000  }
0x3: {  	_ = 	snop  }
0x4: {  	_ = 	snop  }
0x5: {  	_ = 	snop  }
0x6: {  	_ = 	snop  }
0x7: {  	_ = 	snop  }
__scs_overlays_trampoline_lowered:
0x8: {  	[smem:$0x3F91] =	sst s0  }
0x9: {  	[smem:$0x3F92] =	sst s1  }
0xa: {  	[smem:$0x3F93] =	sst s2  }
0xb: {  	[smem:$0x3F94] =	sst s3  }
0xc: {  	[smem:$0x3F95] =	sst s4  }
0xd: {  	[smem:$0x3F96] =	sst s5  }
0xe: {  	[smem:$0x3F97] =	sst s6  }
0xf: {  	[smem:$0x3F98] =	sst s7  }
0x10: {  	[smem:$0x3F99] =	sst s8  }
0x11: {  	[smem:$0x3F9A] =	sst s9;
	s0 =	simm.s32 @!p0 $0x0  }
0x12: {  	s1 =	sld [smem:$0x3F80];
	s0 =	simm.s32 @p0 $0x1  }
0x13: {  	[smem:$0x3F9B] =	sst s0;
	s0 =	simm.s32 @!p1 $0x0  }
0x14: {  	s2 =	sld [smem:$0x3F7F];
	s0 =	simm.s32 @p1 $0x1  }
0x15: {  	[smem:$0x3F9C] =	sst s0;
	s0 =	simm.s32 @!p2 $0x0  }
0x16: {  	s3 =	sld [smem:$0x3FDB];
	s0 =	simm.s32 @p2 $0x1  }
0x17: {  	s4 =	simm.s32 $0x1BF5;
	[smem:$0x3F9E] =	sst s0  }
0x18: {  	s0 =	sld [smem:$0x3F81];
	_ =	swait.ge [sflag:s4], $0x0  }
0x19: {  	s7 =	sld [smem:$0x3F82]  }
0x1a: {  	s8 =	sadd.s32 $0xFFFFE003, lr  }
0x1b: {  	s9 =	sadd.s32 $0xFFFFFEF7, lr;
	s5 =	simm.s32 $0xFFFFFFFF;
	p2 =	slt.u32 s8, $0xFFFFF086  }
0x1c: {  	p1 =	slt.u32 s9, $0xF7A;
	s5 =	simm.s32 @!p2 $0x0  }
0x1d: {  	s5 =	simm.s32 @p1 $0x1;
	p0 =	seq.s32 s7, s2  }
0x1e: {  	s7 =	smul.u32 @!p0 $0xF7A, s2;
	p2 =	seq.s32 @!p0 s5, $0x0  }
0x1f: {  	s9 =	smul.u32 $0xF7A, s1;
	s8 =	simm.s32 @!p0 $0x1BF5;
	p2 =	por !p2, p0  }
0x20: {  	[sflag:s8] =	ssyncset.s32 @!p0 $0xFFFFF086;
	s6 =	sadd.s32 @!p0 s3, s7;
	s7 =	simm.s32 @!p0 $0x108  }
0x21: {  	s3 =	sadd.s32 s3, s9;
	s6 =	sadd.s32 @!p0 $0x88, s6;
	s7 =	simm.s32 @p2 $0x1082  }
0x22: {  	[simem:s7], [sflag:s8] =	dma.local @!p0 [hbm:s6], $0xF7A  }
0x23: {  	s9 =	sor.u32 $0xD0000000, s2;
	s6 =	simm.s32 $0x108;
	_ =	swait.ge @!p0 [sflag:s8], $0x0  }
0x24: {  	s3 =	sadd.s32 $0x88, s3;
	s6 =	simm.s32 @!p1 $0x1082;
	[sflag:s4] =	ssyncset.s32 $0xFFFFF086  }
0x25: {  	[simem:s6], [sflag:s4] =	dma.local [hbm:s3], $0xF7A  }
0x26: {  	[smem:$0x3F82] =	sst s1;
	(tag) =	ssettag s2;
	_ =	strace s9  }
0x27: {  	s1 =	sld [smem:$0x3F92]  }
0x28: {  	s2 =	sld [smem:$0x3F93]  }
0x29: {  	s4 =	sld [smem:$0x3F95]  }
0x2a: {  	p0 =	seq.s32 s5, $0x0;
	s5 =	sld [smem:$0x3F96]  }
0x2b: {  	s6 =	sld [smem:$0x3F97]  }
0x2c: {  	s7 =	sld [smem:$0x3F98]  }
0x2d: {  	s3 =	simm.s32 $0x108;
	s8 =	sld [smem:$0x3F99]  }
0x2e: {  	s3 =	simm.s32 @!p0 $0x1082;
	s9 =	sld [smem:$0x3F9A]  }
0x2f: {  	lr =	sadd.s32 s0, s3;
	s0 =	sld [smem:$0x3F91]  }
0x30: {  	s3 =	sld [smem:$0x3F94]  }
0x31: {  	[smem:$0x3F9D] =	sst s10  }
0x32: {  	s10 =	sld [smem:$0x3F9B];
	_ =	sdelay $0x3  }
0x33: {  	p0 =	seq.s32 s10, $0x1;
	s10 =	sld [smem:$0x3F9D];
	_ =	sdelay $0x3  }
0x34: {  	[smem:$0x3F9D] =	sst s10  }
0x35: {  	s10 =	sld [smem:$0x3F9C];
	_ =	sdelay $0x3  }
0x36: {  	p1 =	seq.s32 s10, $0x1;
	s10 =	sld [smem:$0x3F9D];
	_ =	sdelay $0x3  }
0x37: {  	[smem:$0x3F9D] =	sst s10  }
0x38: {  	s10 =	sld [smem:$0x3F9E]  }
0x39: {  	_ = 	snop;
	(pc) =	sbr.ind lr, $3  }
0x3a: {  	_ = 	snop  }
0x3b: {  	_ = 	snop  }
0x3c: {  	p2 =	seq.s32 s10, $0x1;
	s10 =	sld [smem:$0x3F9D]  }
0x3d: {  	_ =	shalt  }
0x3e: {  	_ =	shalt  }
0x3f: {  	_ =	shalt  }
0x40: {  	_ =	shalt  }
0x41: {  	_ =	shalt  }
0x42: {  	_ =	shalt  }
0x43: {  	_ =	shalt  }
0x44: {  	_ =	shalt  }
0x45: {  	_ =	shalt  }
0x46: {  	_ =	shalt  }
0x47: {  	_ =	shalt  }
0x48: {  	_ =	shalt  }
0x49: {  	_ =	shalt  }
0x4a: {  	_ =	shalt  }
0x4b: {  	_ =	shalt  }
0x4c: {  	_ =	shalt  }
0x4d: {  	_ =	shalt  }
0x4e: {  	_ =	shalt  }
0x4f: {  	_ =	shalt  }
0x50: {  	_ =	shalt  }
0x51: {  	_ =	shalt  }
0x52: {  	_ =	shalt  }
0x53: {  	_ =	shalt  }
0x54: {  	_ =	shalt  }
0x55: {  	_ =	shalt  }
0x56: {  	_ =	shalt  }
0x57: {  	_ =	shalt  }
0x58: {  	_ =	shalt  }
0x59: {  	_ =	shalt  }
0x5a: {  	_ =	shalt  }
0x5b: {  	_ =	shalt  }
0x5c: {  	_ =	shalt  }
0x5d: {  	_ =	shalt  }
0x5e: {  	_ =	shalt  }
0x5f: {  	_ =	shalt  }
0x60: {  	_ =	shalt  }
0x61: {  	_ =	shalt  }
0x62: {  	_ =	shalt  }
0x63: {  	_ =	shalt  }
0x64: {  	_ =	shalt  }
0x65: {  	_ =	shalt  }
0x66: {  	_ =	shalt  }
0x67: {  	_ =	shalt  }
0x68: {  	_ =	shalt  }
0x69: {  	_ =	shalt  }
0x6a: {  	_ =	shalt  }
0x6b: {  	_ =	shalt  }
0x6c: {  	_ =	shalt  }
0x6d: {  	_ =	shalt  }
0x6e: {  	_ =	shalt  }
0x6f: {  	_ =	shalt  }
0x70: {  	_ =	shalt  }
0x71: {  	_ =	shalt  }
0x72: {  	_ =	shalt  }
0x73: {  	_ =	shalt  }
0x74: {  	_ =	shalt  }
0x75: {  	_ =	shalt  }
0x76: {  	_ =	shalt  }
0x77: {  	_ =	shalt  }
0x78: {  	_ =	shalt  }
0x79: {  	_ =	shalt  }
0x7a: {  	_ =	shalt  }
0x7b: {  	_ =	shalt  }
0x7c: {  	_ =	shalt  }
0x7d: {  	_ =	shalt  }
0x7e: {  	_ =	shalt  }
0x7f: {  	_ =	shalt  }
0x80: {  	_ =	shalt  }
0x81: {  	_ =	shalt  }
0x82: {  	_ =	shalt  }
0x83: {  	_ =	shalt  }
0x84: {  	_ =	shalt  }
0x85: {  	_ =	shalt  }
0x86: {  	_ =	shalt  }
0x87: {  	_ =	shalt  }
.Lfunc_end0:
.L_simem_size_0:
called_computation.2_lowered:
.L_overlay_start_0:
0x88: {  	s2 =	sld [smem:$0x3FD9]  }
0x89: {  	s3 =	sld [smem:$0x3FFE];
	_ =	sdelay $0x1  }
0x8a: {  	s1 =	srdreg.scid  }
0x8b: {  	s0 =	sand.u32 $0x1, s1  }
0x8c: {  	s16 =	sshll.u32 s0, $0xA;
	s2 =	sadd.s32 s3, s2  }
0x8d: {  	s2 =	sadd.s32 s2, s16  }
0x8e: {  	[smem:$0x3FA9] =	sst s2  }
0x8f: {  	_ = 	snop  }
0x90: {  	(tm) =	ssettm $0x1  }
0x91: {  	s17 =	sld [smem:$0x3FFB];
	_ =	sdelay $0x3  }
0x92: {  	_ =	strace s17  }
0x93: {  	s2 =	sld [smem:$0x3FFC];
	_ =	sdelay $0x3  }
0x94: {  	_ =	strace s2  }
0x95: {  	s2 =	sld [smem:$0x3FFD];
	_ =	sdelay $0x3  }
0x96: {  	_ =	strace s2  }
0x97: {  	_ =	strace $0x8FFFFFFF  }
0x98: {  	s18 =	sld [smem:$0x3FDB];
	_ =	sdelay $0x1  }
0x99: {  	s19 =	simm.s32 $_scs_section_size  }
0x9a: {  	s4 =	simm.s32 $_size__tile_overlayer_lowered;
	s5 =	simm.s32 $_tile_overlayer_lowered  }
0x9b: {  	s22 =	simm.s32 $0x1BFF;
	s21 =	sshll.u32 s5, $0x1;
	s2 =	sadd.s32 s19, s18  }
0x9c: {  	s6 =	simm.s32 $0x0;
	s20 =	sshll.u32 s4, $0x1;
	s4 =	sadd.s32 s21, s2  }
0x9d: {  	[timem:s6], [sflag:s22] =	dma.local [hbm:s4], s20  }
0x9e: {  	_ =	swait.ge [sflag:s22], s20  }
0x9f: {  	s3 =	ssub.s32 $0x0, s20;
	[sflag:s22] =	ssyncset.done $0x0  }
0xa0: {  	[sflag:s22] =	ssyncadd.s32 s3;
	_ =	sdelay $0x1  }
0xa1: {  	s23 =	simm.s32 $0x1B8B  }
0xa2: {  	_ =	swait.ge [sflag:s23], $0x1  }
0xa3: {  	[sflag:s23] =	ssyncset.done $0x0  }
0xa4: {  	s25 =	simm.s32 $0x1B8E;
	s24 =	sld [smem:$0x3FFE];
	[sflag:s23] =	ssyncadd.s32 $0xFFFFFFFF  }
0xa5: {  	s26 =	simm.s32 $execute0_lowered;
	[smem:$0x3FD2] =	sst s25  }
0xa6: {  	s4 =	sshll.u32 s26, $0x1;
	_ =	strace $0x8000004C;
	[dreg:$0x1] =	wrdreg $0xFFFFFFFF  }
0xa7: {  	s28 =	simm.s32 $_size_execute0_lowered;
	s2 =	sadd.s32 s2, s4;
	[dreg:$0x0] =	wrdreg $0x0  }
0xa8: {  	s4 =	sshll.u32 s28, $0x1;
	[dreg:$0x2] =	wrdreg s2  }
0xa9: {  	[dreg:$0x3] =	wrdreg s4  }
0xaa: {  	[dreg:$0x4] =	wrdreg $0xC0  }
0xab: {  	_ =	task [dreg:s6], $0x5FFFF  }
0xac: {  	[dreg:$0x1] =	wrdreg $0xFFFFFFFF  }
0xad: {  	[dreg:$0x0] =	wrdreg $0x60  }
0xae: {  	[dreg:$0x2] =	wrdreg s24  }
0xaf: {  	[dreg:$0x3] =	wrdreg $0x9  }
0xb0: {  	_ =	task.clear_ibuf [dreg:s6], $0x4FFFF;
	_ =	strace $0x9000004C  }
0xb1: {  	s29 =	simm.s32 $0x9;
	_ =	strace $0x8000004E  }
0xb2: {  	_ =	swait.ge [sflag:s29], $0x1  }
0xb3: {  	[sflag:s29] =	ssyncadd.s32 $0xFFFFFFFF  }
0xb4: {  	_ =	strace $0x9000004E  }
0xb5: {  	_ =	sfence  }
0xb6: {  	s30 =	sld [smem:$0x0];
	_ =	sdelay $0x2  }
0xb7: {  	s31 =	sshll.u32 s1, $0xD;
	s1 =	sshrl.u32 s1, $0x2  }
0xb8: {  	s3 =	sand.u32 $0x4000, s31;
	s1 =	sadd.s32 s1, s30  }
0xb9: {  	s0 =	sor.u32 s3, s0;
	s1 =	sshll.u32 s1, $0x11  }
0xba: {  	s0 =	sor.u32 s1, s0  }
0xbb: {  	s0 =	sadd.s32 $0x8F2B, s0  }
0xbc: {  	[sflag:s0] =	ssyncadd.remote.s32 $0x1  }
0xbd: {  	_ =	sfence.sel $0xFFFF  }
0xbe: {  	[dreg:$0x0] =	wrdreg $0xFFFFFFFF;
	(pc) =	sbr.abs _section_cstart, $3  }
0xbf: {  	[dreg:$0x1] =	wrdreg $0xFFFFFFFF  }
0xc0: {  	_ =	task.clear_ibuf [dreg:s6], $0x2FFFF;
	_ =	strace $0x9FFFFFFF  }
0xc1: {  	(tm) =	ssettm $0x7FFFFFFF  }
tec
execute0_lowered:
.L_overlay_start_1:
0x0: {  	(tag) =	ssettag $0x1  }
0x1: {  	s4 =	rddreg [dreg:$0x0]  }
0x2: {  	s0 =	rddreg [dreg:$0x1];
	s1 =	simm.s32 $0x0  }
0x3: {  	s5 =	srdreg.scid;
	s22 =	stileid.u32;
	s15 =	simm.s32 $0x300  }
0x4: {  	s16 =	simm.s32 $0x1;
	s17 =	simm.s32 $0x400;
	s18 =	simm.s32 $0x2  }
0x5: {  	s19 =	simm.s32 $0x4400;
	s20 =	simm.s32 $0x3;
	s21 =	simm.s32 $0x8400  }
0x6: {  	[smem:$0x7FF] =	sst s1;
	s2 =	sadd.s32 $0x36E00, s4;
	s3 =	sadd.s32 $0x85200, s4  }
0x7: {  	s9 =	sand.u32 $0x1, s5;
	s10 =	sadd.s32 $0x5C00, s4;
	s11 =	sadd.s32 $0xAC00, s4  }
0x8: {  	s6 =	sadd.s32 $0x7D8200, s4;
	s12 =	sshll.u32 s22, $0xC;
	s30 =	sshll.u32 s22, $0x5  }
0x9: {  	p0 =	sne.s32 s22, $0x0;
	s22 =	simm.s32 $0x0;
	_ =	strace $0x8000004D  }
0xa: {  	s5 =	sshll.u32 s9, $0x7;
	s28 =	ssub.s32 $0x2, s9;
	s12 =	sadd.s32 s12, s6  }
0xb: {  	s14 =	sshll.u32 s9, $0xB;
	s31 =	sshll.u32 s9, $0x4;
	s5 =	sor.u32 $0x27000, s5  }
0xc: {  	s7 =	sshrl.u32 s28, $0x1;
	s29 =	sadd.s32 s14, s12;
	s12 =	simm.s32 $0x80  }
0xd: {  	s14 =	simm.s32 $0x100;
	s8 =	sshrl.u32 s5, $0x3;
	s7 =	ssub.s32 s28, s7  }
0xe: {  	s13 =	sshll.u32 s5, $0x4;
	s4 =	sadd.s32 s11, s8;
	s5 =	sadd.s32 s10, s8  }
0xf: {  	s6 =	sadd.s32 s6, s13;
	s7 =	smax.u32 s7, $0x1;
	s8 =	sadd.s32 $0x20000, s29  }
0x10: {  	s10 =	sadd.s32 s30, s10;
	s11 =	sadd.s32 s30, s11;
	s13 =	simm.s32 $0x280  }
0x11: {  	s9 =	sadd.s32 s31, s10;
	s10 =	sadd.s32 s31, s11;
	s11 =	simm.s32 $0x200  }
.LBB2_1:
0x12: {  	s23 =	sadd.s32 $0x0, s10  }
0x13: {  	[tilespmem:s1], [sflag:$0x1] =	stream.linear.gather [hbm4b:s23+s1], $0x80, $0x38;
	[tilespmem:$0xC400] =	vst v63  }
0x14: {  	s24 =	sadd.s32 $0x0, s9  }
0x15: {  	[tilespmem:s11], [sflag:$0x1] =	stream.linear.gather [hbm4b:s24+s1], $0x80, $0x38;
	[tilespmem:$0xC400] =	vst v63  }
0x16: {  	s25 =	sadd.s32 $0x200, s23  }
0x17: {  	[tilespmem:s12], [sflag:$0x2] =	stream.linear.gather [hbm4b:s25+s1], $0x80, $0x38;
	[tilespmem:$0xC400] =	vst v63  }
0x18: {  	s28 =	sadd.s32 $0x200, s24  }
0x19: {  	[tilespmem:s13], [sflag:$0x2] =	stream.linear.gather [hbm4b:s28+s1], $0x80, $0x38;
	[tilespmem:$0xC400] =	vst v63  }
0x1a: {  	s23 =	sadd.s32 $0x400, s23  }
0x1b: {  	[tilespmem:s14], [sflag:$0x3] =	stream.linear.gather [hbm4b:s23+s1], $0x80, $0x38;
	[tilespmem:$0xC400] =	vst v63  }
0x1c: {  	s29 =	sadd.s32 $0x400, s24  }
0x1d: {  	[tilespmem:s15], [sflag:$0x3] =	stream.linear.gather [hbm4b:s29+s1], $0x80, $0x38;
	[tilespmem:$0xC400] =	vst v63  }
0x1e: {  	_ =	swait.ge [sflag:s16], $0x80  }
0x1f: {  	[sflag:s16] =	ssyncset.done $0x0  }
0x20: {  	[sflag:s16] =	ssyncadd.s32 $0xFFFFFF80  }
0x21: {  	_ =	swait.ge [sflag:s16], $0x80  }
0x22: {  	[sflag:s16] =	ssyncset.done $0x0  }
0x23: {  	[sflag:s16] =	ssyncadd.s32 $0xFFFFFF80  }
0x24: {  	[tilespmem:s17], [sflag:$0x1] =	stream.indirect.gather [hbm4b:s2+s12], $0x80, s1, s12, $0xb8;
	[tilespmem:$0xC400] =	vst v63  }
0x25: {  	_ =	swait.ge [sflag:s18], $0x80  }
0x26: {  	[sflag:s18] =	ssyncset.done $0x0  }
0x27: {  	[sflag:s18] =	ssyncadd.s32 $0xFFFFFF80  }
0x28: {  	_ =	swait.ge [sflag:s18], $0x80  }
0x29: {  	[sflag:s18] =	ssyncset.done $0x0  }
0x2a: {  	[sflag:s18] =	ssyncadd.s32 $0xFFFFFF80  }
0x2b: {  	[tilespmem:s19], [sflag:$0x2] =	stream.indirect.gather [hbm4b:s2+s12], $0x80, s12, s12, $0xb8;
	[tilespmem:$0xC400] =	vst v63  }
0x2c: {  	_ =	swait.ge [sflag:s20], $0x80  }
0x2d: {  	[sflag:s20] =	ssyncset.done $0x0  }
0x2e: {  	[sflag:s20] =	ssyncadd.s32 $0xFFFFFF80  }
0x2f: {  	_ =	swait.ge [sflag:s20], $0x80  }
0x30: {  	[sflag:s20] =	ssyncset.done $0x0  }
0x31: {  	[sflag:s20] =	ssyncadd.s32 $0xFFFFFF80  }
0x32: {  	[tilespmem:s21], [sflag:$0x3] =	stream.indirect.gather [hbm4b:s2+s12], $0x80, s14, s12, $0xb8;
	[tilespmem:$0xC400] =	vst v63  }
0x33: {  	_ =	swait.ge [sflag:s16], $0x4000  }
0x34: {  	[sflag:s16] =	ssyncset.done $0x0  }
0x35: {  	[sflag:s16] =	ssyncadd.s32 $0xFFFFC000  }
0x36: {  	[tilespmem:s17], [sflag:$0x1] =	stream.indirect.gather.add.f32 [hbm:s3], $0x80, s11, s12, $0xb8;
	[tilespmem:$0xC400] =	vst v63  }
0x37: {  	_ =	swait.ge [sflag:s18], $0x4000  }
0x38: {  	[sflag:s18] =	ssyncset.done $0x0  }
0x39: {  	[sflag:s18] =	ssyncadd.s32 $0xFFFFC000  }
0x3a: {  	[tilespmem:s19], [sflag:$0x2] =	stream.indirect.gather.add.f32 [hbm:s3], $0x80, s13, s12, $0xb8;
	[tilespmem:$0xC400] =	vst v63  }
0x3b: {  	_ =	swait.ge [sflag:s20], $0x4000  }
0x3c: {  	[sflag:s20] =	ssyncset.done $0x0  }
0x3d: {  	[sflag:s20] =	ssyncadd.s32 $0xFFFFC000  }
0x3e: {  	[tilespmem:s21], [sflag:$0x3] =	stream.indirect.gather.add.f32 [hbm:s3], $0x80, s15, s12, $0xb8;
	[tilespmem:$0xC400] =	vst v63  }
0x3f: {  	_ =	swait.ge [sflag:s16], $0x4000  }
0x40: {  	[sflag:s16] =	ssyncset.done $0x0  }
0x41: {  	s30 =	sadd.s32 $0xFFFE0000, s8;
	[sflag:s16] =	ssyncadd.s32 $0xFFFFC000  }
0x42: {  	[hbm4b:s30+s1] =	stream.linear.scatter [tilespmem:s17], [sflag:$0x1], $0x4000, $0x38;
	[tilespmem:$0xC400] =	vst v63  }
0x43: {  	_ =	swait.ge [sflag:s18], $0x4000  }
0x44: {  	[sflag:s18] =	ssyncset.done $0x0  }
0x45: {  	s31 =	sadd.s32 $0xFFFF0000, s8;
	[sflag:s18] =	ssyncadd.s32 $0xFFFFC000  }
0x46: {  	[hbm4b:s31+s1] =	stream.linear.scatter [tilespmem:s19], [sflag:$0x2], $0x4000, $0x38;
	[tilespmem:$0xC400] =	vst v63  }
0x47: {  	_ =	swait.ge [sflag:s20], $0x4000  }
0x48: {  	[sflag:s20] =	ssyncset.done $0x0  }
0x49: {  	[sflag:s20] =	ssyncadd.s32 $0xFFFFC000  }
0x4a: {  	[hbm4b:s8+s1] =	stream.linear.scatter [tilespmem:s21], [sflag:$0x3], $0x4000, $0x38;
	[tilespmem:$0xC400] =	vst v63  }
0x4b: {  	_ =	swait.ge [sflag:s16], $0x4000  }
0x4c: {  	[sflag:s16] =	ssyncset.done $0x0  }
0x4d: {  	[sflag:s16] =	ssyncadd.s32 $0xFFFFC000  }
0x4e: {  	_ =	swait.ge [sflag:s18], $0x4000  }
0x4f: {  	[sflag:s18] =	ssyncset.done $0x0  }
0x50: {  	[sflag:s18] =	ssyncadd.s32 $0xFFFFC000  }
0x51: {  	s26 =	simm.s32 $0xC00;
	_ =	swait.ge [sflag:s20], $0x4000  }
0x52: {  	s24 =	simm.s32 $0x600;
	s23 =	sadd.s32 $0x30000, s8;
	[sflag:s20] =	ssyncset.done $0x0  }
.LBB2_2:
0x53: {  	s28 =	sadd.s32 s24, s10  }
0x54: {  	[sflag:s20] =	ssyncadd.s32 $0xFFFFC000;
	s29 =	smov.u32 s26;
	s25 =	sadd.s32 $0x600, s26  }
0x55: {  	[tilespmem:s1], [sflag:$0x1] =	stream.linear.gather [hbm4b:s28+s1], $0x80, $0x38;
	[tilespmem:$0xC400] =	vst v63  }
0x56: {  	p1 =	sne.s32 s26, $0x4800;
	s26 =	sadd.s32 s24, s9;
	s24 =	smov.u32 s29  }
0x57: {  	[tilespmem:s11], [sflag:$0x1] =	stream.linear.gather [hbm4b:s26+s1], $0x80, $0x38;
	[tilespmem:$0xC400] =	vst v63  }
0x58: {  	s29 =	sadd.s32 $0x200, s28  }
0x59: {  	[tilespmem:s12], [sflag:$0x2] =	stream.linear.gather [hbm4b:s29+s1], $0x80, $0x38;
	[tilespmem:$0xC400] =	vst v63  }
0x5a: {  	s29 =	sadd.s32 $0x200, s26  }
0x5b: {  	[tilespmem:s13], [sflag:$0x2] =	stream.linear.gather [hbm4b:s29+s1], $0x80, $0x38;
	[tilespmem:$0xC400] =	vst v63  }
0x5c: {  	s28 =	sadd.s32 $0x400, s28  }
0x5d: {  	[tilespmem:s14], [sflag:$0x3] =	stream.linear.gather [hbm4b:s28+s1], $0x80, $0x38;
	[tilespmem:$0xC400] =	vst v63  }
0x5e: {  	s26 =	sadd.s32 $0x400, s26  }
0x5f: {  	[tilespmem:s15], [sflag:$0x3] =	stream.linear.gather [hbm4b:s26+s1], $0x80, $0x38;
	[tilespmem:$0xC400] =	vst v63  }
0x60: {  	_ =	swait.ge [sflag:s16], $0x80  }
0x61: {  	[sflag:s16] =	ssyncset.done $0x0  }
0x62: {  	[sflag:s16] =	ssyncadd.s32 $0xFFFFFF80  }
0x63: {  	_ =	swait.ge [sflag:s16], $0x80  }
0x64: {  	[sflag:s16] =	ssyncset.done $0x0  }
0x65: {  	[sflag:s16] =	ssyncadd.s32 $0xFFFFFF80  }
0x66: {  	[tilespmem:s17], [sflag:$0x1] =	stream.indirect.gather [hbm4b:s2+s12], $0x80, s1, s12, $0xb8;
	[tilespmem:$0xC400] =	vst v63  }
0x67: {  	_ =	swait.ge [sflag:s18], $0x80  }
0x68: {  	[sflag:s18] =	ssyncset.done $0x0  }
0x69: {  	[sflag:s18] =	ssyncadd.s32 $0xFFFFFF80  }
0x6a: {  	_ =	swait.ge [sflag:s18], $0x80  }
0x6b: {  	[sflag:s18] =	ssyncset.done $0x0  }
0x6c: {  	[sflag:s18] =	ssyncadd.s32 $0xFFFFFF80  }
0x6d: {  	[tilespmem:s19], [sflag:$0x2] =	stream.indirect.gather [hbm4b:s2+s12], $0x80, s12, s12, $0xb8;
	[tilespmem:$0xC400] =	vst v63  }
0x6e: {  	_ =	swait.ge [sflag:s20], $0x80  }
0x6f: {  	[sflag:s20] =	ssyncset.done $0x0  }
0x70: {  	[sflag:s20] =	ssyncadd.s32 $0xFFFFFF80  }
0x71: {  	_ =	swait.ge [sflag:s20], $0x80  }
0x72: {  	[sflag:s20] =	ssyncset.done $0x0  }
0x73: {  	[sflag:s20] =	ssyncadd.s32 $0xFFFFFF80  }
0x74: {  	[tilespmem:s21], [sflag:$0x3] =	stream.indirect.gather [hbm4b:s2+s12], $0x80, s14, s12, $0xb8;
	[tilespmem:$0xC400] =	vst v63  }
0x75: {  	_ =	swait.ge [sflag:s16], $0x4000  }
0x76: {  	[sflag:s16] =	ssyncset.done $0x0  }
0x77: {  	[sflag:s16] =	ssyncadd.s32 $0xFFFFC000  }
0x78: {  	[tilespmem:s17], [sflag:$0x1] =	stream.indirect.gather.add.f32 [hbm:s3], $0x80, s11, s12, $0xb8;
	[tilespmem:$0xC400] =	vst v63  }
0x79: {  	_ =	swait.ge [sflag:s18], $0x4000  }
0x7a: {  	[sflag:s18] =	ssyncset.done $0x0  }
0x7b: {  	[sflag:s18] =	ssyncadd.s32 $0xFFFFC000  }
0x7c: {  	[tilespmem:s19], [sflag:$0x2] =	stream.indirect.gather.add.f32 [hbm:s3], $0x80, s13, s12, $0xb8;
	[tilespmem:$0xC400] =	vst v63  }
0x7d: {  	_ =	swait.ge [sflag:s20], $0x4000  }
0x7e: {  	[sflag:s20] =	ssyncset.done $0x0  }
0x7f: {  	[sflag:s20] =	ssyncadd.s32 $0xFFFFC000  }
0x80: {  	[tilespmem:s21], [sflag:$0x3] =	stream.indirect.gather.add.f32 [hbm:s3], $0x80, s15, s12, $0xb8;
	[tilespmem:$0xC400] =	vst v63  }
0x81: {  	_ =	swait.ge [sflag:s16], $0x4000  }
0x82: {  	[sflag:s16] =	ssyncset.done $0x0  }
0x83: {  	s26 =	sadd.s32 $0xFFFE0000, s23;
	[sflag:s16] =	ssyncadd.s32 $0xFFFFC000  }
0x84: {  	[hbm4b:s26+s1] =	stream.linear.scatter [tilespmem:s17], [sflag:$0x1], $0x4000, $0x38;
	[tilespmem:$0xC400] =	vst v63  }
0x85: {  	_ =	swait.ge [sflag:s18], $0x4000  }
0x86: {  	[sflag:s18] =	ssyncset.done $0x0  }
0x87: {  	s26 =	sadd.s32 $0xFFFF0000, s23;
	[sflag:s18] =	ssyncadd.s32 $0xFFFFC000  }
0x88: {  	[hbm4b:s26+s1] =	stream.linear.scatter [tilespmem:s19], [sflag:$0x2], $0x4000, $0x38;
	[tilespmem:$0xC400] =	vst v63  }
0x89: {  	_ =	swait.ge [sflag:s20], $0x4000  }
0x8a: {  	[sflag:s20] =	ssyncset.done $0x0  }
0x8b: {  	[sflag:s20] =	ssyncadd.s32 $0xFFFFC000  }
0x8c: {  	[hbm4b:s23+s1] =	stream.linear.scatter [tilespmem:s21], [sflag:$0x3], $0x4000, $0x38;
	[tilespmem:$0xC400] =	vst v63  }
0x8d: {  	_ =	swait.ge [sflag:s16], $0x4000  }
0x8e: {  	[sflag:s16] =	ssyncset.done $0x0  }
0x8f: {  	[sflag:s16] =	ssyncadd.s32 $0xFFFFC000  }
.Ltmp0:
0x90: {  	_ =	swait.ge [sflag:s18], $0x4000;
	(pc) =	sbr.rel @p1 .LBB2_2-.Ltmp0, $4  }
0x91: {  	[sflag:s18] =	ssyncset.done $0x0  }
0x92: {  	[sflag:s18] =	ssyncadd.s32 $0xFFFFC000  }
0x93: {  	_ =	swait.ge [sflag:s20], $0x4000  }
0x94: {  	s26 =	smov.u32 s25;
	s23 =	sadd.s32 $0x30000, s23;
	[sflag:s20] =	ssyncset.done $0x0  }
0x95: {  	s25 =	sadd.s32 s24, s10;
	[sflag:s20] =	ssyncadd.s32 $0xFFFFC000  }
0x96: {  	[tilespmem:s1], [sflag:$0x1] =	stream.linear.gather [hbm4b:s25+s1], $0x80, $0x38;
	[tilespmem:$0xC400] =	vst v63  }
0x97: {  	s28 =	sadd.s32 s24, s9  }
0x98: {  	[tilespmem:s11], [sflag:$0x1] =	stream.linear.gather [hbm4b:s28+s1], $0x80, $0x38;
	[tilespmem:$0xC400] =	vst v63  }
0x99: {  	s26 =	sadd.s32 $0x200, s25  }
0x9a: {  	[tilespmem:s12], [sflag:$0x2] =	stream.linear.gather [hbm4b:s26+s1], $0x80, $0x38;
	[tilespmem:$0xC400] =	vst v63  }
0x9b: {  	s29 =	sadd.s32 $0x200, s28  }
0x9c: {  	[tilespmem:s13], [sflag:$0x2] =	stream.linear.gather [hbm4b:s29+s1], $0x80, $0x38;
	[tilespmem:$0xC400] =	vst v63  }
0x9d: {  	s25 =	sadd.s32 $0x400, s25  }
0x9e: {  	[tilespmem:s14], [sflag:$0x3] =	stream.linear.gather [hbm4b:s25+s1], $0x80, $0x38;
	[tilespmem:$0xC400] =	vst v63  }
0x9f: {  	s24 =	sadd.s32 $0x400, s28  }
0xa0: {  	[tilespmem:s15], [sflag:$0x3] =	stream.linear.gather [hbm4b:s24+s1], $0x80, $0x38;
	[tilespmem:$0xC400] =	vst v63  }
0xa1: {  	_ =	swait.ge [sflag:s16], $0x80  }
0xa2: {  	[sflag:s16] =	ssyncset.done $0x0  }
0xa3: {  	[sflag:s16] =	ssyncadd.s32 $0xFFFFFF80  }
0xa4: {  	_ =	swait.ge [sflag:s16], $0x80  }
0xa5: {  	[sflag:s16] =	ssyncset.done $0x0  }
0xa6: {  	[sflag:s16] =	ssyncadd.s32 $0xFFFFFF80  }
0xa7: {  	[tilespmem:s17], [sflag:$0x1] =	stream.indirect.gather [hbm4b:s2+s12], $0x80, s1, s12, $0xb8;
	[tilespmem:$0xC400] =	vst v63  }
0xa8: {  	_ =	swait.ge [sflag:s18], $0x80  }
0xa9: {  	[sflag:s18] =	ssyncset.done $0x0  }
0xaa: {  	[sflag:s18] =	ssyncadd.s32 $0xFFFFFF80  }
0xab: {  	_ =	swait.ge [sflag:s18], $0x80  }
0xac: {  	[sflag:s18] =	ssyncset.done $0x0  }
0xad: {  	[sflag:s18] =	ssyncadd.s32 $0xFFFFFF80  }
0xae: {  	[tilespmem:s19], [sflag:$0x2] =	stream.indirect.gather [hbm4b:s2+s12], $0x80, s12, s12, $0xb8;
	[tilespmem:$0xC400] =	vst v63  }
0xaf: {  	_ =	swait.ge [sflag:s20], $0x80  }
0xb0: {  	[sflag:s20] =	ssyncset.done $0x0  }
0xb1: {  	[sflag:s20] =	ssyncadd.s32 $0xFFFFFF80  }
0xb2: {  	_ =	swait.ge [sflag:s20], $0x80  }
0xb3: {  	[sflag:s20] =	ssyncset.done $0x0  }
0xb4: {  	[sflag:s20] =	ssyncadd.s32 $0xFFFFFF80  }
0xb5: {  	[tilespmem:s21], [sflag:$0x3] =	stream.indirect.gather [hbm4b:s2+s12], $0x80, s14, s12, $0xb8;
	[tilespmem:$0xC400] =	vst v63  }
0xb6: {  	_ =	swait.ge [sflag:s16], $0x4000  }
0xb7: {  	[sflag:s16] =	ssyncset.done $0x0  }
0xb8: {  	[sflag:s16] =	ssyncadd.s32 $0xFFFFC000  }
0xb9: {  	[tilespmem:s17], [sflag:$0x1] =	stream.indirect.gather.add.f32 [hbm:s3], $0x80, s11, s12, $0xb8;
	[tilespmem:$0xC400] =	vst v63  }
0xba: {  	_ =	swait.ge [sflag:s18], $0x4000  }
0xbb: {  	[sflag:s18] =	ssyncset.done $0x0  }
0xbc: {  	[sflag:s18] =	ssyncadd.s32 $0xFFFFC000  }
0xbd: {  	[tilespmem:s19], [sflag:$0x2] =	stream.indirect.gather.add.f32 [hbm:s3], $0x80, s13, s12, $0xb8;
	[tilespmem:$0xC400] =	vst v63  }
0xbe: {  	_ =	swait.ge [sflag:s20], $0x4000  }
0xbf: {  	[sflag:s20] =	ssyncset.done $0x0  }
0xc0: {  	[sflag:s20] =	ssyncadd.s32 $0xFFFFC000  }
0xc1: {  	[tilespmem:s21], [sflag:$0x3] =	stream.indirect.gather.add.f32 [hbm:s3], $0x80, s15, s12, $0xb8;
	[tilespmem:$0xC400] =	vst v63  }
0xc2: {  	_ =	swait.ge [sflag:s16], $0x4000  }
0xc3: {  	[sflag:s16] =	ssyncset.done $0x0  }
0xc4: {  	s30 =	sadd.s32 $0xFFFE0000, s23;
	[sflag:s16] =	ssyncadd.s32 $0xFFFFC000  }
0xc5: {  	[hbm4b:s30+s1] =	stream.linear.scatter [tilespmem:s17], [sflag:$0x1], $0x4000, $0x38;
	[tilespmem:$0xC400] =	vst v63  }
0xc6: {  	_ =	swait.ge [sflag:s18], $0x4000  }
0xc7: {  	[sflag:s18] =	ssyncset.done $0x0  }
0xc8: {  	s31 =	sadd.s32 $0xFFFF0000, s23;
	[sflag:s18] =	ssyncadd.s32 $0xFFFFC000  }
0xc9: {  	[hbm4b:s31+s1] =	stream.linear.scatter [tilespmem:s19], [sflag:$0x2], $0x4000, $0x38;
	[tilespmem:$0xC400] =	vst v63  }
0xca: {  	_ =	swait.ge [sflag:s20], $0x4000  }
0xcb: {  	[sflag:s20] =	ssyncset.done $0x0  }
0xcc: {  	[sflag:s20] =	ssyncadd.s32 $0xFFFFC000  }
0xcd: {  	[hbm4b:s23+s1] =	stream.linear.scatter [tilespmem:s21], [sflag:$0x3], $0x4000, $0x38;
	[tilespmem:$0xC400] =	vst v63  }
0xce: {  	_ =	swait.ge [sflag:s16], $0x4000  }
0xcf: {  	[sflag:s16] =	ssyncset.done $0x0  }
0xd0: {  	[sflag:s16] =	ssyncadd.s32 $0xFFFFC000  }
0xd1: {  	_ =	swait.ge [sflag:s18], $0x4000  }
0xd2: {  	[sflag:s18] =	ssyncset.done $0x0  }
0xd3: {  	[sflag:s18] =	ssyncadd.s32 $0xFFFFC000  }
0xd4: {  	_ =	swait.ge [sflag:s20], $0x4000  }
0xd5: {  	[sflag:s20] =	ssyncset.done $0x0  }
0xd6: {  	s24 =	simm.s32 @!p0 $0x4;
	s23 =	simm.s32 @!p0 $0x0;
	[sflag:s20] =	ssyncadd.s32 $0xFFFFC000  }
0xd7: {  	[tilespmem:s23], [sflag:$0x4] =	stream.linear.gather @!p0 [hbm4b:s4+s23], $0x80, $0x38;
	[tilespmem:$0xC400] =	vst v63  }
0xd8: {  	_ =	swait.ge @!p0 [sflag:s24], $0x80  }
0xd9: {  	[sflag:s24] =	ssyncset.done @!p0 $0x0  }
0xda: {  	s25 =	simm.s32 @!p0 $0x200;
	[sflag:s24] =	ssyncadd.s32 @!p0 $0xFFFFFF80  }
0xdb: {  	[tilespmem:s25], [sflag:$0x4] =	stream.linear.gather @!p0 [hbm4b:s5+s23], $0x80, $0x38;
	[tilespmem:$0xC400] =	vst v63  }
0xdc: {  	_ =	swait.ge @!p0 [sflag:s24], $0x80  }
0xdd: {  	s28 =	simm.s32 @!p0 $0x400;
	[sflag:s24] =	ssyncset.done @!p0 $0x0  }
0xde: {  	s26 =	simm.s32 @!p0 $0x80;
	s29 =	simm.s32 @!p0 $0x1;
	[sflag:s24] =	ssyncadd.s32 @!p0 $0xFFFFFF80  }
0xdf: {  	[tilespmem:s28], [sflag:$0x1] =	stream.indirect.gather @!p0 [hbm4b:s2+s26], $0x80, s23, s26, $0xb8;
	[tilespmem:$0xC400] =	vst v63  }
0xe0: {  	_ =	swait.ge @!p0 [sflag:s29], $0x4000  }
0xe1: {  	[sflag:s29] =	ssyncset.done @!p0 $0x0  }
0xe2: {  	[sflag:s29] =	ssyncadd.s32 @!p0 $0xFFFFC000  }
0xe3: {  	[tilespmem:s28], [sflag:$0x1] =	stream.indirect.gather.add.f32 @!p0 [hbm:s3], $0x80, s25, s26, $0xb8;
	[tilespmem:$0xC400] =	vst v63  }
0xe4: {  	s22 =	sadd.s32 $0x1, s22;
	_ =	swait.ge @!p0 [sflag:s29], $0x4000  }
0xe5: {  	p1 =	sne.s32 s22, s7;
	[sflag:s29] =	ssyncset.done @!p0 $0x0  }
.Ltmp1:
0xe6: {  	[sflag:s29] =	ssyncadd.s32 @!p0 $0xFFFFC000;
	(pc) =	sbr.rel @p1 .LBB2_1-.Ltmp1, $4  }
0xe7: {  	[hbm4b:s6+s23] =	stream.linear.scatter @!p0 [tilespmem:s28], [sflag:$0x4], $0x4000, $0x38;
	[tilespmem:$0xC400] =	vst v63  }
0xe8: {  	_ =	swait.ge @!p0 [sflag:s24], $0x4000  }
0xe9: {  	[sflag:s24] =	ssyncset.done @!p0 $0x0  }
0xea: {  	[sflag:s24] =	ssyncadd.s32 @!p0 $0xFFFFC000  }
0xeb: {  	_ =	sfence.sel $0x180000  }
0xec: {  	[bflag:$0x0] =	sbarrier.arrive $0xFFFF  }
0xed: {  	_ =	strace $0x9000004D  }
0xee: {  	s0 =	sadd.s32 @!p0 $0x100000, s0;
	[bflag:$0x2] =	sbarrier.arrive $0xFFFF  }
0xef: {  	[sflag:s0] =	ssyncadd.tile.s32 @!p0 $0x1;
	_ =	shalt  }
.Lfunc_end2:
_tile_overlayer_lowered:
.L_overlay_start_2:
0xf0: {  	(tag) =	ssettag $0x2  }
0xf1: {  	s0 =	rddreg [dreg:$0x0];
	s2 =	stileid.u32  }
0xf2: {  	s1 =	rddreg [dreg:$0x1];
	p0 =	sne.s32 s2, $0x0  }
0xf3: {  	s3 =	rddreg [dreg:$0x2];
	[bflag:$0x3] =	sbarrier.arrive $0xFFFF;
	s2 =	simm.s32 @!p0 $0x1C04  }
0xf4: {  	[timem:s3], [sflag:s2] =	dma.local @!p0 [hbm:s0], s1  }
0xf5: {  	s0 =	simm.s32 @!p0 $0x4  }
0xf6: {  	_ =	swait.ge @!p0 [sflag:s0], s1  }
0xf7: {  	s1 =	ssub.s32 @!p0 $0x0, s1;
	[sflag:s0] =	ssyncset.done @!p0 $0x0  }
0xf8: {  	[sflag:s0] =	ssyncadd.s32 @!p0 s1  }
0xf9: {  	[bflag:$0x3] =	sbarrier.arrive $0xFFFF  }
0xfa: {  	_ =	shalt  }

// kernel: kernel.21.cloned.1.call-start
scs
__scs_entry_jumppad:
0x0: {  	(pc) =	sbr.rel $0x88, $3  }
0x1: {  	(tag) =	ssettag $0x0;
	lr =	simm.s32 $0x1  }
0x2: {  	[smem:$0x3F82] =	sst lr;
	_ =	strace $0xD0000000  }
0x3: {  	_ = 	snop  }
0x4: {  	_ = 	snop  }
0x5: {  	_ = 	snop  }
0x6: {  	_ = 	snop  }
0x7: {  	_ = 	snop  }
__scs_overlays_trampoline_lowered:
0x8: {  	[smem:$0x3F91] =	sst s0  }
0x9: {  	[smem:$0x3F92] =	sst s1  }
0xa: {  	[smem:$0x3F93] =	sst s2  }
0xb: {  	[smem:$0x3F94] =	sst s3  }
0xc: {  	[smem:$0x3F95] =	sst s4  }
0xd: {  	[smem:$0x3F96] =	sst s5  }
0xe: {  	[smem:$0x3F97] =	sst s6  }
0xf: {  	[smem:$0x3F98] =	sst s7  }
0x10: {  	[smem:$0x3F99] =	sst s8  }
0x11: {  	[smem:$0x3F9A] =	sst s9;
	s0 =	simm.s32 @!p0 $0x0  }
0x12: {  	s1 =	sld [smem:$0x3F80];
	s0 =	simm.s32 @p0 $0x1  }
0x13: {  	[smem:$0x3F9B] =	sst s0;
	s0 =	simm.s32 @!p1 $0x0  }
0x14: {  	s2 =	sld [smem:$0x3F7F];
	s0 =	simm.s32 @p1 $0x1  }
0x15: {  	[smem:$0x3F9C] =	sst s0;
	s0 =	simm.s32 @!p2 $0x0  }
0x16: {  	s3 =	sld [smem:$0x3FDB];
	s0 =	simm.s32 @p2 $0x1  }
0x17: {  	s4 =	simm.s32 $0x1BF5;
	[smem:$0x3F9E] =	sst s0  }
0x18: {  	s0 =	sld [smem:$0x3F81];
	_ =	swait.ge [sflag:s4], $0x0  }
0x19: {  	s7 =	sld [smem:$0x3F82]  }
0x1a: {  	s8 =	sadd.s32 $0xFFFFE003, lr  }
0x1b: {  	s9 =	sadd.s32 $0xFFFFFEF7, lr;
	s5 =	simm.s32 $0xFFFFFFFF;
	p2 =	slt.u32 s8, $0xFFFFF086  }
0x1c: {  	p1 =	slt.u32 s9, $0xF7A;
	s5 =	simm.s32 @!p2 $0x0  }
0x1d: {  	s5 =	simm.s32 @p1 $0x1;
	p0 =	seq.s32 s7, s2  }
0x1e: {  	s7 =	smul.u32 @!p0 $0xF7A, s2;
	p2 =	seq.s32 @!p0 s5, $0x0  }
0x1f: {  	s9 =	smul.u32 $0xF7A, s1;
	s8 =	simm.s32 @!p0 $0x1BF5;
	p2 =	por !p2, p0  }
0x20: {  	[sflag:s8] =	ssyncset.s32 @!p0 $0xFFFFF086;
	s6 =	sadd.s32 @!p0 s3, s7;
	s7 =	simm.s32 @!p0 $0x108  }
0x21: {  	s3 =	sadd.s32 s3, s9;
	s6 =	sadd.s32 @!p0 $0x88, s6;
	s7 =	simm.s32 @p2 $0x1082  }
0x22: {  	[simem:s7], [sflag:s8] =	dma.local @!p0 [hbm:s6], $0xF7A  }
0x23: {  	s9 =	sor.u32 $0xD0000000, s2;
	s6 =	simm.s32 $0x108;
	_ =	swait.ge @!p0 [sflag:s8], $0x0  }
0x24: {  	s3 =	sadd.s32 $0x88, s3;
	s6 =	simm.s32 @!p1 $0x1082;
	[sflag:s4] =	ssyncset.s32 $0xFFFFF086  }
0x25: {  	[simem:s6], [sflag:s4] =	dma.local [hbm:s3], $0xF7A  }
0x26: {  	[smem:$0x3F82] =	sst s1;
	(tag) =	ssettag s2;
	_ =	strace s9  }
0x27: {  	s1 =	sld [smem:$0x3F92]  }
0x28: {  	s2 =	sld [smem:$0x3F93]  }
0x29: {  	s4 =	sld [smem:$0x3F95]  }
0x2a: {  	p0 =	seq.s32 s5, $0x0;
	s5 =	sld [smem:$0x3F96]  }
0x2b: {  	s6 =	sld [smem:$0x3F97]  }
0x2c: {  	s7 =	sld [smem:$0x3F98]  }
0x2d: {  	s3 =	simm.s32 $0x108;
	s8 =	sld [smem:$0x3F99]  }
0x2e: {  	s3 =	simm.s32 @!p0 $0x1082;
	s9 =	sld [smem:$0x3F9A]  }
0x2f: {  	lr =	sadd.s32 s0, s3;
	s0 =	sld [smem:$0x3F91]  }
0x30: {  	s3 =	sld [smem:$0x3F94]  }
0x31: {  	[smem:$0x3F9D] =	sst s10  }
0x32: {  	s10 =	sld [smem:$0x3F9B];
	_ =	sdelay $0x3  }
0x33: {  	p0 =	seq.s32 s10, $0x1;
	s10 =	sld [smem:$0x3F9D];
	_ =	sdelay $0x3  }
0x34: {  	[smem:$0x3F9D] =	sst s10  }
0x35: {  	s10 =	sld [smem:$0x3F9C];
	_ =	sdelay $0x3  }
0x36: {  	p1 =	seq.s32 s10, $0x1;
	s10 =	sld [smem:$0x3F9D];
	_ =	sdelay $0x3  }
0x37: {  	[smem:$0x3F9D] =	sst s10  }
0x38: {  	s10 =	sld [smem:$0x3F9E]  }
0x39: {  	_ = 	snop;
	(pc) =	sbr.ind lr, $3  }
0x3a: {  	_ = 	snop  }
0x3b: {  	_ = 	snop  }
0x3c: {  	p2 =	seq.s32 s10, $0x1;
	s10 =	sld [smem:$0x3F9D]  }
0x3d: {  	_ =	shalt  }
0x3e: {  	_ =	shalt  }
0x3f: {  	_ =	shalt  }
0x40: {  	_ =	shalt  }
0x41: {  	_ =	shalt  }
0x42: {  	_ =	shalt  }
0x43: {  	_ =	shalt  }
0x44: {  	_ =	shalt  }
0x45: {  	_ =	shalt  }
0x46: {  	_ =	shalt  }
0x47: {  	_ =	shalt  }
0x48: {  	_ =	shalt  }
0x49: {  	_ =	shalt  }
0x4a: {  	_ =	shalt  }
0x4b: {  	_ =	shalt  }
0x4c: {  	_ =	shalt  }
0x4d: {  	_ =	shalt  }
0x4e: {  	_ =	shalt  }
0x4f: {  	_ =	shalt  }
0x50: {  	_ =	shalt  }
0x51: {  	_ =	shalt  }
0x52: {  	_ =	shalt  }
0x53: {  	_ =	shalt  }
0x54: {  	_ =	shalt  }
0x55: {  	_ =	shalt  }
0x56: {  	_ =	shalt  }
0x57: {  	_ =	shalt  }
0x58: {  	_ =	shalt  }
0x59: {  	_ =	shalt  }
0x5a: {  	_ =	shalt  }
0x5b: {  	_ =	shalt  }
0x5c: {  	_ =	shalt  }
0x5d: {  	_ =	shalt  }
0x5e: {  	_ =	shalt  }
0x5f: {  	_ =	shalt  }
0x60: {  	_ =	shalt  }
0x61: {  	_ =	shalt  }
0x62: {  	_ =	shalt  }
0x63: {  	_ =	shalt  }
0x64: {  	_ =	shalt  }
0x65: {  	_ =	shalt  }
0x66: {  	_ =	shalt  }
0x67: {  	_ =	shalt  }
0x68: {  	_ =	shalt  }
0x69: {  	_ =	shalt  }
0x6a: {  	_ =	shalt  }
0x6b: {  	_ =	shalt  }
0x6c: {  	_ =	shalt  }
0x6d: {  	_ =	shalt  }
0x6e: {  	_ =	shalt  }
0x6f: {  	_ =	shalt  }
0x70: {  	_ =	shalt  }
0x71: {  	_ =	shalt  }
0x72: {  	_ =	shalt  }
0x73: {  	_ =	shalt  }
0x74: {  	_ =	shalt  }
0x75: {  	_ =	shalt  }
0x76: {  	_ =	shalt  }
0x77: {  	_ =	shalt  }
0x78: {  	_ =	shalt  }
0x79: {  	_ =	shalt  }
0x7a: {  	_ =	shalt  }
0x7b: {  	_ =	shalt  }
0x7c: {  	_ =	shalt  }
0x7d: {  	_ =	shalt  }
0x7e: {  	_ =	shalt  }
0x7f: {  	_ =	shalt  }
0x80: {  	_ =	shalt  }
0x81: {  	_ =	shalt  }
0x82: {  	_ =	shalt  }
0x83: {  	_ =	shalt  }
0x84: {  	_ =	shalt  }
0x85: {  	_ =	shalt  }
0x86: {  	_ =	shalt  }
0x87: {  	_ =	shalt  }
.Lfunc_end0:
.L_simem_size_0:
called_computation.3_lowered:
.L_overlay_start_0:
0x88: {  	s2 =	sld [smem:$0x3FD9]  }
0x89: {  	s3 =	sld [smem:$0x3FFE];
	_ =	sdelay $0x1  }
0x8a: {  	s1 =	srdreg.scid  }
0x8b: {  	s0 =	sand.u32 $0x1, s1  }
0x8c: {  	s16 =	sshll.u32 s0, $0xA;
	s2 =	sadd.s32 s3, s2  }
0x8d: {  	s2 =	sadd.s32 s2, s16  }
0x8e: {  	[smem:$0x3FA9] =	sst s2  }
0x8f: {  	_ = 	snop  }
0x90: {  	(tm) =	ssettm $0x1  }
0x91: {  	s17 =	sld [smem:$0x3FFB];
	_ =	sdelay $0x3  }
0x92: {  	_ =	strace s17  }
0x93: {  	s2 =	sld [smem:$0x3FFC];
	_ =	sdelay $0x3  }
0x94: {  	_ =	strace s2  }
0x95: {  	s2 =	sld [smem:$0x3FFD];
	_ =	sdelay $0x3  }
0x96: {  	_ =	strace s2  }
0x97: {  	_ =	strace $0x8FFFFFFF  }
0x98: {  	s18 =	sld [smem:$0x3FDB];
	_ =	sdelay $0x1  }
0x99: {  	s19 =	simm.s32 $_scs_section_size  }
0x9a: {  	s4 =	simm.s32 $_size__tile_overlayer_lowered;
	s5 =	simm.s32 $_tile_overlayer_lowered  }
0x9b: {  	s22 =	simm.s32 $0x1BFF;
	s21 =	sshll.u32 s5, $0x1;
	s2 =	sadd.s32 s19, s18  }
0x9c: {  	s6 =	simm.s32 $0x0;
	s20 =	sshll.u32 s4, $0x1;
	s4 =	sadd.s32 s21, s2  }
0x9d: {  	[timem:s6], [sflag:s22] =	dma.local [hbm:s4], s20  }
0x9e: {  	_ =	swait.ge [sflag:s22], s20  }
0x9f: {  	s3 =	ssub.s32 $0x0, s20;
	[sflag:s22] =	ssyncset.done $0x0  }
0xa0: {  	[sflag:s22] =	ssyncadd.s32 s3;
	_ =	sdelay $0x1  }
0xa1: {  	s23 =	simm.s32 $0x1B8B  }
0xa2: {  	_ =	swait.ge [sflag:s23], $0x1  }
0xa3: {  	[sflag:s23] =	ssyncset.done $0x0  }
0xa4: {  	s25 =	simm.s32 $0x1B8E;
	s24 =	sld [smem:$0x3FFE];
	[sflag:s23] =	ssyncadd.s32 $0xFFFFFFFF  }
0xa5: {  	s26 =	simm.s32 $execute0_lowered;
	[smem:$0x3FD2] =	sst s25  }
0xa6: {  	s4 =	sshll.u32 s26, $0x1;
	_ =	strace $0x8000004F;
	[dreg:$0x1] =	wrdreg $0xFFFFFFFF  }
0xa7: {  	s28 =	simm.s32 $_size_execute0_lowered;
	s2 =	sadd.s32 s2, s4;
	[dreg:$0x0] =	wrdreg $0x0  }
0xa8: {  	s4 =	sshll.u32 s28, $0x1;
	[dreg:$0x2] =	wrdreg s2  }
0xa9: {  	[dreg:$0x3] =	wrdreg s4  }
0xaa: {  	[dreg:$0x4] =	wrdreg $0xC0  }
0xab: {  	_ =	task [dreg:s6], $0x5FFFF  }
0xac: {  	[dreg:$0x1] =	wrdreg $0xFFFFFFFF  }
0xad: {  	[dreg:$0x0] =	wrdreg $0x60  }
0xae: {  	[dreg:$0x2] =	wrdreg s24  }
0xaf: {  	[dreg:$0x3] =	wrdreg $0xC2000  }
0xb0: {  	[dreg:$0x4] =	wrdreg $0x9  }
0xb1: {  	_ =	task.clear_ibuf [dreg:s6], $0x5FFFF;
	_ =	strace $0x9000004F  }
0xb2: {  	s29 =	simm.s32 $0x9;
	_ =	strace $0x80000051  }
0xb3: {  	_ =	swait.ge [sflag:s29], $0x1  }
0xb4: {  	[sflag:s29] =	ssyncadd.s32 $0xFFFFFFFF  }
0xb5: {  	_ =	strace $0x90000051  }
0xb6: {  	_ =	sfence  }
0xb7: {  	s30 =	sld [smem:$0x0];
	_ =	sdelay $0x2  }
0xb8: {  	s31 =	sshll.u32 s1, $0xD;
	s1 =	sshrl.u32 s1, $0x2  }
0xb9: {  	s3 =	sand.u32 $0x4000, s31;
	s1 =	sadd.s32 s1, s30  }
0xba: {  	s0 =	sor.u32 s3, s0;
	s1 =	sshll.u32 s1, $0x11  }
0xbb: {  	s0 =	sor.u32 s1, s0  }
0xbc: {  	s0 =	sadd.s32 $0x8F2B, s0  }
0xbd: {  	[sflag:s0] =	ssyncadd.remote.s32 $0x1  }
0xbe: {  	_ =	sfence.sel $0xFFFF  }
0xbf: {  	[dreg:$0x0] =	wrdreg $0xFFFFFFFF;
	(pc) =	sbr.abs _section_cstart, $3  }
0xc0: {  	[dreg:$0x1] =	wrdreg $0xFFFFFFFF  }
0xc1: {  	_ =	task.clear_ibuf [dreg:s6], $0x2FFFF;
	_ =	strace $0x9FFFFFFF  }
0xc2: {  	(tm) =	ssettm $0x7FFFFFFF  }
0xc3: {  	_ =	shalt  }
tec
execute0_lowered:
.L_overlay_start_1:
0x0: {  	(tag) =	ssettag $0x1  }
0x1: {  	s0 =	rddreg [dreg:$0x0]  }
0x2: {  	s1 =	rddreg [dreg:$0x1];
	s2 =	simm.s32 $0x0  }
0x3: {  	s3 =	stileid.u32;
	s5 =	srdreg.scid;
	s18 =	simm.s32 $0x200  }
0x4: {  	s29 =	simm.s32 $0x0;
	[smem:$0x7FF] =	sst s2;
	s4 =	smul.u32 $0x2780, s3  }
0x5: {  	s13 =	sadd.s32 $0x85200, s0;
	s14 =	sadd.s32 $0xAC00, s0;
	s6 =	smul.u32 $0x4F000, s3  }
0x6: {  	s10 =	sand.u32 $0x1, s5;
	s11 =	sadd.s32 $0x2F6200, s0;
	s17 =	smul.u32 $0x13C00, s3  }
0x7: {  	s30 =	sshll.u32 s3, $0x4;
	s31 =	sshll.u32 s3, $0xB;
	s15 =	smul.u32 $0x138800, s10  }
0x8: {  	p0 =	seq.s32 s3, $0xF;
	p1 =	sne.s32 s3, $0x0;
	s22 =	smul.u32 $0x13880, s10  }
0x9: {  	_ =	strace $0x80000050;
	s20 =	ssub.s32 $0x2, s10;
	s25 =	smul.u32 $0x2710, s10  }
0xa: {  	s19 =	sadd.s32 s4, s0;
	s7 =	sshrl.u32 s20, $0x1;
	s21 =	sshrl.u32 s6, $0x2  }
0xb: {  	s6 =	sadd.s32 $0x128400, s1;
	s12 =	ssub.s32 s20, s7;
	s4 =	sadd.s32 s21, s1  }
0xc: {  	s5 =	sadd.s32 $0x5E000, s19;
	s8 =	sshrl.u32 s15, $0x3;
	s16 =	sadd.s32 $0x13800, s22  }
0xd: {  	s7 =	sadd.s32 $0x83080, s0;
	s24 =	sadd.s32 s17, s15;
	s26 =	sadd.s32 s15, s13  }
0xe: {  	s28 =	sadd.s32 s25, s14;
	s15 =	sshrl.u32 @p0 s6, $0x3;
	s19 =	simm.s32 $0x80  }
0xf: {  	s20 =	simm.s32 $0x4200;
	s21 =	simm.s32 $0x100;
	s22 =	simm.s32 $0x8200  }
0x10: {  	s25 =	simm.s32 $0x3;
	s23 =	sadd.s32 s11, s8;
	s9 =	sshrl.u32 s16, $0x3  }
0x11: {  	s16 =	sshll.u32 s16, $0x4;
	s12 =	smax.u32 s12, $0x1;
	s17 =	sshrl.u32 @!p0 s4, $0x3  }
.Ltmp0:
0x12: {  	s0 =	sadd.s32 $0x25080, s23;
	s9 =	sadd.s32 s14, s9;
	(pc) =	sbr.rel .LBB2_1-.Ltmp0, $4  }
0x13: {  	s10 =	sadd.s32 s13, s16;
	s14 =	sadd.s32 s30, s28;
	s13 =	sadd.s32 s31, s26  }
0x14: {  	s23 =	simm.s32 $0x1;
	[dreg:$0x3] =	wrdreg s0;
	s0 =	sshrl.u32 s24, $0x3  }
0x15: {  	s26 =	simm.s32 $0x4;
	s11 =	sadd.s32 s11, s0;
	s0 =	sshll.u32 @!p0 s3, $0x6  }
0x16: {  	s14 =	sadd.s32 $0x200, s14;
	s24 =	simm.s32 $0x2;
	s16 =	sor.u32 @!p0 $0x1C04, s0  }
.LBB2_7:
0x17: {  	s0 =	sshrl.u32 s6, $0x3;
	s8 =	rddreg [dreg:$0x3];
	s28 =	simm.s32 $0x1FC4  }
0x18: {  	[hbm:s8], [sflag:s28] =	dma.local [spmem:s0], $0x2080  }
0x19: {  	_ =	swait.ge [sflag:s26], $0x2080  }
0x1a: {  	[sflag:s26] =	ssyncset.done $0x0  }
0x1b: {  	[sflag:s26] =	ssyncadd.s32 $0xFFFFDF80  }
.LBB2_8:
0x1c: {  	s29 =	sadd.s32 $0x1, s29  }
0x1d: {  	p2 =	sne.s32 s29, s12  }
.Ltmp1:
0x1e: {  	_ = 	snop;
	(pc) =	sbr.rel @!p2 .LBB2_9-.Ltmp1, $1  }
0x1f: {  	_ =	sdelay $0x3  }
.LBB2_1:
0x20: {  	s0 =	simm.s32 @p0 $0x1FC4  }
0x21: {  	[spmem:s15], [sflag:s0] =	dma.local @p0 [hbm:s7], $0x2080  }
0x22: {  	s0 =	simm.s32 @p0 $0x4  }
0x23: {  	_ =	swait.ge @p0 [sflag:s0], $0x2080  }
0x24: {  	[sflag:s0] =	ssyncset.done @p0 $0x0  }
0x25: {  	[sflag:s0] =	ssyncadd.s32 @p0 $0xFFFFDF80;
	s0 =	simm.s32 @!p0 $0x4  }
0x26: {  	[spmem:s17], [sflag:s16] =	dma.local @!p0 [hbm:s5], $0x2780  }
0x27: {  	_ =	swait.ge @!p0 [sflag:s0], $0x2780  }
0x28: {  	[sflag:s0] =	ssyncset.done @!p0 $0x0  }
0x29: {  	[sflag:s0] =	ssyncadd.s32 @!p0 $0xFFFFD880  }
0x2a: {  	s8 =	sadd.s32 $0xFFFFFE00, s14;
	[bflag:$0x0] =	sbarrier.arrive $0xFFFF  }
0x2b: {  	[tilespmem:s2], [sflag:$0x1] =	stream.linear.gather [hbm4b:s8+s2], $0x80, $0x38;
	[tilespmem:$0x1FA80] =	vst v63  }
0x2c: {  	s28 =	sadd.s32 $0x0, s13  }
0x2d: {  	[tilespmem:s18], [sflag:$0x1] =	stream.linear.gather [hbm4b:s28+s2], $0x4000, $0x38;
	[tilespmem:$0x1FA80] =	vst v63  }
0x2e: {  	s30 =	sadd.s32 $0xFFFFFF00, s14  }
0x2f: {  	[tilespmem:s19], [sflag:$0x2] =	stream.linear.gather [hbm4b:s30+s2], $0x80, $0x38;
	[tilespmem:$0x1FA80] =	vst v63  }
0x30: {  	s30 =	sadd.s32 $0x8000, s28  }
0x31: {  	[tilespmem:s20], [sflag:$0x2] =	stream.linear.gather [hbm4b:s30+s2], $0x4000, $0x38;
	[tilespmem:$0x1FA80] =	vst v63  }
0x32: {  	_ = 	snop  }
0x33: {  	[tilespmem:s21], [sflag:$0x3] =	stream.linear.gather [hbm4b:s14+s2], $0x80, $0x38;
	[tilespmem:$0x1FA80] =	vst v63  }
0x34: {  	s0 =	sadd.s32 $0x10000, s28  }
0x35: {  	[tilespmem:s22], [sflag:$0x3] =	stream.linear.gather [hbm4b:s0+s2], $0x4000, $0x38;
	[tilespmem:$0x1FA80] =	vst v63  }
0x36: {  	_ =	swait.ge [sflag:s23], $0x80  }
0x37: {  	[sflag:s23] =	ssyncset.done $0x0  }
0x38: {  	[sflag:s23] =	ssyncadd.s32 $0xFFFFFF80  }
0x39: {  	_ =	swait.ge [sflag:s23], $0x4000  }
0x3a: {  	[sflag:s23] =	ssyncset.done $0x0  }
0x3b: {  	[sflag:s23] =	ssyncadd.s32 $0xFFFFC000  }
0x3c: {  	[spmem:s1] =	stream.indirect.scatter.add.f32 [tilespmem:s18], [sflag:$0x1], $0x80, s2, s19, $0xb8;
	[tilespmem:$0x1FA80] =	vst v63  }
0x3d: {  	_ =	swait.ge [sflag:s24], $0x80  }
0x3e: {  	[sflag:s24] =	ssyncset.done $0x0  }
0x3f: {  	[sflag:s24] =	ssyncadd.s32 $0xFFFFFF80  }
0x40: {  	_ =	swait.ge [sflag:s24], $0x4000  }
0x41: {  	[sflag:s24] =	ssyncset.done $0x0  }
0x42: {  	[sflag:s24] =	ssyncadd.s32 $0xFFFFC000  }
0x43: {  	[spmem:s1] =	stream.indirect.scatter.add.f32 [tilespmem:s20], [sflag:$0x2], $0x80, s19, s19, $0xb8;
	[tilespmem:$0x1FA80] =	vst v63  }
0x44: {  	_ =	swait.ge [sflag:s25], $0x80  }
0x45: {  	[sflag:s25] =	ssyncset.done $0x0  }
0x46: {  	[sflag:s25] =	ssyncadd.s32 $0xFFFFFF80  }
0x47: {  	_ =	swait.ge [sflag:s25], $0x4000  }
0x48: {  	[sflag:s25] =	ssyncset.done $0x0  }
0x49: {  	[sflag:s25] =	ssyncadd.s32 $0xFFFFC000  }
0x4a: {  	[spmem:s1] =	stream.indirect.scatter.add.f32 [tilespmem:s22], [sflag:$0x3], $0x80, s21, s19, $0xb8;
	[tilespmem:$0x1FA80] =	vst v63  }
0x4b: {  	_ =	swait.ge [sflag:s23], $0x4000  }
0x4c: {  	[sflag:s23] =	ssyncset.done $0x0  }
0x4d: {  	[sflag:s23] =	ssyncadd.s32 $0xFFFFC000  }
0x4e: {  	_ =	swait.ge [sflag:s24], $0x4000  }
0x4f: {  	[sflag:s24] =	ssyncset.done $0x0  }
0x50: {  	[sflag:s24] =	ssyncadd.s32 $0xFFFFC000  }
0x51: {  	s31 =	simm.s32 $0x18000;
	_ =	swait.ge [sflag:s25], $0x4000  }
0x52: {  	s30 =	sadd.s32 $0x300, s14;
	s0 =	simm.s32 $0x30000;
	[sflag:s25] =	ssyncset.done $0x0  }
.LBB2_2:
0x53: {  	p2 =	sne.s32 s0, $0x120000;
	s28 =	sadd.s32 $0xFFFFFE00, s30;
	[sflag:s25] =	ssyncadd.s32 $0xFFFFC000  }
0x54: {  	[tilespmem:s2], [sflag:$0x1] =	stream.linear.gather [hbm4b:s28+s2], $0x80, $0x38;
	[tilespmem:$0x1FA80] =	vst v63  }
0x55: {  	s28 =	sadd.s32 s31, s13;
	s31 =	smov.u32 s0;
	s0 =	sadd.s32 $0x18000, s0  }
0x56: {  	[tilespmem:s18], [sflag:$0x1] =	stream.linear.gather [hbm4b:s28+s2], $0x4000, $0x38;
	[tilespmem:$0x1FA80] =	vst v63  }
0x57: {  	s8 =	sadd.s32 $0xFFFFFF00, s30  }
0x58: {  	[tilespmem:s19], [sflag:$0x2] =	stream.linear.gather [hbm4b:s8+s2], $0x80, $0x38;
	[tilespmem:$0x1FA80] =	vst v63  }
0x59: {  	s8 =	sadd.s32 $0x8000, s28  }
0x5a: {  	[tilespmem:s20], [sflag:$0x2] =	stream.linear.gather [hbm4b:s8+s2], $0x4000, $0x38;
	[tilespmem:$0x1FA80] =	vst v63  }
0x5b: {  	_ = 	snop  }
0x5c: {  	[tilespmem:s21], [sflag:$0x3] =	stream.linear.gather [hbm4b:s30+s2], $0x80, $0x38;
	[tilespmem:$0x1FA80] =	vst v63  }
0x5d: {  	s8 =	sadd.s32 $0x10000, s28  }
0x5e: {  	[tilespmem:s22], [sflag:$0x3] =	stream.linear.gather [hbm4b:s8+s2], $0x4000, $0x38;
	[tilespmem:$0x1FA80] =	vst v63  }
0x5f: {  	_ =	swait.ge [sflag:s23], $0x80  }
0x60: {  	[sflag:s23] =	ssyncset.done $0x0  }
0x61: {  	[sflag:s23] =	ssyncadd.s32 $0xFFFFFF80  }
0x62: {  	_ =	swait.ge [sflag:s23], $0x4000  }
0x63: {  	[sflag:s23] =	ssyncset.done $0x0  }
0x64: {  	[sflag:s23] =	ssyncadd.s32 $0xFFFFC000  }
0x65: {  	[spmem:s1] =	stream.indirect.scatter.add.f32 [tilespmem:s18], [sflag:$0x1], $0x80, s2, s19, $0xb8;
	[tilespmem:$0x1FA80] =	vst v63  }
0x66: {  	_ =	swait.ge [sflag:s24], $0x80  }
0x67: {  	[sflag:s24] =	ssyncset.done $0x0  }
0x68: {  	[sflag:s24] =	ssyncadd.s32 $0xFFFFFF80  }
0x69: {  	_ =	swait.ge [sflag:s24], $0x4000  }
0x6a: {  	[sflag:s24] =	ssyncset.done $0x0  }
0x6b: {  	[sflag:s24] =	ssyncadd.s32 $0xFFFFC000  }
0x6c: {  	[spmem:s1] =	stream.indirect.scatter.add.f32 [tilespmem:s20], [sflag:$0x2], $0x80, s19, s19, $0xb8;
	[tilespmem:$0x1FA80] =	vst v63  }
0x6d: {  	_ =	swait.ge [sflag:s25], $0x80  }
0x6e: {  	[sflag:s25] =	ssyncset.done $0x0  }
0x6f: {  	[sflag:s25] =	ssyncadd.s32 $0xFFFFFF80  }
0x70: {  	_ =	swait.ge [sflag:s25], $0x4000  }
0x71: {  	[sflag:s25] =	ssyncset.done $0x0  }
0x72: {  	[sflag:s25] =	ssyncadd.s32 $0xFFFFC000  }
0x73: {  	[spmem:s1] =	stream.indirect.scatter.add.f32 [tilespmem:s22], [sflag:$0x3], $0x80, s21, s19, $0xb8;
	[tilespmem:$0x1FA80] =	vst v63  }
0x74: {  	_ =	swait.ge [sflag:s23], $0x4000  }
0x75: {  	[sflag:s23] =	ssyncset.done $0x0  }
0x76: {  	[sflag:s23] =	ssyncadd.s32 $0xFFFFC000  }
.Ltmp2:
0x77: {  	_ =	swait.ge [sflag:s24], $0x4000;
	(pc) =	sbr.rel @p2 .LBB2_2-.Ltmp2, $4  }
0x78: {  	[sflag:s24] =	ssyncset.done $0x0  }
0x79: {  	[sflag:s24] =	ssyncadd.s32 $0xFFFFC000  }
0x7a: {  	_ =	swait.ge [sflag:s25], $0x4000  }
0x7b: {  	s30 =	sadd.s32 $0x300, s30;
	[sflag:s25] =	ssyncset.done $0x0  }
0x7c: {  	s0 =	sadd.s32 $0xFFFFFE00, s30;
	[sflag:s25] =	ssyncadd.s32 $0xFFFFC000  }
0x7d: {  	[tilespmem:s2], [sflag:$0x1] =	stream.linear.gather [hbm4b:s0+s2], $0x80, $0x38;
	[tilespmem:$0x1FA80] =	vst v63  }
0x7e: {  	s28 =	sadd.s32 s31, s13  }
0x7f: {  	[tilespmem:s18], [sflag:$0x1] =	stream.linear.gather [hbm4b:s28+s2], $0x4000, $0x38;
	[tilespmem:$0x1FA80] =	vst v63  }
0x80: {  	s8 =	sadd.s32 $0xFFFFFF00, s30  }
0x81: {  	[tilespmem:s19], [sflag:$0x2] =	stream.linear.gather [hbm4b:s8+s2], $0x80, $0x38;
	[tilespmem:$0x1FA80] =	vst v63  }
0x82: {  	s31 =	sadd.s32 $0x8000, s28  }
0x83: {  	[tilespmem:s20], [sflag:$0x2] =	stream.linear.gather [hbm4b:s31+s2], $0x4000, $0x38;
	[tilespmem:$0x1FA80] =	vst v63  }
0x84: {  	_ = 	snop  }
0x85: {  	[tilespmem:s21], [sflag:$0x3] =	stream.linear.gather [hbm4b:s30+s2], $0x80, $0x38;
	[tilespmem:$0x1FA80] =	vst v63  }
0x86: {  	s0 =	sadd.s32 $0x10000, s28  }
0x87: {  	[tilespmem:s22], [sflag:$0x3] =	stream.linear.gather [hbm4b:s0+s2], $0x4000, $0x38;
	[tilespmem:$0x1FA80] =	vst v63  }
0x88: {  	_ =	swait.ge [sflag:s23], $0x80  }
0x89: {  	[sflag:s23] =	ssyncset.done $0x0  }
0x8a: {  	[sflag:s23] =	ssyncadd.s32 $0xFFFFFF80  }
0x8b: {  	_ =	swait.ge [sflag:s23], $0x4000  }
0x8c: {  	[sflag:s23] =	ssyncset.done $0x0  }
0x8d: {  	[sflag:s23] =	ssyncadd.s32 $0xFFFFC000  }
0x8e: {  	[spmem:s1] =	stream.indirect.scatter.add.f32 [tilespmem:s18], [sflag:$0x1], $0x80, s2, s19, $0xb8;
	[tilespmem:$0x1FA80] =	vst v63  }
0x8f: {  	_ =	swait.ge [sflag:s24], $0x80  }
0x90: {  	[sflag:s24] =	ssyncset.done $0x0  }
0x91: {  	[sflag:s24] =	ssyncadd.s32 $0xFFFFFF80  }
0x92: {  	_ =	swait.ge [sflag:s24], $0x4000  }
0x93: {  	[sflag:s24] =	ssyncset.done $0x0  }
0x94: {  	[sflag:s24] =	ssyncadd.s32 $0xFFFFC000  }
0x95: {  	[spmem:s1] =	stream.indirect.scatter.add.f32 [tilespmem:s20], [sflag:$0x2], $0x80, s19, s19, $0xb8;
	[tilespmem:$0x1FA80] =	vst v63  }
0x96: {  	_ =	swait.ge [sflag:s25], $0x80  }
0x97: {  	[sflag:s25] =	ssyncset.done $0x0  }
0x98: {  	[sflag:s25] =	ssyncadd.s32 $0xFFFFFF80  }
0x99: {  	_ =	swait.ge [sflag:s25], $0x4000  }
0x9a: {  	[sflag:s25] =	ssyncset.done $0x0  }
0x9b: {  	[sflag:s25] =	ssyncadd.s32 $0xFFFFC000  }
0x9c: {  	[spmem:s1] =	stream.indirect.scatter.add.f32 [tilespmem:s22], [sflag:$0x3], $0x80, s21, s19, $0xb8;
	[tilespmem:$0x1FA80] =	vst v63  }
0x9d: {  	_ =	swait.ge [sflag:s23], $0x4000  }
0x9e: {  	[sflag:s23] =	ssyncset.done $0x0  }
0x9f: {  	[sflag:s23] =	ssyncadd.s32 $0xFFFFC000  }
0xa0: {  	_ =	swait.ge [sflag:s24], $0x4000  }
.Ltmp3:
0xa1: {  	[sflag:s24] =	ssyncset.done $0x0;
	(pc) =	sbr.rel @!p1 .LBB2_4-.Ltmp3, $4  }
0xa2: {  	[sflag:s24] =	ssyncadd.s32 $0xFFFFC000  }
0xa3: {  	_ =	swait.ge [sflag:s25], $0x4000  }
0xa4: {  	[sflag:s25] =	ssyncset.done $0x0  }
0xa5: {  	[sflag:s25] =	ssyncadd.s32 $0xFFFFC000  }
.Ltmp4:
0xa6: {  	(pc) =	sbr.rel @p0 .LBB2_7-.Ltmp4, $4  }
.Ltmp5:
0xa7: {  	(pc) =	sbr.rel @!p0 .LBB2_6-.Ltmp5, $4  }
0xa8: {  	_ = 	snop  }
0xa9: {  	[bflag:$0x0] =	sbarrier.arrive $0xFFFF  }
0xaa: {  	_ = 	snop  }
0xab: {  	_ = 	snop  }
.LBB2_4:
0xac: {  	[tilespmem:s2], [sflag:$0x4] =	stream.linear.gather [hbm4b:s9+s2], $0x80, $0x38;
	[tilespmem:$0x1FA80] =	vst v63  }
0xad: {  	_ =	swait.ge [sflag:s26], $0x80  }
0xae: {  	[sflag:s26] =	ssyncset.done $0x0  }
0xaf: {  	[sflag:s26] =	ssyncadd.s32 $0xFFFFFF80  }
0xb0: {  	[tilespmem:s18], [sflag:$0x4] =	stream.linear.gather [hbm4b:s10+s2], $0x4000, $0x38;
	[tilespmem:$0x1FA80] =	vst v63  }
0xb1: {  	_ =	swait.ge [sflag:s26], $0x4000  }
0xb2: {  	[sflag:s26] =	ssyncset.done $0x0  }
0xb3: {  	[sflag:s26] =	ssyncadd.s32 $0xFFFFC000  }
0xb4: {  	[spmem:s1] =	stream.indirect.scatter.add.f32 [tilespmem:s18], [sflag:$0x4], $0x80, s2, s19, $0xb8;
	[tilespmem:$0x1FA80] =	vst v63  }
0xb5: {  	_ =	swait.ge [sflag:s26], $0x4000  }
0xb6: {  	[sflag:s26] =	ssyncset.done $0x0  }
0xb7: {  	[sflag:s26] =	ssyncadd.s32 $0xFFFFC000  }
0xb8: {  	[bflag:$0x0] =	sbarrier.arrive $0xFFFF  }
.LBB2_6:
0xb9: {  	s0 =	sshll.u32 s3, $0x6  }
.Ltmp6:
0xba: {  	s8 =	sshrl.u32 s4, $0x3;
	s0 =	sor.u32 $0x1C04, s0;
	(pc) =	sbr.rel .LBB2_8-.Ltmp6, $4  }
0xbb: {  	[hbm:s11], [sflag:s0] =	dma.local [spmem:s8], $0x2780  }
0xbc: {  	_ =	swait.ge [sflag:s26], $0x2780  }
0xbd: {  	[sflag:s26] =	ssyncset.done $0x0  }
0xbe: {  	[sflag:s26] =	ssyncadd.s32 $0xFFFFD880  }
.LBB2_9:
0xbf: {  	_ =	sfence.sel $0x180000  }
0xc0: {  	[bflag:$0x0] =	sbarrier.arrive $0xFFFF  }
0xc1: {  	_ =	strace $0x90000050  }
0xc2: {  	[bflag:$0x2] =	sbarrier.arrive $0xFFFF  }
0xc3: {  	s0 =	rddreg [dreg:$0x2]  }
0xc4: {  	s0 =	sadd.s32 @!p1 $0x100000, s0  }
0xc5: {  	[sflag:s0] =	ssyncadd.tile.s32 @!p1 $0x1;
	_ =	shalt  }
.Lfunc_end2:
_tile_overlayer_lowered:
.L_overlay_start_2:
0xc6: {  	(tag) =	ssettag $0x2  }
0xc7: {  	s0 =	rddreg [dreg:$0x0];
	s2 =	stileid.u32  }
0xc8: {  	s1 =	rddreg [dreg:$0x1];
	p0 =	sne.s32 s2, $0x0  }
0xc9: {  	s3 =	rddreg [dreg:$0x2];
	[bflag:$0x3] =	sbarrier.arrive $0xFFFF;
	s2 =	simm.s32 @!p0 $0x1C04  }
0xca: {  	[timem:s3], [sflag:s2] =	dma.local @!p0 [hbm:s0], s1  }
0xcb: {  	s0 =	simm.s32 @!p0 $0x4  }
0xcc: {  	_ =	swait.ge @!p0 [sflag:s0], s1  }
0xcd: {  	s1 =	ssub.s32 @!p0 $0x0, s1;
	[sflag:s0] =	ssyncset.done @!p0 $0x0  }
0xce: {  	[sflag:s0] =	ssyncadd.s32 @!p0 s1  }
0xcf: {  	[bflag:$0x3] =	sbarrier.arrive $0xFFFF  }
0xd0: {  	_ =	shalt  }

</sc_bundles>
